<compile_context>
chip_gen: v7x
topology: tpu7x:2x2x1
jax: 0.10.2.dev20260603
libtpu: 0.0.44.dev20260713+nightly
codegen_flags: <defaults>
</compile_context>

<pallas_src>
import functools

import jax
import jax.numpy as jnp
from jax import lax
from jax.experimental import pallas as pl
from jax.experimental.pallas import tpu as pltpu
from jax.experimental.pallas import tpu_sc as plsc

R = 32
SEQ, DM = 2048, 1024
TS, TD = 8, 128
NTD = DM // TD
NC, NS = 2, 16
NW = NC * NS
L = 16
VPT = TS * TD // L

S_SC = 768
NTILES = (S_SC // TS) * NTD
NBLK = NTILES // NW
TBS, DMB = 64, 1024

_VALLEY5 = ((0, 4), (1, 3), (1, 4), (2, 4), (3, 4))


def _ce(a, b):
    return jnp.maximum(a, b), jnp.minimum(a, b)


def _sort4(e):
    a0, a1 = _ce(e[0], e[1])
    a2, a3 = _ce(e[2], e[3])
    a0, a2 = _ce(a0, a2)
    a1, a3 = _ce(a1, a3)
    a1, a2 = _ce(a1, a2)
    return a0, a1, a2, a3


def _top5_of8(e):
    a = _sort4(e[0:4])
    b = _sort4(e[4:8])
    top, lo = [], []
    for i in range(4):
        hi, l = _ce(a[i], b[3 - i])
        top.append(hi)
        lo.append(l)
    u0, u2 = _ce(top[0], top[2])
    u1, u3 = _ce(top[1], top[3])
    t0, t1 = _ce(u0, u1)
    t2, t3 = _ce(u2, u3)
    g5 = jnp.maximum(jnp.maximum(lo[0], lo[1]), jnp.maximum(lo[2], lo[3]))
    return [t0, t1, t2, t3, g5]


def _merge5(p, q):
    t = [jnp.maximum(p[i], q[4 - i]) for i in range(5)]
    for i, j in _VALLEY5:
        t[i], t[j] = _ce(t[i], t[j])
    return t


def _top5_quantile(rows):
    g = [_top5_of8(rows[i * 8:(i + 1) * 8]) for i in range(4)]
    p = _merge5(g[0], g[1])
    q = _merge5(g[2], g[3])
    v28 = jnp.maximum(
        jnp.maximum(jnp.minimum(p[0], q[2]), jnp.minimum(p[1], q[1])),
        jnp.maximum(jnp.minimum(p[2], q[0]), jnp.maximum(p[3], q[3])))
    v27 = jnp.maximum(
        jnp.maximum(jnp.maximum(jnp.minimum(p[0], q[3]),
                                jnp.minimum(p[1], q[2])),
                    jnp.maximum(jnp.minimum(p[2], q[1]),
                                jnp.minimum(p[3], q[0]))),
        jnp.maximum(p[4], q[4]))
    return v27 + jnp.float32(0.9) * (v28 - v27)


def _qkernel(x_hbm, out_hbm, buf, obuf, insem, outsem):
    wid = lax.axis_index("s") * NC + lax.axis_index("c")
    tbase = wid * NBLK

    def in_copy(g, slot):
        t = tbase + g
        s0 = (t // NTD) * TS
        d0 = (t % NTD) * TD
        return pltpu.make_async_copy(
            x_hbm.at[:, pl.ds(s0, TS), pl.ds(d0, TD)], buf.at[slot],
            insem.at[slot])

    def out_copy(g, slot):
        t = tbase + g
        s0 = (t // NTD) * TS
        d0 = (t % NTD) * TD
        return pltpu.make_async_copy(
            obuf.at[slot], out_hbm.at[pl.ds(s0, TS), pl.ds(d0, TD)],
            outsem.at[slot])

    def compute(slot):
        @plsc.parallel_loop(0, VPT, unroll=8)
        def jbody(j):
            i = j // (TD // L)
            c = (j % (TD // L)) * L
            rows = [buf[slot, r, i, pl.ds(c, L)] for r in range(R)]
            obuf[slot, i, pl.ds(c, L)] = _top5_quantile(rows)

    in_copy(0, 0).start()
    in_copy(1, 1).start()

    def gbody(i, carry):
        g = i * 2
        for slot in range(2):
            gs = g + slot
            in_copy(gs, slot).wait()

            @pl.when(gs >= 2)
            def _():
                out_copy(gs - 2, slot).wait()

            compute(slot)
            out_copy(gs, slot).start()

            @pl.when(gs + 2 < NBLK)
            def _():
                in_copy(gs + 2, slot).start()

        return carry

    lax.fori_loop(0, NBLK // 2, gbody, 0)
    out_copy(NBLK - 2, 0).wait()
    out_copy(NBLK - 1, 1).wait()


def _tc_body(x_ref, o_ref):
    rows = [x_ref[r] for r in range(R)]
    o_ref[...] = _top5_quantile(rows)


def kernel(tensor_list):
    mesh = plsc.VectorSubcoreMesh(core_axis_name="c", subcore_axis_name="s")
    run = functools.partial(
        pl.kernel,
        out_type=jax.ShapeDtypeStruct((S_SC, DM), jnp.float32),
        mesh=mesh,
        compiler_params=pltpu.CompilerParams(use_tc_tiling_on_sc=True),
        scratch_types=[
            pltpu.VMEM((2, R, TS, TD), jnp.float32),
            pltpu.VMEM((2, TS, TD), jnp.float32),
            pltpu.SemaphoreType.DMA((2,)),
            pltpu.SemaphoreType.DMA((2,)),
        ],
    )(_qkernel)
    out_sc = run(tensor_list)

    n_tc = SEQ - S_SC
    out_tc = pl.pallas_call(
        _tc_body,
        grid=(n_tc // TBS, DM // DMB),
        in_specs=[pl.BlockSpec(
            (R, TBS, DMB), lambda i, j: (0, S_SC // TBS + i, j))],
        out_specs=pl.BlockSpec(
            (TBS, DMB), lambda i, j: (S_SC // TBS + i, j)),
        out_shape=jax.ShapeDtypeStruct((SEQ, DM), jnp.float32),
    )(tensor_list)
    return lax.dynamic_update_slice(out_tc, out_sc, (0, 0))

# --- scband reference (transcript-rebuilt; emitter-appended) ---
"""Pipeline reference for scband-quantile-statistic-60971355734572 (READ-ONLY COPY).

The authoritative reference and input builder live on the scoring server;
editing this copy changes nothing except your own understanding.
"""

import jax, jax.numpy as jnp
import numpy as np


def setup_inputs(seed: int = 0) -> dict:
    key = jax.random.key(seed)
    tensor_list = jax.random.normal(key, (32, 2048, 1024), dtype=jnp.float32)
    return {"tensor_list": tensor_list}


def reference(tensor_list):
    # torch.quantile(tensor_list, 0.9, dim=0) with default linear interpolation.
    # tensor_list.numel() > 0 branch is the one exercised (non-empty input).
    return jnp.quantile(tensor_list, 0.9, axis=0)

if __name__ == "__main__":
    import jax
    _d = setup_inputs()
    print(jax.jit(kernel)(*tuple(_d.values())))

</pallas_src>

<mosaic_0001>
#map = affine_map<(d0, d1) -> (0, 0, 0)>
#map1 = affine_map<(d0, d1) -> (0, 0)>
module attributes {stable_mosaic.version = 14 : i64} {
  func.func @_qkernel(%arg0: i32, %arg1: i32, %arg2: memref<32x2048x1024xf32, #tpu.memory_space<hbm>>, %arg3: memref<768x1024xf32, #tpu.memory_space<hbm>>, %arg4: memref<2x32x8x128xf32, #tpu.memory_space<vmem>>, %arg5: memref<2x8x128xf32, #tpu.memory_space<vmem>>, %arg6: memref<2x!tpu.dma_semaphore, #tpu.memory_space<semaphore_mem>>, %arg7: memref<2x!tpu.dma_semaphore, #tpu.memory_space<semaphore_mem>>) attributes {dimension_semantics = [#tpu.dimension_semantics<core_parallel>, #tpu.dimension_semantics<subcore_parallel>], iteration_bounds = array<i64: 2, 16>, scalar_prefetch = 0 : i64, scratch_operands = 4 : i64, tpu.core_type = #tpu.core_type<sc_vector_subcore>, window_params = [{transform_indices = #map}, {transform_indices = #map1}]} {
    %mul3A = arith.constant 2 : i32
    %mul3A_0 = arith.muli %arg1, %mul3A : i32
    %add3A = arith.addi %mul3A_0, %arg0 : i32
    %mul3A_1 = arith.constant 24 : i32
    %mul3A_2 = arith.muli %add3A, %mul3A_1 : i32
    %add3A_3 = arith.constant 0 : i32
    %add3A_4 = arith.addi %mul3A_2, %add3A_3 : i32
    %jit3A = arith.constant 8 : i32
    %div3A = arith.divsi %add3A_4, %jit3A : i32
    %sign3A = arith.constant 0 : i32
    %sign3A_5 = arith.cmpi sgt, %add3A_4, %sign3A : i32
    %sign3A_6 = arith.extui %sign3A_5 : i1 to i32
    %sign3A_7 = arith.constant 0 : i32
    %sign3A_8 = arith.cmpi slt, %add3A_4, %sign3A_7 : i32
    %sign3A_9 = arith.extui %sign3A_8 : i1 to i32
    %sign3A_10 = arith.subi %sign3A_6, %sign3A_9 : i32
    %sign3A_11 = arith.constant 0 : i32
    %sign3A_12 = arith.cmpi sgt, %jit3A, %sign3A_11 : i32
    %sign3A_13 = arith.extui %sign3A_12 : i1 to i32
    %sign3A_14 = arith.constant 0 : i32
    %sign3A_15 = arith.cmpi slt, %jit3A, %sign3A_14 : i32
    %sign3A_16 = arith.extui %sign3A_15 : i1 to i32
    %sign3A_17 = arith.subi %sign3A_13, %sign3A_16 : i32
    %ne3A = arith.cmpi ne, %sign3A_10, %sign3A_17 : i32
    %rem3A = arith.remsi %add3A_4, %jit3A : i32
    %ne3A_18 = arith.constant 0 : i32
    %ne3A_19 = arith.cmpi ne, %rem3A, %ne3A_18 : i32
    %and3A = arith.andi %ne3A, %ne3A_19 : i1
    %sub3A = arith.constant 1 : i32
    %sub3A_20 = arith.subi %div3A, %sub3A : i32
    %select_n3A = arith.select %and3A, %sub3A_20, %div3A : i32
    %mul3A_21 = arith.constant 8 : i32
    %mul3A_22 = arith.muli %select_n3A, %mul3A_21 : i32
    %jit3A_23 = arith.constant 8 : i32
    %eq3A = arith.constant 0 : i32
    %eq3A_24 = arith.cmpi eq, %jit3A_23, %eq3A : i32
    %jit3A_25 = arith.constant 1 : i32
    %select_n3A_26 = arith.select %eq3A_24, %jit3A_25, %jit3A_23 : i32
    %rem3A_27 = arith.remsi %add3A_4, %select_n3A_26 : i32
    %ne3A_28 = arith.constant 0 : i32
    %ne3A_29 = arith.cmpi ne, %rem3A_27, %ne3A_28 : i32
    %lt3A = arith.constant 0 : i32
    %lt3A_30 = arith.cmpi slt, %rem3A_27, %lt3A : i32
    %lt3A_31 = arith.constant 0 : i32
    %lt3A_32 = arith.cmpi slt, %select_n3A_26, %lt3A_31 : i32
    %ne3A_33 = arith.xori %lt3A_30, %lt3A_32 : i1
    %and3A_34 = arith.andi %ne3A_33, %ne3A_29 : i1
    %add3A_35 = arith.addi %rem3A_27, %select_n3A_26 : i32
    %select_n3A_36 = arith.select %and3A_34, %add3A_35, %rem3A_27 : i32
    %mul3A_37 = arith.constant 128 : i32
    %mul3A_38 = arith.muli %select_n3A_36, %mul3A_37 : i32
    %dma_start3A = arith.constant 0 : i32
    %dma_start3A_39 = arith.constant 0 : i32
    %dma_start3A_40 = arith.constant 0 : i32
    %dma_start3A_41 = arith.constant 0 : i32
    %dma_start3A_42 = arith.constant 0 : i32
    %dma_start3A_43 = tpu.memref_slice %arg4[%dma_start3A, %dma_start3A_40, %dma_start3A_41, %dma_start3A_42] : memref<2x32x8x128xf32, #tpu.memory_space<vmem>> -> memref<1x32x8x128xf32, #tpu.memory_space<vmem>>
    %dma_start3A_44 = tpu.memref_squeeze %dma_start3A_43 : memref<1x32x8x128xf32, #tpu.memory_space<vmem>> -> memref<32x8x128xf32, #tpu.memory_space<vmem>>
    %dma_start3A_45 = arith.constant 0 : i32
    %dma_start3A_46 = tpu.memref_slice %arg2[%dma_start3A_45, %mul3A_22, %mul3A_38] : memref<32x2048x1024xf32, #tpu.memory_space<hbm>> -> memref<32x8x128xf32, #tpu.memory_space<hbm>>
    %dma_start3A_47 = tpu.memref_slice %arg6[%dma_start3A_39] : memref<2x!tpu.dma_semaphore, #tpu.memory_space<semaphore_mem>> -> memref<1x!tpu.dma_semaphore, #tpu.memory_space<semaphore_mem>>
    %dma_start3A_48 = tpu.memref_squeeze %dma_start3A_47 : memref<1x!tpu.dma_semaphore, #tpu.memory_space<semaphore_mem>> -> memref<!tpu.dma_semaphore, #tpu.memory_space<semaphore_mem>>
    %dma_start3A_49 = arith.constant 0 : i32
    %dma_start3A_50 = arith.constant 0 : i32
    %dma_start3A_51 = arith.constant 0 : i32
    %dma_start3A_52 = tpu.memref_slice %arg4[%dma_start3A, %dma_start3A_49, %dma_start3A_50, %dma_start3A_51] : memref<2x32x8x128xf32, #tpu.memory_space<vmem>> -> memref<1x32x8x128xf32, #tpu.memory_space<vmem>>
    %dma_start3A_53 = tpu.memref_squeeze %dma_start3A_52 : memref<1x32x8x128xf32, #tpu.memory_space<vmem>> -> memref<32x8x128xf32, #tpu.memory_space<vmem>>
    %dma_start3A_54 = arith.constant 0 : i32
    %dma_start3A_55 = tpu.memref_slice %arg2[%dma_start3A_54, %mul3A_22, %mul3A_38] : memref<32x2048x1024xf32, #tpu.memory_space<hbm>> -> memref<32x8x128xf32, #tpu.memory_space<hbm>>
    tpu.enqueue_dma source(%dma_start3A_55 : memref<32x8x128xf32, #tpu.memory_space<hbm>>) target(%dma_start3A_53 : memref<32x8x128xf32, #tpu.memory_space<vmem>>) target_semaphore(%dma_start3A_48 : memref<!tpu.dma_semaphore, #tpu.memory_space<semaphore_mem>>)
    %add3A_56 = arith.constant 1 : i32
    %add3A_57 = arith.addi %mul3A_2, %add3A_56 : i32
    %jit3A_58 = arith.constant 8 : i32
    %div3A_59 = arith.divsi %add3A_57, %jit3A_58 : i32
    %sign3A_60 = arith.constant 0 : i32
    %sign3A_61 = arith.cmpi sgt, %add3A_57, %sign3A_60 : i32
    %sign3A_62 = arith.extui %sign3A_61 : i1 to i32
    %sign3A_63 = arith.constant 0 : i32
    %sign3A_64 = arith.cmpi slt, %add3A_57, %sign3A_63 : i32
    %sign3A_65 = arith.extui %sign3A_64 : i1 to i32
    %sign3A_66 = arith.subi %sign3A_62, %sign3A_65 : i32
    %sign3A_67 = arith.constant 0 : i32
    %sign3A_68 = arith.cmpi sgt, %jit3A_58, %sign3A_67 : i32
    %sign3A_69 = arith.extui %sign3A_68 : i1 to i32
    %sign3A_70 = arith.constant 0 : i32
    %sign3A_71 = arith.cmpi slt, %jit3A_58, %sign3A_70 : i32
    %sign3A_72 = arith.extui %sign3A_71 : i1 to i32
    %sign3A_73 = arith.subi %sign3A_69, %sign3A_72 : i32
    %ne3A_74 = arith.cmpi ne, %sign3A_66, %sign3A_73 : i32
    %rem3A_75 = arith.remsi %add3A_57, %jit3A_58 : i32
    %ne3A_76 = arith.constant 0 : i32
    %ne3A_77 = arith.cmpi ne, %rem3A_75, %ne3A_76 : i32
    %and3A_78 = arith.andi %ne3A_74, %ne3A_77 : i1
    %sub3A_79 = arith.constant 1 : i32
    %sub3A_80 = arith.subi %div3A_59, %sub3A_79 : i32
    %select_n3A_81 = arith.select %and3A_78, %sub3A_80, %div3A_59 : i32
    %mul3A_82 = arith.constant 8 : i32
    %mul3A_83 = arith.muli %select_n3A_81, %mul3A_82 : i32
    %jit3A_84 = arith.constant 8 : i32
    %eq3A_85 = arith.constant 0 : i32
    %eq3A_86 = arith.cmpi eq, %jit3A_84, %eq3A_85 : i32
    %jit3A_87 = arith.constant 1 : i32
    %select_n3A_88 = arith.select %eq3A_86, %jit3A_87, %jit3A_84 : i32
    %rem3A_89 = arith.remsi %add3A_57, %select_n3A_88 : i32
    %ne3A_90 = arith.constant 0 : i32
    %ne3A_91 = arith.cmpi ne, %rem3A_89, %ne3A_90 : i32
    %lt3A_92 = arith.constant 0 : i32
    %lt3A_93 = arith.cmpi slt, %rem3A_89, %lt3A_92 : i32
    %lt3A_94 = arith.constant 0 : i32
    %lt3A_95 = arith.cmpi slt, %select_n3A_88, %lt3A_94 : i32
    %ne3A_96 = arith.xori %lt3A_93, %lt3A_95 : i1
    %and3A_97 = arith.andi %ne3A_96, %ne3A_91 : i1
    %add3A_98 = arith.addi %rem3A_89, %select_n3A_88 : i32
    %select_n3A_99 = arith.select %and3A_97, %add3A_98, %rem3A_89 : i32
    %mul3A_100 = arith.constant 128 : i32
    %mul3A_101 = arith.muli %select_n3A_99, %mul3A_100 : i32
    %dma_start3A_102 = arith.constant 1 : i32
    %dma_start3A_103 = arith.constant 1 : i32
    %dma_start3A_104 = arith.constant 0 : i32
    %dma_start3A_105 = arith.constant 0 : i32
    %dma_start3A_106 = arith.constant 0 : i32
    %dma_start3A_107 = tpu.memref_slice %arg4[%dma_start3A_102, %dma_start3A_104, %dma_start3A_105, %dma_start3A_106] : memref<2x32x8x128xf32, #tpu.memory_space<vmem>> -> memref<1x32x8x128xf32, #tpu.memory_space<vmem>>
    %dma_start3A_108 = tpu.memref_squeeze %dma_start3A_107 : memref<1x32x8x128xf32, #tpu.memory_space<vmem>> -> memref<32x8x128xf32, #tpu.memory_space<vmem>>
    %dma_start3A_109 = arith.constant 0 : i32
    %dma_start3A_110 = tpu.memref_slice %arg2[%dma_start3A_109, %mul3A_83, %mul3A_101] : memref<32x2048x1024xf32, #tpu.memory_space<hbm>> -> memref<32x8x128xf32, #tpu.memory_space<hbm>>
    %dma_start3A_111 = tpu.memref_slice %arg6[%dma_start3A_103] : memref<2x!tpu.dma_semaphore, #tpu.memory_space<semaphore_mem>> -> memref<1x!tpu.dma_semaphore, #tpu.memory_space<semaphore_mem>>
    %dma_start3A_112 = tpu.memref_squeeze %dma_start3A_111 : memref<1x!tpu.dma_semaphore, #tpu.memory_space<semaphore_mem>> -> memref<!tpu.dma_semaphore, #tpu.memory_space<semaphore_mem>>
    %dma_start3A_113 = arith.constant 0 : i32
    %dma_start3A_114 = arith.constant 0 : i32
    %dma_start3A_115 = arith.constant 0 : i32
    %dma_start3A_116 = tpu.memref_slice %arg4[%dma_start3A_102, %dma_start3A_113, %dma_start3A_114, %dma_start3A_115] : memref<2x32x8x128xf32, #tpu.memory_space<vmem>> -> memref<1x32x8x128xf32, #tpu.memory_space<vmem>>
    %dma_start3A_117 = tpu.memref_squeeze %dma_start3A_116 : memref<1x32x8x128xf32, #tpu.memory_space<vmem>> -> memref<32x8x128xf32, #tpu.memory_space<vmem>>
    %dma_start3A_118 = arith.constant 0 : i32
    %dma_start3A_119 = tpu.memref_slice %arg2[%dma_start3A_118, %mul3A_83, %mul3A_101] : memref<32x2048x1024xf32, #tpu.memory_space<hbm>> -> memref<32x8x128xf32, #tpu.memory_space<hbm>>
    tpu.enqueue_dma source(%dma_start3A_119 : memref<32x8x128xf32, #tpu.memory_space<hbm>>) target(%dma_start3A_117 : memref<32x8x128xf32, #tpu.memory_space<vmem>>) target_semaphore(%dma_start3A_112 : memref<!tpu.dma_semaphore, #tpu.memory_space<semaphore_mem>>)
    %scan3A = arith.constant 0 : i32
    %scan3A_120 = arith.constant 0 : i32
    %scan3A_121 = arith.constant 12 : i32
    %scan3A_122 = arith.addi %scan3A_120, %scan3A_121 : i32
    %scan3A_123 = arith.constant 1 : i32
    scf.for %scan3A_244 = %scan3A_120 to %scan3A_122 step %scan3A_123  : i32 {
      %mul3A_245 = arith.constant 2 : i32
      %mul3A_246 = arith.muli %scan3A_244, %mul3A_245 : i32
      %add3A_247 = arith.constant 0 : i32
      %add3A_248 = arith.addi %mul3A_246, %add3A_247 : i32
      %add3A_249 = arith.addi %mul3A_2, %add3A_248 : i32
      %jit3A_250 = arith.constant 8 : i32
      %div3A_251 = arith.divsi %add3A_249, %jit3A_250 : i32
      %sign3A_252 = arith.constant 0 : i32
      %sign3A_253 = arith.cmpi sgt, %add3A_249, %sign3A_252 : i32
      %sign3A_254 = arith.extui %sign3A_253 : i1 to i32
      %sign3A_255 = arith.constant 0 : i32
      %sign3A_256 = arith.cmpi slt, %add3A_249, %sign3A_255 : i32
      %sign3A_257 = arith.extui %sign3A_256 : i1 to i32
      %sign3A_258 = arith.subi %sign3A_254, %sign3A_257 : i32
      %sign3A_259 = arith.constant 0 : i32
      %sign3A_260 = arith.cmpi sgt, %jit3A_250, %sign3A_259 : i32
      %sign3A_261 = arith.extui %sign3A_260 : i1 to i32
      %sign3A_262 = arith.constant 0 : i32
      %sign3A_263 = arith.cmpi slt, %jit3A_250, %sign3A_262 : i32
      %sign3A_264 = arith.extui %sign3A_263 : i1 to i32
      %sign3A_265 = arith.subi %sign3A_261, %sign3A_264 : i32
      %ne3A_266 = arith.cmpi ne, %sign3A_258, %sign3A_265 : i32
      %rem3A_267 = arith.remsi %add3A_249, %jit3A_250 : i32
      %ne3A_268 = arith.constant 0 : i32
      %ne3A_269 = arith.cmpi ne, %rem3A_267, %ne3A_268 : i32
      %and3A_270 = arith.andi %ne3A_266, %ne3A_269 : i1
      %sub3A_271 = arith.constant 1 : i32
      %sub3A_272 = arith.subi %div3A_251, %sub3A_271 : i32
      %select_n3A_273 = arith.select %and3A_270, %sub3A_272, %div3A_251 : i32
      %mul3A_274 = arith.constant 8 : i32
      %mul3A_275 = arith.muli %select_n3A_273, %mul3A_274 : i32
      %jit3A_276 = arith.constant 8 : i32
      %eq3A_277 = arith.constant 0 : i32
      %eq3A_278 = arith.cmpi eq, %jit3A_276, %eq3A_277 : i32
      %jit3A_279 = arith.constant 1 : i32
      %select_n3A_280 = arith.select %eq3A_278, %jit3A_279, %jit3A_276 : i32
      %rem3A_281 = arith.remsi %add3A_249, %select_n3A_280 : i32
      %ne3A_282 = arith.constant 0 : i32
      %ne3A_283 = arith.cmpi ne, %rem3A_281, %ne3A_282 : i32
      %lt3A_284 = arith.constant 0 : i32
      %lt3A_285 = arith.cmpi slt, %rem3A_281, %lt3A_284 : i32
      %lt3A_286 = arith.constant 0 : i32
      %lt3A_287 = arith.cmpi slt, %select_n3A_280, %lt3A_286 : i32
      %ne3A_288 = arith.xori %lt3A_285, %lt3A_287 : i1
      %and3A_289 = arith.andi %ne3A_288, %ne3A_283 : i1
      %add3A_290 = arith.addi %rem3A_281, %select_n3A_280 : i32
      %select_n3A_291 = arith.select %and3A_289, %add3A_290, %rem3A_281 : i32
      %mul3A_292 = arith.constant 128 : i32
      %mul3A_293 = arith.muli %select_n3A_291, %mul3A_292 : i32
      %dma_wait3A_294 = arith.constant 0 : i32
      %dma_wait3A_295 = arith.constant 0 : i32
      %dma_wait3A_296 = arith.constant 0 : i32
      %dma_wait3A_297 = arith.constant 0 : i32
      %dma_wait3A_298 = arith.constant 0 : i32
      %dma_wait3A_299 = tpu.memref_slice %arg4[%dma_wait3A_294, %dma_wait3A_296, %dma_wait3A_297, %dma_wait3A_298] : memref<2x32x8x128xf32, #tpu.memory_space<vmem>> -> memref<1x32x8x128xf32, #tpu.memory_space<vmem>>
      %dma_wait3A_300 = tpu.memref_squeeze %dma_wait3A_299 : memref<1x32x8x128xf32, #tpu.memory_space<vmem>> -> memref<32x8x128xf32, #tpu.memory_space<vmem>>
      %dma_wait3A_301 = arith.constant 0 : i32
      %dma_wait3A_302 = tpu.memref_slice %arg2[%dma_wait3A_301, %mul3A_275, %mul3A_293] : memref<32x2048x1024xf32, #tpu.memory_space<hbm>> -> memref<32x8x128xf32, #tpu.memory_space<hbm>>
      %dma_wait3A_303 = tpu.memref_slice %arg6[%dma_wait3A_295] : memref<2x!tpu.dma_semaphore, #tpu.memory_space<semaphore_mem>> -> memref<1x!tpu.dma_semaphore, #tpu.memory_space<semaphore_mem>>
      %dma_wait3A_304 = tpu.memref_squeeze %dma_wait3A_303 : memref<1x!tpu.dma_semaphore, #tpu.memory_space<semaphore_mem>> -> memref<!tpu.dma_semaphore, #tpu.memory_space<semaphore_mem>>
      %dma_wait3A_305 = arith.constant 0 : i32
      %dma_wait3A_306 = arith.constant 0 : i32
      %dma_wait3A_307 = arith.constant 0 : i32
      %dma_wait3A_308 = tpu.memref_slice %arg4[%dma_wait3A_294, %dma_wait3A_305, %dma_wait3A_306, %dma_wait3A_307] : memref<2x32x8x128xf32, #tpu.memory_space<vmem>> -> memref<1x32x8x128xf32, #tpu.memory_space<vmem>>
      %dma_wait3A_309 = tpu.memref_squeeze %dma_wait3A_308 : memref<1x32x8x128xf32, #tpu.memory_space<vmem>> -> memref<32x8x128xf32, #tpu.memory_space<vmem>>
      %dma_wait3A_310 = arith.constant 0 : i32
      %dma_wait3A_311 = tpu.memref_slice %arg2[%dma_wait3A_310, %mul3A_275, %mul3A_293] : memref<32x2048x1024xf32, #tpu.memory_space<hbm>> -> memref<32x8x128xf32, #tpu.memory_space<hbm>>
      tpu.wait_dma2 semaphore(%dma_wait3A_304 : memref<!tpu.dma_semaphore, #tpu.memory_space<semaphore_mem>>) src(%dma_wait3A_311 : memref<32x8x128xf32, #tpu.memory_space<hbm>>) dst(%dma_wait3A_309 : memref<32x8x128xf32, #tpu.memory_space<vmem>>)
      %ge3A = arith.constant 2 : i32
      %ge3A_312 = arith.cmpi sge, %add3A_248, %ge3A : i32
      %convert_element_type3A = arith.extui %ge3A_312 : i1 to i32
      %cond3A = arith.constant 0 : i32
      %cond3A_313 = arith.cmpi ne, %convert_element_type3A, %cond3A : i32
      scf.if %cond3A_313 {
        %sub3A_521 = arith.constant 2 : i32
        %sub3A_522 = arith.subi %add3A_248, %sub3A_521 : i32
        %add3A_523 = arith.addi %mul3A_2, %sub3A_522 : i32
        %jit3A_524 = arith.constant 8 : i32
        %div3A_525 = arith.divsi %add3A_523, %jit3A_524 : i32
        %sign3A_526 = arith.constant 0 : i32
        %sign3A_527 = arith.cmpi sgt, %add3A_523, %sign3A_526 : i32
        %sign3A_528 = arith.extui %sign3A_527 : i1 to i32
        %sign3A_529 = arith.constant 0 : i32
        %sign3A_530 = arith.cmpi slt, %add3A_523, %sign3A_529 : i32
        %sign3A_531 = arith.extui %sign3A_530 : i1 to i32
        %sign3A_532 = arith.subi %sign3A_528, %sign3A_531 : i32
        %sign3A_533 = arith.constant 0 : i32
        %sign3A_534 = arith.cmpi sgt, %jit3A_524, %sign3A_533 : i32
        %sign3A_535 = arith.extui %sign3A_534 : i1 to i32
        %sign3A_536 = arith.constant 0 : i32
        %sign3A_537 = arith.cmpi slt, %jit3A_524, %sign3A_536 : i32
        %sign3A_538 = arith.extui %sign3A_537 : i1 to i32
        %sign3A_539 = arith.subi %sign3A_535, %sign3A_538 : i32
        %ne3A_540 = arith.cmpi ne, %sign3A_532, %sign3A_539 : i32
        %rem3A_541 = arith.remsi %add3A_523, %jit3A_524 : i32
        %ne3A_542 = arith.constant 0 : i32
        %ne3A_543 = arith.cmpi ne, %rem3A_541, %ne3A_542 : i32
        %and3A_544 = arith.andi %ne3A_540, %ne3A_543 : i1
        %sub3A_545 = arith.constant 1 : i32
        %sub3A_546 = arith.subi %div3A_525, %sub3A_545 : i32
        %select_n3A_547 = arith.select %and3A_544, %sub3A_546, %div3A_525 : i32
        %mul3A_548 = arith.constant 8 : i32
        %mul3A_549 = arith.muli %select_n3A_547, %mul3A_548 : i32
        %jit3A_550 = arith.constant 8 : i32
        %eq3A_551 = arith.constant 0 : i32
        %eq3A_552 = arith.cmpi eq, %jit3A_550, %eq3A_551 : i32
        %jit3A_553 = arith.constant 1 : i32
        %select_n3A_554 = arith.select %eq3A_552, %jit3A_553, %jit3A_550 : i32
        %rem3A_555 = arith.remsi %add3A_523, %select_n3A_554 : i32
        %ne3A_556 = arith.constant 0 : i32
        %ne3A_557 = arith.cmpi ne, %rem3A_555, %ne3A_556 : i32
        %lt3A_558 = arith.constant 0 : i32
        %lt3A_559 = arith.cmpi slt, %rem3A_555, %lt3A_558 : i32
        %lt3A_560 = arith.constant 0 : i32
        %lt3A_561 = arith.cmpi slt, %select_n3A_554, %lt3A_560 : i32
        %ne3A_562 = arith.xori %lt3A_559, %lt3A_561 : i1
        %and3A_563 = arith.andi %ne3A_562, %ne3A_557 : i1
        %add3A_564 = arith.addi %rem3A_555, %select_n3A_554 : i32
        %select_n3A_565 = arith.select %and3A_563, %add3A_564, %rem3A_555 : i32
        %mul3A_566 = arith.constant 128 : i32
        %mul3A_567 = arith.muli %select_n3A_565, %mul3A_566 : i32
        %dma_wait3A_568 = arith.constant 0 : i32
        %dma_wait3A_569 = arith.constant 0 : i32
        %dma_wait3A_570 = arith.constant 0 : i32
        %dma_wait3A_571 = arith.constant 0 : i32
        %dma_wait3A_572 = tpu.memref_slice %arg5[%dma_wait3A_568, %dma_wait3A_570, %dma_wait3A_571] : memref<2x8x128xf32, #tpu.memory_space<vmem>> -> memref<1x8x128xf32, #tpu.memory_space<vmem>>
        %dma_wait3A_573 = tpu.memref_squeeze %dma_wait3A_572 : memref<1x8x128xf32, #tpu.memory_space<vmem>> -> memref<8x128xf32, #tpu.memory_space<vmem>>
        %dma_wait3A_574 = tpu.memref_slice %arg3[%mul3A_549, %mul3A_567] : memref<768x1024xf32, #tpu.memory_space<hbm>> -> memref<8x128xf32, #tpu.memory_space<hbm>>
        %dma_wait3A_575 = tpu.memref_slice %arg7[%dma_wait3A_569] : memref<2x!tpu.dma_semaphore, #tpu.memory_space<semaphore_mem>> -> memref<1x!tpu.dma_semaphore, #tpu.memory_space<semaphore_mem>>
        %dma_wait3A_576 = tpu.memref_squeeze %dma_wait3A_575 : memref<1x!tpu.dma_semaphore, #tpu.memory_space<semaphore_mem>> -> memref<!tpu.dma_semaphore, #tpu.memory_space<semaphore_mem>>
        %dma_wait3A_577 = tpu.memref_slice %arg3[%mul3A_549, %mul3A_567] : memref<768x1024xf32, #tpu.memory_space<hbm>> -> memref<8x128xf32, #tpu.memory_space<hbm>>
        %dma_wait3A_578 = arith.constant 0 : i32
        %dma_wait3A_579 = arith.constant 0 : i32
        %dma_wait3A_580 = tpu.memref_slice %arg5[%dma_wait3A_568, %dma_wait3A_578, %dma_wait3A_579] : memref<2x8x128xf32, #tpu.memory_space<vmem>> -> memref<1x8x128xf32, #tpu.memory_space<vmem>>
        %dma_wait3A_581 = tpu.memref_squeeze %dma_wait3A_580 : memref<1x8x128xf32, #tpu.memory_space<vmem>> -> memref<8x128xf32, #tpu.memory_space<vmem>>
        tpu.wait_dma2 semaphore(%dma_wait3A_576 : memref<!tpu.dma_semaphore, #tpu.memory_space<semaphore_mem>>) src(%dma_wait3A_581 : memref<8x128xf32, #tpu.memory_space<vmem>>) dst(%dma_wait3A_577 : memref<8x128xf32, #tpu.memory_space<hbm>>)
      } else {
      }
      %parallel_loop3A = arith.constant 0 : i32
      %parallel_loop3A_314 = arith.constant 64 : i32
      %parallel_loop3A_315 = arith.constant 1 : i32
      scf.for %parallel_loop3A_521 = %parallel_loop3A to %parallel_loop3A_314 step %parallel_loop3A_315  : i32 {
        %parallel_loop3A_522 = arith.constant 8 : i32
        %parallel_loop3A_523 = arith.divsi %parallel_loop3A_521, %parallel_loop3A_522 : i32
        %parallel_loop3A_524 = arith.constant 0 : i32
        %parallel_loop3A_525 = arith.cmpi sgt, %parallel_loop3A_521, %parallel_loop3A_524 : i32
        %parallel_loop3A_526 = arith.extui %parallel_loop3A_525 : i1 to i32
        %parallel_loop3A_527 = arith.constant 0 : i32
        %parallel_loop3A_528 = arith.cmpi slt, %parallel_loop3A_521, %parallel_loop3A_527 : i32
        %parallel_loop3A_529 = arith.extui %parallel_loop3A_528 : i1 to i32
        %parallel_loop3A_530 = arith.subi %parallel_loop3A_526, %parallel_loop3A_529 : i32
        %parallel_loop3A_531 = arith.constant 0 : i32
        %parallel_loop3A_532 = arith.cmpi sgt, %parallel_loop3A_522, %parallel_loop3A_531 : i32
        %parallel_loop3A_533 = arith.extui %parallel_loop3A_532 : i1 to i32
        %parallel_loop3A_534 = arith.constant 0 : i32
        %parallel_loop3A_535 = arith.cmpi slt, %parallel_loop3A_522, %parallel_loop3A_534 : i32
        %parallel_loop3A_536 = arith.extui %parallel_loop3A_535 : i1 to i32
        %parallel_loop3A_537 = arith.subi %parallel_loop3A_533, %parallel_loop3A_536 : i32
        %parallel_loop3A_538 = arith.cmpi ne, %parallel_loop3A_530, %parallel_loop3A_537 : i32
        %parallel_loop3A_539 = arith.remsi %parallel_loop3A_521, %parallel_loop3A_522 : i32
        %parallel_loop3A_540 = arith.constant 0 : i32
        %parallel_loop3A_541 = arith.cmpi ne, %parallel_loop3A_539, %parallel_loop3A_540 : i32
        %parallel_loop3A_542 = arith.andi %parallel_loop3A_538, %parallel_loop3A_541 : i1
        %parallel_loop3A_543 = arith.constant 1 : i32
        %parallel_loop3A_544 = arith.subi %parallel_loop3A_523, %parallel_loop3A_543 : i32
        %parallel_loop3A_545 = arith.select %parallel_loop3A_542, %parallel_loop3A_544, %parallel_loop3A_523 : i32
        %parallel_loop3A_546 = arith.constant 8 : i32
        %parallel_loop3A_547 = arith.constant 0 : i32
        %parallel_loop3A_548 = arith.cmpi eq, %parallel_loop3A_546, %parallel_loop3A_547 : i32
        %parallel_loop3A_549 = arith.constant 1 : i32
        %parallel_loop3A_550 = arith.select %parallel_loop3A_548, %parallel_loop3A_549, %parallel_loop3A_546 : i32
        %parallel_loop3A_551 = arith.remsi %parallel_loop3A_521, %parallel_loop3A_550 : i32
        %parallel_loop3A_552 = arith.constant 0 : i32
        %parallel_loop3A_553 = arith.cmpi ne, %parallel_loop3A_551, %parallel_loop3A_552 : i32
        %parallel_loop3A_554 = arith.constant 0 : i32
        %parallel_loop3A_555 = arith.cmpi slt, %parallel_loop3A_551, %parallel_loop3A_554 : i32
        %parallel_loop3A_556 = arith.constant 0 : i32
        %parallel_loop3A_557 = arith.cmpi slt, %parallel_loop3A_550, %parallel_loop3A_556 : i32
        %parallel_loop3A_558 = arith.xori %parallel_loop3A_555, %parallel_loop3A_557 : i1
        %parallel_loop3A_559 = arith.andi %parallel_loop3A_558, %parallel_loop3A_553 : i1
        %parallel_loop3A_560 = arith.addi %parallel_loop3A_551, %parallel_loop3A_550 : i32
        %parallel_loop3A_561 = arith.select %parallel_loop3A_559, %parallel_loop3A_560, %parallel_loop3A_551 : i32
        %parallel_loop3A_562 = arith.constant 16 : i32
        %parallel_loop3A_563 = arith.muli %parallel_loop3A_561, %parallel_loop3A_562 : i32
        %parallel_loop3A_564 = arith.constant 0 : i32
        %parallel_loop3A_565 = arith.constant 0 : i32
        %parallel_loop3A_566 = arith.index_cast %parallel_loop3A_564 : i32 to index
        %parallel_loop3A_567 = arith.index_cast %parallel_loop3A_565 : i32 to index
        %parallel_loop3A_568 = arith.index_cast %parallel_loop3A_545 : i32 to index
        %parallel_loop3A_569 = arith.index_cast %parallel_loop3A_563 : i32 to index
        %parallel_loop3A_570 = tpu.vector_load %arg4[%parallel_loop3A_566, %parallel_loop3A_567, %parallel_loop3A_568, %parallel_loop3A_569] {strides = array<i32>} : memref<2x32x8x128xf32, #tpu.memory_space<vmem>>, vector<1x1x1x16xf32>,
        %parallel_loop3A_571 = vector.shape_cast %parallel_loop3A_570 : vector<1x1x1x16xf32> to vector<16xf32>
        %parallel_loop3A_572 = arith.constant 0 : i32
        %parallel_loop3A_573 = arith.constant 1 : i32
        %parallel_loop3A_574 = arith.index_cast %parallel_loop3A_572 : i32 to index
        %parallel_loop3A_575 = arith.index_cast %parallel_loop3A_573 : i32 to index
        %parallel_loop3A_576 = arith.index_cast %parallel_loop3A_545 : i32 to index
        %parallel_loop3A_577 = arith.index_cast %parallel_loop3A_563 : i32 to index
        %parallel_loop3A_578 = tpu.vector_load %arg4[%parallel_loop3A_574, %parallel_loop3A_575, %parallel_loop3A_576, %parallel_loop3A_577] {strides = array<i32>} : memref<2x32x8x128xf32, #tpu.memory_space<vmem>>, vector<1x1x1x16xf32>,
        %parallel_loop3A_579 = vector.shape_cast %parallel_loop3A_578 : vector<1x1x1x16xf32> to vector<16xf32>
        %parallel_loop3A_580 = arith.constant 0 : i32
        %parallel_loop3A_581 = arith.constant 2 : i32
        %parallel_loop3A_582 = arith.index_cast %parallel_loop3A_580 : i32 to index
        %parallel_loop3A_583 = arith.index_cast %parallel_loop3A_581 : i32 to index
        %parallel_loop3A_584 = arith.index_cast %parallel_loop3A_545 : i32 to index
        %parallel_loop3A_585 = arith.index_cast %parallel_loop3A_563 : i32 to index
        %parallel_loop3A_586 = tpu.vector_load %arg4[%parallel_loop3A_582, %parallel_loop3A_583, %parallel_loop3A_584, %parallel_loop3A_585] {strides = array<i32>} : memref<2x32x8x128xf32, #tpu.memory_space<vmem>>, vector<1x1x1x16xf32>,
        %parallel_loop3A_587 = vector.shape_cast %parallel_loop3A_586 : vector<1x1x1x16xf32> to vector<16xf32>
        %parallel_loop3A_588 = arith.constant 0 : i32
        %parallel_loop3A_589 = arith.constant 3 : i32
        %parallel_loop3A_590 = arith.index_cast %parallel_loop3A_588 : i32 to index
        %parallel_loop3A_591 = arith.index_cast %parallel_loop3A_589 : i32 to index
        %parallel_loop3A_592 = arith.index_cast %parallel_loop3A_545 : i32 to index
        %parallel_loop3A_593 = arith.index_cast %parallel_loop3A_563 : i32 to index
        %parallel_loop3A_594 = tpu.vector_load %arg4[%parallel_loop3A_590, %parallel_loop3A_591, %parallel_loop3A_592, %parallel_loop3A_593] {strides = array<i32>} : memref<2x32x8x128xf32, #tpu.memory_space<vmem>>, vector<1x1x1x16xf32>,
        %parallel_loop3A_595 = vector.shape_cast %parallel_loop3A_594 : vector<1x1x1x16xf32> to vector<16xf32>
        %parallel_loop3A_596 = arith.constant 0 : i32
        %parallel_loop3A_597 = arith.constant 4 : i32
        %parallel_loop3A_598 = arith.index_cast %parallel_loop3A_596 : i32 to index
        %parallel_loop3A_599 = arith.index_cast %parallel_loop3A_597 : i32 to index
        %parallel_loop3A_600 = arith.index_cast %parallel_loop3A_545 : i32 to index
        %parallel_loop3A_601 = arith.index_cast %parallel_loop3A_563 : i32 to index
        %parallel_loop3A_602 = tpu.vector_load %arg4[%parallel_loop3A_598, %parallel_loop3A_599, %parallel_loop3A_600, %parallel_loop3A_601] {strides = array<i32>} : memref<2x32x8x128xf32, #tpu.memory_space<vmem>>, vector<1x1x1x16xf32>,
        %parallel_loop3A_603 = vector.shape_cast %parallel_loop3A_602 : vector<1x1x1x16xf32> to vector<16xf32>
        %parallel_loop3A_604 = arith.constant 0 : i32
        %parallel_loop3A_605 = arith.constant 5 : i32
        %parallel_loop3A_606 = arith.index_cast %parallel_loop3A_604 : i32 to index
        %parallel_loop3A_607 = arith.index_cast %parallel_loop3A_605 : i32 to index
        %parallel_loop3A_608 = arith.index_cast %parallel_loop3A_545 : i32 to index
        %parallel_loop3A_609 = arith.index_cast %parallel_loop3A_563 : i32 to index
        %parallel_loop3A_610 = tpu.vector_load %arg4[%parallel_loop3A_606, %parallel_loop3A_607, %parallel_loop3A_608, %parallel_loop3A_609] {strides = array<i32>} : memref<2x32x8x128xf32, #tpu.memory_space<vmem>>, vector<1x1x1x16xf32>,
        %parallel_loop3A_611 = vector.shape_cast %parallel_loop3A_610 : vector<1x1x1x16xf32> to vector<16xf32>
        %parallel_loop3A_612 = arith.constant 0 : i32
        %parallel_loop3A_613 = arith.constant 6 : i32
        %parallel_loop3A_614 = arith.index_cast %parallel_loop3A_612 : i32 to index
        %parallel_loop3A_615 = arith.index_cast %parallel_loop3A_613 : i32 to index
        %parallel_loop3A_616 = arith.index_cast %parallel_loop3A_545 : i32 to index
        %parallel_loop3A_617 = arith.index_cast %parallel_loop3A_563 : i32 to index
        %parallel_loop3A_618 = tpu.vector_load %arg4[%parallel_loop3A_614, %parallel_loop3A_615, %parallel_loop3A_616, %parallel_loop3A_617] {strides = array<i32>} : memref<2x32x8x128xf32, #tpu.memory_space<vmem>>, vector<1x1x1x16xf32>,
        %parallel_loop3A_619 = vector.shape_cast %parallel_loop3A_618 : vector<1x1x1x16xf32> to vector<16xf32>
        %parallel_loop3A_620 = arith.constant 0 : i32
        %parallel_loop3A_621 = arith.constant 7 : i32
        %parallel_loop3A_622 = arith.index_cast %parallel_loop3A_620 : i32 to index
        %parallel_loop3A_623 = arith.index_cast %parallel_loop3A_621 : i32 to index
        %parallel_loop3A_624 = arith.index_cast %parallel_loop3A_545 : i32 to index
        %parallel_loop3A_625 = arith.index_cast %parallel_loop3A_563 : i32 to index
        %parallel_loop3A_626 = tpu.vector_load %arg4[%parallel_loop3A_622, %parallel_loop3A_623, %parallel_loop3A_624, %parallel_loop3A_625] {strides = array<i32>} : memref<2x32x8x128xf32, #tpu.memory_space<vmem>>, vector<1x1x1x16xf32>,
        %parallel_loop3A_627 = vector.shape_cast %parallel_loop3A_626 : vector<1x1x1x16xf32> to vector<16xf32>
        %parallel_loop3A_628 = arith.constant 0 : i32
        %parallel_loop3A_629 = arith.constant 8 : i32
        %parallel_loop3A_630 = arith.index_cast %parallel_loop3A_628 : i32 to index
        %parallel_loop3A_631 = arith.index_cast %parallel_loop3A_629 : i32 to index
        %parallel_loop3A_632 = arith.index_cast %parallel_loop3A_545 : i32 to index
        %parallel_loop3A_633 = arith.index_cast %parallel_loop3A_563 : i32 to index
        %parallel_loop3A_634 = tpu.vector_load %arg4[%parallel_loop3A_630, %parallel_loop3A_631, %parallel_loop3A_632, %parallel_loop3A_633] {strides = array<i32>} : memref<2x32x8x128xf32, #tpu.memory_space<vmem>>, vector<1x1x1x16xf32>,
        %parallel_loop3A_635 = vector.shape_cast %parallel_loop3A_634 : vector<1x1x1x16xf32> to vector<16xf32>
        %parallel_loop3A_636 = arith.constant 0 : i32
        %parallel_loop3A_637 = arith.constant 9 : i32
        %parallel_loop3A_638 = arith.index_cast %parallel_loop3A_636 : i32 to index
        %parallel_loop3A_639 = arith.index_cast %parallel_loop3A_637 : i32 to index
        %parallel_loop3A_640 = arith.index_cast %parallel_loop3A_545 : i32 to index
        %parallel_loop3A_641 = arith.index_cast %parallel_loop3A_563 : i32 to index
        %parallel_loop3A_642 = tpu.vector_load %arg4[%parallel_loop3A_638, %parallel_loop3A_639, %parallel_loop3A_640, %parallel_loop3A_641] {strides = array<i32>} : memref<2x32x8x128xf32, #tpu.memory_space<vmem>>, vector<1x1x1x16xf32>,
        %parallel_loop3A_643 = vector.shape_cast %parallel_loop3A_642 : vector<1x1x1x16xf32> to vector<16xf32>
        %parallel_loop3A_644 = arith.constant 0 : i32
        %parallel_loop3A_645 = arith.constant 10 : i32
        %parallel_loop3A_646 = arith.index_cast %parallel_loop3A_644 : i32 to index
        %parallel_loop3A_647 = arith.index_cast %parallel_loop3A_645 : i32 to index
        %parallel_loop3A_648 = arith.index_cast %parallel_loop3A_545 : i32 to index
        %parallel_loop3A_649 = arith.index_cast %parallel_loop3A_563 : i32 to index
        %parallel_loop3A_650 = tpu.vector_load %arg4[%parallel_loop3A_646, %parallel_loop3A_647, %parallel_loop3A_648, %parallel_loop3A_649] {strides = array<i32>} : memref<2x32x8x128xf32, #tpu.memory_space<vmem>>, vector<1x1x1x16xf32>,
        %parallel_loop3A_651 = vector.shape_cast %parallel_loop3A_650 : vector<1x1x1x16xf32> to vector<16xf32>
        %parallel_loop3A_652 = arith.constant 0 : i32
        %parallel_loop3A_653 = arith.constant 11 : i32
        %parallel_loop3A_654 = arith.index_cast %parallel_loop3A_652 : i32 to index
        %parallel_loop3A_655 = arith.index_cast %parallel_loop3A_653 : i32 to index
        %parallel_loop3A_656 = arith.index_cast %parallel_loop3A_545 : i32 to index
        %parallel_loop3A_657 = arith.index_cast %parallel_loop3A_563 : i32 to index
        %parallel_loop3A_658 = tpu.vector_load %arg4[%parallel_loop3A_654, %parallel_loop3A_655, %parallel_loop3A_656, %parallel_loop3A_657] {strides = array<i32>} : memref<2x32x8x128xf32, #tpu.memory_space<vmem>>, vector<1x1x1x16xf32>,
        %parallel_loop3A_659 = vector.shape_cast %parallel_loop3A_658 : vector<1x1x1x16xf32> to vector<16xf32>
        %parallel_loop3A_660 = arith.constant 0 : i32
        %parallel_loop3A_661 = arith.constant 12 : i32
        %parallel_loop3A_662 = arith.index_cast %parallel_loop3A_660 : i32 to index
        %parallel_loop3A_663 = arith.index_cast %parallel_loop3A_661 : i32 to index
        %parallel_loop3A_664 = arith.index_cast %parallel_loop3A_545 : i32 to index
        %parallel_loop3A_665 = arith.index_cast %parallel_loop3A_563 : i32 to index
        %parallel_loop3A_666 = tpu.vector_load %arg4[%parallel_loop3A_662, %parallel_loop3A_663, %parallel_loop3A_664, %parallel_loop3A_665] {strides = array<i32>} : memref<2x32x8x128xf32, #tpu.memory_space<vmem>>, vector<1x1x1x16xf32>,
        %parallel_loop3A_667 = vector.shape_cast %parallel_loop3A_666 : vector<1x1x1x16xf32> to vector<16xf32>
        %parallel_loop3A_668 = arith.constant 0 : i32
        %parallel_loop3A_669 = arith.constant 13 : i32
        %parallel_loop3A_670 = arith.index_cast %parallel_loop3A_668 : i32 to index
        %parallel_loop3A_671 = arith.index_cast %parallel_loop3A_669 : i32 to index
        %parallel_loop3A_672 = arith.index_cast %parallel_loop3A_545 : i32 to index
        %parallel_loop3A_673 = arith.index_cast %parallel_loop3A_563 : i32 to index
        %parallel_loop3A_674 = tpu.vector_load %arg4[%parallel_loop3A_670, %parallel_loop3A_671, %parallel_loop3A_672, %parallel_loop3A_673] {strides = array<i32>} : memref<2x32x8x128xf32, #tpu.memory_space<vmem>>, vector<1x1x1x16xf32>,
        %parallel_loop3A_675 = vector.shape_cast %parallel_loop3A_674 : vector<1x1x1x16xf32> to vector<16xf32>
        %parallel_loop3A_676 = arith.constant 0 : i32
        %parallel_loop3A_677 = arith.constant 14 : i32
        %parallel_loop3A_678 = arith.index_cast %parallel_loop3A_676 : i32 to index
        %parallel_loop3A_679 = arith.index_cast %parallel_loop3A_677 : i32 to index
        %parallel_loop3A_680 = arith.index_cast %parallel_loop3A_545 : i32 to index
        %parallel_loop3A_681 = arith.index_cast %parallel_loop3A_563 : i32 to index
        %parallel_loop3A_682 = tpu.vector_load %arg4[%parallel_loop3A_678, %parallel_loop3A_679, %parallel_loop3A_680, %parallel_loop3A_681] {strides = array<i32>} : memref<2x32x8x128xf32, #tpu.memory_space<vmem>>, vector<1x1x1x16xf32>,
        %parallel_loop3A_683 = vector.shape_cast %parallel_loop3A_682 : vector<1x1x1x16xf32> to vector<16xf32>
        %parallel_loop3A_684 = arith.constant 0 : i32
        %parallel_loop3A_685 = arith.constant 15 : i32
        %parallel_loop3A_686 = arith.index_cast %parallel_loop3A_684 : i32 to index
        %parallel_loop3A_687 = arith.index_cast %parallel_loop3A_685 : i32 to index
        %parallel_loop3A_688 = arith.index_cast %parallel_loop3A_545 : i32 to index
        %parallel_loop3A_689 = arith.index_cast %parallel_loop3A_563 : i32 to index
        %parallel_loop3A_690 = tpu.vector_load %arg4[%parallel_loop3A_686, %parallel_loop3A_687, %parallel_loop3A_688, %parallel_loop3A_689] {strides = array<i32>} : memref<2x32x8x128xf32, #tpu.memory_space<vmem>>, vector<1x1x1x16xf32>,
        %parallel_loop3A_691 = vector.shape_cast %parallel_loop3A_690 : vector<1x1x1x16xf32> to vector<16xf32>
        %parallel_loop3A_692 = arith.constant 0 : i32
        %parallel_loop3A_693 = arith.constant 16 : i32
        %parallel_loop3A_694 = arith.index_cast %parallel_loop3A_692 : i32 to index
        %parallel_loop3A_695 = arith.index_cast %parallel_loop3A_693 : i32 to index
        %parallel_loop3A_696 = arith.index_cast %parallel_loop3A_545 : i32 to index
        %parallel_loop3A_697 = arith.index_cast %parallel_loop3A_563 : i32 to index
        %parallel_loop3A_698 = tpu.vector_load %arg4[%parallel_loop3A_694, %parallel_loop3A_695, %parallel_loop3A_696, %parallel_loop3A_697] {strides = array<i32>} : memref<2x32x8x128xf32, #tpu.memory_space<vmem>>, vector<1x1x1x16xf32>,
        %parallel_loop3A_699 = vector.shape_cast %parallel_loop3A_698 : vector<1x1x1x16xf32> to vector<16xf32>
        %parallel_loop3A_700 = arith.constant 0 : i32
        %parallel_loop3A_701 = arith.constant 17 : i32
        %parallel_loop3A_702 = arith.index_cast %parallel_loop3A_700 : i32 to index
        %parallel_loop3A_703 = arith.index_cast %parallel_loop3A_701 : i32 to index
        %parallel_loop3A_704 = arith.index_cast %parallel_loop3A_545 : i32 to index
        %parallel_loop3A_705 = arith.index_cast %parallel_loop3A_563 : i32 to index
        %parallel_loop3A_706 = tpu.vector_load %arg4[%parallel_loop3A_702, %parallel_loop3A_703, %parallel_loop3A_704, %parallel_loop3A_705] {strides = array<i32>} : memref<2x32x8x128xf32, #tpu.memory_space<vmem>>, vector<1x1x1x16xf32>,
        %parallel_loop3A_707 = vector.shape_cast %parallel_loop3A_706 : vector<1x1x1x16xf32> to vector<16xf32>
        %parallel_loop3A_708 = arith.constant 0 : i32
        %parallel_loop3A_709 = arith.constant 18 : i32
        %parallel_loop3A_710 = arith.index_cast %parallel_loop3A_708 : i32 to index
        %parallel_loop3A_711 = arith.index_cast %parallel_loop3A_709 : i32 to index
        %parallel_loop3A_712 = arith.index_cast %parallel_loop3A_545 : i32 to index
        %parallel_loop3A_713 = arith.index_cast %parallel_loop3A_563 : i32 to index
        %parallel_loop3A_714 = tpu.vector_load %arg4[%parallel_loop3A_710, %parallel_loop3A_711, %parallel_loop3A_712, %parallel_loop3A_713] {strides = array<i32>} : memref<2x32x8x128xf32, #tpu.memory_space<vmem>>, vector<1x1x1x16xf32>,
        %parallel_loop3A_715 = vector.shape_cast %parallel_loop3A_714 : vector<1x1x1x16xf32> to vector<16xf32>
        %parallel_loop3A_716 = arith.constant 0 : i32
        %parallel_loop3A_717 = arith.constant 19 : i32
        %parallel_loop3A_718 = arith.index_cast %parallel_loop3A_716 : i32 to index
        %parallel_loop3A_719 = arith.index_cast %parallel_loop3A_717 : i32 to index
        %parallel_loop3A_720 = arith.index_cast %parallel_loop3A_545 : i32 to index
        %parallel_loop3A_721 = arith.index_cast %parallel_loop3A_563 : i32 to index
        %parallel_loop3A_722 = tpu.vector_load %arg4[%parallel_loop3A_718, %parallel_loop3A_719, %parallel_loop3A_720, %parallel_loop3A_721] {strides = array<i32>} : memref<2x32x8x128xf32, #tpu.memory_space<vmem>>, vector<1x1x1x16xf32>,
        %parallel_loop3A_723 = vector.shape_cast %parallel_loop3A_722 : vector<1x1x1x16xf32> to vector<16xf32>
        %parallel_loop3A_724 = arith.constant 0 : i32
        %parallel_loop3A_725 = arith.constant 20 : i32
        %parallel_loop3A_726 = arith.index_cast %parallel_loop3A_724 : i32 to index
        %parallel_loop3A_727 = arith.index_cast %parallel_loop3A_725 : i32 to index
        %parallel_loop3A_728 = arith.index_cast %parallel_loop3A_545 : i32 to index
        %parallel_loop3A_729 = arith.index_cast %parallel_loop3A_563 : i32 to index
        %parallel_loop3A_730 = tpu.vector_load %arg4[%parallel_loop3A_726, %parallel_loop3A_727, %parallel_loop3A_728, %parallel_loop3A_729] {strides = array<i32>} : memref<2x32x8x128xf32, #tpu.memory_space<vmem>>, vector<1x1x1x16xf32>,
        %parallel_loop3A_731 = vector.shape_cast %parallel_loop3A_730 : vector<1x1x1x16xf32> to vector<16xf32>
        %parallel_loop3A_732 = arith.constant 0 : i32
        %parallel_loop3A_733 = arith.constant 21 : i32
        %parallel_loop3A_734 = arith.index_cast %parallel_loop3A_732 : i32 to index
        %parallel_loop3A_735 = arith.index_cast %parallel_loop3A_733 : i32 to index
        %parallel_loop3A_736 = arith.index_cast %parallel_loop3A_545 : i32 to index
        %parallel_loop3A_737 = arith.index_cast %parallel_loop3A_563 : i32 to index
        %parallel_loop3A_738 = tpu.vector_load %arg4[%parallel_loop3A_734, %parallel_loop3A_735, %parallel_loop3A_736, %parallel_loop3A_737] {strides = array<i32>} : memref<2x32x8x128xf32, #tpu.memory_space<vmem>>, vector<1x1x1x16xf32>,
        %parallel_loop3A_739 = vector.shape_cast %parallel_loop3A_738 : vector<1x1x1x16xf32> to vector<16xf32>
        %parallel_loop3A_740 = arith.constant 0 : i32
        %parallel_loop3A_741 = arith.constant 22 : i32
        %parallel_loop3A_742 = arith.index_cast %parallel_loop3A_740 : i32 to index
        %parallel_loop3A_743 = arith.index_cast %parallel_loop3A_741 : i32 to index
        %parallel_loop3A_744 = arith.index_cast %parallel_loop3A_545 : i32 to index
        %parallel_loop3A_745 = arith.index_cast %parallel_loop3A_563 : i32 to index
        %parallel_loop3A_746 = tpu.vector_load %arg4[%parallel_loop3A_742, %parallel_loop3A_743, %parallel_loop3A_744, %parallel_loop3A_745] {strides = array<i32>} : memref<2x32x8x128xf32, #tpu.memory_space<vmem>>, vector<1x1x1x16xf32>,
        %parallel_loop3A_747 = vector.shape_cast %parallel_loop3A_746 : vector<1x1x1x16xf32> to vector<16xf32>
        %parallel_loop3A_748 = arith.constant 0 : i32
        %parallel_loop3A_749 = arith.constant 23 : i32
        %parallel_loop3A_750 = arith.index_cast %parallel_loop3A_748 : i32 to index
        %parallel_loop3A_751 = arith.index_cast %parallel_loop3A_749 : i32 to index
        %parallel_loop3A_752 = arith.index_cast %parallel_loop3A_545 : i32 to index
        %parallel_loop3A_753 = arith.index_cast %parallel_loop3A_563 : i32 to index
        %parallel_loop3A_754 = tpu.vector_load %arg4[%parallel_loop3A_750, %parallel_loop3A_751, %parallel_loop3A_752, %parallel_loop3A_753] {strides = array<i32>} : memref<2x32x8x128xf32, #tpu.memory_space<vmem>>, vector<1x1x1x16xf32>,
        %parallel_loop3A_755 = vector.shape_cast %parallel_loop3A_754 : vector<1x1x1x16xf32> to vector<16xf32>
        %parallel_loop3A_756 = arith.constant 0 : i32
        %parallel_loop3A_757 = arith.constant 24 : i32
        %parallel_loop3A_758 = arith.index_cast %parallel_loop3A_756 : i32 to index
        %parallel_loop3A_759 = arith.index_cast %parallel_loop3A_757 : i32 to index
        %parallel_loop3A_760 = arith.index_cast %parallel_loop3A_545 : i32 to index
        %parallel_loop3A_761 = arith.index_cast %parallel_loop3A_563 : i32 to index
        %parallel_loop3A_762 = tpu.vector_load %arg4[%parallel_loop3A_758, %parallel_loop3A_759, %parallel_loop3A_760, %parallel_loop3A_761] {strides = array<i32>} : memref<2x32x8x128xf32, #tpu.memory_space<vmem>>, vector<1x1x1x16xf32>,
        %parallel_loop3A_763 = vector.shape_cast %parallel_loop3A_762 : vector<1x1x1x16xf32> to vector<16xf32>
        %parallel_loop3A_764 = arith.constant 0 : i32
        %parallel_loop3A_765 = arith.constant 25 : i32
        %parallel_loop3A_766 = arith.index_cast %parallel_loop3A_764 : i32 to index
        %parallel_loop3A_767 = arith.index_cast %parallel_loop3A_765 : i32 to index
        %parallel_loop3A_768 = arith.index_cast %parallel_loop3A_545 : i32 to index
        %parallel_loop3A_769 = arith.index_cast %parallel_loop3A_563 : i32 to index
        %parallel_loop3A_770 = tpu.vector_load %arg4[%parallel_loop3A_766, %parallel_loop3A_767, %parallel_loop3A_768, %parallel_loop3A_769] {strides = array<i32>} : memref<2x32x8x128xf32, #tpu.memory_space<vmem>>, vector<1x1x1x16xf32>,
        %parallel_loop3A_771 = vector.shape_cast %parallel_loop3A_770 : vector<1x1x1x16xf32> to vector<16xf32>
        %parallel_loop3A_772 = arith.constant 0 : i32
        %parallel_loop3A_773 = arith.constant 26 : i32
        %parallel_loop3A_774 = arith.index_cast %parallel_loop3A_772 : i32 to index
        %parallel_loop3A_775 = arith.index_cast %parallel_loop3A_773 : i32 to index
        %parallel_loop3A_776 = arith.index_cast %parallel_loop3A_545 : i32 to index
        %parallel_loop3A_777 = arith.index_cast %parallel_loop3A_563 : i32 to index
        %parallel_loop3A_778 = tpu.vector_load %arg4[%parallel_loop3A_774, %parallel_loop3A_775, %parallel_loop3A_776, %parallel_loop3A_777] {strides = array<i32>} : memref<2x32x8x128xf32, #tpu.memory_space<vmem>>, vector<1x1x1x16xf32>,
        %parallel_loop3A_779 = vector.shape_cast %parallel_loop3A_778 : vector<1x1x1x16xf32> to vector<16xf32>
        %parallel_loop3A_780 = arith.constant 0 : i32
        %parallel_loop3A_781 = arith.constant 27 : i32
        %parallel_loop3A_782 = arith.index_cast %parallel_loop3A_780 : i32 to index
        %parallel_loop3A_783 = arith.index_cast %parallel_loop3A_781 : i32 to index
        %parallel_loop3A_784 = arith.index_cast %parallel_loop3A_545 : i32 to index
        %parallel_loop3A_785 = arith.index_cast %parallel_loop3A_563 : i32 to index
        %parallel_loop3A_786 = tpu.vector_load %arg4[%parallel_loop3A_782, %parallel_loop3A_783, %parallel_loop3A_784, %parallel_loop3A_785] {strides = array<i32>} : memref<2x32x8x128xf32, #tpu.memory_space<vmem>>, vector<1x1x1x16xf32>,
        %parallel_loop3A_787 = vector.shape_cast %parallel_loop3A_786 : vector<1x1x1x16xf32> to vector<16xf32>
        %parallel_loop3A_788 = arith.constant 0 : i32
        %parallel_loop3A_789 = arith.constant 28 : i32
        %parallel_loop3A_790 = arith.index_cast %parallel_loop3A_788 : i32 to index
        %parallel_loop3A_791 = arith.index_cast %parallel_loop3A_789 : i32 to index
        %parallel_loop3A_792 = arith.index_cast %parallel_loop3A_545 : i32 to index
        %parallel_loop3A_793 = arith.index_cast %parallel_loop3A_563 : i32 to index
        %parallel_loop3A_794 = tpu.vector_load %arg4[%parallel_loop3A_790, %parallel_loop3A_791, %parallel_loop3A_792, %parallel_loop3A_793] {strides = array<i32>} : memref<2x32x8x128xf32, #tpu.memory_space<vmem>>, vector<1x1x1x16xf32>,
        %parallel_loop3A_795 = vector.shape_cast %parallel_loop3A_794 : vector<1x1x1x16xf32> to vector<16xf32>
        %parallel_loop3A_796 = arith.constant 0 : i32
        %parallel_loop3A_797 = arith.constant 29 : i32
        %parallel_loop3A_798 = arith.index_cast %parallel_loop3A_796 : i32 to index
        %parallel_loop3A_799 = arith.index_cast %parallel_loop3A_797 : i32 to index
        %parallel_loop3A_800 = arith.index_cast %parallel_loop3A_545 : i32 to index
        %parallel_loop3A_801 = arith.index_cast %parallel_loop3A_563 : i32 to index
        %parallel_loop3A_802 = tpu.vector_load %arg4[%parallel_loop3A_798, %parallel_loop3A_799, %parallel_loop3A_800, %parallel_loop3A_801] {strides = array<i32>} : memref<2x32x8x128xf32, #tpu.memory_space<vmem>>, vector<1x1x1x16xf32>,
        %parallel_loop3A_803 = vector.shape_cast %parallel_loop3A_802 : vector<1x1x1x16xf32> to vector<16xf32>
        %parallel_loop3A_804 = arith.constant 0 : i32
        %parallel_loop3A_805 = arith.constant 30 : i32
        %parallel_loop3A_806 = arith.index_cast %parallel_loop3A_804 : i32 to index
        %parallel_loop3A_807 = arith.index_cast %parallel_loop3A_805 : i32 to index
        %parallel_loop3A_808 = arith.index_cast %parallel_loop3A_545 : i32 to index
        %parallel_loop3A_809 = arith.index_cast %parallel_loop3A_563 : i32 to index
        %parallel_loop3A_810 = tpu.vector_load %arg4[%parallel_loop3A_806, %parallel_loop3A_807, %parallel_loop3A_808, %parallel_loop3A_809] {strides = array<i32>} : memref<2x32x8x128xf32, #tpu.memory_space<vmem>>, vector<1x1x1x16xf32>,
        %parallel_loop3A_811 = vector.shape_cast %parallel_loop3A_810 : vector<1x1x1x16xf32> to vector<16xf32>
        %parallel_loop3A_812 = arith.constant 0 : i32
        %parallel_loop3A_813 = arith.constant 31 : i32
        %parallel_loop3A_814 = arith.index_cast %parallel_loop3A_812 : i32 to index
        %parallel_loop3A_815 = arith.index_cast %parallel_loop3A_813 : i32 to index
        %parallel_loop3A_816 = arith.index_cast %parallel_loop3A_545 : i32 to index
        %parallel_loop3A_817 = arith.index_cast %parallel_loop3A_563 : i32 to index
        %parallel_loop3A_818 = tpu.vector_load %arg4[%parallel_loop3A_814, %parallel_loop3A_815, %parallel_loop3A_816, %parallel_loop3A_817] {strides = array<i32>} : memref<2x32x8x128xf32, #tpu.memory_space<vmem>>, vector<1x1x1x16xf32>,
        %parallel_loop3A_819 = vector.shape_cast %parallel_loop3A_818 : vector<1x1x1x16xf32> to vector<16xf32>
        %parallel_loop3A_820 = arith.maximumf %parallel_loop3A_571, %parallel_loop3A_579 : vector<16xf32>
        %parallel_loop3A_821 = arith.minimumf %parallel_loop3A_571, %parallel_loop3A_579 : vector<16xf32>
        %parallel_loop3A_822 = arith.maximumf %parallel_loop3A_587, %parallel_loop3A_595 : vector<16xf32>
        %parallel_loop3A_823 = arith.minimumf %parallel_loop3A_587, %parallel_loop3A_595 : vector<16xf32>
        %parallel_loop3A_824 = arith.maximumf %parallel_loop3A_820, %parallel_loop3A_822 : vector<16xf32>
        %parallel_loop3A_825 = arith.minimumf %parallel_loop3A_820, %parallel_loop3A_822 : vector<16xf32>
        %parallel_loop3A_826 = arith.maximumf %parallel_loop3A_821, %parallel_loop3A_823 : vector<16xf32>
        %parallel_loop3A_827 = arith.minimumf %parallel_loop3A_821, %parallel_loop3A_823 : vector<16xf32>
        %parallel_loop3A_828 = arith.maximumf %parallel_loop3A_826, %parallel_loop3A_825 : vector<16xf32>
        %parallel_loop3A_829 = arith.minimumf %parallel_loop3A_826, %parallel_loop3A_825 : vector<16xf32>
        %parallel_loop3A_830 = arith.maximumf %parallel_loop3A_603, %parallel_loop3A_611 : vector<16xf32>
        %parallel_loop3A_831 = arith.minimumf %parallel_loop3A_603, %parallel_loop3A_611 : vector<16xf32>
        %parallel_loop3A_832 = arith.maximumf %parallel_loop3A_619, %parallel_loop3A_627 : vector<16xf32>
        %parallel_loop3A_833 = arith.minimumf %parallel_loop3A_619, %parallel_loop3A_627 : vector<16xf32>
        %parallel_loop3A_834 = arith.maximumf %parallel_loop3A_830, %parallel_loop3A_832 : vector<16xf32>
        %parallel_loop3A_835 = arith.minimumf %parallel_loop3A_830, %parallel_loop3A_832 : vector<16xf32>
        %parallel_loop3A_836 = arith.maximumf %parallel_loop3A_831, %parallel_loop3A_833 : vector<16xf32>
        %parallel_loop3A_837 = arith.minimumf %parallel_loop3A_831, %parallel_loop3A_833 : vector<16xf32>
        %parallel_loop3A_838 = arith.maximumf %parallel_loop3A_836, %parallel_loop3A_835 : vector<16xf32>
        %parallel_loop3A_839 = arith.minimumf %parallel_loop3A_836, %parallel_loop3A_835 : vector<16xf32>
        %parallel_loop3A_840 = arith.maximumf %parallel_loop3A_824, %parallel_loop3A_837 : vector<16xf32>
        %parallel_loop3A_841 = arith.minimumf %parallel_loop3A_824, %parallel_loop3A_837 : vector<16xf32>
        %parallel_loop3A_842 = arith.maximumf %parallel_loop3A_828, %parallel_loop3A_839 : vector<16xf32>
        %parallel_loop3A_843 = arith.minimumf %parallel_loop3A_828, %parallel_loop3A_839 : vector<16xf32>
        %parallel_loop3A_844 = arith.maximumf %parallel_loop3A_829, %parallel_loop3A_838 : vector<16xf32>
        %parallel_loop3A_845 = arith.minimumf %parallel_loop3A_829, %parallel_loop3A_838 : vector<16xf32>
        %parallel_loop3A_846 = arith.maximumf %parallel_loop3A_827, %parallel_loop3A_834 : vector<16xf32>
        %parallel_loop3A_847 = arith.minimumf %parallel_loop3A_827, %parallel_loop3A_834 : vector<16xf32>
        %parallel_loop3A_848 = arith.maximumf %parallel_loop3A_840, %parallel_loop3A_844 : vector<16xf32>
        %parallel_loop3A_849 = arith.minimumf %parallel_loop3A_840, %parallel_loop3A_844 : vector<16xf32>
        %parallel_loop3A_850 = arith.maximumf %parallel_loop3A_842, %parallel_loop3A_846 : vector<16xf32>
        %parallel_loop3A_851 = arith.minimumf %parallel_loop3A_842, %parallel_loop3A_846 : vector<16xf32>
        %parallel_loop3A_852 = arith.maximumf %parallel_loop3A_848, %parallel_loop3A_850 : vector<16xf32>
        %parallel_loop3A_853 = arith.minimumf %parallel_loop3A_848, %parallel_loop3A_850 : vector<16xf32>
        %parallel_loop3A_854 = arith.maximumf %parallel_loop3A_849, %parallel_loop3A_851 : vector<16xf32>
        %parallel_loop3A_855 = arith.minimumf %parallel_loop3A_849, %parallel_loop3A_851 : vector<16xf32>
        %parallel_loop3A_856 = arith.maximumf %parallel_loop3A_841, %parallel_loop3A_843 : vector<16xf32>
        %parallel_loop3A_857 = arith.maximumf %parallel_loop3A_845, %parallel_loop3A_847 : vector<16xf32>
        %parallel_loop3A_858 = arith.maximumf %parallel_loop3A_856, %parallel_loop3A_857 : vector<16xf32>
        %parallel_loop3A_859 = arith.maximumf %parallel_loop3A_635, %parallel_loop3A_643 : vector<16xf32>
        %parallel_loop3A_860 = arith.minimumf %parallel_loop3A_635, %parallel_loop3A_643 : vector<16xf32>
        %parallel_loop3A_861 = arith.maximumf %parallel_loop3A_651, %parallel_loop3A_659 : vector<16xf32>
        %parallel_loop3A_862 = arith.minimumf %parallel_loop3A_651, %parallel_loop3A_659 : vector<16xf32>
        %parallel_loop3A_863 = arith.maximumf %parallel_loop3A_859, %parallel_loop3A_861 : vector<16xf32>
        %parallel_loop3A_864 = arith.minimumf %parallel_loop3A_859, %parallel_loop3A_861 : vector<16xf32>
        %parallel_loop3A_865 = arith.maximumf %parallel_loop3A_860, %parallel_loop3A_862 : vector<16xf32>
        %parallel_loop3A_866 = arith.minimumf %parallel_loop3A_860, %parallel_loop3A_862 : vector<16xf32>
        %parallel_loop3A_867 = arith.maximumf %parallel_loop3A_865, %parallel_loop3A_864 : vector<16xf32>
        %parallel_loop3A_868 = arith.minimumf %parallel_loop3A_865, %parallel_loop3A_864 : vector<16xf32>
        %parallel_loop3A_869 = arith.maximumf %parallel_loop3A_667, %parallel_loop3A_675 : vector<16xf32>
        %parallel_loop3A_870 = arith.minimumf %parallel_loop3A_667, %parallel_loop3A_675 : vector<16xf32>
        %parallel_loop3A_871 = arith.maximumf %parallel_loop3A_683, %parallel_loop3A_691 : vector<16xf32>
        %parallel_loop3A_872 = arith.minimumf %parallel_loop3A_683, %parallel_loop3A_691 : vector<16xf32>
        %parallel_loop3A_873 = arith.maximumf %parallel_loop3A_869, %parallel_loop3A_871 : vector<16xf32>
        %parallel_loop3A_874 = arith.minimumf %parallel_loop3A_869, %parallel_loop3A_871 : vector<16xf32>
        %parallel_loop3A_875 = arith.maximumf %parallel_loop3A_870, %parallel_loop3A_872 : vector<16xf32>
        %parallel_loop3A_876 = arith.minimumf %parallel_loop3A_870, %parallel_loop3A_872 : vector<16xf32>
        %parallel_loop3A_877 = arith.maximumf %parallel_loop3A_875, %parallel_loop3A_874 : vector<16xf32>
        %parallel_loop3A_878 = arith.minimumf %parallel_loop3A_875, %parallel_loop3A_874 : vector<16xf32>
        %parallel_loop3A_879 = arith.maximumf %parallel_loop3A_863, %parallel_loop3A_876 : vector<16xf32>
        %parallel_loop3A_880 = arith.minimumf %parallel_loop3A_863, %parallel_loop3A_876 : vector<16xf32>
        %parallel_loop3A_881 = arith.maximumf %parallel_loop3A_867, %parallel_loop3A_878 : vector<16xf32>
        %parallel_loop3A_882 = arith.minimumf %parallel_loop3A_867, %parallel_loop3A_878 : vector<16xf32>
        %parallel_loop3A_883 = arith.maximumf %parallel_loop3A_868, %parallel_loop3A_877 : vector<16xf32>
        %parallel_loop3A_884 = arith.minimumf %parallel_loop3A_868, %parallel_loop3A_877 : vector<16xf32>
        %parallel_loop3A_885 = arith.maximumf %parallel_loop3A_866, %parallel_loop3A_873 : vector<16xf32>
        %parallel_loop3A_886 = arith.minimumf %parallel_loop3A_866, %parallel_loop3A_873 : vector<16xf32>
        %parallel_loop3A_887 = arith.maximumf %parallel_loop3A_879, %parallel_loop3A_883 : vector<16xf32>
        %parallel_loop3A_888 = arith.minimumf %parallel_loop3A_879, %parallel_loop3A_883 : vector<16xf32>
        %parallel_loop3A_889 = arith.maximumf %parallel_loop3A_881, %parallel_loop3A_885 : vector<16xf32>
        %parallel_loop3A_890 = arith.minimumf %parallel_loop3A_881, %parallel_loop3A_885 : vector<16xf32>
        %parallel_loop3A_891 = arith.maximumf %parallel_loop3A_887, %parallel_loop3A_889 : vector<16xf32>
        %parallel_loop3A_892 = arith.minimumf %parallel_loop3A_887, %parallel_loop3A_889 : vector<16xf32>
        %parallel_loop3A_893 = arith.maximumf %parallel_loop3A_888, %parallel_loop3A_890 : vector<16xf32>
        %parallel_loop3A_894 = arith.minimumf %parallel_loop3A_888, %parallel_loop3A_890 : vector<16xf32>
        %parallel_loop3A_895 = arith.maximumf %parallel_loop3A_880, %parallel_loop3A_882 : vector<16xf32>
        %parallel_loop3A_896 = arith.maximumf %parallel_loop3A_884, %parallel_loop3A_886 : vector<16xf32>
        %parallel_loop3A_897 = arith.maximumf %parallel_loop3A_895, %parallel_loop3A_896 : vector<16xf32>
        %parallel_loop3A_898 = arith.maximumf %parallel_loop3A_699, %parallel_loop3A_707 : vector<16xf32>
        %parallel_loop3A_899 = arith.minimumf %parallel_loop3A_699, %parallel_loop3A_707 : vector<16xf32>
        %parallel_loop3A_900 = arith.maximumf %parallel_loop3A_715, %parallel_loop3A_723 : vector<16xf32>
        %parallel_loop3A_901 = arith.minimumf %parallel_loop3A_715, %parallel_loop3A_723 : vector<16xf32>
        %parallel_loop3A_902 = arith.maximumf %parallel_loop3A_898, %parallel_loop3A_900 : vector<16xf32>
        %parallel_loop3A_903 = arith.minimumf %parallel_loop3A_898, %parallel_loop3A_900 : vector<16xf32>
        %parallel_loop3A_904 = arith.maximumf %parallel_loop3A_899, %parallel_loop3A_901 : vector<16xf32>
        %parallel_loop3A_905 = arith.minimumf %parallel_loop3A_899, %parallel_loop3A_901 : vector<16xf32>
        %parallel_loop3A_906 = arith.maximumf %parallel_loop3A_904, %parallel_loop3A_903 : vector<16xf32>
        %parallel_loop3A_907 = arith.minimumf %parallel_loop3A_904, %parallel_loop3A_903 : vector<16xf32>
        %parallel_loop3A_908 = arith.maximumf %parallel_loop3A_731, %parallel_loop3A_739 : vector<16xf32>
        %parallel_loop3A_909 = arith.minimumf %parallel_loop3A_731, %parallel_loop3A_739 : vector<16xf32>
        %parallel_loop3A_910 = arith.maximumf %parallel_loop3A_747, %parallel_loop3A_755 : vector<16xf32>
        %parallel_loop3A_911 = arith.minimumf %parallel_loop3A_747, %parallel_loop3A_755 : vector<16xf32>
        %parallel_loop3A_912 = arith.maximumf %parallel_loop3A_908, %parallel_loop3A_910 : vector<16xf32>
        %parallel_loop3A_913 = arith.minimumf %parallel_loop3A_908, %parallel_loop3A_910 : vector<16xf32>
        %parallel_loop3A_914 = arith.maximumf %parallel_loop3A_909, %parallel_loop3A_911 : vector<16xf32>
        %parallel_loop3A_915 = arith.minimumf %parallel_loop3A_909, %parallel_loop3A_911 : vector<16xf32>
        %parallel_loop3A_916 = arith.maximumf %parallel_loop3A_914, %parallel_loop3A_913 : vector<16xf32>
        %parallel_loop3A_917 = arith.minimumf %parallel_loop3A_914, %parallel_loop3A_913 : vector<16xf32>
        %parallel_loop3A_918 = arith.maximumf %parallel_loop3A_902, %parallel_loop3A_915 : vector<16xf32>
        %parallel_loop3A_919 = arith.minimumf %parallel_loop3A_902, %parallel_loop3A_915 : vector<16xf32>
        %parallel_loop3A_920 = arith.maximumf %parallel_loop3A_906, %parallel_loop3A_917 : vector<16xf32>
        %parallel_loop3A_921 = arith.minimumf %parallel_loop3A_906, %parallel_loop3A_917 : vector<16xf32>
        %parallel_loop3A_922 = arith.maximumf %parallel_loop3A_907, %parallel_loop3A_916 : vector<16xf32>
        %parallel_loop3A_923 = arith.minimumf %parallel_loop3A_907, %parallel_loop3A_916 : vector<16xf32>
        %parallel_loop3A_924 = arith.maximumf %parallel_loop3A_905, %parallel_loop3A_912 : vector<16xf32>
        %parallel_loop3A_925 = arith.minimumf %parallel_loop3A_905, %parallel_loop3A_912 : vector<16xf32>
        %parallel_loop3A_926 = arith.maximumf %parallel_loop3A_918, %parallel_loop3A_922 : vector<16xf32>
        %parallel_loop3A_927 = arith.minimumf %parallel_loop3A_918, %parallel_loop3A_922 : vector<16xf32>
        %parallel_loop3A_928 = arith.maximumf %parallel_loop3A_920, %parallel_loop3A_924 : vector<16xf32>
        %parallel_loop3A_929 = arith.minimumf %parallel_loop3A_920, %parallel_loop3A_924 : vector<16xf32>
        %parallel_loop3A_930 = arith.maximumf %parallel_loop3A_926, %parallel_loop3A_928 : vector<16xf32>
        %parallel_loop3A_931 = arith.minimumf %parallel_loop3A_926, %parallel_loop3A_928 : vector<16xf32>
        %parallel_loop3A_932 = arith.maximumf %parallel_loop3A_927, %parallel_loop3A_929 : vector<16xf32>
        %parallel_loop3A_933 = arith.minimumf %parallel_loop3A_927, %parallel_loop3A_929 : vector<16xf32>
        %parallel_loop3A_934 = arith.maximumf %parallel_loop3A_919, %parallel_loop3A_921 : vector<16xf32>
        %parallel_loop3A_935 = arith.maximumf %parallel_loop3A_923, %parallel_loop3A_925 : vector<16xf32>
        %parallel_loop3A_936 = arith.maximumf %parallel_loop3A_934, %parallel_loop3A_935 : vector<16xf32>
        %parallel_loop3A_937 = arith.maximumf %parallel_loop3A_763, %parallel_loop3A_771 : vector<16xf32>
        %parallel_loop3A_938 = arith.minimumf %parallel_loop3A_763, %parallel_loop3A_771 : vector<16xf32>
        %parallel_loop3A_939 = arith.maximumf %parallel_loop3A_779, %parallel_loop3A_787 : vector<16xf32>
        %parallel_loop3A_940 = arith.minimumf %parallel_loop3A_779, %parallel_loop3A_787 : vector<16xf32>
        %parallel_loop3A_941 = arith.maximumf %parallel_loop3A_937, %parallel_loop3A_939 : vector<16xf32>
        %parallel_loop3A_942 = arith.minimumf %parallel_loop3A_937, %parallel_loop3A_939 : vector<16xf32>
        %parallel_loop3A_943 = arith.maximumf %parallel_loop3A_938, %parallel_loop3A_940 : vector<16xf32>
        %parallel_loop3A_944 = arith.minimumf %parallel_loop3A_938, %parallel_loop3A_940 : vector<16xf32>
        %parallel_loop3A_945 = arith.maximumf %parallel_loop3A_943, %parallel_loop3A_942 : vector<16xf32>
        %parallel_loop3A_946 = arith.minimumf %parallel_loop3A_943, %parallel_loop3A_942 : vector<16xf32>
        %parallel_loop3A_947 = arith.maximumf %parallel_loop3A_795, %parallel_loop3A_803 : vector<16xf32>
        %parallel_loop3A_948 = arith.minimumf %parallel_loop3A_795, %parallel_loop3A_803 : vector<16xf32>
        %parallel_loop3A_949 = arith.maximumf %parallel_loop3A_811, %parallel_loop3A_819 : vector<16xf32>
        %parallel_loop3A_950 = arith.minimumf %parallel_loop3A_811, %parallel_loop3A_819 : vector<16xf32>
        %parallel_loop3A_951 = arith.maximumf %parallel_loop3A_947, %parallel_loop3A_949 : vector<16xf32>
        %parallel_loop3A_952 = arith.minimumf %parallel_loop3A_947, %parallel_loop3A_949 : vector<16xf32>
        %parallel_loop3A_953 = arith.maximumf %parallel_loop3A_948, %parallel_loop3A_950 : vector<16xf32>
        %parallel_loop3A_954 = arith.minimumf %parallel_loop3A_948, %parallel_loop3A_950 : vector<16xf32>
        %parallel_loop3A_955 = arith.maximumf %parallel_loop3A_953, %parallel_loop3A_952 : vector<16xf32>
        %parallel_loop3A_956 = arith.minimumf %parallel_loop3A_953, %parallel_loop3A_952 : vector<16xf32>
        %parallel_loop3A_957 = arith.maximumf %parallel_loop3A_941, %parallel_loop3A_954 : vector<16xf32>
        %parallel_loop3A_958 = arith.minimumf %parallel_loop3A_941, %parallel_loop3A_954 : vector<16xf32>
        %parallel_loop3A_959 = arith.maximumf %parallel_loop3A_945, %parallel_loop3A_956 : vector<16xf32>
        %parallel_loop3A_960 = arith.minimumf %parallel_loop3A_945, %parallel_loop3A_956 : vector<16xf32>
        %parallel_loop3A_961 = arith.maximumf %parallel_loop3A_946, %parallel_loop3A_955 : vector<16xf32>
        %parallel_loop3A_962 = arith.minimumf %parallel_loop3A_946, %parallel_loop3A_955 : vector<16xf32>
        %parallel_loop3A_963 = arith.maximumf %parallel_loop3A_944, %parallel_loop3A_951 : vector<16xf32>
        %parallel_loop3A_964 = arith.minimumf %parallel_loop3A_944, %parallel_loop3A_951 : vector<16xf32>
        %parallel_loop3A_965 = arith.maximumf %parallel_loop3A_957, %parallel_loop3A_961 : vector<16xf32>
        %parallel_loop3A_966 = arith.minimumf %parallel_loop3A_957, %parallel_loop3A_961 : vector<16xf32>
        %parallel_loop3A_967 = arith.maximumf %parallel_loop3A_959, %parallel_loop3A_963 : vector<16xf32>
        %parallel_loop3A_968 = arith.minimumf %parallel_loop3A_959, %parallel_loop3A_963 : vector<16xf32>
        %parallel_loop3A_969 = arith.maximumf %parallel_loop3A_965, %parallel_loop3A_967 : vector<16xf32>
        %parallel_loop3A_970 = arith.minimumf %parallel_loop3A_965, %parallel_loop3A_967 : vector<16xf32>
        %parallel_loop3A_971 = arith.maximumf %parallel_loop3A_966, %parallel_loop3A_968 : vector<16xf32>
        %parallel_loop3A_972 = arith.minimumf %parallel_loop3A_966, %parallel_loop3A_968 : vector<16xf32>
        %parallel_loop3A_973 = arith.maximumf %parallel_loop3A_958, %parallel_loop3A_960 : vector<16xf32>
        %parallel_loop3A_974 = arith.maximumf %parallel_loop3A_962, %parallel_loop3A_964 : vector<16xf32>
        %parallel_loop3A_975 = arith.maximumf %parallel_loop3A_973, %parallel_loop3A_974 : vector<16xf32>
        %parallel_loop3A_976 = arith.maximumf %parallel_loop3A_852, %parallel_loop3A_897 : vector<16xf32>
        %parallel_loop3A_977 = arith.maximumf %parallel_loop3A_853, %parallel_loop3A_894 : vector<16xf32>
        %parallel_loop3A_978 = arith.maximumf %parallel_loop3A_854, %parallel_loop3A_893 : vector<16xf32>
        %parallel_loop3A_979 = arith.maximumf %parallel_loop3A_855, %parallel_loop3A_892 : vector<16xf32>
        %parallel_loop3A_980 = arith.maximumf %parallel_loop3A_858, %parallel_loop3A_891 : vector<16xf32>
        %parallel_loop3A_981 = arith.maximumf %parallel_loop3A_976, %parallel_loop3A_980 : vector<16xf32>
        %parallel_loop3A_982 = arith.minimumf %parallel_loop3A_976, %parallel_loop3A_980 : vector<16xf32>
        %parallel_loop3A_983 = arith.maximumf %parallel_loop3A_977, %parallel_loop3A_979 : vector<16xf32>
        %parallel_loop3A_984 = arith.minimumf %parallel_loop3A_977, %parallel_loop3A_979 : vector<16xf32>
        %parallel_loop3A_985 = arith.maximumf %parallel_loop3A_983, %parallel_loop3A_982 : vector<16xf32>
        %parallel_loop3A_986 = arith.minimumf %parallel_loop3A_983, %parallel_loop3A_982 : vector<16xf32>
        %parallel_loop3A_987 = arith.maximumf %parallel_loop3A_978, %parallel_loop3A_986 : vector<16xf32>
        %parallel_loop3A_988 = arith.minimumf %parallel_loop3A_978, %parallel_loop3A_986 : vector<16xf32>
        %parallel_loop3A_989 = arith.maximumf %parallel_loop3A_984, %parallel_loop3A_988 : vector<16xf32>
        %parallel_loop3A_990 = arith.minimumf %parallel_loop3A_984, %parallel_loop3A_988 : vector<16xf32>
        %parallel_loop3A_991 = arith.maximumf %parallel_loop3A_930, %parallel_loop3A_975 : vector<16xf32>
        %parallel_loop3A_992 = arith.maximumf %parallel_loop3A_931, %parallel_loop3A_972 : vector<16xf32>
        %parallel_loop3A_993 = arith.maximumf %parallel_loop3A_932, %parallel_loop3A_971 : vector<16xf32>
        %parallel_loop3A_994 = arith.maximumf %parallel_loop3A_933, %parallel_loop3A_970 : vector<16xf32>
        %parallel_loop3A_995 = arith.maximumf %parallel_loop3A_936, %parallel_loop3A_969 : vector<16xf32>
        %parallel_loop3A_996 = arith.maximumf %parallel_loop3A_991, %parallel_loop3A_995 : vector<16xf32>
        %parallel_loop3A_997 = arith.minimumf %parallel_loop3A_991, %parallel_loop3A_995 : vector<16xf32>
        %parallel_loop3A_998 = arith.maximumf %parallel_loop3A_992, %parallel_loop3A_994 : vector<16xf32>
        %parallel_loop3A_999 = arith.minimumf %parallel_loop3A_992, %parallel_loop3A_994 : vector<16xf32>
        %parallel_loop3A_1000 = arith.maximumf %parallel_loop3A_998, %parallel_loop3A_997 : vector<16xf32>
        %parallel_loop3A_1001 = arith.minimumf %parallel_loop3A_998, %parallel_loop3A_997 : vector<16xf32>
        %parallel_loop3A_1002 = arith.maximumf %parallel_loop3A_993, %parallel_loop3A_1001 : vector<16xf32>
        %parallel_loop3A_1003 = arith.minimumf %parallel_loop3A_993, %parallel_loop3A_1001 : vector<16xf32>
        %parallel_loop3A_1004 = arith.maximumf %parallel_loop3A_999, %parallel_loop3A_1003 : vector<16xf32>
        %parallel_loop3A_1005 = arith.minimumf %parallel_loop3A_999, %parallel_loop3A_1003 : vector<16xf32>
        %parallel_loop3A_1006 = arith.minimumf %parallel_loop3A_981, %parallel_loop3A_1002 : vector<16xf32>
        %parallel_loop3A_1007 = arith.minimumf %parallel_loop3A_985, %parallel_loop3A_1000 : vector<16xf32>
        %parallel_loop3A_1008 = arith.maximumf %parallel_loop3A_1006, %parallel_loop3A_1007 : vector<16xf32>
        %parallel_loop3A_1009 = arith.minimumf %parallel_loop3A_987, %parallel_loop3A_996 : vector<16xf32>
        %parallel_loop3A_1010 = arith.maximumf %parallel_loop3A_989, %parallel_loop3A_1004 : vector<16xf32>
        %parallel_loop3A_1011 = arith.maximumf %parallel_loop3A_1009, %parallel_loop3A_1010 : vector<16xf32>
        %parallel_loop3A_1012 = arith.maximumf %parallel_loop3A_1008, %parallel_loop3A_1011 : vector<16xf32>
        %parallel_loop3A_1013 = arith.minimumf %parallel_loop3A_981, %parallel_loop3A_1004 : vector<16xf32>
        %parallel_loop3A_1014 = arith.minimumf %parallel_loop3A_985, %parallel_loop3A_1002 : vector<16xf32>
        %parallel_loop3A_1015 = arith.maximumf %parallel_loop3A_1013, %parallel_loop3A_1014 : vector<16xf32>
        %parallel_loop3A_1016 = arith.minimumf %parallel_loop3A_987, %parallel_loop3A_1000 : vector<16xf32>
        %parallel_loop3A_1017 = arith.minimumf %parallel_loop3A_989, %parallel_loop3A_996 : vector<16xf32>
        %parallel_loop3A_1018 = arith.maximumf %parallel_loop3A_1016, %parallel_loop3A_1017 : vector<16xf32>
        %parallel_loop3A_1019 = arith.maximumf %parallel_loop3A_1015, %parallel_loop3A_1018 : vector<16xf32>
        %parallel_loop3A_1020 = arith.maximumf %parallel_loop3A_990, %parallel_loop3A_1005 : vector<16xf32>
        %parallel_loop3A_1021 = arith.maximumf %parallel_loop3A_1019, %parallel_loop3A_1020 : vector<16xf32>
        %parallel_loop3A_1022 = arith.subf %parallel_loop3A_1012, %parallel_loop3A_1021 : vector<16xf32>
        %parallel_loop3A_1023 = arith.constant 0.899999976 : f32
        %parallel_loop3A_1024 = vector.broadcast %parallel_loop3A_1023 : f32 to vector<16xf32>
        %parallel_loop3A_1025 = arith.mulf %parallel_loop3A_1024, %parallel_loop3A_1022 : vector<16xf32>
        %parallel_loop3A_1026 = arith.addf %parallel_loop3A_1021, %parallel_loop3A_1025 : vector<16xf32>
        %parallel_loop3A_1027 = arith.constant 0 : i32
        %parallel_loop3A_1028 = arith.index_cast %parallel_loop3A_1027 : i32 to index
        %parallel_loop3A_1029 = arith.index_cast %parallel_loop3A_545 : i32 to index
        %parallel_loop3A_1030 = arith.index_cast %parallel_loop3A_563 : i32 to index
        %parallel_loop3A_1031 = tpu.vector_load %arg5[%parallel_loop3A_1028, %parallel_loop3A_1029, %parallel_loop3A_1030] {strides = array<i32>} : memref<2x8x128xf32, #tpu.memory_space<vmem>>, vector<1x1x16xf32>,
        %parallel_loop3A_1032 = vector.shape_cast %parallel_loop3A_1031 : vector<1x1x16xf32> to vector<16xf32>
        %parallel_loop3A_1033 = vector.shape_cast %parallel_loop3A_1026 : vector<16xf32> to vector<1x1x16xf32>
        tpu.vector_store %arg5[%parallel_loop3A_1028, %parallel_loop3A_1029, %parallel_loop3A_1030], %parallel_loop3A_1033 {strides = array<i32>} : memref<2x8x128xf32, #tpu.memory_space<vmem>>, vector<1x1x16xf32>,
      } {sc.loop_unroll_factor = 8 : i64, sc.parallel_access}
      %add3A_316 = arith.addi %mul3A_2, %add3A_248 : i32
      %jit3A_317 = arith.constant 8 : i32
      %div3A_318 = arith.divsi %add3A_316, %jit3A_317 : i32
      %sign3A_319 = arith.constant 0 : i32
      %sign3A_320 = arith.cmpi sgt, %add3A_316, %sign3A_319 : i32
      %sign3A_321 = arith.extui %sign3A_320 : i1 to i32
      %sign3A_322 = arith.constant 0 : i32
      %sign3A_323 = arith.cmpi slt, %add3A_316, %sign3A_322 : i32
      %sign3A_324 = arith.extui %sign3A_323 : i1 to i32
      %sign3A_325 = arith.subi %sign3A_321, %sign3A_324 : i32
      %sign3A_326 = arith.constant 0 : i32
      %sign3A_327 = arith.cmpi sgt, %jit3A_317, %sign3A_326 : i32
      %sign3A_328 = arith.extui %sign3A_327 : i1 to i32
      %sign3A_329 = arith.constant 0 : i32
      %sign3A_330 = arith.cmpi slt, %jit3A_317, %sign3A_329 : i32
      %sign3A_331 = arith.extui %sign3A_330 : i1 to i32
      %sign3A_332 = arith.subi %sign3A_328, %sign3A_331 : i32
      %ne3A_333 = arith.cmpi ne, %sign3A_325, %sign3A_332 : i32
      %rem3A_334 = arith.remsi %add3A_316, %jit3A_317 : i32
      %ne3A_335 = arith.constant 0 : i32
      %ne3A_336 = arith.cmpi ne, %rem3A_334, %ne3A_335 : i32
      %and3A_337 = arith.andi %ne3A_333, %ne3A_336 : i1
      %sub3A_338 = arith.constant 1 : i32
      %sub3A_339 = arith.subi %div3A_318, %sub3A_338 : i32
      %select_n3A_340 = arith.select %and3A_337, %sub3A_339, %div3A_318 : i32
      %mul3A_341 = arith.constant 8 : i32
      %mul3A_342 = arith.muli %select_n3A_340, %mul3A_341 : i32
      %jit3A_343 = arith.constant 8 : i32
      %eq3A_344 = arith.constant 0 : i32
      %eq3A_345 = arith.cmpi eq, %jit3A_343, %eq3A_344 : i32
      %jit3A_346 = arith.constant 1 : i32
      %select_n3A_347 = arith.select %eq3A_345, %jit3A_346, %jit3A_343 : i32
      %rem3A_348 = arith.remsi %add3A_316, %select_n3A_347 : i32
      %ne3A_349 = arith.constant 0 : i32
      %ne3A_350 = arith.cmpi ne, %rem3A_348, %ne3A_349 : i32
      %lt3A_351 = arith.constant 0 : i32
      %lt3A_352 = arith.cmpi slt, %rem3A_348, %lt3A_351 : i32
      %lt3A_353 = arith.constant 0 : i32
      %lt3A_354 = arith.cmpi slt, %select_n3A_347, %lt3A_353 : i32
      %ne3A_355 = arith.xori %lt3A_352, %lt3A_354 : i1
      %and3A_356 = arith.andi %ne3A_355, %ne3A_350 : i1
      %add3A_357 = arith.addi %rem3A_348, %select_n3A_347 : i32
      %select_n3A_358 = arith.select %and3A_356, %add3A_357, %rem3A_348 : i32
      %mul3A_359 = arith.constant 128 : i32
      %mul3A_360 = arith.muli %select_n3A_358, %mul3A_359 : i32
      %dma_start3A_361 = arith.constant 0 : i32
      %dma_start3A_362 = arith.constant 0 : i32
      %dma_start3A_363 = arith.constant 0 : i32
      %dma_start3A_364 = arith.constant 0 : i32
      %dma_start3A_365 = tpu.memref_slice %arg5[%dma_start3A_361, %dma_start3A_363, %dma_start3A_364] : memref<2x8x128xf32, #tpu.memory_space<vmem>> -> memref<1x8x128xf32, #tpu.memory_space<vmem>>
      %dma_start3A_366 = tpu.memref_squeeze %dma_start3A_365 : memref<1x8x128xf32, #tpu.memory_space<vmem>> -> memref<8x128xf32, #tpu.memory_space<vmem>>
      %dma_start3A_367 = tpu.memref_slice %arg3[%mul3A_342, %mul3A_360] : memref<768x1024xf32, #tpu.memory_space<hbm>> -> memref<8x128xf32, #tpu.memory_space<hbm>>
      %dma_start3A_368 = tpu.memref_slice %arg7[%dma_start3A_362] : memref<2x!tpu.dma_semaphore, #tpu.memory_space<semaphore_mem>> -> memref<1x!tpu.dma_semaphore, #tpu.memory_space<semaphore_mem>>
      %dma_start3A_369 = tpu.memref_squeeze %dma_start3A_368 : memref<1x!tpu.dma_semaphore, #tpu.memory_space<semaphore_mem>> -> memref<!tpu.dma_semaphore, #tpu.memory_space<semaphore_mem>>
      %dma_start3A_370 = tpu.memref_slice %arg3[%mul3A_342, %mul3A_360] : memref<768x1024xf32, #tpu.memory_space<hbm>> -> memref<8x128xf32, #tpu.memory_space<hbm>>
      %dma_start3A_371 = arith.constant 0 : i32
      %dma_start3A_372 = arith.constant 0 : i32
      %dma_start3A_373 = tpu.memref_slice %arg5[%dma_start3A_361, %dma_start3A_371, %dma_start3A_372] : memref<2x8x128xf32, #tpu.memory_space<vmem>> -> memref<1x8x128xf32, #tpu.memory_space<vmem>>
      %dma_start3A_374 = tpu.memref_squeeze %dma_start3A_373 : memref<1x8x128xf32, #tpu.memory_space<vmem>> -> memref<8x128xf32, #tpu.memory_space<vmem>>
      tpu.enqueue_dma source(%dma_start3A_374 : memref<8x128xf32, #tpu.memory_space<vmem>>) target(%dma_start3A_370 : memref<8x128xf32, #tpu.memory_space<hbm>>) target_semaphore(%dma_start3A_369 : memref<!tpu.dma_semaphore, #tpu.memory_space<semaphore_mem>>)
      %add3A_375 = arith.constant 2 : i32
      %add3A_376 = arith.addi %add3A_248, %add3A_375 : i32
      %lt3A_377 = arith.constant 24 : i32
      %lt3A_378 = arith.cmpi slt, %add3A_376, %lt3A_377 : i32
      %convert_element_type3A_379 = arith.extui %lt3A_378 : i1 to i32
      %cond3A_380 = arith.constant 0 : i32
      %cond3A_381 = arith.cmpi ne, %convert_element_type3A_379, %cond3A_380 : i32
      scf.if %cond3A_381 {
        %add3A_521 = arith.constant 2 : i32
        %add3A_522 = arith.addi %add3A_248, %add3A_521 : i32
        %add3A_523 = arith.addi %mul3A_2, %add3A_522 : i32
        %jit3A_524 = arith.constant 8 : i32
        %div3A_525 = arith.divsi %add3A_523, %jit3A_524 : i32
        %sign3A_526 = arith.constant 0 : i32
        %sign3A_527 = arith.cmpi sgt, %add3A_523, %sign3A_526 : i32
        %sign3A_528 = arith.extui %sign3A_527 : i1 to i32
        %sign3A_529 = arith.constant 0 : i32
        %sign3A_530 = arith.cmpi slt, %add3A_523, %sign3A_529 : i32
        %sign3A_531 = arith.extui %sign3A_530 : i1 to i32
        %sign3A_532 = arith.subi %sign3A_528, %sign3A_531 : i32
        %sign3A_533 = arith.constant 0 : i32
        %sign3A_534 = arith.cmpi sgt, %jit3A_524, %sign3A_533 : i32
        %sign3A_535 = arith.extui %sign3A_534 : i1 to i32
        %sign3A_536 = arith.constant 0 : i32
        %sign3A_537 = arith.cmpi slt, %jit3A_524, %sign3A_536 : i32
        %sign3A_538 = arith.extui %sign3A_537 : i1 to i32
        %sign3A_539 = arith.subi %sign3A_535, %sign3A_538 : i32
        %ne3A_540 = arith.cmpi ne, %sign3A_532, %sign3A_539 : i32
        %rem3A_541 = arith.remsi %add3A_523, %jit3A_524 : i32
        %ne3A_542 = arith.constant 0 : i32
        %ne3A_543 = arith.cmpi ne, %rem3A_541, %ne3A_542 : i32
        %and3A_544 = arith.andi %ne3A_540, %ne3A_543 : i1
        %sub3A_545 = arith.constant 1 : i32
        %sub3A_546 = arith.subi %div3A_525, %sub3A_545 : i32
        %select_n3A_547 = arith.select %and3A_544, %sub3A_546, %div3A_525 : i32
        %mul3A_548 = arith.constant 8 : i32
        %mul3A_549 = arith.muli %select_n3A_547, %mul3A_548 : i32
        %jit3A_550 = arith.constant 8 : i32
        %eq3A_551 = arith.constant 0 : i32
        %eq3A_552 = arith.cmpi eq, %jit3A_550, %eq3A_551 : i32
        %jit3A_553 = arith.constant 1 : i32
        %select_n3A_554 = arith.select %eq3A_552, %jit3A_553, %jit3A_550 : i32
        %rem3A_555 = arith.remsi %add3A_523, %select_n3A_554 : i32
        %ne3A_556 = arith.constant 0 : i32
        %ne3A_557 = arith.cmpi ne, %rem3A_555, %ne3A_556 : i32
        %lt3A_558 = arith.constant 0 : i32
        %lt3A_559 = arith.cmpi slt, %rem3A_555, %lt3A_558 : i32
        %lt3A_560 = arith.constant 0 : i32
        %lt3A_561 = arith.cmpi slt, %select_n3A_554, %lt3A_560 : i32
        %ne3A_562 = arith.xori %lt3A_559, %lt3A_561 : i1
        %and3A_563 = arith.andi %ne3A_562, %ne3A_557 : i1
        %add3A_564 = arith.addi %rem3A_555, %select_n3A_554 : i32
        %select_n3A_565 = arith.select %and3A_563, %add3A_564, %rem3A_555 : i32
        %mul3A_566 = arith.constant 128 : i32
        %mul3A_567 = arith.muli %select_n3A_565, %mul3A_566 : i32
        %dma_start3A_568 = arith.constant 0 : i32
        %dma_start3A_569 = arith.constant 0 : i32
        %dma_start3A_570 = arith.constant 0 : i32
        %dma_start3A_571 = arith.constant 0 : i32
        %dma_start3A_572 = arith.constant 0 : i32
        %dma_start3A_573 = tpu.memref_slice %arg4[%dma_start3A_568, %dma_start3A_570, %dma_start3A_571, %dma_start3A_572] : memref<2x32x8x128xf32, #tpu.memory_space<vmem>> -> memref<1x32x8x128xf32, #tpu.memory_space<vmem>>
        %dma_start3A_574 = tpu.memref_squeeze %dma_start3A_573 : memref<1x32x8x128xf32, #tpu.memory_space<vmem>> -> memref<32x8x128xf32, #tpu.memory_space<vmem>>
        %dma_start3A_575 = arith.constant 0 : i32
        %dma_start3A_576 = tpu.memref_slice %arg2[%dma_start3A_575, %mul3A_549, %mul3A_567] : memref<32x2048x1024xf32, #tpu.memory_space<hbm>> -> memref<32x8x128xf32, #tpu.memory_space<hbm>>
        %dma_start3A_577 = tpu.memref_slice %arg6[%dma_start3A_569] : memref<2x!tpu.dma_semaphore, #tpu.memory_space<semaphore_mem>> -> memref<1x!tpu.dma_semaphore, #tpu.memory_space<semaphore_mem>>
        %dma_start3A_578 = tpu.memref_squeeze %dma_start3A_577 : memref<1x!tpu.dma_semaphore, #tpu.memory_space<semaphore_mem>> -> memref<!tpu.dma_semaphore, #tpu.memory_space<semaphore_mem>>
        %dma_start3A_579 = arith.constant 0 : i32
        %dma_start3A_580 = arith.constant 0 : i32
        %dma_start3A_581 = arith.constant 0 : i32
        %dma_start3A_582 = tpu.memref_slice %arg4[%dma_start3A_568, %dma_start3A_579, %dma_start3A_580, %dma_start3A_581] : memref<2x32x8x128xf32, #tpu.memory_space<vmem>> -> memref<1x32x8x128xf32, #tpu.memory_space<vmem>>
        %dma_start3A_583 = tpu.memref_squeeze %dma_start3A_582 : memref<1x32x8x128xf32, #tpu.memory_space<vmem>> -> memref<32x8x128xf32, #tpu.memory_space<vmem>>
        %dma_start3A_584 = arith.constant 0 : i32
        %dma_start3A_585 = tpu.memref_slice %arg2[%dma_start3A_584, %mul3A_549, %mul3A_567] : memref<32x2048x1024xf32, #tpu.memory_space<hbm>> -> memref<32x8x128xf32, #tpu.memory_space<hbm>>
        tpu.enqueue_dma source(%dma_start3A_585 : memref<32x8x128xf32, #tpu.memory_space<hbm>>) target(%dma_start3A_583 : memref<32x8x128xf32, #tpu.memory_space<vmem>>) target_semaphore(%dma_start3A_578 : memref<!tpu.dma_semaphore, #tpu.memory_space<semaphore_mem>>)
      } else {
      }
      %add3A_382 = arith.constant 1 : i32
      %add3A_383 = arith.addi %mul3A_246, %add3A_382 : i32
      %add3A_384 = arith.addi %mul3A_2, %add3A_383 : i32
      %jit3A_385 = arith.constant 8 : i32
      %div3A_386 = arith.divsi %add3A_384, %jit3A_385 : i32
      %sign3A_387 = arith.constant 0 : i32
      %sign3A_388 = arith.cmpi sgt, %add3A_384, %sign3A_387 : i32
      %sign3A_389 = arith.extui %sign3A_388 : i1 to i32
      %sign3A_390 = arith.constant 0 : i32
      %sign3A_391 = arith.cmpi slt, %add3A_384, %sign3A_390 : i32
      %sign3A_392 = arith.extui %sign3A_391 : i1 to i32
      %sign3A_393 = arith.subi %sign3A_389, %sign3A_392 : i32
      %sign3A_394 = arith.constant 0 : i32
      %sign3A_395 = arith.cmpi sgt, %jit3A_385, %sign3A_394 : i32
      %sign3A_396 = arith.extui %sign3A_395 : i1 to i32
      %sign3A_397 = arith.constant 0 : i32
      %sign3A_398 = arith.cmpi slt, %jit3A_385, %sign3A_397 : i32
      %sign3A_399 = arith.extui %sign3A_398 : i1 to i32
      %sign3A_400 = arith.subi %sign3A_396, %sign3A_399 : i32
      %ne3A_401 = arith.cmpi ne, %sign3A_393, %sign3A_400 : i32
      %rem3A_402 = arith.remsi %add3A_384, %jit3A_385 : i32
      %ne3A_403 = arith.constant 0 : i32
      %ne3A_404 = arith.cmpi ne, %rem3A_402, %ne3A_403 : i32
      %and3A_405 = arith.andi %ne3A_401, %ne3A_404 : i1
      %sub3A_406 = arith.constant 1 : i32
      %sub3A_407 = arith.subi %div3A_386, %sub3A_406 : i32
      %select_n3A_408 = arith.select %and3A_405, %sub3A_407, %div3A_386 : i32
      %mul3A_409 = arith.constant 8 : i32
      %mul3A_410 = arith.muli %select_n3A_408, %mul3A_409 : i32
      %jit3A_411 = arith.constant 8 : i32
      %eq3A_412 = arith.constant 0 : i32
      %eq3A_413 = arith.cmpi eq, %jit3A_411, %eq3A_412 : i32
      %jit3A_414 = arith.constant 1 : i32
      %select_n3A_415 = arith.select %eq3A_413, %jit3A_414, %jit3A_411 : i32
      %rem3A_416 = arith.remsi %add3A_384, %select_n3A_415 : i32
      %ne3A_417 = arith.constant 0 : i32
      %ne3A_418 = arith.cmpi ne, %rem3A_416, %ne3A_417 : i32
      %lt3A_419 = arith.constant 0 : i32
      %lt3A_420 = arith.cmpi slt, %rem3A_416, %lt3A_419 : i32
      %lt3A_421 = arith.constant 0 : i32
      %lt3A_422 = arith.cmpi slt, %select_n3A_415, %lt3A_421 : i32
      %ne3A_423 = arith.xori %lt3A_420, %lt3A_422 : i1
      %and3A_424 = arith.andi %ne3A_423, %ne3A_418 : i1
      %add3A_425 = arith.addi %rem3A_416, %select_n3A_415 : i32
      %select_n3A_426 = arith.select %and3A_424, %add3A_425, %rem3A_416 : i32
      %mul3A_427 = arith.constant 128 : i32
      %mul3A_428 = arith.muli %select_n3A_426, %mul3A_427 : i32
      %dma_wait3A_429 = arith.constant 1 : i32
      %dma_wait3A_430 = arith.constant 1 : i32
      %dma_wait3A_431 = arith.constant 0 : i32
      %dma_wait3A_432 = arith.constant 0 : i32
      %dma_wait3A_433 = arith.constant 0 : i32
      %dma_wait3A_434 = tpu.memref_slice %arg4[%dma_wait3A_429, %dma_wait3A_431, %dma_wait3A_432, %dma_wait3A_433] : memref<2x32x8x128xf32, #tpu.memory_space<vmem>> -> memref<1x32x8x128xf32, #tpu.memory_space<vmem>>
      %dma_wait3A_435 = tpu.memref_squeeze %dma_wait3A_434 : memref<1x32x8x128xf32, #tpu.memory_space<vmem>> -> memref<32x8x128xf32, #tpu.memory_space<vmem>>
      %dma_wait3A_436 = arith.constant 0 : i32
      %dma_wait3A_437 = tpu.memref_slice %arg2[%dma_wait3A_436, %mul3A_410, %mul3A_428] : memref<32x2048x1024xf32, #tpu.memory_space<hbm>> -> memref<32x8x128xf32, #tpu.memory_space<hbm>>
      %dma_wait3A_438 = tpu.memref_slice %arg6[%dma_wait3A_430] : memref<2x!tpu.dma_semaphore, #tpu.memory_space<semaphore_mem>> -> memref<1x!tpu.dma_semaphore, #tpu.memory_space<semaphore_mem>>
      %dma_wait3A_439 = tpu.memref_squeeze %dma_wait3A_438 : memref<1x!tpu.dma_semaphore, #tpu.memory_space<semaphore_mem>> -> memref<!tpu.dma_semaphore, #tpu.memory_space<semaphore_mem>>
      %dma_wait3A_440 = arith.constant 0 : i32
      %dma_wait3A_441 = arith.constant 0 : i32
      %dma_wait3A_442 = arith.constant 0 : i32
      %dma_wait3A_443 = tpu.memref_slice %arg4[%dma_wait3A_429, %dma_wait3A_440, %dma_wait3A_441, %dma_wait3A_442] : memref<2x32x8x128xf32, #tpu.memory_space<vmem>> -> memref<1x32x8x128xf32, #tpu.memory_space<vmem>>
      %dma_wait3A_444 = tpu.memref_squeeze %dma_wait3A_443 : memref<1x32x8x128xf32, #tpu.memory_space<vmem>> -> memref<32x8x128xf32, #tpu.memory_space<vmem>>
      %dma_wait3A_445 = arith.constant 0 : i32
      %dma_wait3A_446 = tpu.memref_slice %arg2[%dma_wait3A_445, %mul3A_410, %mul3A_428] : memref<32x2048x1024xf32, #tpu.memory_space<hbm>> -> memref<32x8x128xf32, #tpu.memory_space<hbm>>
      tpu.wait_dma2 semaphore(%dma_wait3A_439 : memref<!tpu.dma_semaphore, #tpu.memory_space<semaphore_mem>>) src(%dma_wait3A_446 : memref<32x8x128xf32, #tpu.memory_space<hbm>>) dst(%dma_wait3A_444 : memref<32x8x128xf32, #tpu.memory_space<vmem>>)
      %ge3A_447 = arith.constant 2 : i32
      %ge3A_448 = arith.cmpi sge, %add3A_383, %ge3A_447 : i32
      %convert_element_type3A_449 = arith.extui %ge3A_448 : i1 to i32
      %cond3A_450 = arith.constant 0 : i32
      %cond3A_451 = arith.cmpi ne, %convert_element_type3A_449, %cond3A_450 : i32
      scf.if %cond3A_451 {
        %sub3A_521 = arith.constant 2 : i32
        %sub3A_522 = arith.subi %add3A_383, %sub3A_521 : i32
        %add3A_523 = arith.addi %mul3A_2, %sub3A_522 : i32
        %jit3A_524 = arith.constant 8 : i32
        %div3A_525 = arith.divsi %add3A_523, %jit3A_524 : i32
        %sign3A_526 = arith.constant 0 : i32
        %sign3A_527 = arith.cmpi sgt, %add3A_523, %sign3A_526 : i32
        %sign3A_528 = arith.extui %sign3A_527 : i1 to i32
        %sign3A_529 = arith.constant 0 : i32
        %sign3A_530 = arith.cmpi slt, %add3A_523, %sign3A_529 : i32
        %sign3A_531 = arith.extui %sign3A_530 : i1 to i32
        %sign3A_532 = arith.subi %sign3A_528, %sign3A_531 : i32
        %sign3A_533 = arith.constant 0 : i32
        %sign3A_534 = arith.cmpi sgt, %jit3A_524, %sign3A_533 : i32
        %sign3A_535 = arith.extui %sign3A_534 : i1 to i32
        %sign3A_536 = arith.constant 0 : i32
        %sign3A_537 = arith.cmpi slt, %jit3A_524, %sign3A_536 : i32
        %sign3A_538 = arith.extui %sign3A_537 : i1 to i32
        %sign3A_539 = arith.subi %sign3A_535, %sign3A_538 : i32
        %ne3A_540 = arith.cmpi ne, %sign3A_532, %sign3A_539 : i32
        %rem3A_541 = arith.remsi %add3A_523, %jit3A_524 : i32
        %ne3A_542 = arith.constant 0 : i32
        %ne3A_543 = arith.cmpi ne, %rem3A_541, %ne3A_542 : i32
        %and3A_544 = arith.andi %ne3A_540, %ne3A_543 : i1
        %sub3A_545 = arith.constant 1 : i32
        %sub3A_546 = arith.subi %div3A_525, %sub3A_545 : i32
        %select_n3A_547 = arith.select %and3A_544, %sub3A_546, %div3A_525 : i32
        %mul3A_548 = arith.constant 8 : i32
        %mul3A_549 = arith.muli %select_n3A_547, %mul3A_548 : i32
        %jit3A_550 = arith.constant 8 : i32
        %eq3A_551 = arith.constant 0 : i32
        %eq3A_552 = arith.cmpi eq, %jit3A_550, %eq3A_551 : i32
        %jit3A_553 = arith.constant 1 : i32
        %select_n3A_554 = arith.select %eq3A_552, %jit3A_553, %jit3A_550 : i32
        %rem3A_555 = arith.remsi %add3A_523, %select_n3A_554 : i32
        %ne3A_556 = arith.constant 0 : i32
        %ne3A_557 = arith.cmpi ne, %rem3A_555, %ne3A_556 : i32
        %lt3A_558 = arith.constant 0 : i32
        %lt3A_559 = arith.cmpi slt, %rem3A_555, %lt3A_558 : i32
        %lt3A_560 = arith.constant 0 : i32
        %lt3A_561 = arith.cmpi slt, %select_n3A_554, %lt3A_560 : i32
        %ne3A_562 = arith.xori %lt3A_559, %lt3A_561 : i1
        %and3A_563 = arith.andi %ne3A_562, %ne3A_557 : i1
        %add3A_564 = arith.addi %rem3A_555, %select_n3A_554 : i32
        %select_n3A_565 = arith.select %and3A_563, %add3A_564, %rem3A_555 : i32
        %mul3A_566 = arith.constant 128 : i32
        %mul3A_567 = arith.muli %select_n3A_565, %mul3A_566 : i32
        %dma_wait3A_568 = arith.constant 1 : i32
        %dma_wait3A_569 = arith.constant 1 : i32
        %dma_wait3A_570 = arith.constant 0 : i32
        %dma_wait3A_571 = arith.constant 0 : i32
        %dma_wait3A_572 = tpu.memref_slice %arg5[%dma_wait3A_568, %dma_wait3A_570, %dma_wait3A_571] : memref<2x8x128xf32, #tpu.memory_space<vmem>> -> memref<1x8x128xf32, #tpu.memory_space<vmem>>
        %dma_wait3A_573 = tpu.memref_squeeze %dma_wait3A_572 : memref<1x8x128xf32, #tpu.memory_space<vmem>> -> memref<8x128xf32, #tpu.memory_space<vmem>>
        %dma_wait3A_574 = tpu.memref_slice %arg3[%mul3A_549, %mul3A_567] : memref<768x1024xf32, #tpu.memory_space<hbm>> -> memref<8x128xf32, #tpu.memory_space<hbm>>
        %dma_wait3A_575 = tpu.memref_slice %arg7[%dma_wait3A_569] : memref<2x!tpu.dma_semaphore, #tpu.memory_space<semaphore_mem>> -> memref<1x!tpu.dma_semaphore, #tpu.memory_space<semaphore_mem>>
        %dma_wait3A_576 = tpu.memref_squeeze %dma_wait3A_575 : memref<1x!tpu.dma_semaphore, #tpu.memory_space<semaphore_mem>> -> memref<!tpu.dma_semaphore, #tpu.memory_space<semaphore_mem>>
        %dma_wait3A_577 = tpu.memref_slice %arg3[%mul3A_549, %mul3A_567] : memref<768x1024xf32, #tpu.memory_space<hbm>> -> memref<8x128xf32, #tpu.memory_space<hbm>>
        %dma_wait3A_578 = arith.constant 0 : i32
        %dma_wait3A_579 = arith.constant 0 : i32
        %dma_wait3A_580 = tpu.memref_slice %arg5[%dma_wait3A_568, %dma_wait3A_578, %dma_wait3A_579] : memref<2x8x128xf32, #tpu.memory_space<vmem>> -> memref<1x8x128xf32, #tpu.memory_space<vmem>>
        %dma_wait3A_581 = tpu.memref_squeeze %dma_wait3A_580 : memref<1x8x128xf32, #tpu.memory_space<vmem>> -> memref<8x128xf32, #tpu.memory_space<vmem>>
        tpu.wait_dma2 semaphore(%dma_wait3A_576 : memref<!tpu.dma_semaphore, #tpu.memory_space<semaphore_mem>>) src(%dma_wait3A_581 : memref<8x128xf32, #tpu.memory_space<vmem>>) dst(%dma_wait3A_577 : memref<8x128xf32, #tpu.memory_space<hbm>>)
      } else {
      }
      %parallel_loop3A_452 = arith.constant 0 : i32
      %parallel_loop3A_453 = arith.constant 64 : i32
      %parallel_loop3A_454 = arith.constant 1 : i32
      scf.for %parallel_loop3A_521 = %parallel_loop3A_452 to %parallel_loop3A_453 step %parallel_loop3A_454  : i32 {
        %parallel_loop3A_522 = arith.constant 8 : i32
        %parallel_loop3A_523 = arith.divsi %parallel_loop3A_521, %parallel_loop3A_522 : i32
        %parallel_loop3A_524 = arith.constant 0 : i32
        %parallel_loop3A_525 = arith.cmpi sgt, %parallel_loop3A_521, %parallel_loop3A_524 : i32
        %parallel_loop3A_526 = arith.extui %parallel_loop3A_525 : i1 to i32
        %parallel_loop3A_527 = arith.constant 0 : i32
        %parallel_loop3A_528 = arith.cmpi slt, %parallel_loop3A_521, %parallel_loop3A_527 : i32
        %parallel_loop3A_529 = arith.extui %parallel_loop3A_528 : i1 to i32
        %parallel_loop3A_530 = arith.subi %parallel_loop3A_526, %parallel_loop3A_529 : i32
        %parallel_loop3A_531 = arith.constant 0 : i32
        %parallel_loop3A_532 = arith.cmpi sgt, %parallel_loop3A_522, %parallel_loop3A_531 : i32
        %parallel_loop3A_533 = arith.extui %parallel_loop3A_532 : i1 to i32
        %parallel_loop3A_534 = arith.constant 0 : i32
        %parallel_loop3A_535 = arith.cmpi slt, %parallel_loop3A_522, %parallel_loop3A_534 : i32
        %parallel_loop3A_536 = arith.extui %parallel_loop3A_535 : i1 to i32
        %parallel_loop3A_537 = arith.subi %parallel_loop3A_533, %parallel_loop3A_536 : i32
        %parallel_loop3A_538 = arith.cmpi ne, %parallel_loop3A_530, %parallel_loop3A_537 : i32
        %parallel_loop3A_539 = arith.remsi %parallel_loop3A_521, %parallel_loop3A_522 : i32
        %parallel_loop3A_540 = arith.constant 0 : i32
        %parallel_loop3A_541 = arith.cmpi ne, %parallel_loop3A_539, %parallel_loop3A_540 : i32
        %parallel_loop3A_542 = arith.andi %parallel_loop3A_538, %parallel_loop3A_541 : i1
        %parallel_loop3A_543 = arith.constant 1 : i32
        %parallel_loop3A_544 = arith.subi %parallel_loop3A_523, %parallel_loop3A_543 : i32
        %parallel_loop3A_545 = arith.select %parallel_loop3A_542, %parallel_loop3A_544, %parallel_loop3A_523 : i32
        %parallel_loop3A_546 = arith.constant 8 : i32
        %parallel_loop3A_547 = arith.constant 0 : i32
        %parallel_loop3A_548 = arith.cmpi eq, %parallel_loop3A_546, %parallel_loop3A_547 : i32
        %parallel_loop3A_549 = arith.constant 1 : i32
        %parallel_loop3A_550 = arith.select %parallel_loop3A_548, %parallel_loop3A_549, %parallel_loop3A_546 : i32
        %parallel_loop3A_551 = arith.remsi %parallel_loop3A_521, %parallel_loop3A_550 : i32
        %parallel_loop3A_552 = arith.constant 0 : i32
        %parallel_loop3A_553 = arith.cmpi ne, %parallel_loop3A_551, %parallel_loop3A_552 : i32
        %parallel_loop3A_554 = arith.constant 0 : i32
        %parallel_loop3A_555 = arith.cmpi slt, %parallel_loop3A_551, %parallel_loop3A_554 : i32
        %parallel_loop3A_556 = arith.constant 0 : i32
        %parallel_loop3A_557 = arith.cmpi slt, %parallel_loop3A_550, %parallel_loop3A_556 : i32
        %parallel_loop3A_558 = arith.xori %parallel_loop3A_555, %parallel_loop3A_557 : i1
        %parallel_loop3A_559 = arith.andi %parallel_loop3A_558, %parallel_loop3A_553 : i1
        %parallel_loop3A_560 = arith.addi %parallel_loop3A_551, %parallel_loop3A_550 : i32
        %parallel_loop3A_561 = arith.select %parallel_loop3A_559, %parallel_loop3A_560, %parallel_loop3A_551 : i32
        %parallel_loop3A_562 = arith.constant 16 : i32
        %parallel_loop3A_563 = arith.muli %parallel_loop3A_561, %parallel_loop3A_562 : i32
        %parallel_loop3A_564 = arith.constant 1 : i32
        %parallel_loop3A_565 = arith.constant 0 : i32
        %parallel_loop3A_566 = arith.index_cast %parallel_loop3A_564 : i32 to index
        %parallel_loop3A_567 = arith.index_cast %parallel_loop3A_565 : i32 to index
        %parallel_loop3A_568 = arith.index_cast %parallel_loop3A_545 : i32 to index
        %parallel_loop3A_569 = arith.index_cast %parallel_loop3A_563 : i32 to index
        %parallel_loop3A_570 = tpu.vector_load %arg4[%parallel_loop3A_566, %parallel_loop3A_567, %parallel_loop3A_568, %parallel_loop3A_569] {strides = array<i32>} : memref<2x32x8x128xf32, #tpu.memory_space<vmem>>, vector<1x1x1x16xf32>,
        %parallel_loop3A_571 = vector.shape_cast %parallel_loop3A_570 : vector<1x1x1x16xf32> to vector<16xf32>
        %parallel_loop3A_572 = arith.constant 1 : i32
        %parallel_loop3A_573 = arith.constant 1 : i32
        %parallel_loop3A_574 = arith.index_cast %parallel_loop3A_572 : i32 to index
        %parallel_loop3A_575 = arith.index_cast %parallel_loop3A_573 : i32 to index
        %parallel_loop3A_576 = arith.index_cast %parallel_loop3A_545 : i32 to index
        %parallel_loop3A_577 = arith.index_cast %parallel_loop3A_563 : i32 to index
        %parallel_loop3A_578 = tpu.vector_load %arg4[%parallel_loop3A_574, %parallel_loop3A_575, %parallel_loop3A_576, %parallel_loop3A_577] {strides = array<i32>} : memref<2x32x8x128xf32, #tpu.memory_space<vmem>>, vector<1x1x1x16xf32>,
        %parallel_loop3A_579 = vector.shape_cast %parallel_loop3A_578 : vector<1x1x1x16xf32> to vector<16xf32>
        %parallel_loop3A_580 = arith.constant 1 : i32
        %parallel_loop3A_581 = arith.constant 2 : i32
        %parallel_loop3A_582 = arith.index_cast %parallel_loop3A_580 : i32 to index
        %parallel_loop3A_583 = arith.index_cast %parallel_loop3A_581 : i32 to index
        %parallel_loop3A_584 = arith.index_cast %parallel_loop3A_545 : i32 to index
        %parallel_loop3A_585 = arith.index_cast %parallel_loop3A_563 : i32 to index
        %parallel_loop3A_586 = tpu.vector_load %arg4[%parallel_loop3A_582, %parallel_loop3A_583, %parallel_loop3A_584, %parallel_loop3A_585] {strides = array<i32>} : memref<2x32x8x128xf32, #tpu.memory_space<vmem>>, vector<1x1x1x16xf32>,
        %parallel_loop3A_587 = vector.shape_cast %parallel_loop3A_586 : vector<1x1x1x16xf32> to vector<16xf32>
        %parallel_loop3A_588 = arith.constant 1 : i32
        %parallel_loop3A_589 = arith.constant 3 : i32
        %parallel_loop3A_590 = arith.index_cast %parallel_loop3A_588 : i32 to index
        %parallel_loop3A_591 = arith.index_cast %parallel_loop3A_589 : i32 to index
        %parallel_loop3A_592 = arith.index_cast %parallel_loop3A_545 : i32 to index
        %parallel_loop3A_593 = arith.index_cast %parallel_loop3A_563 : i32 to index
        %parallel_loop3A_594 = tpu.vector_load %arg4[%parallel_loop3A_590, %parallel_loop3A_591, %parallel_loop3A_592, %parallel_loop3A_593] {strides = array<i32>} : memref<2x32x8x128xf32, #tpu.memory_space<vmem>>, vector<1x1x1x16xf32>,
        %parallel_loop3A_595 = vector.shape_cast %parallel_loop3A_594 : vector<1x1x1x16xf32> to vector<16xf32>
        %parallel_loop3A_596 = arith.constant 1 : i32
        %parallel_loop3A_597 = arith.constant 4 : i32
        %parallel_loop3A_598 = arith.index_cast %parallel_loop3A_596 : i32 to index
        %parallel_loop3A_599 = arith.index_cast %parallel_loop3A_597 : i32 to index
        %parallel_loop3A_600 = arith.index_cast %parallel_loop3A_545 : i32 to index
        %parallel_loop3A_601 = arith.index_cast %parallel_loop3A_563 : i32 to index
        %parallel_loop3A_602 = tpu.vector_load %arg4[%parallel_loop3A_598, %parallel_loop3A_599, %parallel_loop3A_600, %parallel_loop3A_601] {strides = array<i32>} : memref<2x32x8x128xf32, #tpu.memory_space<vmem>>, vector<1x1x1x16xf32>,
        %parallel_loop3A_603 = vector.shape_cast %parallel_loop3A_602 : vector<1x1x1x16xf32> to vector<16xf32>
        %parallel_loop3A_604 = arith.constant 1 : i32
        %parallel_loop3A_605 = arith.constant 5 : i32
        %parallel_loop3A_606 = arith.index_cast %parallel_loop3A_604 : i32 to index
        %parallel_loop3A_607 = arith.index_cast %parallel_loop3A_605 : i32 to index
        %parallel_loop3A_608 = arith.index_cast %parallel_loop3A_545 : i32 to index
        %parallel_loop3A_609 = arith.index_cast %parallel_loop3A_563 : i32 to index
        %parallel_loop3A_610 = tpu.vector_load %arg4[%parallel_loop3A_606, %parallel_loop3A_607, %parallel_loop3A_608, %parallel_loop3A_609] {strides = array<i32>} : memref<2x32x8x128xf32, #tpu.memory_space<vmem>>, vector<1x1x1x16xf32>,
        %parallel_loop3A_611 = vector.shape_cast %parallel_loop3A_610 : vector<1x1x1x16xf32> to vector<16xf32>
        %parallel_loop3A_612 = arith.constant 1 : i32
        %parallel_loop3A_613 = arith.constant 6 : i32
        %parallel_loop3A_614 = arith.index_cast %parallel_loop3A_612 : i32 to index
        %parallel_loop3A_615 = arith.index_cast %parallel_loop3A_613 : i32 to index
        %parallel_loop3A_616 = arith.index_cast %parallel_loop3A_545 : i32 to index
        %parallel_loop3A_617 = arith.index_cast %parallel_loop3A_563 : i32 to index
        %parallel_loop3A_618 = tpu.vector_load %arg4[%parallel_loop3A_614, %parallel_loop3A_615, %parallel_loop3A_616, %parallel_loop3A_617] {strides = array<i32>} : memref<2x32x8x128xf32, #tpu.memory_space<vmem>>, vector<1x1x1x16xf32>,
        %parallel_loop3A_619 = vector.shape_cast %parallel_loop3A_618 : vector<1x1x1x16xf32> to vector<16xf32>
        %parallel_loop3A_620 = arith.constant 1 : i32
        %parallel_loop3A_621 = arith.constant 7 : i32
        %parallel_loop3A_622 = arith.index_cast %parallel_loop3A_620 : i32 to index
        %parallel_loop3A_623 = arith.index_cast %parallel_loop3A_621 : i32 to index
        %parallel_loop3A_624 = arith.index_cast %parallel_loop3A_545 : i32 to index
        %parallel_loop3A_625 = arith.index_cast %parallel_loop3A_563 : i32 to index
        %parallel_loop3A_626 = tpu.vector_load %arg4[%parallel_loop3A_622, %parallel_loop3A_623, %parallel_loop3A_624, %parallel_loop3A_625] {strides = array<i32>} : memref<2x32x8x128xf32, #tpu.memory_space<vmem>>, vector<1x1x1x16xf32>,
        %parallel_loop3A_627 = vector.shape_cast %parallel_loop3A_626 : vector<1x1x1x16xf32> to vector<16xf32>
        %parallel_loop3A_628 = arith.constant 1 : i32
        %parallel_loop3A_629 = arith.constant 8 : i32
        %parallel_loop3A_630 = arith.index_cast %parallel_loop3A_628 : i32 to index
        %parallel_loop3A_631 = arith.index_cast %parallel_loop3A_629 : i32 to index
        %parallel_loop3A_632 = arith.index_cast %parallel_loop3A_545 : i32 to index
        %parallel_loop3A_633 = arith.index_cast %parallel_loop3A_563 : i32 to index
        %parallel_loop3A_634 = tpu.vector_load %arg4[%parallel_loop3A_630, %parallel_loop3A_631, %parallel_loop3A_632, %parallel_loop3A_633] {strides = array<i32>} : memref<2x32x8x128xf32, #tpu.memory_space<vmem>>, vector<1x1x1x16xf32>,
        %parallel_loop3A_635 = vector.shape_cast %parallel_loop3A_634 : vector<1x1x1x16xf32> to vector<16xf32>
        %parallel_loop3A_636 = arith.constant 1 : i32
        %parallel_loop3A_637 = arith.constant 9 : i32
        %parallel_loop3A_638 = arith.index_cast %parallel_loop3A_636 : i32 to index
        %parallel_loop3A_639 = arith.index_cast %parallel_loop3A_637 : i32 to index
        %parallel_loop3A_640 = arith.index_cast %parallel_loop3A_545 : i32 to index
        %parallel_loop3A_641 = arith.index_cast %parallel_loop3A_563 : i32 to index
        %parallel_loop3A_642 = tpu.vector_load %arg4[%parallel_loop3A_638, %parallel_loop3A_639, %parallel_loop3A_640, %parallel_loop3A_641] {strides = array<i32>} : memref<2x32x8x128xf32, #tpu.memory_space<vmem>>, vector<1x1x1x16xf32>,
        %parallel_loop3A_643 = vector.shape_cast %parallel_loop3A_642 : vector<1x1x1x16xf32> to vector<16xf32>
        %parallel_loop3A_644 = arith.constant 1 : i32
        %parallel_loop3A_645 = arith.constant 10 : i32
        %parallel_loop3A_646 = arith.index_cast %parallel_loop3A_644 : i32 to index
        %parallel_loop3A_647 = arith.index_cast %parallel_loop3A_645 : i32 to index
        %parallel_loop3A_648 = arith.index_cast %parallel_loop3A_545 : i32 to index
        %parallel_loop3A_649 = arith.index_cast %parallel_loop3A_563 : i32 to index
        %parallel_loop3A_650 = tpu.vector_load %arg4[%parallel_loop3A_646, %parallel_loop3A_647, %parallel_loop3A_648, %parallel_loop3A_649] {strides = array<i32>} : memref<2x32x8x128xf32, #tpu.memory_space<vmem>>, vector<1x1x1x16xf32>,
        %parallel_loop3A_651 = vector.shape_cast %parallel_loop3A_650 : vector<1x1x1x16xf32> to vector<16xf32>
        %parallel_loop3A_652 = arith.constant 1 : i32
        %parallel_loop3A_653 = arith.constant 11 : i32
        %parallel_loop3A_654 = arith.index_cast %parallel_loop3A_652 : i32 to index
        %parallel_loop3A_655 = arith.index_cast %parallel_loop3A_653 : i32 to index
        %parallel_loop3A_656 = arith.index_cast %parallel_loop3A_545 : i32 to index
        %parallel_loop3A_657 = arith.index_cast %parallel_loop3A_563 : i32 to index
        %parallel_loop3A_658 = tpu.vector_load %arg4[%parallel_loop3A_654, %parallel_loop3A_655, %parallel_loop3A_656, %parallel_loop3A_657] {strides = array<i32>} : memref<2x32x8x128xf32, #tpu.memory_space<vmem>>, vector<1x1x1x16xf32>,
        %parallel_loop3A_659 = vector.shape_cast %parallel_loop3A_658 : vector<1x1x1x16xf32> to vector<16xf32>
        %parallel_loop3A_660 = arith.constant 1 : i32
        %parallel_loop3A_661 = arith.constant 12 : i32
        %parallel_loop3A_662 = arith.index_cast %parallel_loop3A_660 : i32 to index
        %parallel_loop3A_663 = arith.index_cast %parallel_loop3A_661 : i32 to index
        %parallel_loop3A_664 = arith.index_cast %parallel_loop3A_545 : i32 to index
        %parallel_loop3A_665 = arith.index_cast %parallel_loop3A_563 : i32 to index
        %parallel_loop3A_666 = tpu.vector_load %arg4[%parallel_loop3A_662, %parallel_loop3A_663, %parallel_loop3A_664, %parallel_loop3A_665] {strides = array<i32>} : memref<2x32x8x128xf32, #tpu.memory_space<vmem>>, vector<1x1x1x16xf32>,
        %parallel_loop3A_667 = vector.shape_cast %parallel_loop3A_666 : vector<1x1x1x16xf32> to vector<16xf32>
        %parallel_loop3A_668 = arith.constant 1 : i32
        %parallel_loop3A_669 = arith.constant 13 : i32
        %parallel_loop3A_670 = arith.index_cast %parallel_loop3A_668 : i32 to index
        %parallel_loop3A_671 = arith.index_cast %parallel_loop3A_669 : i32 to index
        %parallel_loop3A_672 = arith.index_cast %parallel_loop3A_545 : i32 to index
        %parallel_loop3A_673 = arith.index_cast %parallel_loop3A_563 : i32 to index
        %parallel_loop3A_674 = tpu.vector_load %arg4[%parallel_loop3A_670, %parallel_loop3A_671, %parallel_loop3A_672, %parallel_loop3A_673] {strides = array<i32>} : memref<2x32x8x128xf32, #tpu.memory_space<vmem>>, vector<1x1x1x16xf32>,
        %parallel_loop3A_675 = vector.shape_cast %parallel_loop3A_674 : vector<1x1x1x16xf32> to vector<16xf32>
        %parallel_loop3A_676 = arith.constant 1 : i32
        %parallel_loop3A_677 = arith.constant 14 : i32
        %parallel_loop3A_678 = arith.index_cast %parallel_loop3A_676 : i32 to index
        %parallel_loop3A_679 = arith.index_cast %parallel_loop3A_677 : i32 to index
        %parallel_loop3A_680 = arith.index_cast %parallel_loop3A_545 : i32 to index
        %parallel_loop3A_681 = arith.index_cast %parallel_loop3A_563 : i32 to index
        %parallel_loop3A_682 = tpu.vector_load %arg4[%parallel_loop3A_678, %parallel_loop3A_679, %parallel_loop3A_680, %parallel_loop3A_681] {strides = array<i32>} : memref<2x32x8x128xf32, #tpu.memory_space<vmem>>, vector<1x1x1x16xf32>,
        %parallel_loop3A_683 = vector.shape_cast %parallel_loop3A_682 : vector<1x1x1x16xf32> to vector<16xf32>
        %parallel_loop3A_684 = arith.constant 1 : i32
        %parallel_loop3A_685 = arith.constant 15 : i32
        %parallel_loop3A_686 = arith.index_cast %parallel_loop3A_684 : i32 to index
        %parallel_loop3A_687 = arith.index_cast %parallel_loop3A_685 : i32 to index
        %parallel_loop3A_688 = arith.index_cast %parallel_loop3A_545 : i32 to index
        %parallel_loop3A_689 = arith.index_cast %parallel_loop3A_563 : i32 to index
        %parallel_loop3A_690 = tpu.vector_load %arg4[%parallel_loop3A_686, %parallel_loop3A_687, %parallel_loop3A_688, %parallel_loop3A_689] {strides = array<i32>} : memref<2x32x8x128xf32, #tpu.memory_space<vmem>>, vector<1x1x1x16xf32>,
        %parallel_loop3A_691 = vector.shape_cast %parallel_loop3A_690 : vector<1x1x1x16xf32> to vector<16xf32>
        %parallel_loop3A_692 = arith.constant 1 : i32
        %parallel_loop3A_693 = arith.constant 16 : i32
        %parallel_loop3A_694 = arith.index_cast %parallel_loop3A_692 : i32 to index
        %parallel_loop3A_695 = arith.index_cast %parallel_loop3A_693 : i32 to index
        %parallel_loop3A_696 = arith.index_cast %parallel_loop3A_545 : i32 to index
        %parallel_loop3A_697 = arith.index_cast %parallel_loop3A_563 : i32 to index
        %parallel_loop3A_698 = tpu.vector_load %arg4[%parallel_loop3A_694, %parallel_loop3A_695, %parallel_loop3A_696, %parallel_loop3A_697] {strides = array<i32>} : memref<2x32x8x128xf32, #tpu.memory_space<vmem>>, vector<1x1x1x16xf32>,
        %parallel_loop3A_699 = vector.shape_cast %parallel_loop3A_698 : vector<1x1x1x16xf32> to vector<16xf32>
        %parallel_loop3A_700 = arith.constant 1 : i32
        %parallel_loop3A_701 = arith.constant 17 : i32
        %parallel_loop3A_702 = arith.index_cast %parallel_loop3A_700 : i32 to index
        %parallel_loop3A_703 = arith.index_cast %parallel_loop3A_701 : i32 to index
        %parallel_loop3A_704 = arith.index_cast %parallel_loop3A_545 : i32 to index
        %parallel_loop3A_705 = arith.index_cast %parallel_loop3A_563 : i32 to index
        %parallel_loop3A_706 = tpu.vector_load %arg4[%parallel_loop3A_702, %parallel_loop3A_703, %parallel_loop3A_704, %parallel_loop3A_705] {strides = array<i32>} : memref<2x32x8x128xf32, #tpu.memory_space<vmem>>, vector<1x1x1x16xf32>,
        %parallel_loop3A_707 = vector.shape_cast %parallel_loop3A_706 : vector<1x1x1x16xf32> to vector<16xf32>
        %parallel_loop3A_708 = arith.constant 1 : i32
        %parallel_loop3A_709 = arith.constant 18 : i32
        %parallel_loop3A_710 = arith.index_cast %parallel_loop3A_708 : i32 to index
        %parallel_loop3A_711 = arith.index_cast %parallel_loop3A_709 : i32 to index
        %parallel_loop3A_712 = arith.index_cast %parallel_loop3A_545 : i32 to index
        %parallel_loop3A_713 = arith.index_cast %parallel_loop3A_563 : i32 to index
        %parallel_loop3A_714 = tpu.vector_load %arg4[%parallel_loop3A_710, %parallel_loop3A_711, %parallel_loop3A_712, %parallel_loop3A_713] {strides = array<i32>} : memref<2x32x8x128xf32, #tpu.memory_space<vmem>>, vector<1x1x1x16xf32>,
        %parallel_loop3A_715 = vector.shape_cast %parallel_loop3A_714 : vector<1x1x1x16xf32> to vector<16xf32>
        %parallel_loop3A_716 = arith.constant 1 : i32
        %parallel_loop3A_717 = arith.constant 19 : i32
        %parallel_loop3A_718 = arith.index_cast %parallel_loop3A_716 : i32 to index
        %parallel_loop3A_719 = arith.index_cast %parallel_loop3A_717 : i32 to index
        %parallel_loop3A_720 = arith.index_cast %parallel_loop3A_545 : i32 to index
        %parallel_loop3A_721 = arith.index_cast %parallel_loop3A_563 : i32 to index
        %parallel_loop3A_722 = tpu.vector_load %arg4[%parallel_loop3A_718, %parallel_loop3A_719, %parallel_loop3A_720, %parallel_loop3A_721] {strides = array<i32>} : memref<2x32x8x128xf32, #tpu.memory_space<vmem>>, vector<1x1x1x16xf32>,
        %parallel_loop3A_723 = vector.shape_cast %parallel_loop3A_722 : vector<1x1x1x16xf32> to vector<16xf32>
        %parallel_loop3A_724 = arith.constant 1 : i32
        %parallel_loop3A_725 = arith.constant 20 : i32
        %parallel_loop3A_726 = arith.index_cast %parallel_loop3A_724 : i32 to index
        %parallel_loop3A_727 = arith.index_cast %parallel_loop3A_725 : i32 to index
        %parallel_loop3A_728 = arith.index_cast %parallel_loop3A_545 : i32 to index
        %parallel_loop3A_729 = arith.index_cast %parallel_loop3A_563 : i32 to index
        %parallel_loop3A_730 = tpu.vector_load %arg4[%parallel_loop3A_726, %parallel_loop3A_727, %parallel_loop3A_728, %parallel_loop3A_729] {strides = array<i32>} : memref<2x32x8x128xf32, #tpu.memory_space<vmem>>, vector<1x1x1x16xf32>,
        %parallel_loop3A_731 = vector.shape_cast %parallel_loop3A_730 : vector<1x1x1x16xf32> to vector<16xf32>
        %parallel_loop3A_732 = arith.constant 1 : i32
        %parallel_loop3A_733 = arith.constant 21 : i32
        %parallel_loop3A_734 = arith.index_cast %parallel_loop3A_732 : i32 to index
        %parallel_loop3A_735 = arith.index_cast %parallel_loop3A_733 : i32 to index
        %parallel_loop3A_736 = arith.index_cast %parallel_loop3A_545 : i32 to index
        %parallel_loop3A_737 = arith.index_cast %parallel_loop3A_563 : i32 to index
        %parallel_loop3A_738 = tpu.vector_load %arg4[%parallel_loop3A_734, %parallel_loop3A_735, %parallel_loop3A_736, %parallel_loop3A_737] {strides = array<i32>} : memref<2x32x8x128xf32, #tpu.memory_space<vmem>>, vector<1x1x1x16xf32>,
        %parallel_loop3A_739 = vector.shape_cast %parallel_loop3A_738 : vector<1x1x1x16xf32> to vector<16xf32>
        %parallel_loop3A_740 = arith.constant 1 : i32
        %parallel_loop3A_741 = arith.constant 22 : i32
        %parallel_loop3A_742 = arith.index_cast %parallel_loop3A_740 : i32 to index
        %parallel_loop3A_743 = arith.index_cast %parallel_loop3A_741 : i32 to index
        %parallel_loop3A_744 = arith.index_cast %parallel_loop3A_545 : i32 to index
        %parallel_loop3A_745 = arith.index_cast %parallel_loop3A_563 : i32 to index
        %parallel_loop3A_746 = tpu.vector_load %arg4[%parallel_loop3A_742, %parallel_loop3A_743, %parallel_loop3A_744, %parallel_loop3A_745] {strides = array<i32>} : memref<2x32x8x128xf32, #tpu.memory_space<vmem>>, vector<1x1x1x16xf32>,
        %parallel_loop3A_747 = vector.shape_cast %parallel_loop3A_746 : vector<1x1x1x16xf32> to vector<16xf32>
        %parallel_loop3A_748 = arith.constant 1 : i32
        %parallel_loop3A_749 = arith.constant 23 : i32
        %parallel_loop3A_750 = arith.index_cast %parallel_loop3A_748 : i32 to index
        %parallel_loop3A_751 = arith.index_cast %parallel_loop3A_749 : i32 to index
        %parallel_loop3A_752 = arith.index_cast %parallel_loop3A_545 : i32 to index
        %parallel_loop3A_753 = arith.index_cast %parallel_loop3A_563 : i32 to index
        %parallel_loop3A_754 = tpu.vector_load %arg4[%parallel_loop3A_750, %parallel_loop3A_751, %parallel_loop3A_752, %parallel_loop3A_753] {strides = array<i32>} : memref<2x32x8x128xf32, #tpu.memory_space<vmem>>, vector<1x1x1x16xf32>,
        %parallel_loop3A_755 = vector.shape_cast %parallel_loop3A_754 : vector<1x1x1x16xf32> to vector<16xf32>
        %parallel_loop3A_756 = arith.constant 1 : i32
        %parallel_loop3A_757 = arith.constant 24 : i32
        %parallel_loop3A_758 = arith.index_cast %parallel_loop3A_756 : i32 to index
        %parallel_loop3A_759 = arith.index_cast %parallel_loop3A_757 : i32 to index
        %parallel_loop3A_760 = arith.index_cast %parallel_loop3A_545 : i32 to index
        %parallel_loop3A_761 = arith.index_cast %parallel_loop3A_563 : i32 to index
        %parallel_loop3A_762 = tpu.vector_load %arg4[%parallel_loop3A_758, %parallel_loop3A_759, %parallel_loop3A_760, %parallel_loop3A_761] {strides = array<i32>} : memref<2x32x8x128xf32, #tpu.memory_space<vmem>>, vector<1x1x1x16xf32>,
        %parallel_loop3A_763 = vector.shape_cast %parallel_loop3A_762 : vector<1x1x1x16xf32> to vector<16xf32>
        %parallel_loop3A_764 = arith.constant 1 : i32
        %parallel_loop3A_765 = arith.constant 25 : i32
        %parallel_loop3A_766 = arith.index_cast %parallel_loop3A_764 : i32 to index
        %parallel_loop3A_767 = arith.index_cast %parallel_loop3A_765 : i32 to index
        %parallel_loop3A_768 = arith.index_cast %parallel_loop3A_545 : i32 to index
        %parallel_loop3A_769 = arith.index_cast %parallel_loop3A_563 : i32 to index
        %parallel_loop3A_770 = tpu.vector_load %arg4[%parallel_loop3A_766, %parallel_loop3A_767, %parallel_loop3A_768, %parallel_loop3A_769] {strides = array<i32>} : memref<2x32x8x128xf32, #tpu.memory_space<vmem>>, vector<1x1x1x16xf32>,
        %parallel_loop3A_771 = vector.shape_cast %parallel_loop3A_770 : vector<1x1x1x16xf32> to vector<16xf32>
        %parallel_loop3A_772 = arith.constant 1 : i32
        %parallel_loop3A_773 = arith.constant 26 : i32
        %parallel_loop3A_774 = arith.index_cast %parallel_loop3A_772 : i32 to index
        %parallel_loop3A_775 = arith.index_cast %parallel_loop3A_773 : i32 to index
        %parallel_loop3A_776 = arith.index_cast %parallel_loop3A_545 : i32 to index
        %parallel_loop3A_777 = arith.index_cast %parallel_loop3A_563 : i32 to index
        %parallel_loop3A_778 = tpu.vector_load %arg4[%parallel_loop3A_774, %parallel_loop3A_775, %parallel_loop3A_776, %parallel_loop3A_777] {strides = array<i32>} : memref<2x32x8x128xf32, #tpu.memory_space<vmem>>, vector<1x1x1x16xf32>,
        %parallel_loop3A_779 = vector.shape_cast %parallel_loop3A_778 : vector<1x1x1x16xf32> to vector<16xf32>
        %parallel_loop3A_780 = arith.constant 1 : i32
        %parallel_loop3A_781 = arith.constant 27 : i32
        %parallel_loop3A_782 = arith.index_cast %parallel_loop3A_780 : i32 to index
        %parallel_loop3A_783 = arith.index_cast %parallel_loop3A_781 : i32 to index
        %parallel_loop3A_784 = arith.index_cast %parallel_loop3A_545 : i32 to index
        %parallel_loop3A_785 = arith.index_cast %parallel_loop3A_563 : i32 to index
        %parallel_loop3A_786 = tpu.vector_load %arg4[%parallel_loop3A_782, %parallel_loop3A_783, %parallel_loop3A_784, %parallel_loop3A_785] {strides = array<i32>} : memref<2x32x8x128xf32, #tpu.memory_space<vmem>>, vector<1x1x1x16xf32>,
        %parallel_loop3A_787 = vector.shape_cast %parallel_loop3A_786 : vector<1x1x1x16xf32> to vector<16xf32>
        %parallel_loop3A_788 = arith.constant 1 : i32
        %parallel_loop3A_789 = arith.constant 28 : i32
        %parallel_loop3A_790 = arith.index_cast %parallel_loop3A_788 : i32 to index
        %parallel_loop3A_791 = arith.index_cast %parallel_loop3A_789 : i32 to index
        %parallel_loop3A_792 = arith.index_cast %parallel_loop3A_545 : i32 to index
        %parallel_loop3A_793 = arith.index_cast %parallel_loop3A_563 : i32 to index
        %parallel_loop3A_794 = tpu.vector_load %arg4[%parallel_loop3A_790, %parallel_loop3A_791, %parallel_loop3A_792, %parallel_loop3A_793] {strides = array<i32>} : memref<2x32x8x128xf32, #tpu.memory_space<vmem>>, vector<1x1x1x16xf32>,
        %parallel_loop3A_795 = vector.shape_cast %parallel_loop3A_794 : vector<1x1x1x16xf32> to vector<16xf32>
        %parallel_loop3A_796 = arith.constant 1 : i32
        %parallel_loop3A_797 = arith.constant 29 : i32
        %parallel_loop3A_798 = arith.index_cast %parallel_loop3A_796 : i32 to index
        %parallel_loop3A_799 = arith.index_cast %parallel_loop3A_797 : i32 to index
        %parallel_loop3A_800 = arith.index_cast %parallel_loop3A_545 : i32 to index
        %parallel_loop3A_801 = arith.index_cast %parallel_loop3A_563 : i32 to index
        %parallel_loop3A_802 = tpu.vector_load %arg4[%parallel_loop3A_798, %parallel_loop3A_799, %parallel_loop3A_800, %parallel_loop3A_801] {strides = array<i32>} : memref<2x32x8x128xf32, #tpu.memory_space<vmem>>, vector<1x1x1x16xf32>,
        %parallel_loop3A_803 = vector.shape_cast %parallel_loop3A_802 : vector<1x1x1x16xf32> to vector<16xf32>
        %parallel_loop3A_804 = arith.constant 1 : i32
        %parallel_loop3A_805 = arith.constant 30 : i32
        %parallel_loop3A_806 = arith.index_cast %parallel_loop3A_804 : i32 to index
        %parallel_loop3A_807 = arith.index_cast %parallel_loop3A_805 : i32 to index
        %parallel_loop3A_808 = arith.index_cast %parallel_loop3A_545 : i32 to index
        %parallel_loop3A_809 = arith.index_cast %parallel_loop3A_563 : i32 to index
        %parallel_loop3A_810 = tpu.vector_load %arg4[%parallel_loop3A_806, %parallel_loop3A_807, %parallel_loop3A_808, %parallel_loop3A_809] {strides = array<i32>} : memref<2x32x8x128xf32, #tpu.memory_space<vmem>>, vector<1x1x1x16xf32>,
        %parallel_loop3A_811 = vector.shape_cast %parallel_loop3A_810 : vector<1x1x1x16xf32> to vector<16xf32>
        %parallel_loop3A_812 = arith.constant 1 : i32
        %parallel_loop3A_813 = arith.constant 31 : i32
        %parallel_loop3A_814 = arith.index_cast %parallel_loop3A_812 : i32 to index
        %parallel_loop3A_815 = arith.index_cast %parallel_loop3A_813 : i32 to index
        %parallel_loop3A_816 = arith.index_cast %parallel_loop3A_545 : i32 to index
        %parallel_loop3A_817 = arith.index_cast %parallel_loop3A_563 : i32 to index
        %parallel_loop3A_818 = tpu.vector_load %arg4[%parallel_loop3A_814, %parallel_loop3A_815, %parallel_loop3A_816, %parallel_loop3A_817] {strides = array<i32>} : memref<2x32x8x128xf32, #tpu.memory_space<vmem>>, vector<1x1x1x16xf32>,
        %parallel_loop3A_819 = vector.shape_cast %parallel_loop3A_818 : vector<1x1x1x16xf32> to vector<16xf32>
        %parallel_loop3A_820 = arith.maximumf %parallel_loop3A_571, %parallel_loop3A_579 : vector<16xf32>
        %parallel_loop3A_821 = arith.minimumf %parallel_loop3A_571, %parallel_loop3A_579 : vector<16xf32>
        %parallel_loop3A_822 = arith.maximumf %parallel_loop3A_587, %parallel_loop3A_595 : vector<16xf32>
        %parallel_loop3A_823 = arith.minimumf %parallel_loop3A_587, %parallel_loop3A_595 : vector<16xf32>
        %parallel_loop3A_824 = arith.maximumf %parallel_loop3A_820, %parallel_loop3A_822 : vector<16xf32>
        %parallel_loop3A_825 = arith.minimumf %parallel_loop3A_820, %parallel_loop3A_822 : vector<16xf32>
        %parallel_loop3A_826 = arith.maximumf %parallel_loop3A_821, %parallel_loop3A_823 : vector<16xf32>
        %parallel_loop3A_827 = arith.minimumf %parallel_loop3A_821, %parallel_loop3A_823 : vector<16xf32>
        %parallel_loop3A_828 = arith.maximumf %parallel_loop3A_826, %parallel_loop3A_825 : vector<16xf32>
        %parallel_loop3A_829 = arith.minimumf %parallel_loop3A_826, %parallel_loop3A_825 : vector<16xf32>
        %parallel_loop3A_830 = arith.maximumf %parallel_loop3A_603, %parallel_loop3A_611 : vector<16xf32>
        %parallel_loop3A_831 = arith.minimumf %parallel_loop3A_603, %parallel_loop3A_611 : vector<16xf32>
        %parallel_loop3A_832 = arith.maximumf %parallel_loop3A_619, %parallel_loop3A_627 : vector<16xf32>
        %parallel_loop3A_833 = arith.minimumf %parallel_loop3A_619, %parallel_loop3A_627 : vector<16xf32>
        %parallel_loop3A_834 = arith.maximumf %parallel_loop3A_830, %parallel_loop3A_832 : vector<16xf32>
        %parallel_loop3A_835 = arith.minimumf %parallel_loop3A_830, %parallel_loop3A_832 : vector<16xf32>
        %parallel_loop3A_836 = arith.maximumf %parallel_loop3A_831, %parallel_loop3A_833 : vector<16xf32>
        %parallel_loop3A_837 = arith.minimumf %parallel_loop3A_831, %parallel_loop3A_833 : vector<16xf32>
        %parallel_loop3A_838 = arith.maximumf %parallel_loop3A_836, %parallel_loop3A_835 : vector<16xf32>
        %parallel_loop3A_839 = arith.minimumf %parallel_loop3A_836, %parallel_loop3A_835 : vector<16xf32>
        %parallel_loop3A_840 = arith.maximumf %parallel_loop3A_824, %parallel_loop3A_837 : vector<16xf32>
        %parallel_loop3A_841 = arith.minimumf %parallel_loop3A_824, %parallel_loop3A_837 : vector<16xf32>
        %parallel_loop3A_842 = arith.maximumf %parallel_loop3A_828, %parallel_loop3A_839 : vector<16xf32>
        %parallel_loop3A_843 = arith.minimumf %parallel_loop3A_828, %parallel_loop3A_839 : vector<16xf32>
        %parallel_loop3A_844 = arith.maximumf %parallel_loop3A_829, %parallel_loop3A_838 : vector<16xf32>
        %parallel_loop3A_845 = arith.minimumf %parallel_loop3A_829, %parallel_loop3A_838 : vector<16xf32>
        %parallel_loop3A_846 = arith.maximumf %parallel_loop3A_827, %parallel_loop3A_834 : vector<16xf32>
        %parallel_loop3A_847 = arith.minimumf %parallel_loop3A_827, %parallel_loop3A_834 : vector<16xf32>
        %parallel_loop3A_848 = arith.maximumf %parallel_loop3A_840, %parallel_loop3A_844 : vector<16xf32>
        %parallel_loop3A_849 = arith.minimumf %parallel_loop3A_840, %parallel_loop3A_844 : vector<16xf32>
        %parallel_loop3A_850 = arith.maximumf %parallel_loop3A_842, %parallel_loop3A_846 : vector<16xf32>
        %parallel_loop3A_851 = arith.minimumf %parallel_loop3A_842, %parallel_loop3A_846 : vector<16xf32>
        %parallel_loop3A_852 = arith.maximumf %parallel_loop3A_848, %parallel_loop3A_850 : vector<16xf32>
        %parallel_loop3A_853 = arith.minimumf %parallel_loop3A_848, %parallel_loop3A_850 : vector<16xf32>
        %parallel_loop3A_854 = arith.maximumf %parallel_loop3A_849, %parallel_loop3A_851 : vector<16xf32>
        %parallel_loop3A_855 = arith.minimumf %parallel_loop3A_849, %parallel_loop3A_851 : vector<16xf32>
        %parallel_loop3A_856 = arith.maximumf %parallel_loop3A_841, %parallel_loop3A_843 : vector<16xf32>
        %parallel_loop3A_857 = arith.maximumf %parallel_loop3A_845, %parallel_loop3A_847 : vector<16xf32>
        %parallel_loop3A_858 = arith.maximumf %parallel_loop3A_856, %parallel_loop3A_857 : vector<16xf32>
        %parallel_loop3A_859 = arith.maximumf %parallel_loop3A_635, %parallel_loop3A_643 : vector<16xf32>
        %parallel_loop3A_860 = arith.minimumf %parallel_loop3A_635, %parallel_loop3A_643 : vector<16xf32>
        %parallel_loop3A_861 = arith.maximumf %parallel_loop3A_651, %parallel_loop3A_659 : vector<16xf32>
        %parallel_loop3A_862 = arith.minimumf %parallel_loop3A_651, %parallel_loop3A_659 : vector<16xf32>
        %parallel_loop3A_863 = arith.maximumf %parallel_loop3A_859, %parallel_loop3A_861 : vector<16xf32>
        %parallel_loop3A_864 = arith.minimumf %parallel_loop3A_859, %parallel_loop3A_861 : vector<16xf32>
        %parallel_loop3A_865 = arith.maximumf %parallel_loop3A_860, %parallel_loop3A_862 : vector<16xf32>
        %parallel_loop3A_866 = arith.minimumf %parallel_loop3A_860, %parallel_loop3A_862 : vector<16xf32>
        %parallel_loop3A_867 = arith.maximumf %parallel_loop3A_865, %parallel_loop3A_864 : vector<16xf32>
        %parallel_loop3A_868 = arith.minimumf %parallel_loop3A_865, %parallel_loop3A_864 : vector<16xf32>
        %parallel_loop3A_869 = arith.maximumf %parallel_loop3A_667, %parallel_loop3A_675 : vector<16xf32>
        %parallel_loop3A_870 = arith.minimumf %parallel_loop3A_667, %parallel_loop3A_675 : vector<16xf32>
        %parallel_loop3A_871 = arith.maximumf %parallel_loop3A_683, %parallel_loop3A_691 : vector<16xf32>
        %parallel_loop3A_872 = arith.minimumf %parallel_loop3A_683, %parallel_loop3A_691 : vector<16xf32>
        %parallel_loop3A_873 = arith.maximumf %parallel_loop3A_869, %parallel_loop3A_871 : vector<16xf32>
        %parallel_loop3A_874 = arith.minimumf %parallel_loop3A_869, %parallel_loop3A_871 : vector<16xf32>
        %parallel_loop3A_875 = arith.maximumf %parallel_loop3A_870, %parallel_loop3A_872 : vector<16xf32>
        %parallel_loop3A_876 = arith.minimumf %parallel_loop3A_870, %parallel_loop3A_872 : vector<16xf32>
        %parallel_loop3A_877 = arith.maximumf %parallel_loop3A_875, %parallel_loop3A_874 : vector<16xf32>
        %parallel_loop3A_878 = arith.minimumf %parallel_loop3A_875, %parallel_loop3A_874 : vector<16xf32>
        %parallel_loop3A_879 = arith.maximumf %parallel_loop3A_863, %parallel_loop3A_876 : vector<16xf32>
        %parallel_loop3A_880 = arith.minimumf %parallel_loop3A_863, %parallel_loop3A_876 : vector<16xf32>
        %parallel_loop3A_881 = arith.maximumf %parallel_loop3A_867, %parallel_loop3A_878 : vector<16xf32>
        %parallel_loop3A_882 = arith.minimumf %parallel_loop3A_867, %parallel_loop3A_878 : vector<16xf32>
        %parallel_loop3A_883 = arith.maximumf %parallel_loop3A_868, %parallel_loop3A_877 : vector<16xf32>
        %parallel_loop3A_884 = arith.minimumf %parallel_loop3A_868, %parallel_loop3A_877 : vector<16xf32>
        %parallel_loop3A_885 = arith.maximumf %parallel_loop3A_866, %parallel_loop3A_873 : vector<16xf32>
        %parallel_loop3A_886 = arith.minimumf %parallel_loop3A_866, %parallel_loop3A_873 : vector<16xf32>
        %parallel_loop3A_887 = arith.maximumf %parallel_loop3A_879, %parallel_loop3A_883 : vector<16xf32>
        %parallel_loop3A_888 = arith.minimumf %parallel_loop3A_879, %parallel_loop3A_883 : vector<16xf32>
        %parallel_loop3A_889 = arith.maximumf %parallel_loop3A_881, %parallel_loop3A_885 : vector<16xf32>
        %parallel_loop3A_890 = arith.minimumf %parallel_loop3A_881, %parallel_loop3A_885 : vector<16xf32>
        %parallel_loop3A_891 = arith.maximumf %parallel_loop3A_887, %parallel_loop3A_889 : vector<16xf32>
        %parallel_loop3A_892 = arith.minimumf %parallel_loop3A_887, %parallel_loop3A_889 : vector<16xf32>
        %parallel_loop3A_893 = arith.maximumf %parallel_loop3A_888, %parallel_loop3A_890 : vector<16xf32>
        %parallel_loop3A_894 = arith.minimumf %parallel_loop3A_888, %parallel_loop3A_890 : vector<16xf32>
        %parallel_loop3A_895 = arith.maximumf %parallel_loop3A_880, %parallel_loop3A_882 : vector<16xf32>
        %parallel_loop3A_896 = arith.maximumf %parallel_loop3A_884, %parallel_loop3A_886 : vector<16xf32>
        %parallel_loop3A_897 = arith.maximumf %parallel_loop3A_895, %parallel_loop3A_896 : vector<16xf32>
        %parallel_loop3A_898 = arith.maximumf %parallel_loop3A_699, %parallel_loop3A_707 : vector<16xf32>
        %parallel_loop3A_899 = arith.minimumf %parallel_loop3A_699, %parallel_loop3A_707 : vector<16xf32>
        %parallel_loop3A_900 = arith.maximumf %parallel_loop3A_715, %parallel_loop3A_723 : vector<16xf32>
        %parallel_loop3A_901 = arith.minimumf %parallel_loop3A_715, %parallel_loop3A_723 : vector<16xf32>
        %parallel_loop3A_902 = arith.maximumf %parallel_loop3A_898, %parallel_loop3A_900 : vector<16xf32>
        %parallel_loop3A_903 = arith.minimumf %parallel_loop3A_898, %parallel_loop3A_900 : vector<16xf32>
        %parallel_loop3A_904 = arith.maximumf %parallel_loop3A_899, %parallel_loop3A_901 : vector<16xf32>
        %parallel_loop3A_905 = arith.minimumf %parallel_loop3A_899, %parallel_loop3A_901 : vector<16xf32>
        %parallel_loop3A_906 = arith.maximumf %parallel_loop3A_904, %parallel_loop3A_903 : vector<16xf32>
        %parallel_loop3A_907 = arith.minimumf %parallel_loop3A_904, %parallel_loop3A_903 : vector<16xf32>
        %parallel_loop3A_908 = arith.maximumf %parallel_loop3A_731, %parallel_loop3A_739 : vector<16xf32>
        %parallel_loop3A_909 = arith.minimumf %parallel_loop3A_731, %parallel_loop3A_739 : vector<16xf32>
        %parallel_loop3A_910 = arith.maximumf %parallel_loop3A_747, %parallel_loop3A_755 : vector<16xf32>
        %parallel_loop3A_911 = arith.minimumf %parallel_loop3A_747, %parallel_loop3A_755 : vector<16xf32>
        %parallel_loop3A_912 = arith.maximumf %parallel_loop3A_908, %parallel_loop3A_910 : vector<16xf32>
        %parallel_loop3A_913 = arith.minimumf %parallel_loop3A_908, %parallel_loop3A_910 : vector<16xf32>
        %parallel_loop3A_914 = arith.maximumf %parallel_loop3A_909, %parallel_loop3A_911 : vector<16xf32>
        %parallel_loop3A_915 = arith.minimumf %parallel_loop3A_909, %parallel_loop3A_911 : vector<16xf32>
        %parallel_loop3A_916 = arith.maximumf %parallel_loop3A_914, %parallel_loop3A_913 : vector<16xf32>
        %parallel_loop3A_917 = arith.minimumf %parallel_loop3A_914, %parallel_loop3A_913 : vector<16xf32>
        %parallel_loop3A_918 = arith.maximumf %parallel_loop3A_902, %parallel_loop3A_915 : vector<16xf32>
        %parallel_loop3A_919 = arith.minimumf %parallel_loop3A_902, %parallel_loop3A_915 : vector<16xf32>
        %parallel_loop3A_920 = arith.maximumf %parallel_loop3A_906, %parallel_loop3A_917 : vector<16xf32>
        %parallel_loop3A_921 = arith.minimumf %parallel_loop3A_906, %parallel_loop3A_917 : vector<16xf32>
        %parallel_loop3A_922 = arith.maximumf %parallel_loop3A_907, %parallel_loop3A_916 : vector<16xf32>
        %parallel_loop3A_923 = arith.minimumf %parallel_loop3A_907, %parallel_loop3A_916 : vector<16xf32>
        %parallel_loop3A_924 = arith.maximumf %parallel_loop3A_905, %parallel_loop3A_912 : vector<16xf32>
        %parallel_loop3A_925 = arith.minimumf %parallel_loop3A_905, %parallel_loop3A_912 : vector<16xf32>
        %parallel_loop3A_926 = arith.maximumf %parallel_loop3A_918, %parallel_loop3A_922 : vector<16xf32>
        %parallel_loop3A_927 = arith.minimumf %parallel_loop3A_918, %parallel_loop3A_922 : vector<16xf32>
        %parallel_loop3A_928 = arith.maximumf %parallel_loop3A_920, %parallel_loop3A_924 : vector<16xf32>
        %parallel_loop3A_929 = arith.minimumf %parallel_loop3A_920, %parallel_loop3A_924 : vector<16xf32>
        %parallel_loop3A_930 = arith.maximumf %parallel_loop3A_926, %parallel_loop3A_928 : vector<16xf32>
        %parallel_loop3A_931 = arith.minimumf %parallel_loop3A_926, %parallel_loop3A_928 : vector<16xf32>
        %parallel_loop3A_932 = arith.maximumf %parallel_loop3A_927, %parallel_loop3A_929 : vector<16xf32>
        %parallel_loop3A_933 = arith.minimumf %parallel_loop3A_927, %parallel_loop3A_929 : vector<16xf32>
        %parallel_loop3A_934 = arith.maximumf %parallel_loop3A_919, %parallel_loop3A_921 : vector<16xf32>
        %parallel_loop3A_935 = arith.maximumf %parallel_loop3A_923, %parallel_loop3A_925 : vector<16xf32>
        %parallel_loop3A_936 = arith.maximumf %parallel_loop3A_934, %parallel_loop3A_935 : vector<16xf32>
        %parallel_loop3A_937 = arith.maximumf %parallel_loop3A_763, %parallel_loop3A_771 : vector<16xf32>
        %parallel_loop3A_938 = arith.minimumf %parallel_loop3A_763, %parallel_loop3A_771 : vector<16xf32>
        %parallel_loop3A_939 = arith.maximumf %parallel_loop3A_779, %parallel_loop3A_787 : vector<16xf32>
        %parallel_loop3A_940 = arith.minimumf %parallel_loop3A_779, %parallel_loop3A_787 : vector<16xf32>
        %parallel_loop3A_941 = arith.maximumf %parallel_loop3A_937, %parallel_loop3A_939 : vector<16xf32>
        %parallel_loop3A_942 = arith.minimumf %parallel_loop3A_937, %parallel_loop3A_939 : vector<16xf32>
        %parallel_loop3A_943 = arith.maximumf %parallel_loop3A_938, %parallel_loop3A_940 : vector<16xf32>
        %parallel_loop3A_944 = arith.minimumf %parallel_loop3A_938, %parallel_loop3A_940 : vector<16xf32>
        %parallel_loop3A_945 = arith.maximumf %parallel_loop3A_943, %parallel_loop3A_942 : vector<16xf32>
        %parallel_loop3A_946 = arith.minimumf %parallel_loop3A_943, %parallel_loop3A_942 : vector<16xf32>
        %parallel_loop3A_947 = arith.maximumf %parallel_loop3A_795, %parallel_loop3A_803 : vector<16xf32>
        %parallel_loop3A_948 = arith.minimumf %parallel_loop3A_795, %parallel_loop3A_803 : vector<16xf32>
        %parallel_loop3A_949 = arith.maximumf %parallel_loop3A_811, %parallel_loop3A_819 : vector<16xf32>
        %parallel_loop3A_950 = arith.minimumf %parallel_loop3A_811, %parallel_loop3A_819 : vector<16xf32>
        %parallel_loop3A_951 = arith.maximumf %parallel_loop3A_947, %parallel_loop3A_949 : vector<16xf32>
        %parallel_loop3A_952 = arith.minimumf %parallel_loop3A_947, %parallel_loop3A_949 : vector<16xf32>
        %parallel_loop3A_953 = arith.maximumf %parallel_loop3A_948, %parallel_loop3A_950 : vector<16xf32>
        %parallel_loop3A_954 = arith.minimumf %parallel_loop3A_948, %parallel_loop3A_950 : vector<16xf32>
        %parallel_loop3A_955 = arith.maximumf %parallel_loop3A_953, %parallel_loop3A_952 : vector<16xf32>
        %parallel_loop3A_956 = arith.minimumf %parallel_loop3A_953, %parallel_loop3A_952 : vector<16xf32>
        %parallel_loop3A_957 = arith.maximumf %parallel_loop3A_941, %parallel_loop3A_954 : vector<16xf32>
        %parallel_loop3A_958 = arith.minimumf %parallel_loop3A_941, %parallel_loop3A_954 : vector<16xf32>
        %parallel_loop3A_959 = arith.maximumf %parallel_loop3A_945, %parallel_loop3A_956 : vector<16xf32>
        %parallel_loop3A_960 = arith.minimumf %parallel_loop3A_945, %parallel_loop3A_956 : vector<16xf32>
        %parallel_loop3A_961 = arith.maximumf %parallel_loop3A_946, %parallel_loop3A_955 : vector<16xf32>
        %parallel_loop3A_962 = arith.minimumf %parallel_loop3A_946, %parallel_loop3A_955 : vector<16xf32>
        %parallel_loop3A_963 = arith.maximumf %parallel_loop3A_944, %parallel_loop3A_951 : vector<16xf32>
        %parallel_loop3A_964 = arith.minimumf %parallel_loop3A_944, %parallel_loop3A_951 : vector<16xf32>
        %parallel_loop3A_965 = arith.maximumf %parallel_loop3A_957, %parallel_loop3A_961 : vector<16xf32>
        %parallel_loop3A_966 = arith.minimumf %parallel_loop3A_957, %parallel_loop3A_961 : vector<16xf32>
        %parallel_loop3A_967 = arith.maximumf %parallel_loop3A_959, %parallel_loop3A_963 : vector<16xf32>
        %parallel_loop3A_968 = arith.minimumf %parallel_loop3A_959, %parallel_loop3A_963 : vector<16xf32>
        %parallel_loop3A_969 = arith.maximumf %parallel_loop3A_965, %parallel_loop3A_967 : vector<16xf32>
        %parallel_loop3A_970 = arith.minimumf %parallel_loop3A_965, %parallel_loop3A_967 : vector<16xf32>
        %parallel_loop3A_971 = arith.maximumf %parallel_loop3A_966, %parallel_loop3A_968 : vector<16xf32>
        %parallel_loop3A_972 = arith.minimumf %parallel_loop3A_966, %parallel_loop3A_968 : vector<16xf32>
        %parallel_loop3A_973 = arith.maximumf %parallel_loop3A_958, %parallel_loop3A_960 : vector<16xf32>
        %parallel_loop3A_974 = arith.maximumf %parallel_loop3A_962, %parallel_loop3A_964 : vector<16xf32>
        %parallel_loop3A_975 = arith.maximumf %parallel_loop3A_973, %parallel_loop3A_974 : vector<16xf32>
        %parallel_loop3A_976 = arith.maximumf %parallel_loop3A_852, %parallel_loop3A_897 : vector<16xf32>
        %parallel_loop3A_977 = arith.maximumf %parallel_loop3A_853, %parallel_loop3A_894 : vector<16xf32>
        %parallel_loop3A_978 = arith.maximumf %parallel_loop3A_854, %parallel_loop3A_893 : vector<16xf32>
        %parallel_loop3A_979 = arith.maximumf %parallel_loop3A_855, %parallel_loop3A_892 : vector<16xf32>
        %parallel_loop3A_980 = arith.maximumf %parallel_loop3A_858, %parallel_loop3A_891 : vector<16xf32>
        %parallel_loop3A_981 = arith.maximumf %parallel_loop3A_976, %parallel_loop3A_980 : vector<16xf32>
        %parallel_loop3A_982 = arith.minimumf %parallel_loop3A_976, %parallel_loop3A_980 : vector<16xf32>
        %parallel_loop3A_983 = arith.maximumf %parallel_loop3A_977, %parallel_loop3A_979 : vector<16xf32>
        %parallel_loop3A_984 = arith.minimumf %parallel_loop3A_977, %parallel_loop3A_979 : vector<16xf32>
        %parallel_loop3A_985 = arith.maximumf %parallel_loop3A_983, %parallel_loop3A_982 : vector<16xf32>
        %parallel_loop3A_986 = arith.minimumf %parallel_loop3A_983, %parallel_loop3A_982 : vector<16xf32>
        %parallel_loop3A_987 = arith.maximumf %parallel_loop3A_978, %parallel_loop3A_986 : vector<16xf32>
        %parallel_loop3A_988 = arith.minimumf %parallel_loop3A_978, %parallel_loop3A_986 : vector<16xf32>
        %parallel_loop3A_989 = arith.maximumf %parallel_loop3A_984, %parallel_loop3A_988 : vector<16xf32>
        %parallel_loop3A_990 = arith.minimumf %parallel_loop3A_984, %parallel_loop3A_988 : vector<16xf32>
        %parallel_loop3A_991 = arith.maximumf %parallel_loop3A_930, %parallel_loop3A_975 : vector<16xf32>
        %parallel_loop3A_992 = arith.maximumf %parallel_loop3A_931, %parallel_loop3A_972 : vector<16xf32>
        %parallel_loop3A_993 = arith.maximumf %parallel_loop3A_932, %parallel_loop3A_971 : vector<16xf32>
        %parallel_loop3A_994 = arith.maximumf %parallel_loop3A_933, %parallel_loop3A_970 : vector<16xf32>
        %parallel_loop3A_995 = arith.maximumf %parallel_loop3A_936, %parallel_loop3A_969 : vector<16xf32>
        %parallel_loop3A_996 = arith.maximumf %parallel_loop3A_991, %parallel_loop3A_995 : vector<16xf32>
        %parallel_loop3A_997 = arith.minimumf %parallel_loop3A_991, %parallel_loop3A_995 : vector<16xf32>
        %parallel_loop3A_998 = arith.maximumf %parallel_loop3A_992, %parallel_loop3A_994 : vector<16xf32>
        %parallel_loop3A_999 = arith.minimumf %parallel_loop3A_992, %parallel_loop3A_994 : vector<16xf32>
        %parallel_loop3A_1000 = arith.maximumf %parallel_loop3A_998, %parallel_loop3A_997 : vector<16xf32>
        %parallel_loop3A_1001 = arith.minimumf %parallel_loop3A_998, %parallel_loop3A_997 : vector<16xf32>
        %parallel_loop3A_1002 = arith.maximumf %parallel_loop3A_993, %parallel_loop3A_1001 : vector<16xf32>
        %parallel_loop3A_1003 = arith.minimumf %parallel_loop3A_993, %parallel_loop3A_1001 : vector<16xf32>
        %parallel_loop3A_1004 = arith.maximumf %parallel_loop3A_999, %parallel_loop3A_1003 : vector<16xf32>
        %parallel_loop3A_1005 = arith.minimumf %parallel_loop3A_999, %parallel_loop3A_1003 : vector<16xf32>
        %parallel_loop3A_1006 = arith.minimumf %parallel_loop3A_981, %parallel_loop3A_1002 : vector<16xf32>
        %parallel_loop3A_1007 = arith.minimumf %parallel_loop3A_985, %parallel_loop3A_1000 : vector<16xf32>
        %parallel_loop3A_1008 = arith.maximumf %parallel_loop3A_1006, %parallel_loop3A_1007 : vector<16xf32>
        %parallel_loop3A_1009 = arith.minimumf %parallel_loop3A_987, %parallel_loop3A_996 : vector<16xf32>
        %parallel_loop3A_1010 = arith.maximumf %parallel_loop3A_989, %parallel_loop3A_1004 : vector<16xf32>
        %parallel_loop3A_1011 = arith.maximumf %parallel_loop3A_1009, %parallel_loop3A_1010 : vector<16xf32>
        %parallel_loop3A_1012 = arith.maximumf %parallel_loop3A_1008, %parallel_loop3A_1011 : vector<16xf32>
        %parallel_loop3A_1013 = arith.minimumf %parallel_loop3A_981, %parallel_loop3A_1004 : vector<16xf32>
        %parallel_loop3A_1014 = arith.minimumf %parallel_loop3A_985, %parallel_loop3A_1002 : vector<16xf32>
        %parallel_loop3A_1015 = arith.maximumf %parallel_loop3A_1013, %parallel_loop3A_1014 : vector<16xf32>
        %parallel_loop3A_1016 = arith.minimumf %parallel_loop3A_987, %parallel_loop3A_1000 : vector<16xf32>
        %parallel_loop3A_1017 = arith.minimumf %parallel_loop3A_989, %parallel_loop3A_996 : vector<16xf32>
        %parallel_loop3A_1018 = arith.maximumf %parallel_loop3A_1016, %parallel_loop3A_1017 : vector<16xf32>
        %parallel_loop3A_1019 = arith.maximumf %parallel_loop3A_1015, %parallel_loop3A_1018 : vector<16xf32>
        %parallel_loop3A_1020 = arith.maximumf %parallel_loop3A_990, %parallel_loop3A_1005 : vector<16xf32>
        %parallel_loop3A_1021 = arith.maximumf %parallel_loop3A_1019, %parallel_loop3A_1020 : vector<16xf32>
        %parallel_loop3A_1022 = arith.subf %parallel_loop3A_1012, %parallel_loop3A_1021 : vector<16xf32>
        %parallel_loop3A_1023 = arith.constant 0.899999976 : f32
        %parallel_loop3A_1024 = vector.broadcast %parallel_loop3A_1023 : f32 to vector<16xf32>
        %parallel_loop3A_1025 = arith.mulf %parallel_loop3A_1024, %parallel_loop3A_1022 : vector<16xf32>
        %parallel_loop3A_1026 = arith.addf %parallel_loop3A_1021, %parallel_loop3A_1025 : vector<16xf32>
        %parallel_loop3A_1027 = arith.constant 1 : i32
        %parallel_loop3A_1028 = arith.index_cast %parallel_loop3A_1027 : i32 to index
        %parallel_loop3A_1029 = arith.index_cast %parallel_loop3A_545 : i32 to index
        %parallel_loop3A_1030 = arith.index_cast %parallel_loop3A_563 : i32 to index
        %parallel_loop3A_1031 = tpu.vector_load %arg5[%parallel_loop3A_1028, %parallel_loop3A_1029, %parallel_loop3A_1030] {strides = array<i32>} : memref<2x8x128xf32, #tpu.memory_space<vmem>>, vector<1x1x16xf32>,
        %parallel_loop3A_1032 = vector.shape_cast %parallel_loop3A_1031 : vector<1x1x16xf32> to vector<16xf32>
        %parallel_loop3A_1033 = vector.shape_cast %parallel_loop3A_1026 : vector<16xf32> to vector<1x1x16xf32>
        tpu.vector_store %arg5[%parallel_loop3A_1028, %parallel_loop3A_1029, %parallel_loop3A_1030], %parallel_loop3A_1033 {strides = array<i32>} : memref<2x8x128xf32, #tpu.memory_space<vmem>>, vector<1x1x16xf32>,
      } {sc.loop_unroll_factor = 8 : i64, sc.parallel_access}
      %add3A_455 = arith.addi %mul3A_2, %add3A_383 : i32
      %jit3A_456 = arith.constant 8 : i32
      %div3A_457 = arith.divsi %add3A_455, %jit3A_456 : i32
      %sign3A_458 = arith.constant 0 : i32
      %sign3A_459 = arith.cmpi sgt, %add3A_455, %sign3A_458 : i32
      %sign3A_460 = arith.extui %sign3A_459 : i1 to i32
      %sign3A_461 = arith.constant 0 : i32
      %sign3A_462 = arith.cmpi slt, %add3A_455, %sign3A_461 : i32
      %sign3A_463 = arith.extui %sign3A_462 : i1 to i32
      %sign3A_464 = arith.subi %sign3A_460, %sign3A_463 : i32
      %sign3A_465 = arith.constant 0 : i32
      %sign3A_466 = arith.cmpi sgt, %jit3A_456, %sign3A_465 : i32
      %sign3A_467 = arith.extui %sign3A_466 : i1 to i32
      %sign3A_468 = arith.constant 0 : i32
      %sign3A_469 = arith.cmpi slt, %jit3A_456, %sign3A_468 : i32
      %sign3A_470 = arith.extui %sign3A_469 : i1 to i32
      %sign3A_471 = arith.subi %sign3A_467, %sign3A_470 : i32
      %ne3A_472 = arith.cmpi ne, %sign3A_464, %sign3A_471 : i32
      %rem3A_473 = arith.remsi %add3A_455, %jit3A_456 : i32
      %ne3A_474 = arith.constant 0 : i32
      %ne3A_475 = arith.cmpi ne, %rem3A_473, %ne3A_474 : i32
      %and3A_476 = arith.andi %ne3A_472, %ne3A_475 : i1
      %sub3A_477 = arith.constant 1 : i32
      %sub3A_478 = arith.subi %div3A_457, %sub3A_477 : i32
      %select_n3A_479 = arith.select %and3A_476, %sub3A_478, %div3A_457 : i32
      %mul3A_480 = arith.constant 8 : i32
      %mul3A_481 = arith.muli %select_n3A_479, %mul3A_480 : i32
      %jit3A_482 = arith.constant 8 : i32
      %eq3A_483 = arith.constant 0 : i32
      %eq3A_484 = arith.cmpi eq, %jit3A_482, %eq3A_483 : i32
      %jit3A_485 = arith.constant 1 : i32
      %select_n3A_486 = arith.select %eq3A_484, %jit3A_485, %jit3A_482 : i32
      %rem3A_487 = arith.remsi %add3A_455, %select_n3A_486 : i32
      %ne3A_488 = arith.constant 0 : i32
      %ne3A_489 = arith.cmpi ne, %rem3A_487, %ne3A_488 : i32
      %lt3A_490 = arith.constant 0 : i32
      %lt3A_491 = arith.cmpi slt, %rem3A_487, %lt3A_490 : i32
      %lt3A_492 = arith.constant 0 : i32
      %lt3A_493 = arith.cmpi slt, %select_n3A_486, %lt3A_492 : i32
      %ne3A_494 = arith.xori %lt3A_491, %lt3A_493 : i1
      %and3A_495 = arith.andi %ne3A_494, %ne3A_489 : i1
      %add3A_496 = arith.addi %rem3A_487, %select_n3A_486 : i32
      %select_n3A_497 = arith.select %and3A_495, %add3A_496, %rem3A_487 : i32
      %mul3A_498 = arith.constant 128 : i32
      %mul3A_499 = arith.muli %select_n3A_497, %mul3A_498 : i32
      %dma_start3A_500 = arith.constant 1 : i32
      %dma_start3A_501 = arith.constant 1 : i32
      %dma_start3A_502 = arith.constant 0 : i32
      %dma_start3A_503 = arith.constant 0 : i32
      %dma_start3A_504 = tpu.memref_slice %arg5[%dma_start3A_500, %dma_start3A_502, %dma_start3A_503] : memref<2x8x128xf32, #tpu.memory_space<vmem>> -> memref<1x8x128xf32, #tpu.memory_space<vmem>>
      %dma_start3A_505 = tpu.memref_squeeze %dma_start3A_504 : memref<1x8x128xf32, #tpu.memory_space<vmem>> -> memref<8x128xf32, #tpu.memory_space<vmem>>
      %dma_start3A_506 = tpu.memref_slice %arg3[%mul3A_481, %mul3A_499] : memref<768x1024xf32, #tpu.memory_space<hbm>> -> memref<8x128xf32, #tpu.memory_space<hbm>>
      %dma_start3A_507 = tpu.memref_slice %arg7[%dma_start3A_501] : memref<2x!tpu.dma_semaphore, #tpu.memory_space<semaphore_mem>> -> memref<1x!tpu.dma_semaphore, #tpu.memory_space<semaphore_mem>>
      %dma_start3A_508 = tpu.memref_squeeze %dma_start3A_507 : memref<1x!tpu.dma_semaphore, #tpu.memory_space<semaphore_mem>> -> memref<!tpu.dma_semaphore, #tpu.memory_space<semaphore_mem>>
      %dma_start3A_509 = tpu.memref_slice %arg3[%mul3A_481, %mul3A_499] : memref<768x1024xf32, #tpu.memory_space<hbm>> -> memref<8x128xf32, #tpu.memory_space<hbm>>
      %dma_start3A_510 = arith.constant 0 : i32
      %dma_start3A_511 = arith.constant 0 : i32
      %dma_start3A_512 = tpu.memref_slice %arg5[%dma_start3A_500, %dma_start3A_510, %dma_start3A_511] : memref<2x8x128xf32, #tpu.memory_space<vmem>> -> memref<1x8x128xf32, #tpu.memory_space<vmem>>
      %dma_start3A_513 = tpu.memref_squeeze %dma_start3A_512 : memref<1x8x128xf32, #tpu.memory_space<vmem>> -> memref<8x128xf32, #tpu.memory_space<vmem>>
      tpu.enqueue_dma source(%dma_start3A_513 : memref<8x128xf32, #tpu.memory_space<vmem>>) target(%dma_start3A_509 : memref<8x128xf32, #tpu.memory_space<hbm>>) target_semaphore(%dma_start3A_508 : memref<!tpu.dma_semaphore, #tpu.memory_space<semaphore_mem>>)
      %add3A_514 = arith.constant 2 : i32
      %add3A_515 = arith.addi %add3A_383, %add3A_514 : i32
      %lt3A_516 = arith.constant 24 : i32
      %lt3A_517 = arith.cmpi slt, %add3A_515, %lt3A_516 : i32
      %convert_element_type3A_518 = arith.extui %lt3A_517 : i1 to i32
      %cond3A_519 = arith.constant 0 : i32
      %cond3A_520 = arith.cmpi ne, %convert_element_type3A_518, %cond3A_519 : i32
      scf.if %cond3A_520 {
        %add3A_521 = arith.constant 2 : i32
        %add3A_522 = arith.addi %add3A_383, %add3A_521 : i32
        %add3A_523 = arith.addi %mul3A_2, %add3A_522 : i32
        %jit3A_524 = arith.constant 8 : i32
        %div3A_525 = arith.divsi %add3A_523, %jit3A_524 : i32
        %sign3A_526 = arith.constant 0 : i32
        %sign3A_527 = arith.cmpi sgt, %add3A_523, %sign3A_526 : i32
        %sign3A_528 = arith.extui %sign3A_527 : i1 to i32
        %sign3A_529 = arith.constant 0 : i32
        %sign3A_530 = arith.cmpi slt, %add3A_523, %sign3A_529 : i32
        %sign3A_531 = arith.extui %sign3A_530 : i1 to i32
        %sign3A_532 = arith.subi %sign3A_528, %sign3A_531 : i32
        %sign3A_533 = arith.constant 0 : i32
        %sign3A_534 = arith.cmpi sgt, %jit3A_524, %sign3A_533 : i32
        %sign3A_535 = arith.extui %sign3A_534 : i1 to i32
        %sign3A_536 = arith.constant 0 : i32
        %sign3A_537 = arith.cmpi slt, %jit3A_524, %sign3A_536 : i32
        %sign3A_538 = arith.extui %sign3A_537 : i1 to i32
        %sign3A_539 = arith.subi %sign3A_535, %sign3A_538 : i32
        %ne3A_540 = arith.cmpi ne, %sign3A_532, %sign3A_539 : i32
        %rem3A_541 = arith.remsi %add3A_523, %jit3A_524 : i32
        %ne3A_542 = arith.constant 0 : i32
        %ne3A_543 = arith.cmpi ne, %rem3A_541, %ne3A_542 : i32
        %and3A_544 = arith.andi %ne3A_540, %ne3A_543 : i1
        %sub3A_545 = arith.constant 1 : i32
        %sub3A_546 = arith.subi %div3A_525, %sub3A_545 : i32
        %select_n3A_547 = arith.select %and3A_544, %sub3A_546, %div3A_525 : i32
        %mul3A_548 = arith.constant 8 : i32
        %mul3A_549 = arith.muli %select_n3A_547, %mul3A_548 : i32
        %jit3A_550 = arith.constant 8 : i32
        %eq3A_551 = arith.constant 0 : i32
        %eq3A_552 = arith.cmpi eq, %jit3A_550, %eq3A_551 : i32
        %jit3A_553 = arith.constant 1 : i32
        %select_n3A_554 = arith.select %eq3A_552, %jit3A_553, %jit3A_550 : i32
        %rem3A_555 = arith.remsi %add3A_523, %select_n3A_554 : i32
        %ne3A_556 = arith.constant 0 : i32
        %ne3A_557 = arith.cmpi ne, %rem3A_555, %ne3A_556 : i32
        %lt3A_558 = arith.constant 0 : i32
        %lt3A_559 = arith.cmpi slt, %rem3A_555, %lt3A_558 : i32
        %lt3A_560 = arith.constant 0 : i32
        %lt3A_561 = arith.cmpi slt, %select_n3A_554, %lt3A_560 : i32
        %ne3A_562 = arith.xori %lt3A_559, %lt3A_561 : i1
        %and3A_563 = arith.andi %ne3A_562, %ne3A_557 : i1
        %add3A_564 = arith.addi %rem3A_555, %select_n3A_554 : i32
        %select_n3A_565 = arith.select %and3A_563, %add3A_564, %rem3A_555 : i32
        %mul3A_566 = arith.constant 128 : i32
        %mul3A_567 = arith.muli %select_n3A_565, %mul3A_566 : i32
        %dma_start3A_568 = arith.constant 1 : i32
        %dma_start3A_569 = arith.constant 1 : i32
        %dma_start3A_570 = arith.constant 0 : i32
        %dma_start3A_571 = arith.constant 0 : i32
        %dma_start3A_572 = arith.constant 0 : i32
        %dma_start3A_573 = tpu.memref_slice %arg4[%dma_start3A_568, %dma_start3A_570, %dma_start3A_571, %dma_start3A_572] : memref<2x32x8x128xf32, #tpu.memory_space<vmem>> -> memref<1x32x8x128xf32, #tpu.memory_space<vmem>>
        %dma_start3A_574 = tpu.memref_squeeze %dma_start3A_573 : memref<1x32x8x128xf32, #tpu.memory_space<vmem>> -> memref<32x8x128xf32, #tpu.memory_space<vmem>>
        %dma_start3A_575 = arith.constant 0 : i32
        %dma_start3A_576 = tpu.memref_slice %arg2[%dma_start3A_575, %mul3A_549, %mul3A_567] : memref<32x2048x1024xf32, #tpu.memory_space<hbm>> -> memref<32x8x128xf32, #tpu.memory_space<hbm>>
        %dma_start3A_577 = tpu.memref_slice %arg6[%dma_start3A_569] : memref<2x!tpu.dma_semaphore, #tpu.memory_space<semaphore_mem>> -> memref<1x!tpu.dma_semaphore, #tpu.memory_space<semaphore_mem>>
        %dma_start3A_578 = tpu.memref_squeeze %dma_start3A_577 : memref<1x!tpu.dma_semaphore, #tpu.memory_space<semaphore_mem>> -> memref<!tpu.dma_semaphore, #tpu.memory_space<semaphore_mem>>
        %dma_start3A_579 = arith.constant 0 : i32
        %dma_start3A_580 = arith.constant 0 : i32
        %dma_start3A_581 = arith.constant 0 : i32
        %dma_start3A_582 = tpu.memref_slice %arg4[%dma_start3A_568, %dma_start3A_579, %dma_start3A_580, %dma_start3A_581] : memref<2x32x8x128xf32, #tpu.memory_space<vmem>> -> memref<1x32x8x128xf32, #tpu.memory_space<vmem>>
        %dma_start3A_583 = tpu.memref_squeeze %dma_start3A_582 : memref<1x32x8x128xf32, #tpu.memory_space<vmem>> -> memref<32x8x128xf32, #tpu.memory_space<vmem>>
        %dma_start3A_584 = arith.constant 0 : i32
        %dma_start3A_585 = tpu.memref_slice %arg2[%dma_start3A_584, %mul3A_549, %mul3A_567] : memref<32x2048x1024xf32, #tpu.memory_space<hbm>> -> memref<32x8x128xf32, #tpu.memory_space<hbm>>
        tpu.enqueue_dma source(%dma_start3A_585 : memref<32x8x128xf32, #tpu.memory_space<hbm>>) target(%dma_start3A_583 : memref<32x8x128xf32, #tpu.memory_space<vmem>>) target_semaphore(%dma_start3A_578 : memref<!tpu.dma_semaphore, #tpu.memory_space<semaphore_mem>>)
      } else {
      }
    }
    %scan3A_124 = arith.constant 12 : i32
    %add3A_125 = arith.constant 22 : i32
    %add3A_126 = arith.addi %mul3A_2, %add3A_125 : i32
    %jit3A_127 = arith.constant 8 : i32
    %div3A_128 = arith.divsi %add3A_126, %jit3A_127 : i32
    %sign3A_129 = arith.constant 0 : i32
    %sign3A_130 = arith.cmpi sgt, %add3A_126, %sign3A_129 : i32
    %sign3A_131 = arith.extui %sign3A_130 : i1 to i32
    %sign3A_132 = arith.constant 0 : i32
    %sign3A_133 = arith.cmpi slt, %add3A_126, %sign3A_132 : i32
    %sign3A_134 = arith.extui %sign3A_133 : i1 to i32
    %sign3A_135 = arith.subi %sign3A_131, %sign3A_134 : i32
    %sign3A_136 = arith.constant 0 : i32
    %sign3A_137 = arith.cmpi sgt, %jit3A_127, %sign3A_136 : i32
    %sign3A_138 = arith.extui %sign3A_137 : i1 to i32
    %sign3A_139 = arith.constant 0 : i32
    %sign3A_140 = arith.cmpi slt, %jit3A_127, %sign3A_139 : i32
    %sign3A_141 = arith.extui %sign3A_140 : i1 to i32
    %sign3A_142 = arith.subi %sign3A_138, %sign3A_141 : i32
    %ne3A_143 = arith.cmpi ne, %sign3A_135, %sign3A_142 : i32
    %rem3A_144 = arith.remsi %add3A_126, %jit3A_127 : i32
    %ne3A_145 = arith.constant 0 : i32
    %ne3A_146 = arith.cmpi ne, %rem3A_144, %ne3A_145 : i32
    %and3A_147 = arith.andi %ne3A_143, %ne3A_146 : i1
    %sub3A_148 = arith.constant 1 : i32
    %sub3A_149 = arith.subi %div3A_128, %sub3A_148 : i32
    %select_n3A_150 = arith.select %and3A_147, %sub3A_149, %div3A_128 : i32
    %mul3A_151 = arith.constant 8 : i32
    %mul3A_152 = arith.muli %select_n3A_150, %mul3A_151 : i32
    %jit3A_153 = arith.constant 8 : i32
    %eq3A_154 = arith.constant 0 : i32
    %eq3A_155 = arith.cmpi eq, %jit3A_153, %eq3A_154 : i32
    %jit3A_156 = arith.constant 1 : i32
    %select_n3A_157 = arith.select %eq3A_155, %jit3A_156, %jit3A_153 : i32
    %rem3A_158 = arith.remsi %add3A_126, %select_n3A_157 : i32
    %ne3A_159 = arith.constant 0 : i32
    %ne3A_160 = arith.cmpi ne, %rem3A_158, %ne3A_159 : i32
    %lt3A_161 = arith.constant 0 : i32
    %lt3A_162 = arith.cmpi slt, %rem3A_158, %lt3A_161 : i32
    %lt3A_163 = arith.constant 0 : i32
    %lt3A_164 = arith.cmpi slt, %select_n3A_157, %lt3A_163 : i32
    %ne3A_165 = arith.xori %lt3A_162, %lt3A_164 : i1
    %and3A_166 = arith.andi %ne3A_165, %ne3A_160 : i1
    %add3A_167 = arith.addi %rem3A_158, %select_n3A_157 : i32
    %select_n3A_168 = arith.select %and3A_166, %add3A_167, %rem3A_158 : i32
    %mul3A_169 = arith.constant 128 : i32
    %mul3A_170 = arith.muli %select_n3A_168, %mul3A_169 : i32
    %dma_wait3A = arith.constant 0 : i32
    %dma_wait3A_171 = arith.constant 0 : i32
    %dma_wait3A_172 = arith.constant 0 : i32
    %dma_wait3A_173 = arith.constant 0 : i32
    %dma_wait3A_174 = tpu.memref_slice %arg5[%dma_wait3A, %dma_wait3A_172, %dma_wait3A_173] : memref<2x8x128xf32, #tpu.memory_space<vmem>> -> memref<1x8x128xf32, #tpu.memory_space<vmem>>
    %dma_wait3A_175 = tpu.memref_squeeze %dma_wait3A_174 : memref<1x8x128xf32, #tpu.memory_space<vmem>> -> memref<8x128xf32, #tpu.memory_space<vmem>>
    %dma_wait3A_176 = tpu.memref_slice %arg3[%mul3A_152, %mul3A_170] : memref<768x1024xf32, #tpu.memory_space<hbm>> -> memref<8x128xf32, #tpu.memory_space<hbm>>
    %dma_wait3A_177 = tpu.memref_slice %arg7[%dma_wait3A_171] : memref<2x!tpu.dma_semaphore, #tpu.memory_space<semaphore_mem>> -> memref<1x!tpu.dma_semaphore, #tpu.memory_space<semaphore_mem>>
    %dma_wait3A_178 = tpu.memref_squeeze %dma_wait3A_177 : memref<1x!tpu.dma_semaphore, #tpu.memory_space<semaphore_mem>> -> memref<!tpu.dma_semaphore, #tpu.memory_space<semaphore_mem>>
    %dma_wait3A_179 = tpu.memref_slice %arg3[%mul3A_152, %mul3A_170] : memref<768x1024xf32, #tpu.memory_space<hbm>> -> memref<8x128xf32, #tpu.memory_space<hbm>>
    %dma_wait3A_180 = arith.constant 0 : i32
    %dma_wait3A_181 = arith.constant 0 : i32
    %dma_wait3A_182 = tpu.memref_slice %arg5[%dma_wait3A, %dma_wait3A_180, %dma_wait3A_181] : memref<2x8x128xf32, #tpu.memory_space<vmem>> -> memref<1x8x128xf32, #tpu.memory_space<vmem>>
    %dma_wait3A_183 = tpu.memref_squeeze %dma_wait3A_182 : memref<1x8x128xf32, #tpu.memory_space<vmem>> -> memref<8x128xf32, #tpu.memory_space<vmem>>
    tpu.wait_dma2 semaphore(%dma_wait3A_178 : memref<!tpu.dma_semaphore, #tpu.memory_space<semaphore_mem>>) src(%dma_wait3A_183 : memref<8x128xf32, #tpu.memory_space<vmem>>) dst(%dma_wait3A_179 : memref<8x128xf32, #tpu.memory_space<hbm>>)
    %add3A_184 = arith.constant 23 : i32
    %add3A_185 = arith.addi %mul3A_2, %add3A_184 : i32
    %jit3A_186 = arith.constant 8 : i32
    %div3A_187 = arith.divsi %add3A_185, %jit3A_186 : i32
    %sign3A_188 = arith.constant 0 : i32
    %sign3A_189 = arith.cmpi sgt, %add3A_185, %sign3A_188 : i32
    %sign3A_190 = arith.extui %sign3A_189 : i1 to i32
    %sign3A_191 = arith.constant 0 : i32
    %sign3A_192 = arith.cmpi slt, %add3A_185, %sign3A_191 : i32
    %sign3A_193 = arith.extui %sign3A_192 : i1 to i32
    %sign3A_194 = arith.subi %sign3A_190, %sign3A_193 : i32
    %sign3A_195 = arith.constant 0 : i32
    %sign3A_196 = arith.cmpi sgt, %jit3A_186, %sign3A_195 : i32
    %sign3A_197 = arith.extui %sign3A_196 : i1 to i32
    %sign3A_198 = arith.constant 0 : i32
    %sign3A_199 = arith.cmpi slt, %jit3A_186, %sign3A_198 : i32
    %sign3A_200 = arith.extui %sign3A_199 : i1 to i32
    %sign3A_201 = arith.subi %sign3A_197, %sign3A_200 : i32
    %ne3A_202 = arith.cmpi ne, %sign3A_194, %sign3A_201 : i32
    %rem3A_203 = arith.remsi %add3A_185, %jit3A_186 : i32
    %ne3A_204 = arith.constant 0 : i32
    %ne3A_205 = arith.cmpi ne, %rem3A_203, %ne3A_204 : i32
    %and3A_206 = arith.andi %ne3A_202, %ne3A_205 : i1
    %sub3A_207 = arith.constant 1 : i32
    %sub3A_208 = arith.subi %div3A_187, %sub3A_207 : i32
    %select_n3A_209 = arith.select %and3A_206, %sub3A_208, %div3A_187 : i32
    %mul3A_210 = arith.constant 8 : i32
    %mul3A_211 = arith.muli %select_n3A_209, %mul3A_210 : i32
    %jit3A_212 = arith.constant 8 : i32
    %eq3A_213 = arith.constant 0 : i32
    %eq3A_214 = arith.cmpi eq, %jit3A_212, %eq3A_213 : i32
    %jit3A_215 = arith.constant 1 : i32
    %select_n3A_216 = arith.select %eq3A_214, %jit3A_215, %jit3A_212 : i32
    %rem3A_217 = arith.remsi %add3A_185, %select_n3A_216 : i32
    %ne3A_218 = arith.constant 0 : i32
    %ne3A_219 = arith.cmpi ne, %rem3A_217, %ne3A_218 : i32
    %lt3A_220 = arith.constant 0 : i32
    %lt3A_221 = arith.cmpi slt, %rem3A_217, %lt3A_220 : i32
    %lt3A_222 = arith.constant 0 : i32
    %lt3A_223 = arith.cmpi slt, %select_n3A_216, %lt3A_222 : i32
    %ne3A_224 = arith.xori %lt3A_221, %lt3A_223 : i1
    %and3A_225 = arith.andi %ne3A_224, %ne3A_219 : i1
    %add3A_226 = arith.addi %rem3A_217, %select_n3A_216 : i32
    %select_n3A_227 = arith.select %and3A_225, %add3A_226, %rem3A_217 : i32
    %mul3A_228 = arith.constant 128 : i32
    %mul3A_229 = arith.muli %select_n3A_227, %mul3A_228 : i32
    %dma_wait3A_230 = arith.constant 1 : i32
    %dma_wait3A_231 = arith.constant 1 : i32
    %dma_wait3A_232 = arith.constant 0 : i32
    %dma_wait3A_233 = arith.constant 0 : i32
    %dma_wait3A_234 = tpu.memref_slice %arg5[%dma_wait3A_230, %dma_wait3A_232, %dma_wait3A_233] : memref<2x8x128xf32, #tpu.memory_space<vmem>> -> memref<1x8x128xf32, #tpu.memory_space<vmem>>
    %dma_wait3A_235 = tpu.memref_squeeze %dma_wait3A_234 : memref<1x8x128xf32, #tpu.memory_space<vmem>> -> memref<8x128xf32, #tpu.memory_space<vmem>>
    %dma_wait3A_236 = tpu.memref_slice %arg3[%mul3A_211, %mul3A_229] : memref<768x1024xf32, #tpu.memory_space<hbm>> -> memref<8x128xf32, #tpu.memory_space<hbm>>
    %dma_wait3A_237 = tpu.memref_slice %arg7[%dma_wait3A_231] : memref<2x!tpu.dma_semaphore, #tpu.memory_space<semaphore_mem>> -> memref<1x!tpu.dma_semaphore, #tpu.memory_space<semaphore_mem>>
    %dma_wait3A_238 = tpu.memref_squeeze %dma_wait3A_237 : memref<1x!tpu.dma_semaphore, #tpu.memory_space<semaphore_mem>> -> memref<!tpu.dma_semaphore, #tpu.memory_space<semaphore_mem>>
    %dma_wait3A_239 = tpu.memref_slice %arg3[%mul3A_211, %mul3A_229] : memref<768x1024xf32, #tpu.memory_space<hbm>> -> memref<8x128xf32, #tpu.memory_space<hbm>>
    %dma_wait3A_240 = arith.constant 0 : i32
    %dma_wait3A_241 = arith.constant 0 : i32
    %dma_wait3A_242 = tpu.memref_slice %arg5[%dma_wait3A_230, %dma_wait3A_240, %dma_wait3A_241] : memref<2x8x128xf32, #tpu.memory_space<vmem>> -> memref<1x8x128xf32, #tpu.memory_space<vmem>>
    %dma_wait3A_243 = tpu.memref_squeeze %dma_wait3A_242 : memref<1x8x128xf32, #tpu.memory_space<vmem>> -> memref<8x128xf32, #tpu.memory_space<vmem>>
    tpu.wait_dma2 semaphore(%dma_wait3A_238 : memref<!tpu.dma_semaphore, #tpu.memory_space<semaphore_mem>>) src(%dma_wait3A_243 : memref<8x128xf32, #tpu.memory_space<vmem>>) dst(%dma_wait3A_239 : memref<8x128xf32, #tpu.memory_space<hbm>>)
    return
  }
}

module attributes {stable_mosaic.version = 14 : i64} {
  func.func @_tc_body(%arg0: i32, %arg1: i32, %arg2: memref<32x64x1024xf32, #tpu.memory_space<vmem>>, %arg3: memref<64x1024xf32, #tpu.memory_space<vmem>>) attributes {dimension_semantics = [#tpu.dimension_semantics<arbitrary>, #tpu.dimension_semantics<arbitrary>], iteration_bounds = array<i64: 20, 1>, scalar_prefetch = 0 : i64, scratch_operands = 0 : i64, tpu.core_type = #tpu.core_type<tc>, window_params = [{transform_indices = @transform_0, window_bounds = array<i64: 32, 64, 1024>}, {transform_indices = @transform_1, window_bounds = array<i64: 64, 1024>}]} {
    %get3A = arith.constant 0 : index
    %get3A_0 = arith.constant 0 : index
    %get3A_1 = arith.constant 0 : index
    %get3A_2 = vector.load %arg2[%get3A, %get3A_0, %get3A_1] : memref<32x64x1024xf32, #tpu.memory_space<vmem>>, vector<1x64x1024xf32>
    %get3A_3 = vector.shape_cast %get3A_2 : vector<1x64x1024xf32> to vector<64x1024xf32>
    %get3A_4 = arith.constant 1 : index
    %get3A_5 = arith.constant 0 : index
    %get3A_6 = arith.constant 0 : index
    %get3A_7 = vector.load %arg2[%get3A_4, %get3A_5, %get3A_6] : memref<32x64x1024xf32, #tpu.memory_space<vmem>>, vector<1x64x1024xf32>
    %get3A_8 = vector.shape_cast %get3A_7 : vector<1x64x1024xf32> to vector<64x1024xf32>
    %get3A_9 = arith.constant 2 : index
    %get3A_10 = arith.constant 0 : index
    %get3A_11 = arith.constant 0 : index
    %get3A_12 = vector.load %arg2[%get3A_9, %get3A_10, %get3A_11] : memref<32x64x1024xf32, #tpu.memory_space<vmem>>, vector<1x64x1024xf32>
    %get3A_13 = vector.shape_cast %get3A_12 : vector<1x64x1024xf32> to vector<64x1024xf32>
    %get3A_14 = arith.constant 3 : index
    %get3A_15 = arith.constant 0 : index
    %get3A_16 = arith.constant 0 : index
    %get3A_17 = vector.load %arg2[%get3A_14, %get3A_15, %get3A_16] : memref<32x64x1024xf32, #tpu.memory_space<vmem>>, vector<1x64x1024xf32>
    %get3A_18 = vector.shape_cast %get3A_17 : vector<1x64x1024xf32> to vector<64x1024xf32>
    %get3A_19 = arith.constant 4 : index
    %get3A_20 = arith.constant 0 : index
    %get3A_21 = arith.constant 0 : index
    %get3A_22 = vector.load %arg2[%get3A_19, %get3A_20, %get3A_21] : memref<32x64x1024xf32, #tpu.memory_space<vmem>>, vector<1x64x1024xf32>
    %get3A_23 = vector.shape_cast %get3A_22 : vector<1x64x1024xf32> to vector<64x1024xf32>
    %get3A_24 = arith.constant 5 : index
    %get3A_25 = arith.constant 0 : index
    %get3A_26 = arith.constant 0 : index
    %get3A_27 = vector.load %arg2[%get3A_24, %get3A_25, %get3A_26] : memref<32x64x1024xf32, #tpu.memory_space<vmem>>, vector<1x64x1024xf32>
    %get3A_28 = vector.shape_cast %get3A_27 : vector<1x64x1024xf32> to vector<64x1024xf32>
    %get3A_29 = arith.constant 6 : index
    %get3A_30 = arith.constant 0 : index
    %get3A_31 = arith.constant 0 : index
    %get3A_32 = vector.load %arg2[%get3A_29, %get3A_30, %get3A_31] : memref<32x64x1024xf32, #tpu.memory_space<vmem>>, vector<1x64x1024xf32>
    %get3A_33 = vector.shape_cast %get3A_32 : vector<1x64x1024xf32> to vector<64x1024xf32>
    %get3A_34 = arith.constant 7 : index
    %get3A_35 = arith.constant 0 : index
    %get3A_36 = arith.constant 0 : index
    %get3A_37 = vector.load %arg2[%get3A_34, %get3A_35, %get3A_36] : memref<32x64x1024xf32, #tpu.memory_space<vmem>>, vector<1x64x1024xf32>
    %get3A_38 = vector.shape_cast %get3A_37 : vector<1x64x1024xf32> to vector<64x1024xf32>
    %get3A_39 = arith.constant 8 : index
    %get3A_40 = arith.constant 0 : index
    %get3A_41 = arith.constant 0 : index
    %get3A_42 = vector.load %arg2[%get3A_39, %get3A_40, %get3A_41] : memref<32x64x1024xf32, #tpu.memory_space<vmem>>, vector<1x64x1024xf32>
    %get3A_43 = vector.shape_cast %get3A_42 : vector<1x64x1024xf32> to vector<64x1024xf32>
    %get3A_44 = arith.constant 9 : index
    %get3A_45 = arith.constant 0 : index
    %get3A_46 = arith.constant 0 : index
    %get3A_47 = vector.load %arg2[%get3A_44, %get3A_45, %get3A_46] : memref<32x64x1024xf32, #tpu.memory_space<vmem>>, vector<1x64x1024xf32>
    %get3A_48 = vector.shape_cast %get3A_47 : vector<1x64x1024xf32> to vector<64x1024xf32>
    %get3A_49 = arith.constant 10 : index
    %get3A_50 = arith.constant 0 : index
    %get3A_51 = arith.constant 0 : index
    %get3A_52 = vector.load %arg2[%get3A_49, %get3A_50, %get3A_51] : memref<32x64x1024xf32, #tpu.memory_space<vmem>>, vector<1x64x1024xf32>
    %get3A_53 = vector.shape_cast %get3A_52 : vector<1x64x1024xf32> to vector<64x1024xf32>
    %get3A_54 = arith.constant 11 : index
    %get3A_55 = arith.constant 0 : index
    %get3A_56 = arith.constant 0 : index
    %get3A_57 = vector.load %arg2[%get3A_54, %get3A_55, %get3A_56] : memref<32x64x1024xf32, #tpu.memory_space<vmem>>, vector<1x64x1024xf32>
    %get3A_58 = vector.shape_cast %get3A_57 : vector<1x64x1024xf32> to vector<64x1024xf32>
    %get3A_59 = arith.constant 12 : index
    %get3A_60 = arith.constant 0 : index
    %get3A_61 = arith.constant 0 : index
    %get3A_62 = vector.load %arg2[%get3A_59, %get3A_60, %get3A_61] : memref<32x64x1024xf32, #tpu.memory_space<vmem>>, vector<1x64x1024xf32>
    %get3A_63 = vector.shape_cast %get3A_62 : vector<1x64x1024xf32> to vector<64x1024xf32>
    %get3A_64 = arith.constant 13 : index
    %get3A_65 = arith.constant 0 : index
    %get3A_66 = arith.constant 0 : index
    %get3A_67 = vector.load %arg2[%get3A_64, %get3A_65, %get3A_66] : memref<32x64x1024xf32, #tpu.memory_space<vmem>>, vector<1x64x1024xf32>
    %get3A_68 = vector.shape_cast %get3A_67 : vector<1x64x1024xf32> to vector<64x1024xf32>
    %get3A_69 = arith.constant 14 : index
    %get3A_70 = arith.constant 0 : index
    %get3A_71 = arith.constant 0 : index
    %get3A_72 = vector.load %arg2[%get3A_69, %get3A_70, %get3A_71] : memref<32x64x1024xf32, #tpu.memory_space<vmem>>, vector<1x64x1024xf32>
    %get3A_73 = vector.shape_cast %get3A_72 : vector<1x64x1024xf32> to vector<64x1024xf32>
    %get3A_74 = arith.constant 15 : index
    %get3A_75 = arith.constant 0 : index
    %get3A_76 = arith.constant 0 : index
    %get3A_77 = vector.load %arg2[%get3A_74, %get3A_75, %get3A_76] : memref<32x64x1024xf32, #tpu.memory_space<vmem>>, vector<1x64x1024xf32>
    %get3A_78 = vector.shape_cast %get3A_77 : vector<1x64x1024xf32> to vector<64x1024xf32>
    %get3A_79 = arith.constant 16 : index
    %get3A_80 = arith.constant 0 : index
    %get3A_81 = arith.constant 0 : index
    %get3A_82 = vector.load %arg2[%get3A_79, %get3A_80, %get3A_81] : memref<32x64x1024xf32, #tpu.memory_space<vmem>>, vector<1x64x1024xf32>
    %get3A_83 = vector.shape_cast %get3A_82 : vector<1x64x1024xf32> to vector<64x1024xf32>
    %get3A_84 = arith.constant 17 : index
    %get3A_85 = arith.constant 0 : index
    %get3A_86 = arith.constant 0 : index
    %get3A_87 = vector.load %arg2[%get3A_84, %get3A_85, %get3A_86] : memref<32x64x1024xf32, #tpu.memory_space<vmem>>, vector<1x64x1024xf32>
    %get3A_88 = vector.shape_cast %get3A_87 : vector<1x64x1024xf32> to vector<64x1024xf32>
    %get3A_89 = arith.constant 18 : index
    %get3A_90 = arith.constant 0 : index
    %get3A_91 = arith.constant 0 : index
    %get3A_92 = vector.load %arg2[%get3A_89, %get3A_90, %get3A_91] : memref<32x64x1024xf32, #tpu.memory_space<vmem>>, vector<1x64x1024xf32>
    %get3A_93 = vector.shape_cast %get3A_92 : vector<1x64x1024xf32> to vector<64x1024xf32>
    %get3A_94 = arith.constant 19 : index
    %get3A_95 = arith.constant 0 : index
    %get3A_96 = arith.constant 0 : index
    %get3A_97 = vector.load %arg2[%get3A_94, %get3A_95, %get3A_96] : memref<32x64x1024xf32, #tpu.memory_space<vmem>>, vector<1x64x1024xf32>
    %get3A_98 = vector.shape_cast %get3A_97 : vector<1x64x1024xf32> to vector<64x1024xf32>
    %get3A_99 = arith.constant 20 : index
    %get3A_100 = arith.constant 0 : index
    %get3A_101 = arith.constant 0 : index
    %get3A_102 = vector.load %arg2[%get3A_99, %get3A_100, %get3A_101] : memref<32x64x1024xf32, #tpu.memory_space<vmem>>, vector<1x64x1024xf32>
    %get3A_103 = vector.shape_cast %get3A_102 : vector<1x64x1024xf32> to vector<64x1024xf32>
    %get3A_104 = arith.constant 21 : index
    %get3A_105 = arith.constant 0 : index
    %get3A_106 = arith.constant 0 : index
    %get3A_107 = vector.load %arg2[%get3A_104, %get3A_105, %get3A_106] : memref<32x64x1024xf32, #tpu.memory_space<vmem>>, vector<1x64x1024xf32>
    %get3A_108 = vector.shape_cast %get3A_107 : vector<1x64x1024xf32> to vector<64x1024xf32>
    %get3A_109 = arith.constant 22 : index
    %get3A_110 = arith.constant 0 : index
    %get3A_111 = arith.constant 0 : index
    %get3A_112 = vector.load %arg2[%get3A_109, %get3A_110, %get3A_111] : memref<32x64x1024xf32, #tpu.memory_space<vmem>>, vector<1x64x1024xf32>
    %get3A_113 = vector.shape_cast %get3A_112 : vector<1x64x1024xf32> to vector<64x1024xf32>
    %get3A_114 = arith.constant 23 : index
    %get3A_115 = arith.constant 0 : index
    %get3A_116 = arith.constant 0 : index
    %get3A_117 = vector.load %arg2[%get3A_114, %get3A_115, %get3A_116] : memref<32x64x1024xf32, #tpu.memory_space<vmem>>, vector<1x64x1024xf32>
    %get3A_118 = vector.shape_cast %get3A_117 : vector<1x64x1024xf32> to vector<64x1024xf32>
    %get3A_119 = arith.constant 24 : index
    %get3A_120 = arith.constant 0 : index
    %get3A_121 = arith.constant 0 : index
    %get3A_122 = vector.load %arg2[%get3A_119, %get3A_120, %get3A_121] : memref<32x64x1024xf32, #tpu.memory_space<vmem>>, vector<1x64x1024xf32>
    %get3A_123 = vector.shape_cast %get3A_122 : vector<1x64x1024xf32> to vector<64x1024xf32>
    %get3A_124 = arith.constant 25 : index
    %get3A_125 = arith.constant 0 : index
    %get3A_126 = arith.constant 0 : index
    %get3A_127 = vector.load %arg2[%get3A_124, %get3A_125, %get3A_126] : memref<32x64x1024xf32, #tpu.memory_space<vmem>>, vector<1x64x1024xf32>
    %get3A_128 = vector.shape_cast %get3A_127 : vector<1x64x1024xf32> to vector<64x1024xf32>
    %get3A_129 = arith.constant 26 : index
    %get3A_130 = arith.constant 0 : index
    %get3A_131 = arith.constant 0 : index
    %get3A_132 = vector.load %arg2[%get3A_129, %get3A_130, %get3A_131] : memref<32x64x1024xf32, #tpu.memory_space<vmem>>, vector<1x64x1024xf32>
    %get3A_133 = vector.shape_cast %get3A_132 : vector<1x64x1024xf32> to vector<64x1024xf32>
    %get3A_134 = arith.constant 27 : index
    %get3A_135 = arith.constant 0 : index
    %get3A_136 = arith.constant 0 : index
    %get3A_137 = vector.load %arg2[%get3A_134, %get3A_135, %get3A_136] : memref<32x64x1024xf32, #tpu.memory_space<vmem>>, vector<1x64x1024xf32>
    %get3A_138 = vector.shape_cast %get3A_137 : vector<1x64x1024xf32> to vector<64x1024xf32>
    %get3A_139 = arith.constant 28 : index
    %get3A_140 = arith.constant 0 : index
    %get3A_141 = arith.constant 0 : index
    %get3A_142 = vector.load %arg2[%get3A_139, %get3A_140, %get3A_141] : memref<32x64x1024xf32, #tpu.memory_space<vmem>>, vector<1x64x1024xf32>
    %get3A_143 = vector.shape_cast %get3A_142 : vector<1x64x1024xf32> to vector<64x1024xf32>
    %get3A_144 = arith.constant 29 : index
    %get3A_145 = arith.constant 0 : index
    %get3A_146 = arith.constant 0 : index
    %get3A_147 = vector.load %arg2[%get3A_144, %get3A_145, %get3A_146] : memref<32x64x1024xf32, #tpu.memory_space<vmem>>, vector<1x64x1024xf32>
    %get3A_148 = vector.shape_cast %get3A_147 : vector<1x64x1024xf32> to vector<64x1024xf32>
    %get3A_149 = arith.constant 30 : index
    %get3A_150 = arith.constant 0 : index
    %get3A_151 = arith.constant 0 : index
    %get3A_152 = vector.load %arg2[%get3A_149, %get3A_150, %get3A_151] : memref<32x64x1024xf32, #tpu.memory_space<vmem>>, vector<1x64x1024xf32>
    %get3A_153 = vector.shape_cast %get3A_152 : vector<1x64x1024xf32> to vector<64x1024xf32>
    %get3A_154 = arith.constant 31 : index
    %get3A_155 = arith.constant 0 : index
    %get3A_156 = arith.constant 0 : index
    %get3A_157 = vector.load %arg2[%get3A_154, %get3A_155, %get3A_156] : memref<32x64x1024xf32, #tpu.memory_space<vmem>>, vector<1x64x1024xf32>
    %get3A_158 = vector.shape_cast %get3A_157 : vector<1x64x1024xf32> to vector<64x1024xf32>
    %max3A = arith.maximumf %get3A_3, %get3A_8 : vector<64x1024xf32>
    %min3A = arith.minimumf %get3A_3, %get3A_8 : vector<64x1024xf32>
    %max3A_159 = arith.maximumf %get3A_13, %get3A_18 : vector<64x1024xf32>
    %min3A_160 = arith.minimumf %get3A_13, %get3A_18 : vector<64x1024xf32>
    %max3A_161 = arith.maximumf %max3A, %max3A_159 : vector<64x1024xf32>
    %min3A_162 = arith.minimumf %max3A, %max3A_159 : vector<64x1024xf32>
    %max3A_163 = arith.maximumf %min3A, %min3A_160 : vector<64x1024xf32>
    %min3A_164 = arith.minimumf %min3A, %min3A_160 : vector<64x1024xf32>
    %max3A_165 = arith.maximumf %max3A_163, %min3A_162 : vector<64x1024xf32>
    %min3A_166 = arith.minimumf %max3A_163, %min3A_162 : vector<64x1024xf32>
    %max3A_167 = arith.maximumf %get3A_23, %get3A_28 : vector<64x1024xf32>
    %min3A_168 = arith.minimumf %get3A_23, %get3A_28 : vector<64x1024xf32>
    %max3A_169 = arith.maximumf %get3A_33, %get3A_38 : vector<64x1024xf32>
    %min3A_170 = arith.minimumf %get3A_33, %get3A_38 : vector<64x1024xf32>
    %max3A_171 = arith.maximumf %max3A_167, %max3A_169 : vector<64x1024xf32>
    %min3A_172 = arith.minimumf %max3A_167, %max3A_169 : vector<64x1024xf32>
    %max3A_173 = arith.maximumf %min3A_168, %min3A_170 : vector<64x1024xf32>
    %min3A_174 = arith.minimumf %min3A_168, %min3A_170 : vector<64x1024xf32>
    %max3A_175 = arith.maximumf %max3A_173, %min3A_172 : vector<64x1024xf32>
    %min3A_176 = arith.minimumf %max3A_173, %min3A_172 : vector<64x1024xf32>
    %max3A_177 = arith.maximumf %max3A_161, %min3A_174 : vector<64x1024xf32>
    %min3A_178 = arith.minimumf %max3A_161, %min3A_174 : vector<64x1024xf32>
    %max3A_179 = arith.maximumf %max3A_165, %min3A_176 : vector<64x1024xf32>
    %min3A_180 = arith.minimumf %max3A_165, %min3A_176 : vector<64x1024xf32>
    %max3A_181 = arith.maximumf %min3A_166, %max3A_175 : vector<64x1024xf32>
    %min3A_182 = arith.minimumf %min3A_166, %max3A_175 : vector<64x1024xf32>
    %max3A_183 = arith.maximumf %min3A_164, %max3A_171 : vector<64x1024xf32>
    %min3A_184 = arith.minimumf %min3A_164, %max3A_171 : vector<64x1024xf32>
    %max3A_185 = arith.maximumf %max3A_177, %max3A_181 : vector<64x1024xf32>
    %min3A_186 = arith.minimumf %max3A_177, %max3A_181 : vector<64x1024xf32>
    %max3A_187 = arith.maximumf %max3A_179, %max3A_183 : vector<64x1024xf32>
    %min3A_188 = arith.minimumf %max3A_179, %max3A_183 : vector<64x1024xf32>
    %max3A_189 = arith.maximumf %max3A_185, %max3A_187 : vector<64x1024xf32>
    %min3A_190 = arith.minimumf %max3A_185, %max3A_187 : vector<64x1024xf32>
    %max3A_191 = arith.maximumf %min3A_186, %min3A_188 : vector<64x1024xf32>
    %min3A_192 = arith.minimumf %min3A_186, %min3A_188 : vector<64x1024xf32>
    %max3A_193 = arith.maximumf %min3A_178, %min3A_180 : vector<64x1024xf32>
    %max3A_194 = arith.maximumf %min3A_182, %min3A_184 : vector<64x1024xf32>
    %max3A_195 = arith.maximumf %max3A_193, %max3A_194 : vector<64x1024xf32>
    %max3A_196 = arith.maximumf %get3A_43, %get3A_48 : vector<64x1024xf32>
    %min3A_197 = arith.minimumf %get3A_43, %get3A_48 : vector<64x1024xf32>
    %max3A_198 = arith.maximumf %get3A_53, %get3A_58 : vector<64x1024xf32>
    %min3A_199 = arith.minimumf %get3A_53, %get3A_58 : vector<64x1024xf32>
    %max3A_200 = arith.maximumf %max3A_196, %max3A_198 : vector<64x1024xf32>
    %min3A_201 = arith.minimumf %max3A_196, %max3A_198 : vector<64x1024xf32>
    %max3A_202 = arith.maximumf %min3A_197, %min3A_199 : vector<64x1024xf32>
    %min3A_203 = arith.minimumf %min3A_197, %min3A_199 : vector<64x1024xf32>
    %max3A_204 = arith.maximumf %max3A_202, %min3A_201 : vector<64x1024xf32>
    %min3A_205 = arith.minimumf %max3A_202, %min3A_201 : vector<64x1024xf32>
    %max3A_206 = arith.maximumf %get3A_63, %get3A_68 : vector<64x1024xf32>
    %min3A_207 = arith.minimumf %get3A_63, %get3A_68 : vector<64x1024xf32>
    %max3A_208 = arith.maximumf %get3A_73, %get3A_78 : vector<64x1024xf32>
    %min3A_209 = arith.minimumf %get3A_73, %get3A_78 : vector<64x1024xf32>
    %max3A_210 = arith.maximumf %max3A_206, %max3A_208 : vector<64x1024xf32>
    %min3A_211 = arith.minimumf %max3A_206, %max3A_208 : vector<64x1024xf32>
    %max3A_212 = arith.maximumf %min3A_207, %min3A_209 : vector<64x1024xf32>
    %min3A_213 = arith.minimumf %min3A_207, %min3A_209 : vector<64x1024xf32>
    %max3A_214 = arith.maximumf %max3A_212, %min3A_211 : vector<64x1024xf32>
    %min3A_215 = arith.minimumf %max3A_212, %min3A_211 : vector<64x1024xf32>
    %max3A_216 = arith.maximumf %max3A_200, %min3A_213 : vector<64x1024xf32>
    %min3A_217 = arith.minimumf %max3A_200, %min3A_213 : vector<64x1024xf32>
    %max3A_218 = arith.maximumf %max3A_204, %min3A_215 : vector<64x1024xf32>
    %min3A_219 = arith.minimumf %max3A_204, %min3A_215 : vector<64x1024xf32>
    %max3A_220 = arith.maximumf %min3A_205, %max3A_214 : vector<64x1024xf32>
    %min3A_221 = arith.minimumf %min3A_205, %max3A_214 : vector<64x1024xf32>
    %max3A_222 = arith.maximumf %min3A_203, %max3A_210 : vector<64x1024xf32>
    %min3A_223 = arith.minimumf %min3A_203, %max3A_210 : vector<64x1024xf32>
    %max3A_224 = arith.maximumf %max3A_216, %max3A_220 : vector<64x1024xf32>
    %min3A_225 = arith.minimumf %max3A_216, %max3A_220 : vector<64x1024xf32>
    %max3A_226 = arith.maximumf %max3A_218, %max3A_222 : vector<64x1024xf32>
    %min3A_227 = arith.minimumf %max3A_218, %max3A_222 : vector<64x1024xf32>
    %max3A_228 = arith.maximumf %max3A_224, %max3A_226 : vector<64x1024xf32>
    %min3A_229 = arith.minimumf %max3A_224, %max3A_226 : vector<64x1024xf32>
    %max3A_230 = arith.maximumf %min3A_225, %min3A_227 : vector<64x1024xf32>
    %min3A_231 = arith.minimumf %min3A_225, %min3A_227 : vector<64x1024xf32>
    %max3A_232 = arith.maximumf %min3A_217, %min3A_219 : vector<64x1024xf32>
    %max3A_233 = arith.maximumf %min3A_221, %min3A_223 : vector<64x1024xf32>
    %max3A_234 = arith.maximumf %max3A_232, %max3A_233 : vector<64x1024xf32>
    %max3A_235 = arith.maximumf %get3A_83, %get3A_88 : vector<64x1024xf32>
    %min3A_236 = arith.minimumf %get3A_83, %get3A_88 : vector<64x1024xf32>
    %max3A_237 = arith.maximumf %get3A_93, %get3A_98 : vector<64x1024xf32>
    %min3A_238 = arith.minimumf %get3A_93, %get3A_98 : vector<64x1024xf32>
    %max3A_239 = arith.maximumf %max3A_235, %max3A_237 : vector<64x1024xf32>
    %min3A_240 = arith.minimumf %max3A_235, %max3A_237 : vector<64x1024xf32>
    %max3A_241 = arith.maximumf %min3A_236, %min3A_238 : vector<64x1024xf32>
    %min3A_242 = arith.minimumf %min3A_236, %min3A_238 : vector<64x1024xf32>
    %max3A_243 = arith.maximumf %max3A_241, %min3A_240 : vector<64x1024xf32>
    %min3A_244 = arith.minimumf %max3A_241, %min3A_240 : vector<64x1024xf32>
    %max3A_245 = arith.maximumf %get3A_103, %get3A_108 : vector<64x1024xf32>
    %min3A_246 = arith.minimumf %get3A_103, %get3A_108 : vector<64x1024xf32>
    %max3A_247 = arith.maximumf %get3A_113, %get3A_118 : vector<64x1024xf32>
    %min3A_248 = arith.minimumf %get3A_113, %get3A_118 : vector<64x1024xf32>
    %max3A_249 = arith.maximumf %max3A_245, %max3A_247 : vector<64x1024xf32>
    %min3A_250 = arith.minimumf %max3A_245, %max3A_247 : vector<64x1024xf32>
    %max3A_251 = arith.maximumf %min3A_246, %min3A_248 : vector<64x1024xf32>
    %min3A_252 = arith.minimumf %min3A_246, %min3A_248 : vector<64x1024xf32>
    %max3A_253 = arith.maximumf %max3A_251, %min3A_250 : vector<64x1024xf32>
    %min3A_254 = arith.minimumf %max3A_251, %min3A_250 : vector<64x1024xf32>
    %max3A_255 = arith.maximumf %max3A_239, %min3A_252 : vector<64x1024xf32>
    %min3A_256 = arith.minimumf %max3A_239, %min3A_252 : vector<64x1024xf32>
    %max3A_257 = arith.maximumf %max3A_243, %min3A_254 : vector<64x1024xf32>
    %min3A_258 = arith.minimumf %max3A_243, %min3A_254 : vector<64x1024xf32>
    %max3A_259 = arith.maximumf %min3A_244, %max3A_253 : vector<64x1024xf32>
    %min3A_260 = arith.minimumf %min3A_244, %max3A_253 : vector<64x1024xf32>
    %max3A_261 = arith.maximumf %min3A_242, %max3A_249 : vector<64x1024xf32>
    %min3A_262 = arith.minimumf %min3A_242, %max3A_249 : vector<64x1024xf32>
    %max3A_263 = arith.maximumf %max3A_255, %max3A_259 : vector<64x1024xf32>
    %min3A_264 = arith.minimumf %max3A_255, %max3A_259 : vector<64x1024xf32>
    %max3A_265 = arith.maximumf %max3A_257, %max3A_261 : vector<64x1024xf32>
    %min3A_266 = arith.minimumf %max3A_257, %max3A_261 : vector<64x1024xf32>
    %max3A_267 = arith.maximumf %max3A_263, %max3A_265 : vector<64x1024xf32>
    %min3A_268 = arith.minimumf %max3A_263, %max3A_265 : vector<64x1024xf32>
    %max3A_269 = arith.maximumf %min3A_264, %min3A_266 : vector<64x1024xf32>
    %min3A_270 = arith.minimumf %min3A_264, %min3A_266 : vector<64x1024xf32>
    %max3A_271 = arith.maximumf %min3A_256, %min3A_258 : vector<64x1024xf32>
    %max3A_272 = arith.maximumf %min3A_260, %min3A_262 : vector<64x1024xf32>
    %max3A_273 = arith.maximumf %max3A_271, %max3A_272 : vector<64x1024xf32>
    %max3A_274 = arith.maximumf %get3A_123, %get3A_128 : vector<64x1024xf32>
    %min3A_275 = arith.minimumf %get3A_123, %get3A_128 : vector<64x1024xf32>
    %max3A_276 = arith.maximumf %get3A_133, %get3A_138 : vector<64x1024xf32>
    %min3A_277 = arith.minimumf %get3A_133, %get3A_138 : vector<64x1024xf32>
    %max3A_278 = arith.maximumf %max3A_274, %max3A_276 : vector<64x1024xf32>
    %min3A_279 = arith.minimumf %max3A_274, %max3A_276 : vector<64x1024xf32>
    %max3A_280 = arith.maximumf %min3A_275, %min3A_277 : vector<64x1024xf32>
    %min3A_281 = arith.minimumf %min3A_275, %min3A_277 : vector<64x1024xf32>
    %max3A_282 = arith.maximumf %max3A_280, %min3A_279 : vector<64x1024xf32>
    %min3A_283 = arith.minimumf %max3A_280, %min3A_279 : vector<64x1024xf32>
    %max3A_284 = arith.maximumf %get3A_143, %get3A_148 : vector<64x1024xf32>
    %min3A_285 = arith.minimumf %get3A_143, %get3A_148 : vector<64x1024xf32>
    %max3A_286 = arith.maximumf %get3A_153, %get3A_158 : vector<64x1024xf32>
    %min3A_287 = arith.minimumf %get3A_153, %get3A_158 : vector<64x1024xf32>
    %max3A_288 = arith.maximumf %max3A_284, %max3A_286 : vector<64x1024xf32>
    %min3A_289 = arith.minimumf %max3A_284, %max3A_286 : vector<64x1024xf32>
    %max3A_290 = arith.maximumf %min3A_285, %min3A_287 : vector<64x1024xf32>
    %min3A_291 = arith.minimumf %min3A_285, %min3A_287 : vector<64x1024xf32>
    %max3A_292 = arith.maximumf %max3A_290, %min3A_289 : vector<64x1024xf32>
    %min3A_293 = arith.minimumf %max3A_290, %min3A_289 : vector<64x1024xf32>
    %max3A_294 = arith.maximumf %max3A_278, %min3A_291 : vector<64x1024xf32>
    %min3A_295 = arith.minimumf %max3A_278, %min3A_291 : vector<64x1024xf32>
    %max3A_296 = arith.maximumf %max3A_282, %min3A_293 : vector<64x1024xf32>
    %min3A_297 = arith.minimumf %max3A_282, %min3A_293 : vector<64x1024xf32>
    %max3A_298 = arith.maximumf %min3A_283, %max3A_292 : vector<64x1024xf32>
    %min3A_299 = arith.minimumf %min3A_283, %max3A_292 : vector<64x1024xf32>
    %max3A_300 = arith.maximumf %min3A_281, %max3A_288 : vector<64x1024xf32>
    %min3A_301 = arith.minimumf %min3A_281, %max3A_288 : vector<64x1024xf32>
    %max3A_302 = arith.maximumf %max3A_294, %max3A_298 : vector<64x1024xf32>
    %min3A_303 = arith.minimumf %max3A_294, %max3A_298 : vector<64x1024xf32>
    %max3A_304 = arith.maximumf %max3A_296, %max3A_300 : vector<64x1024xf32>
    %min3A_305 = arith.minimumf %max3A_296, %max3A_300 : vector<64x1024xf32>
    %max3A_306 = arith.maximumf %max3A_302, %max3A_304 : vector<64x1024xf32>
    %min3A_307 = arith.minimumf %max3A_302, %max3A_304 : vector<64x1024xf32>
    %max3A_308 = arith.maximumf %min3A_303, %min3A_305 : vector<64x1024xf32>
    %min3A_309 = arith.minimumf %min3A_303, %min3A_305 : vector<64x1024xf32>
    %max3A_310 = arith.maximumf %min3A_295, %min3A_297 : vector<64x1024xf32>
    %max3A_311 = arith.maximumf %min3A_299, %min3A_301 : vector<64x1024xf32>
    %max3A_312 = arith.maximumf %max3A_310, %max3A_311 : vector<64x1024xf32>
    %max3A_313 = arith.maximumf %max3A_189, %max3A_234 : vector<64x1024xf32>
    %max3A_314 = arith.maximumf %min3A_190, %min3A_231 : vector<64x1024xf32>
    %max3A_315 = arith.maximumf %max3A_191, %max3A_230 : vector<64x1024xf32>
    %max3A_316 = arith.maximumf %min3A_192, %min3A_229 : vector<64x1024xf32>
    %max3A_317 = arith.maximumf %max3A_195, %max3A_228 : vector<64x1024xf32>
    %max3A_318 = arith.maximumf %max3A_313, %max3A_317 : vector<64x1024xf32>
    %min3A_319 = arith.minimumf %max3A_313, %max3A_317 : vector<64x1024xf32>
    %max3A_320 = arith.maximumf %max3A_314, %max3A_316 : vector<64x1024xf32>
    %min3A_321 = arith.minimumf %max3A_314, %max3A_316 : vector<64x1024xf32>
    %max3A_322 = arith.maximumf %max3A_320, %min3A_319 : vector<64x1024xf32>
    %min3A_323 = arith.minimumf %max3A_320, %min3A_319 : vector<64x1024xf32>
    %max3A_324 = arith.maximumf %max3A_315, %min3A_323 : vector<64x1024xf32>
    %min3A_325 = arith.minimumf %max3A_315, %min3A_323 : vector<64x1024xf32>
    %max3A_326 = arith.maximumf %min3A_321, %min3A_325 : vector<64x1024xf32>
    %min3A_327 = arith.minimumf %min3A_321, %min3A_325 : vector<64x1024xf32>
    %max3A_328 = arith.maximumf %max3A_267, %max3A_312 : vector<64x1024xf32>
    %max3A_329 = arith.maximumf %min3A_268, %min3A_309 : vector<64x1024xf32>
    %max3A_330 = arith.maximumf %max3A_269, %max3A_308 : vector<64x1024xf32>
    %max3A_331 = arith.maximumf %min3A_270, %min3A_307 : vector<64x1024xf32>
    %max3A_332 = arith.maximumf %max3A_273, %max3A_306 : vector<64x1024xf32>
    %max3A_333 = arith.maximumf %max3A_328, %max3A_332 : vector<64x1024xf32>
    %min3A_334 = arith.minimumf %max3A_328, %max3A_332 : vector<64x1024xf32>
    %max3A_335 = arith.maximumf %max3A_329, %max3A_331 : vector<64x1024xf32>
    %min3A_336 = arith.minimumf %max3A_329, %max3A_331 : vector<64x1024xf32>
    %max3A_337 = arith.maximumf %max3A_335, %min3A_334 : vector<64x1024xf32>
    %min3A_338 = arith.minimumf %max3A_335, %min3A_334 : vector<64x1024xf32>
    %max3A_339 = arith.maximumf %max3A_330, %min3A_338 : vector<64x1024xf32>
    %min3A_340 = arith.minimumf %max3A_330, %min3A_338 : vector<64x1024xf32>
    %max3A_341 = arith.maximumf %min3A_336, %min3A_340 : vector<64x1024xf32>
    %min3A_342 = arith.minimumf %min3A_336, %min3A_340 : vector<64x1024xf32>
    %min3A_343 = arith.minimumf %max3A_318, %max3A_339 : vector<64x1024xf32>
    %min3A_344 = arith.minimumf %max3A_322, %max3A_337 : vector<64x1024xf32>
    %max3A_345 = arith.maximumf %min3A_343, %min3A_344 : vector<64x1024xf32>
    %min3A_346 = arith.minimumf %max3A_324, %max3A_333 : vector<64x1024xf32>
    %max3A_347 = arith.maximumf %max3A_326, %max3A_341 : vector<64x1024xf32>
    %max3A_348 = arith.maximumf %min3A_346, %max3A_347 : vector<64x1024xf32>
    %max3A_349 = arith.maximumf %max3A_345, %max3A_348 : vector<64x1024xf32>
    %min3A_350 = arith.minimumf %max3A_318, %max3A_341 : vector<64x1024xf32>
    %min3A_351 = arith.minimumf %max3A_322, %max3A_339 : vector<64x1024xf32>
    %max3A_352 = arith.maximumf %min3A_350, %min3A_351 : vector<64x1024xf32>
    %min3A_353 = arith.minimumf %max3A_324, %max3A_337 : vector<64x1024xf32>
    %min3A_354 = arith.minimumf %max3A_326, %max3A_333 : vector<64x1024xf32>
    %max3A_355 = arith.maximumf %min3A_353, %min3A_354 : vector<64x1024xf32>
    %max3A_356 = arith.maximumf %max3A_352, %max3A_355 : vector<64x1024xf32>
    %max3A_357 = arith.maximumf %min3A_327, %min3A_342 : vector<64x1024xf32>
    %max3A_358 = arith.maximumf %max3A_356, %max3A_357 : vector<64x1024xf32>
    %sub3A = arith.subf %max3A_349, %max3A_358 : vector<64x1024xf32>
    %mul3A = arith.constant 0.899999976 : f32
    %mul3A_359 = vector.broadcast %mul3A : f32 to vector<64x1024xf32>
    %mul3A_360 = arith.mulf %mul3A_359, %sub3A : vector<64x1024xf32>
    %add3A = arith.addf %max3A_358, %mul3A_360 : vector<64x1024xf32>
    %swap3A = arith.constant 0 : index
    %swap3A_361 = arith.constant 0 : index
    %swap3A_362 = vector.load %arg3[%swap3A, %swap3A_361] : memref<64x1024xf32, #tpu.memory_space<vmem>>, vector<64x1024xf32>
    tpu.vector_store %arg3[%swap3A, %swap3A_361], %add3A {strides = array<i32>} : memref<64x1024xf32, #tpu.memory_space<vmem>>, vector<64x1024xf32>,
    return
  }
  func.func @transform_0(%arg0: i32, %arg1: i32) -> (i32, i32, i32) {
    %add3A = arith.constant 12 : i32
    %add3A_0 = arith.addi %add3A, %arg0 : i32
    %c0_i32 = arith.constant 0 : i32
    %c0_i32_1 = arith.constant 0 : i32
    return %c0_i32, %add3A_0, %arg1 : i32, i32, i32
  }
  func.func @transform_1(%arg0: i32, %arg1: i32) -> (i32, i32) {
    %add3A = arith.constant 12 : i32
    %add3A_0 = arith.addi %add3A, %arg0 : i32
    %c0_i32 = arith.constant 0 : i32
    return %add3A_0, %arg1 : i32, i32
  }
}

</mosaic_0001>

<sc_bundles>
// kernel: kernel.4.cloned.1.call-start
scs
__scs_entry_jumppad:
0x0: {  	(pc) =	sbr.rel $0x88, $3  }
0x1: {  	(tag) =	ssettag $0x0;
	lr =	simm.s32 $0x1  }
0x2: {  	[smem:$0x3FA0] =	sst lr;
	_ =	strace $0xD0000000  }
0x3: {  	_ = 	snop  }
0x4: {  	_ = 	snop  }
0x5: {  	_ = 	snop  }
0x6: {  	_ = 	snop  }
0x7: {  	_ = 	snop  }
__scs_overlays_trampoline_lowered:
0x8: {  	[smem:$0x3FAF] =	sst s0  }
0x9: {  	[smem:$0x3FB0] =	sst s1  }
0xa: {  	[smem:$0x3FB1] =	sst s2  }
0xb: {  	[smem:$0x3FB2] =	sst s3  }
0xc: {  	[smem:$0x3FB3] =	sst s4  }
0xd: {  	[smem:$0x3FB4] =	sst s5  }
0xe: {  	[smem:$0x3FB5] =	sst s6  }
0xf: {  	[smem:$0x3FB6] =	sst s7  }
0x10: {  	[smem:$0x3FB7] =	sst s8  }
0x11: {  	[smem:$0x3FB8] =	sst s9;
	s0 =	simm.s32 @!p0 $0x0  }
0x12: {  	s1 =	sld [smem:$0x3F9E];
	s0 =	simm.s32 @p0 $0x1  }
0x13: {  	[smem:$0x3FB9] =	sst s0;
	s0 =	simm.s32 @!p1 $0x0  }
0x14: {  	s2 =	sld [smem:$0x3F9D];
	s0 =	simm.s32 @p1 $0x1  }
0x15: {  	[smem:$0x3FBA] =	sst s0;
	s0 =	simm.s32 @!p2 $0x0  }
0x16: {  	s3 =	sld [smem:$0x3FDB];
	s0 =	simm.s32 @p2 $0x1  }
0x17: {  	s4 =	simm.s32 $0x1BF5;
	[smem:$0x3FBC] =	sst s0  }
0x18: {  	s0 =	sld [smem:$0x3F9F];
	_ =	swait.ge [sflag:s4], $0x0  }
0x19: {  	s7 =	sld [smem:$0x3FA0]  }
0x1a: {  	s8 =	sadd.s32 $0xFFFFE003, lr  }
0x1b: {  	s9 =	sadd.s32 $0xFFFFFEF7, lr;
	s5 =	simm.s32 $0xFFFFFFFF;
	p2 =	slt.u32 s8, $0xFFFFF086  }
0x1c: {  	p1 =	slt.u32 s9, $0xF7A;
	s5 =	simm.s32 @!p2 $0x0  }
0x1d: {  	s5 =	simm.s32 @p1 $0x1;
	p0 =	seq.s32 s7, s2  }
0x1e: {  	s7 =	smul.u32 @!p0 $0xF7A, s2;
	p2 =	seq.s32 @!p0 s5, $0x0  }
0x1f: {  	s9 =	smul.u32 $0xF7A, s1;
	s8 =	simm.s32 @!p0 $0x1BF5;
	p2 =	por !p2, p0  }
0x20: {  	[sflag:s8] =	ssyncset.s32 @!p0 $0xFFFFF086;
	s6 =	sadd.s32 @!p0 s3, s7;
	s7 =	simm.s32 @!p0 $0x108  }
0x21: {  	s3 =	sadd.s32 s3, s9;
	s6 =	sadd.s32 @!p0 $0x88, s6;
	s7 =	simm.s32 @p2 $0x1082  }
0x22: {  	[simem:s7], [sflag:s8] =	dma.local @!p0 [hbm:s6], $0xF7A  }
0x23: {  	s9 =	sor.u32 $0xD0000000, s2;
	s6 =	simm.s32 $0x108;
	_ =	swait.ge @!p0 [sflag:s8], $0x0  }
0x24: {  	s3 =	sadd.s32 $0x88, s3;
	s6 =	simm.s32 @!p1 $0x1082;
	[sflag:s4] =	ssyncset.s32 $0xFFFFF086  }
0x25: {  	[simem:s6], [sflag:s4] =	dma.local [hbm:s3], $0xF7A  }
0x26: {  	[smem:$0x3FA0] =	sst s1;
	(tag) =	ssettag s2;
	_ =	strace s9  }
0x27: {  	s1 =	sld [smem:$0x3FB0]  }
0x28: {  	s2 =	sld [smem:$0x3FB1]  }
0x29: {  	s4 =	sld [smem:$0x3FB3]  }
0x2a: {  	p0 =	seq.s32 s5, $0x0;
	s5 =	sld [smem:$0x3FB4]  }
0x2b: {  	s6 =	sld [smem:$0x3FB5]  }
0x2c: {  	s7 =	sld [smem:$0x3FB6]  }
0x2d: {  	s3 =	simm.s32 $0x108;
	s8 =	sld [smem:$0x3FB7]  }
0x2e: {  	s3 =	simm.s32 @!p0 $0x1082;
	s9 =	sld [smem:$0x3FB8]  }
0x2f: {  	lr =	sadd.s32 s0, s3;
	s0 =	sld [smem:$0x3FAF]  }
0x30: {  	s3 =	sld [smem:$0x3FB2]  }
0x31: {  	[smem:$0x3FBB] =	sst s10  }
0x32: {  	s10 =	sld [smem:$0x3FB9];
	_ =	sdelay $0x3  }
0x33: {  	p0 =	seq.s32 s10, $0x1;
	s10 =	sld [smem:$0x3FBB];
	_ =	sdelay $0x3  }
0x34: {  	[smem:$0x3FBB] =	sst s10  }
0x35: {  	s10 =	sld [smem:$0x3FBA];
	_ =	sdelay $0x3  }
0x36: {  	p1 =	seq.s32 s10, $0x1;
	s10 =	sld [smem:$0x3FBB];
	_ =	sdelay $0x3  }
0x37: {  	[smem:$0x3FBB] =	sst s10  }
0x38: {  	s10 =	sld [smem:$0x3FBC]  }
0x39: {  	_ = 	snop;
	(pc) =	sbr.ind lr, $3  }
0x3a: {  	_ = 	snop  }
0x3b: {  	_ = 	snop  }
0x3c: {  	p2 =	seq.s32 s10, $0x1;
	s10 =	sld [smem:$0x3FBB]  }
0x3d: {  	_ =	shalt  }
0x3e: {  	_ =	shalt  }
0x3f: {  	_ =	shalt  }
0x40: {  	_ =	shalt  }
0x41: {  	_ =	shalt  }
0x42: {  	_ =	shalt  }
0x43: {  	_ =	shalt  }
0x44: {  	_ =	shalt  }
0x45: {  	_ =	shalt  }
0x46: {  	_ =	shalt  }
0x47: {  	_ =	shalt  }
0x48: {  	_ =	shalt  }
0x49: {  	_ =	shalt  }
0x4a: {  	_ =	shalt  }
0x4b: {  	_ =	shalt  }
0x4c: {  	_ =	shalt  }
0x4d: {  	_ =	shalt  }
0x4e: {  	_ =	shalt  }
0x4f: {  	_ =	shalt  }
0x50: {  	_ =	shalt  }
0x51: {  	_ =	shalt  }
0x52: {  	_ =	shalt  }
0x53: {  	_ =	shalt  }
0x54: {  	_ =	shalt  }
0x55: {  	_ =	shalt  }
0x56: {  	_ =	shalt  }
0x57: {  	_ =	shalt  }
0x58: {  	_ =	shalt  }
0x59: {  	_ =	shalt  }
0x5a: {  	_ =	shalt  }
0x5b: {  	_ =	shalt  }
0x5c: {  	_ =	shalt  }
0x5d: {  	_ =	shalt  }
0x5e: {  	_ =	shalt  }
0x5f: {  	_ =	shalt  }
0x60: {  	_ =	shalt  }
0x61: {  	_ =	shalt  }
0x62: {  	_ =	shalt  }
0x63: {  	_ =	shalt  }
0x64: {  	_ =	shalt  }
0x65: {  	_ =	shalt  }
0x66: {  	_ =	shalt  }
0x67: {  	_ =	shalt  }
0x68: {  	_ =	shalt  }
0x69: {  	_ =	shalt  }
0x6a: {  	_ =	shalt  }
0x6b: {  	_ =	shalt  }
0x6c: {  	_ =	shalt  }
0x6d: {  	_ =	shalt  }
0x6e: {  	_ =	shalt  }
0x6f: {  	_ =	shalt  }
0x70: {  	_ =	shalt  }
0x71: {  	_ =	shalt  }
0x72: {  	_ =	shalt  }
0x73: {  	_ =	shalt  }
0x74: {  	_ =	shalt  }
0x75: {  	_ =	shalt  }
0x76: {  	_ =	shalt  }
0x77: {  	_ =	shalt  }
0x78: {  	_ =	shalt  }
0x79: {  	_ =	shalt  }
0x7a: {  	_ =	shalt  }
0x7b: {  	_ =	shalt  }
0x7c: {  	_ =	shalt  }
0x7d: {  	_ =	shalt  }
0x7e: {  	_ =	shalt  }
0x7f: {  	_ =	shalt  }
0x80: {  	_ =	shalt  }
0x81: {  	_ =	shalt  }
0x82: {  	_ =	shalt  }
0x83: {  	_ =	shalt  }
0x84: {  	_ =	shalt  }
0x85: {  	_ =	shalt  }
0x86: {  	_ =	shalt  }
0x87: {  	_ =	shalt  }
.Lfunc_end0:
.L_simem_size_0:
called_computation_lowered:
.L_overlay_start_0:
0x88: {  	s2 =	sld [smem:$0x3FD9]  }
0x89: {  	s3 =	sld [smem:$0x3FFE];
	_ =	sdelay $0x1  }
0x8a: {  	s1 =	srdreg.scid  }
0x8b: {  	s0 =	sand.u32 $0x1, s1  }
0x8c: {  	s17 =	sshll.u32 s0, $0xA;
	s2 =	sadd.s32 s3, s2  }
0x8d: {  	s2 =	sadd.s32 s2, s17  }
0x8e: {  	[smem:$0x3FC7] =	sst s2  }
0x8f: {  	_ = 	snop  }
0x90: {  	s2 =	sld [smem:$0x3FC9];
	(tm) =	ssettm $0x1  }
0x91: {  	s18 =	sld [smem:$0x3FFB];
	_ =	sdelay $0x3  }
0x92: {  	_ =	strace s18  }
0x93: {  	s3 =	sld [smem:$0x3FFC];
	_ =	sdelay $0x3  }
0x94: {  	_ =	strace s3  }
0x95: {  	s3 =	sld [smem:$0x3FFD];
	_ =	sdelay $0x3  }
0x96: {  	_ =	strace s3  }
0x97: {  	_ =	strace $0x8FFFFFFF  }
0x98: {  	s19 =	sld [smem:$0x3FDB];
	_ =	sdelay $0x1  }
0x99: {  	s4 =	simm.s32 $_scs_section_size  }
0x9a: {  	s5 =	simm.s32 $_size__tile_overlayer_lowered;
	s6 =	simm.s32 $_tile_overlayer_lowered  }
0x9b: {  	s22 =	simm.s32 $0x1BFF;
	s21 =	sshll.u32 s6, $0x1;
	s3 =	sadd.s32 s4, s19  }
0x9c: {  	s7 =	simm.s32 $0x0;
	s20 =	sshll.u32 s5, $0x1;
	s5 =	sadd.s32 s21, s3  }
0x9d: {  	[timem:s7], [sflag:s22] =	dma.local [hbm:s5], s20  }
0x9e: {  	_ =	swait.ge [sflag:s22], s20  }
0x9f: {  	s4 =	ssub.s32 $0x0, s20;
	[sflag:s22] =	ssyncset.done $0x0  }
0xa0: {  	[sflag:s22] =	ssyncadd.s32 s4;
	_ =	sdelay $0x1  }
0xa1: {  	s23 =	simm.s32 $0x1B8B  }
0xa2: {  	_ =	swait.ge [sflag:s23], $0x1  }
0xa3: {  	[sflag:s23] =	ssyncset.done $0x0  }
0xa4: {  	s25 =	simm.s32 $0x1B8E;
	s24 =	sld [smem:$0x3FFE];
	[sflag:s23] =	ssyncadd.s32 $0xFFFFFFFF  }
0xa5: {  	s26 =	simm.s32 $execute0_lowered;
	[smem:$0x3FD2] =	sst s25  }
0xa6: {  	s5 =	sshll.u32 s26, $0x1;
	_ =	strace $0x80000046;
	[dreg:$0x1] =	wrdreg $0xFFFFFFFF  }
0xa7: {  	s28 =	simm.s32 $_size_execute0_lowered;
	s3 =	sadd.s32 s3, s5;
	[dreg:$0x0] =	wrdreg $0x0  }
0xa8: {  	s5 =	sshll.u32 s28, $0x1;
	[dreg:$0x2] =	wrdreg s3  }
0xa9: {  	[dreg:$0x3] =	wrdreg s5  }
0xaa: {  	[dreg:$0x4] =	wrdreg $0xC0  }
0xab: {  	_ =	task [dreg:s7], $0x5FFFF  }
0xac: {  	[dreg:$0x1] =	wrdreg $0xFFFFFFFF  }
0xad: {  	[dreg:$0x0] =	wrdreg $0x60  }
0xae: {  	[dreg:$0x2] =	wrdreg s2  }
0xaf: {  	[dreg:$0x3] =	wrdreg s24  }
0xb0: {  	[dreg:$0x4] =	wrdreg $0x9  }
0xb1: {  	_ =	task.clear_ibuf [dreg:s7], $0x5FFFF;
	_ =	strace $0x90000046  }
0xb2: {  	s29 =	simm.s32 $0x9;
	_ =	strace $0x80000048  }
0xb3: {  	_ =	swait.ge [sflag:s29], $0x1  }
0xb4: {  	[sflag:s29] =	ssyncadd.s32 $0xFFFFFFFF  }
0xb5: {  	_ =	strace $0x90000048  }
0xb6: {  	_ =	sfence  }
0xb7: {  	s30 =	sld [smem:$0x0];
	_ =	sdelay $0x2  }
0xb8: {  	s31 =	sshll.u32 s1, $0xD;
	s1 =	sshrl.u32 s1, $0x2  }
0xb9: {  	s3 =	sand.u32 $0x4000, s31;
	s1 =	sadd.s32 s1, s30  }
0xba: {  	s0 =	sor.u32 s3, s0;
	s1 =	sshll.u32 s1, $0x11  }
0xbb: {  	s0 =	sor.u32 s1, s0  }
0xbc: {  	s0 =	sadd.s32 $0x8F2B, s0  }
0xbd: {  	[sflag:s0] =	ssyncadd.remote.s32 $0x1  }
0xbe: {  	_ =	sfence.sel $0xFFFF  }
0xbf: {  	[dreg:$0x0] =	wrdreg $0xFFFFFFFF;
	(pc) =	sbr.abs _section_cstart, $3  }
0xc0: {  	[dreg:$0x1] =	wrdreg $0xFFFFFFFF  }
0xc1: {  	_ =	task.clear_ibuf [dreg:s7], $0x2FFFF;
	_ =	strace $0x9FFFFFFF  }
0xc2: {  	(tm) =	ssettm $0x7FFFFFFF  }
0xc3: {  	_ =	shalt  }
tec
execute0_lowered:
.L_overlay_start_1:
0x0: {  	(tag) =	ssettag $0x1  }
0x1: {  	s2 =	rddreg [dreg:$0x0];
	s1 =	srdreg.scid  }
0x2: {  	s0 =	stileid.u32;
	s4 =	rddreg [dreg:$0x1]  }
0x3: {  	s3 =	simm.s32 $0x0;
	s9 =	simm.s32 $0x400;
	s10 =	simm.s32 $0x200000  }
0x4: {  	s11 =	simm.s32 $0x8000;
	s12 =	simm.s32 $0x1;
	s13 =	simm.s32 $0x10000  }
0x5: {  	s14 =	simm.s32 $0x2;
	s15 =	simm.s32 $0x4;
	s16 =	simm.s32 $0x10400  }
0x6: {  	s17 =	simm.s32 $0x3;
	s5 =	sand.u32 $0x1, s1;
	s6 =	sshll.u32 s0, $0x1  }
.Ltmp0:
0x7: {  	s18 =	simm.s32 $0x0;
	s6 =	sor.u32 s5, s6;
	(pc) =	sbr.rel .LBB2_1-.Ltmp0, $4  }
0x8: {  	s1 =	rddreg [dreg:$0x2];
	s5 =	ssub.s32 $0x2, s5;
	s7 =	smul.u32 $0xC00, s6  }
0x9: {  	[smem:$0x7FF] =	sst s3;
	s4 =	sadd.s32 $0x400, s4;
	s8 =	sshrl.u32 s5, $0x1  }
0xa: {  	s8 =	ssub.s32 s5, s8;
	s5 =	smul.u32 $0x18, s6;
	s6 =	sadd.s32 s2, s7  }
0xb: {  	_ =	strace $0x80000047;
	s8 =	smax.u32 s8, $0x1;
	s7 =	sadd.s32 $0x80, s6  }
.LBB2_12:
0xc: {  	s18 =	sadd.s32 $0x1, s18  }
0xd: {  	_ =	swait.ge [sflag:s17], $0x400;
	p0 =	sne.s32 s18, s8  }
.Ltmp1:
0xe: {  	[sflag:s17] =	ssyncset.done $0x0;
	(pc) =	sbr.rel @!p0 .LBB2_13-.Ltmp1, $4  }
0xf: {  	[sflag:s17] =	ssyncadd.s32 $0xFFFFFC00  }
0x10: {  	_ =	swait.ge [sflag:s15], $0x400  }
0x11: {  	[sflag:s15] =	ssyncset.done $0x0  }
0x12: {  	[sflag:s15] =	ssyncadd.s32 $0xFFFFFC00  }
.LBB2_1:
0x13: {  	[tilespmem:s3], [sflag:$0x1] =	stream.strided.gather [hbm4b:s6+s9], $0x8000, s10, s9, $0x38;
	[tilespmem:$0x10800] =	vst v63  }
0x14: {  	s19 =	simm.s32 $0x0  }
0x15: {  	[tilespmem:s11], [sflag:$0x2] =	stream.strided.gather [hbm4b:s7+s9], $0x8000, s10, s9, $0x38;
	[tilespmem:$0x10800] =	vst v63  }
.LBB2_2:
0x16: {  	s20 =	sshll.u32 s19, $0x1;
	s22 =	sand.u32 $0x3, s19  }
0x17: {  	_ =	swait.ge [sflag:s12], $0x8000;
	p0 =	seq.s32 s19, $0x0;
	s21 =	sadd.s32 s5, s20  }
0x18: {  	p2 =	sne.s32 s22, $0x0;
	[sflag:s12] =	ssyncset.done $0x0;
	p1 =	seq.s32 s21, $0x0  }
0x19: {  	s23 =	simm.s32 @!p0 $0x3;
	[sflag:s12] =	ssyncadd.s32 $0xFFFF8000;
	p1 =	por !p2, !p1  }
0x1a: {  	s22 =	simm.s32 $0x1;
	_ =	swait.ge @!p0 [sflag:s23], $0x400;
	p1 =	por !p1, !p1  }
0x1b: {  	s24 =	sshrl.u32 s21, $0x3;
	[sflag:s23] =	ssyncset.done @!p0 $0x0;
	s22 =	simm.s32 @!p1 $0x0  }
0x1c: {  	[sflag:s23] =	ssyncadd.s32 @!p0 $0xFFFFFC00;
	s23 =	simm.s32 $0x0;
	s22 =	ssub.s32 s24, s22  }
.LBB2_3:
0x1d: {  	s24 =	sshll.u32 s23, $0x4  }
0x1e: {  	v0 =	vld [tilespmem:s24+$0x0]  }
0x1f: {  	v1 =	vld [tilespmem:s24+$0x400]  }
0x20: {  	v2 =	vld [tilespmem:s24+$0x800]  }
0x21: {  	v3 =	vld [tilespmem:s24+$0xC00]  }
0x22: {  	v4 =	vld [tilespmem:s24+$0x1000]  }
0x23: {  	v5 =	vld [tilespmem:s24+$0x1400]  }
0x24: {  	v6 =	vld [tilespmem:s24+$0x1800]  }
0x25: {  	v7 =	vld [tilespmem:s24+$0x1C00]  }
0x26: {  	v43 =	vld [tilespmem:s24+$0x2000]  }
0x27: {  	v10 =	vld [tilespmem:s24+$0x2400]  }
0x28: {  	v47 =	vld [tilespmem:s24+$0x2800]  }
0x29: {  	v12 =	vld [tilespmem:s24+$0x2C00]  }
0x2a: {  	v13 =	vld [tilespmem:s24+$0x3000]  }
0x2b: {  	v15 =	vld [tilespmem:s24+$0x3400]  }
0x2c: {  	v16 =	vld [tilespmem:s24+$0x3800]  }
0x2d: {  	v52 =	vld [tilespmem:s24+$0x3C00]  }
0x2e: {  	v63 =	vld [tilespmem:s24+$0x4000]  }
0x2f: {  	v25 =	vld [tilespmem:s24+$0x4400]  }
0x30: {  	v34 =	vld [tilespmem:s24+$0x5800]  }
0x31: {  	v21 =	vld [tilespmem:s24+$0x5C00];
	v8 =	vmax.f32 v0, v1;
	v9 =	vmax.f32 v2, v3  }
0x32: {  	v0 =	vmin.f32 v0, v1;
	v36 =	vmin.f32 v2, v3;
	v41 =	vmax.f32 v4, v5  }
0x33: {  	v27 =	vld [tilespmem:s24+$0x4800];
	v4 =	vmin.f32 v4, v5;
	v42 =	vmax.f32 v6, v7;
	v6 =	vmin.f32 v6, v7  }
0x34: {  	v17 =	vld [tilespmem:s24+$0x4C00];
	v54 =	vmax.f32 v43, v10;
	v55 =	vmax.f32 v47, v12;
	v7 =	vmin.f32 v43, v10  }
0x35: {  	v31 =	vld [tilespmem:s24+$0x5000];
	v59 =	vmax.f32 v13, v15;
	v60 =	vmin.f32 v13, v15;
	v61 =	vmax.f32 v16, v52  }
0x36: {  	v19 =	vld [tilespmem:s24+$0x5400];
	v62 =	vmin.f32 v16, v52;
	v35 =	vmax.f32 v63, v25;
	v43 =	vmax.f32 v34, v21  }
0x37: {  	v37 =	vmax.f32 v8, v9;
	v38 =	vmin.f32 v8, v9;
	v39 =	vmax.f32 v0, v36  }
0x38: {  	v0 =	vmin.f32 v0, v36;
	v44 =	vmax.f32 v41, v42;
	v5 =	vmin.f32 v41, v42  }
0x39: {  	v45 =	vmax.f32 v4, v6;
	v4 =	vmin.f32 v4, v6;
	v8 =	vmin.f32 v47, v12  }
0x3a: {  	v56 =	vmax.f32 v54, v55;
	v23 =	vmax.f32 v59, v61;
	v24 =	vmax.f32 v60, v62  }
0x3b: {  	v10 =	vmin.f32 v60, v62;
	v36 =	vmax.f32 v27, v17;
	v42 =	vmax.f32 v31, v19  }
0x3c: {  	v12 =	vmin.f32 v31, v19;
	v40 =	vmax.f32 v39, v38;
	v3 =	vmin.f32 v39, v38  }
0x3d: {  	v46 =	vmax.f32 v45, v5;
	v5 =	vmin.f32 v45, v5;
	v11 =	vmax.f32 v37, v4  }
0x3e: {  	v4 =	vmin.f32 v37, v4;
	v50 =	vmax.f32 v0, v44;
	v9 =	vmin.f32 v0, v44  }
0x3f: {  	v57 =	vmax.f32 v7, v8;
	v7 =	vmin.f32 v7, v8;
	v28 =	vmax.f32 v56, v10  }
0x40: {  	v37 =	vmin.f32 v63, v25;
	v38 =	vmin.f32 v27, v17;
	v39 =	vmax.f32 v35, v36  }
0x41: {  	v44 =	vmin.f32 v34, v21;
	v48 =	vmax.f32 v40, v5;
	v5 =	vmin.f32 v40, v5  }
0x42: {  	v49 =	vmax.f32 v3, v46;
	v6 =	vmin.f32 v3, v46;
	v18 =	vmax.f32 v7, v23  }
0x43: {  	v7 =	vmin.f32 v7, v23;
	v40 =	vmax.f32 v37, v38;
	v46 =	vmax.f32 v42, v43  }
0x44: {  	v47 =	vmax.f32 v12, v44;
	v12 =	vmin.f32 v12, v44;
	v14 =	vmax.f32 v11, v49  }
0x45: {  	v11 =	vmin.f32 v11, v49;
	v51 =	vmax.f32 v48, v50;
	v3 =	vmin.f32 v48, v50  }
0x46: {  	v4 =	vmax.f32 v4, v5;
	v53 =	vmax.f32 v6, v9;
	v5 =	vmin.f32 v54, v55  }
0x47: {  	v6 =	vmin.f32 v59, v61;
	v9 =	vmin.f32 v56, v10;
	v0 =	vmax.f32 v14, v51  }
0x48: {  	v1 =	vmin.f32 v14, v51;
	v2 =	vmax.f32 v11, v3;
	v3 =	vmin.f32 v11, v3  }
0x49: {  	v4 =	vmax.f32 v4, v53;
	v58 =	vmax.f32 v57, v5;
	v5 =	vmin.f32 v57, v5  }
0x4a: {  	v26 =	vmax.f32 v24, v6;
	v6 =	vmin.f32 v24, v6;
	v51 =	vmax.f32 v39, v12  }
0x4b: {  	v22 =	vld [tilespmem:s24+$0x6C00];
	v11 =	vmin.f32 v39, v12;
	v29 =	vmax.f32 v58, v6;
	v30 =	vmax.f32 v5, v26  }
0x4c: {  	v45 =	vld [tilespmem:s24+$0x6000];
	v6 =	vmin.f32 v58, v6;
	v5 =	vmin.f32 v5, v26;
	v32 =	vmax.f32 v28, v30  }
0x4d: {  	v48 =	vld [tilespmem:s24+$0x6400];
	v8 =	vmin.f32 v28, v30;
	v33 =	vmax.f32 v29, v18;
	v10 =	vmin.f32 v29, v18  }
0x4e: {  	v50 =	vld [tilespmem:s24+$0x6800];
	v6 =	vmax.f32 v9, v6;
	v5 =	vmax.f32 v5, v7;
	v9 =	vmin.f32 v37, v38  }
0x4f: {  	v7 =	vmin.f32 v42, v43;
	v20 =	vmax.f32 v32, v33;
	v14 =	vmin.f32 v32, v33  }
0x50: {  	v16 =	vmax.f32 v8, v10;
	v8 =	vmin.f32 v8, v10;
	v5 =	vmax.f32 v6, v5  }
0x51: {  	v6 =	vmin.f32 v35, v36;
	v49 =	vmax.f32 v47, v7;
	v7 =	vmin.f32 v47, v7  }
0x52: {  	v54 =	vld [tilespmem:s24+$0x7000];
	v23 =	vmax.f32 v9, v46;
	v9 =	vmin.f32 v9, v46;
	v41 =	vmax.f32 v40, v6  }
0x53: {  	v24 =	vld [tilespmem:s24+$0x7400];
	v6 =	vmin.f32 v40, v6;
	v59 =	vmax.f32 v45, v48;
	v60 =	vmax.f32 v50, v22  }
0x54: {  	v61 =	vmin.f32 v45, v48;
	v62 =	vmin.f32 v50, v22;
	v0 =	vmax.f32 v0, v5  }
0x55: {  	v1 =	vmax.f32 v1, v8;
	v2 =	vmax.f32 v2, v16;
	v3 =	vmax.f32 v3, v14  }
0x56: {  	v57 =	vld [tilespmem:s24+$0x7800];
	v4 =	vmax.f32 v4, v20;
	v52 =	vmax.f32 v41, v7;
	v7 =	vmin.f32 v41, v7  }
0x57: {  	v26 =	vld [tilespmem:s24+$0x7C00];
	v53 =	vmax.f32 v6, v49;
	v6 =	vmin.f32 v6, v49;
	v63 =	vmax.f32 v59, v60  }
0x58: {  	v27 =	vmax.f32 v61, v62;
	v29 =	vmax.f32 v54, v24;
	v15 =	vmin.f32 v54, v24  }
0x59: {  	v5 =	vmax.f32 v0, v4;
	v0 =	vmin.f32 v0, v4;
	v43 =	vmax.f32 v1, v3  }
0x5a: {  	v1 =	vmin.f32 v1, v3;
	v55 =	vmax.f32 v51, v53;
	v10 =	vmin.f32 v51, v53  }
0x5b: {  	v56 =	vmax.f32 v52, v23;
	v12 =	vmin.f32 v52, v23;
	v7 =	vmax.f32 v11, v7  }
0x5c: {  	v6 =	vmax.f32 v6, v9;
	v11 =	vmin.f32 v61, v62;
	v30 =	vmax.f32 v57, v26  }
0x5d: {  	v31 =	vmin.f32 v57, v26;
	v44 =	vmax.f32 v43, v0;
	v0 =	vmin.f32 v43, v0  }
0x5e: {  	v25 =	vmax.f32 v55, v56;
	v18 =	vmin.f32 v55, v56;
	v58 =	vmax.f32 v10, v12  }
0x5f: {  	v10 =	vmin.f32 v10, v12;
	v6 =	vmax.f32 v7, v6;
	v7 =	vmin.f32 v59, v60  }
0x60: {  	v32 =	vmax.f32 v29, v30;
	v9 =	vmin.f32 v29, v30;
	v33 =	vmax.f32 v15, v31  }
0x61: {  	v15 =	vmin.f32 v15, v31;
	v4 =	vmax.f32 v2, v0;
	v0 =	vmin.f32 v2, v0  }
0x62: {  	v28 =	vmax.f32 v27, v7;
	v7 =	vmin.f32 v27, v7;
	v34 =	vmax.f32 v33, v9  }
0x63: {  	v9 =	vmin.f32 v33, v9;
	v35 =	vmax.f32 v63, v15;
	v13 =	vmin.f32 v63, v15  }
0x64: {  	v21 =	vld [tilespmem:s24+$0x1810];
	v38 =	vmax.f32 v11, v32;
	v11 =	vmin.f32 v11, v32;
	v48 =	vmax.f32 v1, v0  }
0x65: {  	s25 =	sor.u32 $0x10, s24;
	v23 =	vld [tilespmem:s24+$0x1C10];
	v0 =	vmin.f32 v1, v0;
	v36 =	vmax.f32 v28, v9;
	v37 =	vmax.f32 v7, v34  }
0x66: {  	v53 =	vld [tilespmem:s25+$0x0];
	v9 =	vmin.f32 v28, v9;
	v7 =	vmin.f32 v7, v34;
	v39 =	vmax.f32 v35, v37  }
0x67: {  	v56 =	vld [tilespmem:s24+$0x410];
	v12 =	vmin.f32 v35, v37;
	v40 =	vmax.f32 v36, v38;
	v15 =	vmin.f32 v36, v38  }
0x68: {  	v20 =	vld [tilespmem:s24+$0x1410];
	v9 =	vmax.f32 v13, v9;
	v7 =	vmax.f32 v7, v11;
	v41 =	vmax.f32 v39, v40  }
0x69: {  	v63 =	vld [tilespmem:s24+$0x1010];
	v17 =	vmin.f32 v39, v40;
	v42 =	vmax.f32 v12, v15;
	v7 =	vmax.f32 v9, v7  }
0x6a: {  	v12 =	vmin.f32 v12, v15;
	v32 =	vmax.f32 v21, v23;
	v45 =	vmax.f32 v25, v7  }
0x6b: {  	v46 =	vmax.f32 v18, v12;
	v47 =	vmax.f32 v10, v17;
	v6 =	vmax.f32 v6, v41  }
0x6c: {  	v33 =	vld [tilespmem:s24+$0x2010];
	v51 =	vmax.f32 v58, v42;
	v24 =	vmax.f32 v53, v56;
	v25 =	vmin.f32 v53, v56  }
0x6d: {  	v35 =	vld [tilespmem:s24+$0x2410];
	v49 =	vmin.f32 v45, v6;
	v50 =	vmax.f32 v46, v47;
	v2 =	vmax.f32 v45, v6  }
0x6e: {  	v37 =	vld [tilespmem:s24+$0x2810];
	v54 =	vmin.f32 v46, v47;
	v31 =	vmax.f32 v63, v20;
	v52 =	vmin.f32 v50, v49  }
0x6f: {  	v40 =	vld [tilespmem:s24+$0x2C10];
	v10 =	vmax.f32 v50, v49;
	v62 =	vmin.f32 v4, v2;
	v2 =	vmin.f32 v48, v2  }
0x70: {  	v61 =	vld [tilespmem:s24+$0xC10];
	v34 =	vmax.f32 v31, v32;
	v55 =	vmin.f32 v51, v52;
	v1 =	vmax.f32 v51, v52  }
0x71: {  	v58 =	vld [tilespmem:s24+$0x810];
	v60 =	vmin.f32 v44, v10;
	v19 =	vmin.f32 v4, v10;
	v4 =	vmin.f32 v63, v20  }
0x72: {  	v52 =	vmax.f32 v33, v35;
	v53 =	vmin.f32 v33, v35;
	v57 =	vmax.f32 v54, v55  }
0x73: {  	v6 =	vmin.f32 v54, v55;
	v59 =	vmin.f32 v5, v1;
	v1 =	vmin.f32 v44, v1  }
0x74: {  	v42 =	vld [tilespmem:s24+$0x3010];
	v2 =	vmax.f32 v19, v2;
	v54 =	vmax.f32 v37, v40;
	v55 =	vmin.f32 v37, v40  }
0x75: {  	v46 =	vld [tilespmem:s24+$0x3410];
	v7 =	vmax.f32 v59, v60;
	v5 =	vmin.f32 v5, v57;
	v9 =	vmax.f32 v48, v57  }
0x76: {  	v0 =	vmax.f32 v0, v6;
	v26 =	vmax.f32 v58, v61;
	v27 =	vmin.f32 v58, v61  }
0x77: {  	v49 =	vld [tilespmem:s24+$0x3810];
	v56 =	vmin.f32 v52, v54;
	v13 =	vmax.f32 v53, v55;
	v1 =	vmax.f32 v5, v1  }
0x78: {  	v51 =	vld [tilespmem:s24+$0x3C10];
	v22 =	vmax.f32 v62, v9;
	v28 =	vmin.f32 v24, v26;
	v29 =	vmax.f32 v25, v27  }
0x79: {  	v6 =	vmax.f32 v24, v26;
	v9 =	vmin.f32 v31, v32;
	v57 =	vmax.f32 v13, v56  }
0x7a: {  	v58 =	vmax.f32 v42, v46;
	v1 =	vmax.f32 v1, v2;
	v5 =	vmax.f32 v7, v22  }
0x7b: {  	v7 =	vmin.f32 v25, v27;
	v30 =	vmax.f32 v29, v28;
	v2 =	vmin.f32 v21, v23  }
0x7c: {  	v63 =	vld [tilespmem:s24+$0x4410];
	v0 =	vmax.f32 v1, v0;
	v36 =	vmax.f32 v4, v2;
	v2 =	vmin.f32 v4, v2  }
0x7d: {  	v60 =	vld [tilespmem:s24+$0x4010];
	v45 =	vmax.f32 v7, v34;
	v7 =	vmin.f32 v7, v34;
	v59 =	vmax.f32 v49, v51  }
0x7e: {  	v61 =	vmin.f32 v49, v51;
	v1 =	vsub.f32 v5, v0;
	v5 =	vmin.f32 v29, v28  }
0x7f: {  	v38 =	vmax.f32 v36, v9;
	v9 =	vmin.f32 v36, v9;
	v39 =	vmax.f32 v6, v2  }
0x80: {  	v6 =	vmin.f32 v6, v2;
	v62 =	vmax.f32 v58, v59;
	v12 =	vmin.f32 v58, v59  }
0x81: {  	v41 =	vmax.f32 v30, v9;
	v8 =	vmin.f32 v30, v9;
	v43 =	vmax.f32 v5, v38  }
0x82: {  	v44 =	vmin.f32 v5, v38;
	v9 =	vmin.f32 v42, v46;
	v38 =	vmax.f32 v60, v63  }
0x83: {  	v47 =	vmax.f32 v39, v43;
	v48 =	vmax.f32 v41, v45;
	v10 =	vmin.f32 v39, v43  }
0x84: {  	v50 =	vmin.f32 v41, v45;
	v6 =	vmax.f32 v6, v8;
	v7 =	vmax.f32 v44, v7  }
0x85: {  	v8 =	vmax.f32 v52, v54;
	v24 =	vmax.f32 v9, v61;
	v9 =	vmin.f32 v9, v61  }
0x86: {  	v39 =	vmin.f32 v60, v63;
	v1 =	vmul.f32 $8.999999760e-01, v1;
	v3 =	vmax.f32 v47, v48  }
0x87: {  	v37 =	vld [tilespmem:s24+$0x5C10];
	v4 =	vmin.f32 v47, v48;
	v2 =	vmax.f32 v10, v50;
	v5 =	vmin.f32 v10, v50  }
0x88: {  	v25 =	vld [tilespmem:s24+$0x4810];
	v6 =	vmax.f32 v6, v7;
	v10 =	vmin.f32 v53, v55;
	v7 =	vmin.f32 v13, v56  }
0x89: {  	v28 =	vld [tilespmem:s24+$0x4C10];
	v26 =	vmax.f32 v24, v12;
	v12 =	vmin.f32 v24, v12;
	v27 =	vmax.f32 v8, v9  }
0x8a: {  	v36 =	vld [tilespmem:s24+$0x5810];
	v8 =	vmin.f32 v8, v9;
	v29 =	vmax.f32 v57, v12;
	v11 =	vmin.f32 v57, v12  }
0x8b: {  	v33 =	vld [tilespmem:s24+$0x5410];
	v31 =	vmax.f32 v7, v26;
	v7 =	vmin.f32 v7, v26;
	v32 =	vmax.f32 v10, v62  }
0x8c: {  	v49 =	vld [tilespmem:s24+$0x6410];
	v10 =	vmin.f32 v10, v62;
	v34 =	vmax.f32 v27, v31;
	v35 =	vmax.f32 v29, v32  }
0x8d: {  	v30 =	vld [tilespmem:s24+$0x5010];
	v13 =	vmin.f32 v27, v31;
	v9 =	vmin.f32 v29, v32;
	v8 =	vmax.f32 v8, v11  }
0x8e: {  	v46 =	vld [tilespmem:s24+$0x6010];
	v7 =	vmax.f32 v7, v10;
	v40 =	vmax.f32 v25, v28;
	v41 =	vmin.f32 v25, v28  }
0x8f: {  	v45 =	vmax.f32 v36, v37;
	v47 =	vmin.f32 v36, v37;
	v18 =	vmax.f32 v34, v35  }
0x90: {  	v51 =	vld [tilespmem:s24+$0x6810];
	v16 =	vmin.f32 v34, v35;
	v22 =	vmax.f32 v13, v9;
	v9 =	vmin.f32 v13, v9  }
0x91: {  	v54 =	vld [tilespmem:s24+$0x6C10];
	v7 =	vmax.f32 v8, v7;
	v42 =	vmin.f32 v38, v40;
	v15 =	vmax.f32 v39, v41  }
0x92: {  	v10 =	vmax.f32 v38, v40;
	v11 =	vmin.f32 v39, v41;
	v44 =	vmax.f32 v30, v33  }
0x93: {  	v12 =	vmin.f32 v30, v33;
	v29 =	vmax.f32 v46, v49;
	v30 =	vmin.f32 v46, v49  }
0x94: {  	v43 =	vmax.f32 v15, v42;
	v8 =	vmin.f32 v15, v42;
	v48 =	vmax.f32 v44, v45  }
0x95: {  	v59 =	vld [tilespmem:s24+$0x7410];
	v14 =	vmin.f32 v44, v45;
	v50 =	vmax.f32 v12, v47;
	v12 =	vmin.f32 v12, v47  }
0x96: {  	v56 =	vld [tilespmem:s24+$0x7010];
	v31 =	vmax.f32 v51, v54;
	v32 =	vmin.f32 v51, v54;
	v3 =	vmax.f32 v3, v7  }
0x97: {  	v4 =	vmax.f32 v4, v9;
	v5 =	vmax.f32 v5, v16;
	v6 =	vmax.f32 v6, v18  }
0x98: {  	v2 =	vmax.f32 v2, v22;
	v52 =	vmax.f32 v50, v14;
	v14 =	vmin.f32 v50, v14  }
0x99: {  	v53 =	vmax.f32 v10, v12;
	v10 =	vmin.f32 v10, v12;
	v58 =	vmax.f32 v11, v48  }
0x9a: {  	v11 =	vmin.f32 v11, v48;
	v33 =	vmin.f32 v29, v31;
	v19 =	vmax.f32 v30, v32  }
0x9b: {  	v62 =	vld [tilespmem:s24+$0x7C10];
	v35 =	vmax.f32 v56, v59;
	v51 =	vmin.f32 v3, v6;
	v3 =	vmax.f32 v3, v6  }
0x9c: {  	v28 =	vld [tilespmem:s24+$0x7810];
	v55 =	vmax.f32 v43, v14;
	v13 =	vmin.f32 v43, v14;
	v57 =	vmax.f32 v8, v52  }
0x9d: {  	v8 =	vmin.f32 v8, v52;
	v34 =	vmax.f32 v19, v33;
	v14 =	vmin.f32 v56, v59  }
0x9e: {  	v52 =	vmax.f32 v4, v5;
	v4 =	vmin.f32 v4, v5;
	v60 =	vmax.f32 v53, v57  }
0x9f: {  	v27 =	vmax.f32 v55, v58;
	v15 =	vmin.f32 v53, v57;
	v12 =	vmin.f32 v55, v58  }
0xa0: {  	v10 =	vmax.f32 v10, v13;
	v8 =	vmax.f32 v8, v11;
	v11 =	vmax.f32 v29, v31  }
0xa1: {  	v13 =	vmin.f32 v30, v32;
	v36 =	vmax.f32 v28, v62;
	v37 =	vmin.f32 v28, v62  }
0xa2: {  	v53 =	vmin.f32 v52, v51;
	v54 =	vmax.f32 v52, v51;
	v61 =	vmax.f32 v60, v27  }
0xa3: {  	v20 =	vmin.f32 v60, v27;
	v63 =	vmax.f32 v15, v12;
	v12 =	vmin.f32 v15, v12  }
0xa4: {  	v8 =	vmax.f32 v10, v8;
	v10 =	vmin.f32 v19, v33;
	v38 =	vmax.f32 v35, v36  }
0xa5: {  	v17 =	vmin.f32 v35, v36;
	v39 =	vmax.f32 v14, v37;
	v14 =	vmin.f32 v14, v37  }
0xa6: {  	v55 =	vmin.f32 v2, v53;
	v2 =	vmax.f32 v2, v53;
	v40 =	vmax.f32 v39, v17  }
0xa7: {  	s30 =	sor.u32 $0x20, s24;
	v21 =	vld [tilespmem:s24+$0x420];
	v17 =	vmin.f32 v39, v17;
	v41 =	vmax.f32 v11, v14;
	v11 =	vmin.f32 v11, v14  }
0xa8: {  	v62 =	vld [tilespmem:s30+$0x0];
	v44 =	vmax.f32 v13, v38;
	v13 =	vmin.f32 v13, v38;
	v56 =	vmax.f32 v4, v55  }
0xa9: {  	v30 =	vld [tilespmem:s24+$0x1020];
	v4 =	vmin.f32 v4, v55;
	v42 =	vmax.f32 v34, v17;
	v43 =	vmax.f32 v10, v40  }
0xaa: {  	v31 =	vld [tilespmem:s24+$0x1420];
	v15 =	vmin.f32 v34, v17;
	v10 =	vmin.f32 v10, v40;
	v45 =	vmax.f32 v41, v43  }
0xab: {  	v24 =	vld [tilespmem:s24+$0x820];
	v46 =	vmax.f32 v42, v44;
	v17 =	vmin.f32 v41, v43;
	v14 =	vmin.f32 v42, v44  }
0xac: {  	v27 =	vld [tilespmem:s24+$0xC20];
	v11 =	vmax.f32 v11, v15;
	v10 =	vmax.f32 v10, v13;
	v47 =	vmax.f32 v45, v46  }
0xad: {  	v48 =	vmin.f32 v45, v46;
	v49 =	vmax.f32 v17, v14;
	v14 =	vmin.f32 v17, v14  }
0xae: {  	v50 =	vmax.f32 v11, v10;
	v36 =	vmax.f32 v62, v21;
	v38 =	vmin.f32 v62, v21  }
0xaf: {  	v35 =	vld [tilespmem:s24+$0x1C20];
	v43 =	vmax.f32 v30, v31;
	v7 =	vmax.f32 v61, v50;
	v57 =	vmax.f32 v20, v14  }
0xb0: {  	v34 =	vld [tilespmem:s24+$0x1820];
	v58 =	vmax.f32 v12, v48;
	v8 =	vmax.f32 v8, v47;
	v60 =	vmax.f32 v63, v49  }
0xb1: {  	v37 =	vmax.f32 v24, v27;
	v39 =	vmin.f32 v24, v27;
	v59 =	vmin.f32 v7, v8  }
0xb2: {  	v12 =	vmax.f32 v57, v58;
	v7 =	vmax.f32 v7, v8;
	v10 =	vmin.f32 v57, v58  }
0xb3: {  	v40 =	vmax.f32 v36, v37;
	v41 =	vmax.f32 v38, v39;
	v61 =	vmin.f32 v12, v59  }
0xb4: {  	v53 =	vld [tilespmem:s24+$0x2C20];
	v9 =	vmax.f32 v12, v59;
	v28 =	vmin.f32 v2, v7;
	v6 =	vmin.f32 v56, v7  }
0xb5: {  	v45 =	vld [tilespmem:s24+$0x2020];
	v7 =	vmin.f32 v30, v31;
	v44 =	vmax.f32 v34, v35;
	v63 =	vmax.f32 v60, v61  }
0xb6: {  	v48 =	vld [tilespmem:s24+$0x2420];
	v8 =	vmin.f32 v60, v61;
	v23 =	vmin.f32 v54, v9;
	v2 =	vmin.f32 v2, v9  }
0xb7: {  	v50 =	vld [tilespmem:s24+$0x2820];
	v9 =	vmin.f32 v38, v39;
	v46 =	vmax.f32 v43, v44;
	v22 =	vmin.f32 v3, v63  }
0xb8: {  	v25 =	vmax.f32 v10, v8;
	v8 =	vmin.f32 v10, v8;
	v5 =	vmin.f32 v54, v63  }
0xb9: {  	v33 =	vmax.f32 v2, v6;
	v57 =	vmax.f32 v9, v46;
	v9 =	vmin.f32 v9, v46  }
0xba: {  	v26 =	vmax.f32 v22, v23;
	v29 =	vmax.f32 v56, v25;
	v3 =	vmin.f32 v3, v25  }
0xbb: {  	v4 =	vmax.f32 v4, v8;
	v8 =	vmin.f32 v43, v44;
	v23 =	vmax.f32 v45, v48  }
0xbc: {  	v24 =	vmax.f32 v50, v53;
	v13 =	vmin.f32 v45, v48;
	v12 =	vmin.f32 v50, v53  }
0xbd: {  	v59 =	vld [tilespmem:s24+$0x3420];
	v32 =	vmax.f32 v28, v29;
	v3 =	vmax.f32 v3, v5;
	v5 =	vmin.f32 v34, v35  }
0xbe: {  	v63 =	vld [tilespmem:s24+$0x3820];
	v25 =	vmax.f32 v23, v24;
	v2 =	vmax.f32 v26, v32;
	v3 =	vmax.f32 v3, v33  }
0xbf: {  	v56 =	vld [tilespmem:s24+$0x3020];
	v47 =	vmax.f32 v7, v5;
	v5 =	vmin.f32 v7, v5;
	v26 =	vmax.f32 v13, v12  }
0xc0: {  	v22 =	vld [tilespmem:s24+$0x3C20];
	v12 =	vmin.f32 v13, v12;
	v3 =	vmax.f32 v3, v4;
	v4 =	vmin.f32 v36, v37  }
0xc1: {  	v49 =	vmax.f32 v47, v8;
	v8 =	vmin.f32 v47, v8;
	v51 =	vmax.f32 v40, v5  }
0xc2: {  	v11 =	vmin.f32 v40, v5;
	v42 =	vmax.f32 v41, v4;
	v4 =	vmin.f32 v41, v4  }
0xc3: {  	v31 =	vld [tilespmem:s24+$0x4020];
	v2 =	vsub.f32 v2, v3;
	v52 =	vmax.f32 v42, v8;
	v8 =	vmin.f32 v42, v8  }
0xc4: {  	v34 =	vld [tilespmem:s24+$0x4420];
	v54 =	vmax.f32 v4, v49;
	v55 =	vmin.f32 v4, v49;
	v28 =	vmax.f32 v56, v59  }
0xc5: {  	v29 =	vmin.f32 v56, v59;
	v30 =	vmax.f32 v63, v22;
	v10 =	vmin.f32 v63, v22  }
0xc6: {  	v58 =	vmax.f32 v51, v54;
	v60 =	vmin.f32 v51, v54;
	v61 =	vmax.f32 v52, v57  }
0xc7: {  	v39 =	vld [tilespmem:s24+$0x4C20];
	v62 =	vmin.f32 v52, v57;
	v8 =	vmax.f32 v11, v8;
	v9 =	vmax.f32 v55, v9  }
0xc8: {  	v46 =	vld [tilespmem:s24+$0x5820];
	v32 =	vmax.f32 v28, v30;
	v11 =	vmin.f32 v28, v30;
	v33 =	vmax.f32 v29, v10  }
0xc9: {  	v36 =	vld [tilespmem:s24+$0x4820];
	v10 =	vmin.f32 v29, v10;
	v48 =	vmax.f32 v31, v34;
	v50 =	vmin.f32 v31, v34  }
0xca: {  	v47 =	vld [tilespmem:s24+$0x5C20];
	v4 =	vmax.f32 v58, v61;
	v5 =	vmin.f32 v58, v61;
	v6 =	vmax.f32 v60, v62  }
0xcb: {  	v7 =	vmin.f32 v60, v62;
	v8 =	vmax.f32 v8, v9;
	v9 =	vmin.f32 v23, v24  }
0xcc: {  	v44 =	vld [tilespmem:s24+$0x5420];
	v35 =	vmax.f32 v33, v11;
	v11 =	vmin.f32 v33, v11;
	v37 =	vmax.f32 v25, v10  }
0xcd: {  	v41 =	vld [tilespmem:s24+$0x5020];
	v10 =	vmin.f32 v25, v10;
	v42 =	vmax.f32 v12, v32;
	v12 =	vmin.f32 v12, v32  }
0xce: {  	v27 =	vmax.f32 v26, v9;
	v9 =	vmin.f32 v26, v9;
	v49 =	vmax.f32 v36, v39  }
0xcf: {  	v51 =	vmin.f32 v36, v39;
	v56 =	vmax.f32 v46, v47;
	v57 =	vmin.f32 v46, v47  }
0xd0: {  	v38 =	vmax.f32 v27, v11;
	v11 =	vmin.f32 v27, v11;
	v40 =	vmax.f32 v9, v35  }
0xd1: {  	v9 =	vmin.f32 v9, v35;
	v52 =	vmax.f32 v48, v49;
	v53 =	vmax.f32 v50, v51  }
0xd2: {  	v55 =	vmax.f32 v41, v44;
	v15 =	vmin.f32 v41, v44;
	v43 =	vmax.f32 v37, v40  }
0xd3: {  	v63 =	vld [tilespmem:s24+$0x6820];
	v13 =	vmin.f32 v37, v40;
	v45 =	vmax.f32 v38, v42;
	v14 =	vmin.f32 v38, v42  }
0xd4: {  	v34 =	vld [tilespmem:s24+$0x6C20];
	v10 =	vmax.f32 v10, v11;
	v9 =	vmax.f32 v9, v12;
	v12 =	vmin.f32 v50, v51  }
0xd5: {  	v58 =	vld [tilespmem:s24+$0x6020];
	v59 =	vmax.f32 v55, v56;
	v11 =	vmin.f32 v55, v56;
	v60 =	vmax.f32 v15, v57  }
0xd6: {  	v61 =	vld [tilespmem:s24+$0x6420];
	v15 =	vmin.f32 v15, v57;
	v24 =	vmax.f32 v43, v45;
	v18 =	vmin.f32 v43, v45  }
0xd7: {  	v20 =	vmax.f32 v13, v14;
	v13 =	vmin.f32 v13, v14;
	v9 =	vmax.f32 v10, v9  }
0xd8: {  	v10 =	vmin.f32 v48, v49;
	v62 =	vmax.f32 v60, v11;
	v11 =	vmin.f32 v60, v11  }
0xd9: {  	v32 =	vmax.f32 v52, v15;
	v15 =	vmin.f32 v52, v15;
	v37 =	vmax.f32 v12, v59  }
0xda: {  	v36 =	vld [tilespmem:s24+$0x7020];
	v12 =	vmin.f32 v12, v59;
	v44 =	vmax.f32 v63, v34;
	v46 =	vmin.f32 v63, v34  }
0xdb: {  	v39 =	vld [tilespmem:s24+$0x7420];
	v54 =	vmax.f32 v53, v10;
	v10 =	vmin.f32 v53, v10;
	v43 =	vmax.f32 v58, v61  }
0xdc: {  	v45 =	vmin.f32 v58, v61;
	v4 =	vmax.f32 v4, v9;
	v5 =	vmax.f32 v5, v13  }
0xdd: {  	v6 =	vmax.f32 v6, v20;
	v7 =	vmax.f32 v7, v18;
	v8 =	vmax.f32 v8, v24  }
0xde: {  	v30 =	vld [tilespmem:s24+$0x7C20];
	v33 =	vmax.f32 v54, v11;
	v11 =	vmin.f32 v54, v11;
	v35 =	vmax.f32 v10, v62  }
0xdf: {  	v41 =	vld [tilespmem:s24+$0x7820];
	v10 =	vmin.f32 v10, v62;
	v47 =	vmax.f32 v43, v44;
	v48 =	vmax.f32 v45, v46  }
0xe0: {  	v50 =	vmax.f32 v36, v39;
	v19 =	vmin.f32 v36, v39;
	v9 =	vmax.f32 v4, v8  }
0xe1: {  	v4 =	vmin.f32 v4, v8;
	v27 =	vmax.f32 v5, v7;
	v5 =	vmin.f32 v5, v7  }
0xe2: {  	v38 =	vmax.f32 v32, v35;
	v14 =	vmin.f32 v32, v35;
	v40 =	vmax.f32 v33, v37  }
0xe3: {  	v16 =	vmin.f32 v33, v37;
	v11 =	vmax.f32 v15, v11;
	v10 =	vmax.f32 v10, v12  }
0xe4: {  	v15 =	vmin.f32 v45, v46;
	v51 =	vmax.f32 v41, v30;
	v52 =	vmin.f32 v41, v30  }
0xe5: {  	v28 =	vmax.f32 v27, v4;
	v4 =	vmin.f32 v27, v4;
	v29 =	vmax.f32 v38, v40  }
0xe6: {  	v22 =	vmin.f32 v38, v40;
	v42 =	vmax.f32 v14, v16;
	v14 =	vmin.f32 v14, v16  }
0xe7: {  	v10 =	vmax.f32 v11, v10;
	v11 =	vmin.f32 v43, v44;
	v53 =	vmax.f32 v50, v51  }
0xe8: {  	v12 =	vmin.f32 v50, v51;
	v54 =	vmax.f32 v19, v52;
	v19 =	vmin.f32 v19, v52  }
0xe9: {  	v8 =	vmax.f32 v6, v4;
	v4 =	vmin.f32 v6, v4;
	v52 =	vmul.f32 $8.999999760e-01, v2  }
0xea: {  	v2 =	vadd.f32 v1, v0;
	v49 =	vmax.f32 v48, v11;
	v11 =	vmin.f32 v48, v11  }
0xeb: {  	v55 =	vmax.f32 v54, v12;
	v12 =	vmin.f32 v54, v12;
	v56 =	vmax.f32 v47, v19  }
0xec: {  	s31 =	sor.u32 $0x30, s24;
	v17 =	vmin.f32 v47, v19;
	v59 =	vmax.f32 v15, v53;
	v15 =	vmin.f32 v15, v53  }
0xed: {  	v45 =	vld [tilespmem:s31+$0x0];
	v33 =	vmax.f32 v5, v4;
	v4 =	vmin.f32 v5, v4;
	v57 =	vmax.f32 v49, v12  }
0xee: {  	v50 =	vld [tilespmem:s24+$0xC30];
	v12 =	vmin.f32 v49, v12;
	v58 =	vmax.f32 v11, v55;
	v11 =	vmin.f32 v11, v55  }
0xef: {  	v51 =	vld [tilespmem:s24+$0x1030];
	v1 =	vadd.f32 v52, v3;
	v60 =	vmax.f32 v56, v58;
	v16 =	vmin.f32 v56, v58  }
0xf0: {  	v47 =	vld [tilespmem:s24+$0x430];
	v61 =	vmax.f32 v57, v59;
	v19 =	vmin.f32 v57, v59;
	v12 =	vmax.f32 v17, v12  }
0xf1: {  	v53 =	vld [tilespmem:s24+$0x1430];
	v11 =	vmax.f32 v11, v15;
	v62 =	vmax.f32 v60, v61;
	v21 =	vmin.f32 v60, v61  }
0xf2: {  	v54 =	vld [tilespmem:s24+$0x1830];
	v63 =	vmax.f32 v16, v19;
	v16 =	vmin.f32 v16, v19;
	v11 =	vmax.f32 v12, v11  }
0xf3: {  	v49 =	vld [tilespmem:s24+$0x830];
	v30 =	vmax.f32 v29, v11;
	v31 =	vmax.f32 v22, v16;
	v10 =	vmax.f32 v10, v62  }
0xf4: {  	v55 =	vld [tilespmem:s24+$0x1C30];
	v32 =	vmax.f32 v14, v21;
	v36 =	vmax.f32 v42, v63;
	v34 =	vmin.f32 v30, v10  }
0xf5: {  	v35 =	vmax.f32 v31, v32;
	v6 =	vmax.f32 v30, v10;
	v38 =	vmin.f32 v31, v32  }
0xf6: {  	v56 =	vmax.f32 v45, v47;
	v7 =	vmin.f32 v45, v47;
	v60 =	vmax.f32 v51, v53  }
0xf7: {  	v61 =	vmin.f32 v51, v53;
	v37 =	vmin.f32 v35, v34;
	v40 =	vmax.f32 v35, v34  }
0xf8: {  	v24 =	vld [tilespmem:s24+$0x2830];
	v43 =	vmin.f32 v8, v6;
	v6 =	vmin.f32 v33, v6;
	v57 =	vmax.f32 v49, v50  }
0xf9: {  	v63 =	vld [tilespmem:s24+$0x2030];
	v62 =	vmax.f32 v54, v55;
	v3 =	vmin.f32 v54, v55;
	v39 =	vmin.f32 v36, v37  }
0xfa: {  	v22 =	vld [tilespmem:s24+$0x2430];
	v5 =	vmax.f32 v36, v37;
	v15 =	vmin.f32 v28, v40;
	v44 =	vmin.f32 v8, v40  }
0xfb: {  	v31 =	vld [tilespmem:s24+$0x3030];
	v58 =	vmax.f32 v56, v57;
	v20 =	vmax.f32 v60, v62;
	v21 =	vmax.f32 v61, v3  }
0xfc: {  	v34 =	vld [tilespmem:s24+$0x3430];
	v3 =	vmin.f32 v61, v3;
	v41 =	vmax.f32 v38, v39;
	v10 =	vmin.f32 v38, v39  }
0xfd: {  	v37 =	vld [tilespmem:s24+$0x3830];
	v42 =	vmin.f32 v9, v5;
	v5 =	vmin.f32 v28, v5;
	v6 =	vmax.f32 v44, v6  }
0xfe: {  	v25 =	vmax.f32 v58, v3;
	v26 =	vmin.f32 v58, v3;
	v28 =	vld [tilespmem:s24+$0x2C30];
	v11 =	vmax.f32 v42, v15  }
0xff: {  	v38 =	vld [tilespmem:s24+$0x3C30];
	v9 =	vmin.f32 v9, v41;
	v46 =	vmax.f32 v33, v41;
	v4 =	vmax.f32 v4, v10  }
0x100: {  	v39 =	vmax.f32 v63, v22;
	v5 =	vmax.f32 v9, v5;
	v48 =	vmax.f32 v43, v46  }
0x101: {  	v5 =	vmax.f32 v5, v6;
	v9 =	vmax.f32 v11, v48;
	v11 =	vmin.f32 v63, v22  }
0x102: {  	v44 =	vmax.f32 v31, v34;
	v4 =	vmax.f32 v5, v4;
	v5 =	vmin.f32 v49, v50  }
0x103: {  	v46 =	vld [tilespmem:s24+$0x4030];
	v9 =	vsub.f32 v9, v4;
	v8 =	vmax.f32 v7, v5;
	v5 =	vmin.f32 v7, v5  }
0x104: {  	v49 =	vld [tilespmem:s24+$0x4430];
	v40 =	vmax.f32 v24, v28;
	v10 =	vmin.f32 v24, v28;
	v45 =	vmax.f32 v37, v38  }
0x105: {  	v14 =	vmin.f32 v37, v38;
	v32 =	vmax.f32 v5, v20;
	v9 =	vmul.f32 $8.999999760e-01, v9  }
0x106: {  	v12 =	vmin.f32 v5, v20;
	v41 =	vmax.f32 v39, v40;
	v42 =	vmax.f32 v11, v10  }
0x107: {  	v10 =	vmin.f32 v11, v10;
	v47 =	vmax.f32 v44, v45;
	v0 =	vadd.f32 v9, v4  }
0x108: {  	v4 =	vmin.f32 v56, v57;
	v9 =	vmin.f32 v31, v34;
	v57 =	vmax.f32 v10, v47  }
0x109: {  	v10 =	vmin.f32 v10, v47;
	v63 =	vmax.f32 v46, v49;
	v59 =	vmax.f32 v8, v4  }
0x10a: {  	v51 =	vld [tilespmem:s24+$0x4830];
	v4 =	vmin.f32 v8, v4;
	v8 =	vmin.f32 v60, v62;
	v48 =	vmax.f32 v9, v14  }
0x10b: {  	v54 =	vld [tilespmem:s24+$0x4C30];
	v9 =	vmin.f32 v9, v14;
	v23 =	vmax.f32 v21, v8;
	v8 =	vmin.f32 v21, v8  }
0x10c: {  	v52 =	vmax.f32 v41, v9;
	v9 =	vmin.f32 v41, v9;
	v27 =	vmax.f32 v59, v8  }
0x10d: {  	v7 =	vmin.f32 v59, v8;
	v29 =	vmax.f32 v4, v23;
	v30 =	vmin.f32 v4, v23  }
0x10e: {  	v33 =	vmax.f32 v25, v29;
	v6 =	vmin.f32 v25, v29;
	v35 =	vmax.f32 v27, v32  }
0x10f: {  	v61 =	vld [tilespmem:s24+$0x5830];
	v36 =	vmin.f32 v27, v32;
	v7 =	vmax.f32 v26, v7;
	v8 =	vmax.f32 v30, v12  }
0x110: {  	v62 =	vld [tilespmem:s24+$0x5C30];
	v12 =	vmin.f32 v44, v45;
	v25 =	vmax.f32 v51, v54;
	v26 =	vmin.f32 v46, v49  }
0x111: {  	v27 =	vmin.f32 v51, v54;
	v3 =	vmax.f32 v33, v35;
	v4 =	vmin.f32 v33, v35  }
0x112: {  	v37 =	vld [tilespmem:s24+$0x6430];
	v5 =	vmax.f32 v6, v36;
	v6 =	vmin.f32 v6, v36;
	v7 =	vmax.f32 v7, v8  }
0x113: {  	v56 =	vld [tilespmem:s24+$0x5030];
	v8 =	vmin.f32 v39, v40;
	v50 =	vmax.f32 v48, v12;
	v12 =	vmin.f32 v48, v12  }
0x114: {  	v59 =	vld [tilespmem:s24+$0x5430];
	v28 =	vmax.f32 v63, v25;
	v29 =	vmax.f32 v26, v27;
	v43 =	vmax.f32 v42, v8  }
0x115: {  	v34 =	vld [tilespmem:s24+$0x6030];
	v8 =	vmin.f32 v42, v8;
	v32 =	vmax.f32 v61, v62;
	v33 =	vmin.f32 v61, v62  }
0x116: {  	v53 =	vmax.f32 v43, v12;
	v11 =	vmin.f32 v43, v12;
	v55 =	vmax.f32 v8, v50  }
0x117: {  	v8 =	vmin.f32 v8, v50;
	v58 =	vmax.f32 v52, v55;
	v12 =	vmin.f32 v52, v55  }
0x118: {  	v47 =	vld [tilespmem:s24+$0x7430];
	v60 =	vmax.f32 v53, v57;
	v13 =	vmin.f32 v53, v57;
	v9 =	vmax.f32 v9, v11  }
0x119: {  	v44 =	vld [tilespmem:s24+$0x7030];
	v8 =	vmax.f32 v8, v10;
	v11 =	vmin.f32 v26, v27;
	v31 =	vmax.f32 v56, v59  }
0x11a: {  	v14 =	vmin.f32 v56, v59;
	v53 =	vmax.f32 v34, v37;
	v55 =	vmin.f32 v34, v37  }
0x11b: {  	v23 =	vmax.f32 v58, v60;
	v17 =	vmin.f32 v58, v60;
	v19 =	vmax.f32 v12, v13  }
0x11c: {  	v12 =	vmin.f32 v12, v13;
	v8 =	vmax.f32 v9, v8;
	v9 =	vmin.f32 v63, v25  }
0x11d: {  	v35 =	vmax.f32 v31, v32;
	v10 =	vmin.f32 v31, v32;
	v36 =	vmax.f32 v14, v33  }
0x11e: {  	v39 =	vld [tilespmem:s24+$0x6830];
	v14 =	vmin.f32 v14, v33;
	v60 =	vmax.f32 v44, v47;
	v18 =	vmin.f32 v44, v47  }
0x11f: {  	v42 =	vld [tilespmem:s24+$0x6C30];
	v30 =	vmax.f32 v29, v9;
	v9 =	vmin.f32 v29, v9;
	v38 =	vmax.f32 v36, v10  }
0x120: {  	v10 =	vmin.f32 v36, v10;
	v40 =	vmax.f32 v28, v14;
	v14 =	vmin.f32 v28, v14  }
0x121: {  	v45 =	vmax.f32 v11, v35;
	v11 =	vmin.f32 v11, v35;
	v3 =	vmax.f32 v3, v8  }
0x122: {  	v4 =	vmax.f32 v4, v12;
	v5 =	vmax.f32 v5, v19;
	v6 =	vmax.f32 v6, v17  }
0x123: {  	v7 =	vmax.f32 v7, v23;
	v41 =	vmax.f32 v30, v10;
	v10 =	vmin.f32 v30, v10  }
0x124: {  	v43 =	vmax.f32 v9, v38;
	v9 =	vmin.f32 v9, v38;
	v54 =	vmax.f32 v39, v42  }
0x125: {  	v56 =	vmin.f32 v39, v42;
	v8 =	vmax.f32 v3, v7;
	v3 =	vmin.f32 v3, v7  }
0x126: {  	v49 =	vld [tilespmem:s24+$0x7830];
	v38 =	vmax.f32 v4, v6;
	v4 =	vmin.f32 v4, v6;
	v46 =	vmax.f32 v40, v43  }
0x127: {  	v52 =	vld [tilespmem:s24+$0x7C30];
	v13 =	vmin.f32 v40, v43;
	v48 =	vmax.f32 v41, v45;
	v15 =	vmin.f32 v41, v45  }
0x128: {  	v10 =	vmax.f32 v14, v10;
	v9 =	vmax.f32 v9, v11;
	v57 =	vmax.f32 v53, v54  }
0x129: {  	v58 =	vmax.f32 v55, v56;
	v14 =	vmin.f32 v55, v56;
	v39 =	vmax.f32 v38, v3  }
0x12a: {  	v3 =	vmin.f32 v38, v3;
	v50 =	vmax.f32 v46, v48;
	v21 =	vmin.f32 v46, v48  }
0x12b: {  	v51 =	vmax.f32 v13, v15;
	v13 =	vmin.f32 v13, v15;
	v9 =	vmax.f32 v10, v9  }
0x12c: {  	v10 =	vmin.f32 v53, v54;
	v61 =	vmax.f32 v49, v52;
	v62 =	vmin.f32 v49, v52  }
0x12d: {  	v7 =	vmax.f32 v5, v3;
	v3 =	vmin.f32 v5, v3;
	v59 =	vmax.f32 v58, v10  }
0x12e: {  	v10 =	vmin.f32 v58, v10;
	v63 =	vmax.f32 v60, v61;
	v11 =	vmin.f32 v60, v61  }
0x12f: {  	v27 =	vmax.f32 v18, v62;
	v18 =	vmin.f32 v18, v62;
	v43 =	vmax.f32 v4, v3  }
0x130: {  	v3 =	vmin.f32 v4, v3;
	v29 =	vmax.f32 v27, v11;
	v11 =	vmin.f32 v27, v11  }
0x131: {  	v56 =	vld [tilespmem:s24+$0xC40];
	v30 =	vmax.f32 v57, v18;
	v16 =	vmin.f32 v57, v18;
	v33 =	vmax.f32 v14, v63  }
0x132: {  	v53 =	vld [tilespmem:s24+$0x840];
	v14 =	vmin.f32 v14, v63;
	v31 =	vmax.f32 v59, v11;
	v32 =	vmax.f32 v10, v29  }
0x133: {  	v58 =	vld [tilespmem:s24+$0x1040];
	v11 =	vmin.f32 v59, v11;
	v10 =	vmin.f32 v10, v29;
	v34 =	vmax.f32 v30, v32  }
0x134: {  	v60 =	vld [tilespmem:s24+$0x1440];
	v15 =	vmin.f32 v30, v32;
	v35 =	vmax.f32 v31, v33;
	v18 =	vmin.f32 v31, v33  }
0x135: {  	v61 =	vld [tilespmem:s24+$0x1840];
	v11 =	vmax.f32 v16, v11;
	v10 =	vmax.f32 v10, v14;
	v36 =	vmax.f32 v34, v35  }
0x136: {  	v63 =	vld [tilespmem:s24+$0x1C40];
	v20 =	vmin.f32 v34, v35;
	v37 =	vmax.f32 v15, v18;
	v10 =	vmax.f32 v11, v10  }
0x137: {  	v15 =	vmin.f32 v15, v18;
	v22 =	vmin.f32 v53, v56;
	v40 =	vmax.f32 v50, v10  }
0x138: {  	v41 =	vmax.f32 v21, v15;
	v42 =	vmax.f32 v13, v20;
	v9 =	vmax.f32 v9, v36  }
0x139: {  	v46 =	vmax.f32 v51, v37;
	v21 =	vmax.f32 v53, v56;
	v26 =	vmax.f32 v58, v60  }
0x13a: {  	v28 =	vld [tilespmem:s24+$0x2040];
	v44 =	vmin.f32 v40, v9;
	v45 =	vmax.f32 v41, v42;
	v5 =	vmax.f32 v40, v9  }
0x13b: {  	v31 =	vld [tilespmem:s24+$0x2440];
	v49 =	vmin.f32 v41, v42;
	v27 =	vmax.f32 v61, v63;
	v6 =	vmin.f32 v61, v63  }
0x13c: {  	v33 =	vld [tilespmem:s24+$0x2840];
	v47 =	vmin.f32 v45, v44;
	v13 =	vmax.f32 v45, v44;
	v57 =	vmin.f32 v7, v5  }
0x13d: {  	s26 =	sor.u32 $0x40, s24;
	v35 =	vld [tilespmem:s24+$0x2C40];
	v5 =	vmin.f32 v43, v5;
	v29 =	vmin.f32 v26, v27;
	v50 =	vmin.f32 v46, v47  }
0x13e: {  	v48 =	vld [tilespmem:s26+$0x0];
	v4 =	vmax.f32 v46, v47;
	v55 =	vmin.f32 v39, v13;
	v59 =	vmin.f32 v7, v13  }
0x13f: {  	v51 =	vld [tilespmem:s24+$0x440];
	v7 =	vmin.f32 v58, v60;
	v13 =	vmax.f32 v26, v27;
	v52 =	vmax.f32 v49, v50  }
0x140: {  	v9 =	vmin.f32 v49, v50;
	v54 =	vmin.f32 v8, v4;
	v4 =	vmin.f32 v39, v4  }
0x141: {  	v5 =	vmax.f32 v59, v5;
	v30 =	vmax.f32 v7, v6;
	v6 =	vmin.f32 v7, v6  }
0x142: {  	v38 =	vld [tilespmem:s24+$0x3040];
	v49 =	vmin.f32 v28, v31;
	v50 =	vmax.f32 v33, v35;
	v14 =	vmin.f32 v33, v35  }
0x143: {  	v41 =	vld [tilespmem:s24+$0x3440];
	v10 =	vmax.f32 v54, v55;
	v8 =	vmin.f32 v8, v52;
	v12 =	vmax.f32 v43, v52  }
0x144: {  	v3 =	vmax.f32 v3, v9;
	v17 =	vmax.f32 v48, v51;
	v20 =	vmin.f32 v48, v51  }
0x145: {  	v44 =	vld [tilespmem:s24+$0x3840];
	v32 =	vmax.f32 v30, v29;
	v9 =	vmin.f32 v30, v29;
	v48 =	vmax.f32 v28, v31  }
0x146: {  	v46 =	vld [tilespmem:s24+$0x3C40];
	v52 =	vmax.f32 v49, v14;
	v4 =	vmax.f32 v8, v4;
	v62 =	vmax.f32 v57, v12  }
0x147: {  	v23 =	vmax.f32 v17, v21;
	v24 =	vmax.f32 v20, v22;
	v8 =	vmin.f32 v20, v22  }
0x148: {  	v51 =	vmax.f32 v48, v50;
	v54 =	vmax.f32 v38, v41;
	v5 =	vmax.f32 v4, v5  }
0x149: {  	v4 =	vmax.f32 v10, v62;
	v34 =	vmax.f32 v23, v6;
	v12 =	vmin.f32 v23, v6  }
0x14a: {  	v40 =	vmax.f32 v8, v13;
	v8 =	vmin.f32 v8, v13;
	v13 =	vmin.f32 v38, v41  }
0x14b: {  	v3 =	vmax.f32 v5, v3;
	v5 =	vmin.f32 v17, v21;
	v55 =	vmax.f32 v44, v46  }
0x14c: {  	v11 =	vmin.f32 v44, v46;
	v25 =	vmax.f32 v24, v5;
	v5 =	vmin.f32 v24, v5  }
0x14d: {  	v56 =	vld [tilespmem:s24+$0x4040];
	v57 =	vmin.f32 v54, v55;
	v20 =	vmax.f32 v13, v11;
	v17 =	vmax.f32 v54, v55  }
0x14e: {  	v58 =	vld [tilespmem:s24+$0x4440];
	v11 =	vmin.f32 v13, v11;
	v4 =	vsub.f32 v4, v3;
	v36 =	vmax.f32 v25, v9  }
0x14f: {  	v9 =	vmin.f32 v25, v9;
	v37 =	vmax.f32 v5, v32;
	v39 =	vmin.f32 v5, v32  }
0x150: {  	v60 =	vld [tilespmem:s24+$0x4840];
	v59 =	vmax.f32 v20, v57;
	v15 =	vmin.f32 v20, v57;
	v61 =	vmax.f32 v51, v11  }
0x151: {  	v29 =	vld [tilespmem:s24+$0x5040];
	v11 =	vmin.f32 v51, v11;
	v42 =	vmax.f32 v34, v37;
	v10 =	vmin.f32 v34, v37  }
0x152: {  	v62 =	vld [tilespmem:s24+$0x4C40];
	v43 =	vmax.f32 v36, v40;
	v45 =	vmin.f32 v36, v40;
	v9 =	vmax.f32 v12, v9  }
0x153: {  	v31 =	vld [tilespmem:s24+$0x5440];
	v47 =	vmax.f32 v39, v8;
	v12 =	vmin.f32 v49, v14;
	v36 =	vmax.f32 v56, v58  }
0x154: {  	v37 =	vmin.f32 v56, v58;
	v4 =	vmul.f32 $8.999999760e-01, v4;
	v6 =	vmax.f32 v42, v43  }
0x155: {  	v7 =	vmin.f32 v42, v43;
	v5 =	vmax.f32 v10, v45;
	v8 =	vmin.f32 v10, v45  }
0x156: {  	v9 =	vmax.f32 v9, v47;
	v10 =	vmin.f32 v48, v50;
	v30 =	vmax.f32 v12, v17  }
0x157: {  	v35 =	vld [tilespmem:s24+$0x5C40];
	v12 =	vmin.f32 v12, v17;
	v38 =	vmax.f32 v60, v62;
	v39 =	vmin.f32 v60, v62  }
0x158: {  	v46 =	vld [tilespmem:s24+$0x6040];
	v43 =	vmax.f32 v29, v31;
	v17 =	vmin.f32 v29, v31;
	v53 =	vmax.f32 v52, v10  }
0x159: {  	v55 =	vld [tilespmem:s24+$0x7040];
	v10 =	vmin.f32 v52, v10;
	v40 =	vmax.f32 v36, v38;
	v41 =	vmax.f32 v37, v39  }
0x15a: {  	v34 =	vld [tilespmem:s24+$0x5840];
	v63 =	vmax.f32 v53, v15;
	v14 =	vmin.f32 v53, v15;
	v28 =	vmax.f32 v10, v59  }
0x15b: {  	v57 =	vld [tilespmem:s24+$0x7440];
	v10 =	vmin.f32 v10, v59;
	v32 =	vmax.f32 v61, v28;
	v15 =	vmin.f32 v61, v28  }
0x15c: {  	v48 =	vld [tilespmem:s24+$0x6440];
	v33 =	vmax.f32 v63, v30;
	v13 =	vmin.f32 v63, v30;
	v11 =	vmax.f32 v11, v14  }
0x15d: {  	v60 =	vld [tilespmem:s24+$0x7840];
	v10 =	vmax.f32 v10, v12;
	v22 =	vmax.f32 v32, v33;
	v20 =	vmin.f32 v32, v33  }
0x15e: {  	v62 =	vld [tilespmem:s24+$0x7C40];
	v26 =	vmax.f32 v15, v13;
	v12 =	vmin.f32 v15, v13;
	v10 =	vmax.f32 v11, v10  }
0x15f: {  	v11 =	vmin.f32 v36, v38;
	v13 =	vmin.f32 v37, v39;
	v44 =	vmax.f32 v34, v35  }
0x160: {  	v45 =	vmin.f32 v34, v35;
	v38 =	vmax.f32 v55, v57;
	v42 =	vmax.f32 v41, v11  }
0x161: {  	v50 =	vld [tilespmem:s24+$0x6840];
	v11 =	vmin.f32 v41, v11;
	v47 =	vmin.f32 v43, v44;
	v24 =	vmax.f32 v17, v45  }
0x162: {  	v52 =	vld [tilespmem:s24+$0x6C40];
	v18 =	vmax.f32 v43, v44;
	v17 =	vmin.f32 v17, v45;
	v32 =	vmax.f32 v46, v48  }
0x163: {  	v33 =	vmin.f32 v46, v48;
	v39 =	vmax.f32 v60, v62;
	v6 =	vmax.f32 v6, v10  }
0x164: {  	v7 =	vmax.f32 v7, v12;
	v8 =	vmax.f32 v8, v20;
	v9 =	vmax.f32 v9, v22  }
0x165: {  	v5 =	vmax.f32 v5, v26;
	v49 =	vmax.f32 v24, v47;
	v14 =	vmin.f32 v24, v47  }
0x166: {  	v51 =	vmax.f32 v40, v17;
	v16 =	vmin.f32 v40, v17;
	v56 =	vmax.f32 v13, v18  }
0x167: {  	v13 =	vmin.f32 v13, v18;
	v34 =	vmax.f32 v50, v52;
	v17 =	vmin.f32 v50, v52  }
0x168: {  	v18 =	vmin.f32 v55, v57;
	v40 =	vmin.f32 v60, v62;
	v41 =	vmin.f32 v38, v39  }
0x169: {  	v21 =	vmax.f32 v38, v39;
	v10 =	vmin.f32 v6, v9;
	v12 =	vmax.f32 v7, v8  }
0x16a: {  	v6 =	vmax.f32 v6, v9;
	v7 =	vmin.f32 v7, v8;
	v53 =	vmax.f32 v42, v14  }
0x16b: {  	v14 =	vmin.f32 v42, v14;
	v54 =	vmax.f32 v11, v49;
	v11 =	vmin.f32 v11, v49  }
0x16c: {  	v35 =	vmax.f32 v32, v34;
	v36 =	vmax.f32 v33, v17;
	v28 =	vmax.f32 v18, v40  }
0x16d: {  	v18 =	vmin.f32 v18, v40;
	v52 =	vmax.f32 v12, v10;
	v58 =	vmax.f32 v51, v54  }
0x16e: {  	v15 =	vmin.f32 v51, v54;
	v59 =	vmax.f32 v53, v56;
	v19 =	vmin.f32 v53, v56  }
0x16f: {  	v14 =	vmax.f32 v16, v14;
	v11 =	vmax.f32 v11, v13;
	v42 =	vmax.f32 v28, v41  }
0x170: {  	v16 =	vmin.f32 v28, v41;
	v25 =	vmax.f32 v35, v18;
	v18 =	vmin.f32 v35, v18  }
0x171: {  	v51 =	vmin.f32 v12, v10;
	v61 =	vmax.f32 v58, v59;
	v24 =	vmin.f32 v58, v59  }
0x172: {  	v31 =	vmax.f32 v15, v19;
	v63 =	vmin.f32 v15, v19;
	v11 =	vmax.f32 v14, v11  }
0x173: {  	v14 =	vmin.f32 v32, v34;
	v15 =	vmin.f32 v33, v17;
	v53 =	vmax.f32 v5, v51  }
0x174: {  	v5 =	vmin.f32 v5, v51;
	v37 =	vmax.f32 v36, v14;
	v14 =	vmin.f32 v36, v14  }
0x175: {  	v62 =	vld [tilespmem:s24+$0x450];
	v45 =	vmax.f32 v15, v21;
	v15 =	vmin.f32 v15, v21;
	v8 =	vmax.f32 v7, v5  }
0x176: {  	s28 =	sor.u32 $0x50, s24;
	v35 =	vld [tilespmem:s24+$0x1C50];
	v5 =	vmin.f32 v7, v5;
	v43 =	vmax.f32 v37, v16;
	v44 =	vmax.f32 v14, v42  }
0x177: {  	v59 =	vld [tilespmem:s28+$0x0];
	v16 =	vmin.f32 v37, v16;
	v14 =	vmin.f32 v14, v42;
	v46 =	vmax.f32 v25, v44  }
0x178: {  	v34 =	vld [tilespmem:s24+$0x1850];
	v17 =	vmin.f32 v25, v44;
	v47 =	vmax.f32 v43, v45;
	v19 =	vmin.f32 v43, v45  }
0x179: {  	v16 =	vmax.f32 v18, v16;
	v14 =	vmax.f32 v14, v15;
	v48 =	vmax.f32 v46, v47  }
0x17a: {  	v21 =	vmin.f32 v46, v47;
	v50 =	vmin.f32 v17, v19;
	v14 =	vmax.f32 v16, v14  }
0x17b: {  	v49 =	vmax.f32 v17, v19;
	v54 =	vmax.f32 v61, v14;
	v55 =	vmax.f32 v24, v50  }
0x17c: {  	v27 =	vld [tilespmem:s24+$0xC50];
	v13 =	vmax.f32 v63, v21;
	v11 =	vmax.f32 v11, v48;
	v56 =	vmax.f32 v31, v49  }
0x17d: {  	v44 =	vld [tilespmem:s24+$0x2050];
	v36 =	vmax.f32 v59, v62;
	v37 =	vmin.f32 v59, v62;
	v43 =	vmax.f32 v34, v35  }
0x17e: {  	v47 =	vld [tilespmem:s24+$0x2450];
	v57 =	vmin.f32 v54, v11;
	v58 =	vmax.f32 v55, v13;
	v7 =	vmax.f32 v54, v11  }
0x17f: {  	v33 =	vld [tilespmem:s24+$0x1450];
	v60 =	vmin.f32 v55, v13;
	v61 =	vmin.f32 v58, v57;
	v15 =	vmax.f32 v58, v57  }
0x180: {  	v24 =	vld [tilespmem:s24+$0x850];
	v29 =	vmin.f32 v53, v7;
	v7 =	vmin.f32 v8, v7;
	v63 =	vmax.f32 v56, v61  }
0x181: {  	v31 =	vld [tilespmem:s24+$0x1050];
	v12 =	vmin.f32 v56, v61;
	v28 =	vmin.f32 v52, v15;
	v10 =	vmin.f32 v53, v15  }
0x182: {  	v25 =	vmax.f32 v60, v12;
	v11 =	vmin.f32 v60, v12;
	v26 =	vmin.f32 v6, v63  }
0x183: {  	v9 =	vmin.f32 v52, v63;
	v7 =	vmax.f32 v10, v7;
	v15 =	vmin.f32 v44, v47  }
0x184: {  	v30 =	vmax.f32 v8, v25;
	v12 =	vmax.f32 v26, v28;
	v18 =	vmin.f32 v6, v25  }
0x185: {  	v5 =	vmax.f32 v5, v11;
	v38 =	vmax.f32 v24, v27;
	v39 =	vmin.f32 v24, v27  }
0x186: {  	v42 =	vmax.f32 v31, v33;
	v45 =	vmin.f32 v31, v33;
	v8 =	vmin.f32 v34, v35  }
0x187: {  	v55 =	vld [tilespmem:s24+$0x3050];
	v27 =	vmax.f32 v44, v47;
	v32 =	vmax.f32 v29, v30;
	v9 =	vmax.f32 v18, v9  }
0x188: {  	v58 =	vld [tilespmem:s24+$0x3450];
	v40 =	vmin.f32 v36, v38;
	v14 =	vmax.f32 v37, v39;
	v11 =	vmin.f32 v37, v39  }
0x189: {  	v46 =	vmax.f32 v42, v43;
	v13 =	vmin.f32 v42, v43;
	v48 =	vmax.f32 v45, v8  }
0x18a: {  	v49 =	vld [tilespmem:s24+$0x2850];
	v8 =	vmin.f32 v45, v8;
	v6 =	vmax.f32 v12, v32;
	v7 =	vmax.f32 v9, v7  }
0x18b: {  	v61 =	vld [tilespmem:s24+$0x3850];
	v9 =	vmax.f32 v36, v38;
	v41 =	vmax.f32 v14, v40;
	v50 =	vmax.f32 v48, v13  }
0x18c: {  	v52 =	vld [tilespmem:s24+$0x2C50];
	v13 =	vmin.f32 v48, v13;
	v57 =	vmax.f32 v11, v46;
	v11 =	vmin.f32 v11, v46  }
0x18d: {  	v63 =	vld [tilespmem:s24+$0x3C50];
	v32 =	vmax.f32 v55, v58;
	v5 =	vmax.f32 v7, v5;
	v7 =	vmin.f32 v14, v40  }
0x18e: {  	v51 =	vmax.f32 v9, v8;
	v53 =	vmin.f32 v9, v8;
	v54 =	vmax.f32 v41, v13  }
0x18f: {  	v12 =	vmin.f32 v41, v13;
	v13 =	vmin.f32 v55, v58;
	v56 =	vmax.f32 v7, v50  }
0x190: {  	v44 =	vld [tilespmem:s24+$0x5050];
	v18 =	vmin.f32 v7, v50;
	v60 =	vmax.f32 v54, v57;
	v62 =	vmin.f32 v54, v57  }
0x191: {  	v47 =	vld [tilespmem:s24+$0x5450];
	v12 =	vmax.f32 v53, v12;
	v28 =	vmax.f32 v49, v52;
	v16 =	vmin.f32 v49, v52  }
0x192: {  	v33 =	vmax.f32 v61, v63;
	v35 =	vmin.f32 v61, v63;
	v6 =	vsub.f32 v6, v5  }
0x193: {  	v34 =	vld [tilespmem:s24+$0x4050];
	v59 =	vmax.f32 v51, v56;
	v14 =	vmin.f32 v51, v56;
	v11 =	vmax.f32 v18, v11  }
0x194: {  	v37 =	vld [tilespmem:s24+$0x4450];
	v29 =	vmin.f32 v27, v28;
	v30 =	vmax.f32 v15, v16;
	v15 =	vmin.f32 v15, v16  }
0x195: {  	v39 =	vld [tilespmem:s24+$0x4850];
	v36 =	vmax.f32 v32, v33;
	v17 =	vmin.f32 v32, v33;
	v38 =	vmax.f32 v13, v35  }
0x196: {  	v42 =	vld [tilespmem:s24+$0x4C50];
	v13 =	vmin.f32 v13, v35;
	v58 =	vmax.f32 v44, v47;
	v8 =	vmax.f32 v59, v60  }
0x197: {  	v9 =	vmin.f32 v59, v60;
	v7 =	vmax.f32 v14, v62;
	v10 =	vmin.f32 v14, v62  }
0x198: {  	v11 =	vmax.f32 v12, v11;
	v14 =	vmax.f32 v27, v28;
	v31 =	vmax.f32 v30, v29  }
0x199: {  	v12 =	vmin.f32 v30, v29;
	v40 =	vmax.f32 v38, v17;
	v17 =	vmin.f32 v38, v17  }
0x19a: {  	v46 =	vmax.f32 v15, v36;
	v15 =	vmin.f32 v15, v36;
	v52 =	vmax.f32 v34, v37  }
0x19b: {  	v53 =	vmin.f32 v34, v37;
	v54 =	vmax.f32 v39, v42;
	v55 =	vmin.f32 v39, v42  }
0x19c: {  	v6 =	vmul.f32 $8.999999760e-01, v6;
	v41 =	vmax.f32 v14, v13;
	v13 =	vmin.f32 v14, v13  }
0x19d: {  	v43 =	vmax.f32 v31, v17;
	v16 =	vmin.f32 v31, v17;
	v45 =	vmax.f32 v12, v40  }
0x19e: {  	v50 =	vld [tilespmem:s24+$0x5850];
	v12 =	vmin.f32 v12, v40;
	v56 =	vmin.f32 v52, v54;
	v20 =	vmax.f32 v53, v55  }
0x19f: {  	v51 =	vld [tilespmem:s24+$0x5C50];
	v17 =	vmin.f32 v44, v47;
	v48 =	vmax.f32 v41, v45;
	v49 =	vmax.f32 v43, v46  }
0x1a0: {  	v18 =	vmin.f32 v41, v45;
	v14 =	vmin.f32 v43, v46;
	v13 =	vmax.f32 v13, v16  }
0x1a1: {  	v12 =	vmax.f32 v12, v15;
	v15 =	vmax.f32 v52, v54;
	v16 =	vmin.f32 v53, v55  }
0x1a2: {  	v63 =	vld [tilespmem:s24+$0x6450];
	v57 =	vmax.f32 v20, v56;
	v23 =	vmax.f32 v48, v49;
	v21 =	vmin.f32 v48, v49  }
0x1a3: {  	v60 =	vld [tilespmem:s24+$0x6050];
	v27 =	vmax.f32 v18, v14;
	v14 =	vmin.f32 v18, v14;
	v12 =	vmax.f32 v13, v12  }
0x1a4: {  	v37 =	vld [tilespmem:s24+$0x6850];
	v13 =	vmin.f32 v20, v56;
	v59 =	vmax.f32 v50, v51;
	v61 =	vmin.f32 v50, v51  }
0x1a5: {  	v40 =	vld [tilespmem:s24+$0x6C50];
	v8 =	vmax.f32 v8, v12;
	v9 =	vmax.f32 v9, v14;
	v10 =	vmax.f32 v10, v21  }
0x1a6: {  	v11 =	vmax.f32 v11, v23;
	v7 =	vmax.f32 v7, v27;
	v62 =	vmax.f32 v58, v59  }
0x1a7: {  	v19 =	vmin.f32 v58, v59;
	v36 =	vmax.f32 v17, v61;
	v17 =	vmin.f32 v17, v61  }
0x1a8: {  	v42 =	vld [tilespmem:s24+$0x7050];
	v49 =	vmax.f32 v60, v63;
	v50 =	vmin.f32 v60, v63;
	v38 =	vmax.f32 v36, v19  }
0x1a9: {  	v45 =	vld [tilespmem:s24+$0x7450];
	v19 =	vmin.f32 v36, v19;
	v39 =	vmax.f32 v15, v17;
	v15 =	vmin.f32 v15, v17  }
0x1aa: {  	v44 =	vmax.f32 v16, v62;
	v16 =	vmin.f32 v16, v62;
	v51 =	vmax.f32 v37, v40  }
0x1ab: {  	v33 =	vld [tilespmem:s24+$0x7850];
	v52 =	vmin.f32 v37, v40;
	v40 =	vmin.f32 v8, v11;
	v8 =	vmax.f32 v8, v11  }
0x1ac: {  	v48 =	vld [tilespmem:s24+$0x7C50];
	v41 =	vmax.f32 v57, v19;
	v18 =	vmin.f32 v57, v19;
	v43 =	vmax.f32 v13, v38  }
0x1ad: {  	v13 =	vmin.f32 v13, v38;
	v53 =	vmin.f32 v49, v51;
	v24 =	vmax.f32 v50, v52  }
0x1ae: {  	v55 =	vmax.f32 v42, v45;
	v19 =	vmin.f32 v42, v45;
	v46 =	vmax.f32 v39, v43  }
0x1af: {  	v32 =	vmax.f32 v41, v44;
	v20 =	vmin.f32 v39, v43;
	v17 =	vmin.f32 v41, v44  }
0x1b0: {  	v15 =	vmax.f32 v15, v18;
	v13 =	vmax.f32 v13, v16;
	v16 =	vmax.f32 v49, v51  }
0x1b1: {  	v18 =	vmin.f32 v50, v52;
	v54 =	vmax.f32 v24, v53;
	v56 =	vmax.f32 v33, v48  }
0x1b2: {  	v57 =	vmin.f32 v33, v48;
	v41 =	vmax.f32 v9, v10;
	v9 =	vmin.f32 v9, v10  }
0x1b3: {  	v47 =	vmax.f32 v46, v32;
	v25 =	vmin.f32 v46, v32;
	v32 =	vmax.f32 v20, v17  }
0x1b4: {  	v17 =	vmin.f32 v20, v17;
	v13 =	vmax.f32 v15, v13;
	v15 =	vmin.f32 v24, v53  }
0x1b5: {  	v58 =	vmax.f32 v55, v56;
	v22 =	vmin.f32 v55, v56;
	v59 =	vmax.f32 v19, v57  }
0x1b6: {  	v19 =	vmin.f32 v19, v57;
	v42 =	vmin.f32 v41, v40;
	v43 =	vmax.f32 v41, v40  }
0x1b7: {  	v60 =	vmax.f32 v59, v22;
	v22 =	vmin.f32 v59, v22;
	v61 =	vmax.f32 v16, v19  }
0x1b8: {  	v16 =	vmin.f32 v16, v19;
	v33 =	vmax.f32 v18, v58;
	v18 =	vmin.f32 v18, v58  }
0x1b9: {  	v44 =	vmin.f32 v7, v42;
	v7 =	vmax.f32 v7, v42;
	v62 =	vmax.f32 v54, v22  }
0x1ba: {  	s29 =	sor.u32 $0x60, s24;
	v20 =	vmin.f32 v54, v22;
	v63 =	vmax.f32 v15, v60;
	v15 =	vmin.f32 v15, v60  }
0x1bb: {  	v51 =	vld [tilespmem:s29+$0x0];
	v45 =	vmax.f32 v9, v44;
	v9 =	vmin.f32 v9, v44;
	v34 =	vmax.f32 v61, v63  }
0x1bc: {  	v53 =	vld [tilespmem:s24+$0x460];
	v35 =	vmax.f32 v62, v33;
	v22 =	vmin.f32 v61, v63;
	v19 =	vmin.f32 v62, v33  }
0x1bd: {  	v56 =	vld [tilespmem:s24+$0x860];
	v16 =	vmax.f32 v16, v20;
	v15 =	vmax.f32 v15, v18;
	v36 =	vmax.f32 v34, v35  }
0x1be: {  	v59 =	vld [tilespmem:s24+$0xC60];
	v38 =	vmax.f32 v22, v19;
	v19 =	vmin.f32 v22, v19;
	v39 =	vmax.f32 v16, v15  }
0x1bf: {  	v37 =	vmin.f32 v34, v35;
	v12 =	vmax.f32 v47, v39;
	v46 =	vmax.f32 v25, v19  }
0x1c0: {  	v47 =	vmax.f32 v17, v37;
	v13 =	vmax.f32 v13, v36;
	v49 =	vmax.f32 v32, v38  }
0x1c1: {  	v62 =	vld [tilespmem:s24+$0x1060];
	v26 =	vmax.f32 v51, v53;
	v28 =	vmin.f32 v51, v53;
	v48 =	vmin.f32 v12, v13  }
0x1c2: {  	v63 =	vld [tilespmem:s24+$0x1460];
	v17 =	vmax.f32 v46, v47;
	v12 =	vmax.f32 v12, v13;
	v15 =	vmin.f32 v46, v47  }
0x1c3: {  	v24 =	vld [tilespmem:s24+$0x1860];
	v27 =	vmax.f32 v56, v59;
	v29 =	vmin.f32 v56, v59;
	v50 =	vmin.f32 v17, v48  }
0x1c4: {  	v35 =	vld [tilespmem:s24+$0x2060];
	v14 =	vmax.f32 v17, v48;
	v60 =	vmin.f32 v7, v12;
	v11 =	vmin.f32 v45, v12  }
0x1c5: {  	v25 =	vld [tilespmem:s24+$0x1C60];
	v30 =	vmax.f32 v26, v27;
	v31 =	vmax.f32 v28, v29;
	v52 =	vmax.f32 v49, v50  }
0x1c6: {  	v38 =	vld [tilespmem:s24+$0x2460];
	v13 =	vmin.f32 v49, v50;
	v55 =	vmin.f32 v43, v14;
	v7 =	vmin.f32 v7, v14  }
0x1c7: {  	v14 =	vmin.f32 v28, v29;
	v33 =	vmax.f32 v62, v63;
	v12 =	vmin.f32 v62, v63  }
0x1c8: {  	v54 =	vmin.f32 v8, v52;
	v57 =	vmax.f32 v15, v13;
	v13 =	vmin.f32 v15, v13  }
0x1c9: {  	v10 =	vmin.f32 v43, v52;
	v7 =	vmax.f32 v7, v11;
	v58 =	vmax.f32 v54, v55  }
0x1ca: {  	v46 =	vld [tilespmem:s24+$0x3060];
	v61 =	vmax.f32 v45, v57;
	v8 =	vmin.f32 v8, v57;
	v9 =	vmax.f32 v9, v13  }
0x1cb: {  	v49 =	vld [tilespmem:s24+$0x3460];
	v34 =	vmax.f32 v24, v25;
	v55 =	vmax.f32 v35, v38;
	v18 =	vmin.f32 v35, v38  }
0x1cc: {  	v23 =	vmax.f32 v60, v61;
	v10 =	vmax.f32 v8, v10;
	v36 =	vmax.f32 v33, v34  }
0x1cd: {  	v40 =	vld [tilespmem:s24+$0x2860];
	v13 =	vmin.f32 v33, v34;
	v8 =	vmax.f32 v58, v23;
	v7 =	vmax.f32 v10, v7  }
0x1ce: {  	v43 =	vld [tilespmem:s24+$0x2C60];
	v10 =	vmin.f32 v24, v25;
	v47 =	vmax.f32 v14, v36;
	v14 =	vmin.f32 v14, v36  }
0x1cf: {  	v7 =	vmax.f32 v7, v9;
	v9 =	vmin.f32 v26, v27;
	v37 =	vmax.f32 v12, v10  }
0x1d0: {  	v53 =	vld [tilespmem:s24+$0x3860];
	v10 =	vmin.f32 v12, v10;
	v60 =	vmax.f32 v46, v49;
	v61 =	vmin.f32 v46, v49  }
0x1d1: {  	v54 =	vld [tilespmem:s24+$0x3C60];
	v32 =	vmax.f32 v31, v9;
	v9 =	vmin.f32 v31, v9;
	v39 =	vmax.f32 v37, v13  }
0x1d2: {  	v13 =	vmin.f32 v37, v13;
	v41 =	vmax.f32 v30, v10;
	v16 =	vmin.f32 v30, v10  }
0x1d3: {  	v56 =	vmax.f32 v40, v43;
	v17 =	vmin.f32 v40, v43;
	v8 =	vsub.f32 v8, v7  }
0x1d4: {  	v42 =	vmax.f32 v32, v13;
	v13 =	vmin.f32 v32, v13;
	v44 =	vmax.f32 v9, v39  }
0x1d5: {  	v45 =	vmin.f32 v9, v39;
	v57 =	vmax.f32 v55, v56;
	v58 =	vmax.f32 v18, v17  }
0x1d6: {  	v17 =	vmin.f32 v18, v17;
	v62 =	vmax.f32 v53, v54;
	v15 =	vmin.f32 v53, v54  }
0x1d7: {  	v48 =	vmax.f32 v41, v44;
	v50 =	vmin.f32 v41, v44;
	v51 =	vmax.f32 v42, v47  }
0x1d8: {  	v63 =	vld [tilespmem:s24+$0x4060];
	v52 =	vmin.f32 v42, v47;
	v13 =	vmax.f32 v16, v13;
	v14 =	vmax.f32 v45, v14  }
0x1d9: {  	v34 =	vld [tilespmem:s24+$0x4460];
	v32 =	vmax.f32 v60, v62;
	v16 =	vmin.f32 v60, v62;
	v33 =	vmax.f32 v61, v15  }
0x1da: {  	v15 =	vmin.f32 v61, v15;
	v9 =	vmax.f32 v48, v51;
	v10 =	vmin.f32 v48, v51  }
0x1db: {  	v11 =	vmax.f32 v50, v52;
	v12 =	vmin.f32 v50, v52;
	v13 =	vmax.f32 v13, v14  }
0x1dc: {  	v14 =	vmin.f32 v55, v56;
	v35 =	vmax.f32 v33, v16;
	v16 =	vmin.f32 v33, v16  }
0x1dd: {  	v36 =	vld [tilespmem:s24+$0x4860];
	v37 =	vmax.f32 v57, v15;
	v15 =	vmin.f32 v57, v15;
	v42 =	vmax.f32 v17, v32  }
0x1de: {  	v39 =	vld [tilespmem:s24+$0x4C60];
	v17 =	vmin.f32 v17, v32;
	v48 =	vmax.f32 v63, v34;
	v59 =	vmax.f32 v58, v14  }
0x1df: {  	v46 =	vld [tilespmem:s24+$0x5860];
	v50 =	vmin.f32 v63, v34;
	v14 =	vmin.f32 v58, v14;
	v38 =	vmax.f32 v59, v16  }
0x1e0: {  	v41 =	vld [tilespmem:s24+$0x5060];
	v16 =	vmin.f32 v59, v16;
	v40 =	vmax.f32 v14, v35;
	v14 =	vmin.f32 v14, v35  }
0x1e1: {  	v44 =	vld [tilespmem:s24+$0x5460];
	v43 =	vmax.f32 v37, v40;
	v18 =	vmin.f32 v37, v40;
	v45 =	vmax.f32 v38, v42  }
0x1e2: {  	v47 =	vld [tilespmem:s24+$0x5C60];
	v19 =	vmin.f32 v38, v42;
	v15 =	vmax.f32 v15, v16;
	v14 =	vmax.f32 v14, v17  }
0x1e3: {  	v49 =	vmax.f32 v36, v39;
	v51 =	vmin.f32 v36, v39;
	v29 =	vmax.f32 v43, v45  }
0x1e4: {  	v23 =	vmin.f32 v43, v45;
	v25 =	vmax.f32 v18, v19;
	v18 =	vmin.f32 v18, v19  }
0x1e5: {  	v14 =	vmax.f32 v15, v14;
	v52 =	vmax.f32 v48, v49;
	v15 =	vmin.f32 v48, v49  }
0x1e6: {  	v53 =	vmax.f32 v50, v51;
	v17 =	vmin.f32 v50, v51;
	v55 =	vmax.f32 v41, v44  }
0x1e7: {  	v61 =	vld [tilespmem:s24+$0x6460];
	v20 =	vmin.f32 v41, v44;
	v56 =	vmax.f32 v46, v47;
	v57 =	vmin.f32 v46, v47  }
0x1e8: {  	v58 =	vld [tilespmem:s24+$0x6060];
	v54 =	vmax.f32 v53, v15;
	v15 =	vmin.f32 v53, v15;
	v59 =	vmax.f32 v55, v56  }
0x1e9: {  	v16 =	vmin.f32 v55, v56;
	v60 =	vmax.f32 v20, v57;
	v20 =	vmin.f32 v20, v57  }
0x1ea: {  	v9 =	vmax.f32 v9, v14;
	v10 =	vmax.f32 v10, v18;
	v11 =	vmax.f32 v11, v25  }
0x1eb: {  	v12 =	vmax.f32 v12, v23;
	v13 =	vmax.f32 v13, v29;
	v62 =	vmax.f32 v60, v16  }
0x1ec: {  	v63 =	vld [tilespmem:s24+$0x6860];
	v16 =	vmin.f32 v60, v16;
	v36 =	vmax.f32 v52, v20;
	v20 =	vmin.f32 v52, v20  }
0x1ed: {  	v38 =	vld [tilespmem:s24+$0x6C60];
	v41 =	vmax.f32 v17, v59;
	v17 =	vmin.f32 v17, v59;
	v48 =	vmax.f32 v58, v61  }
0x1ee: {  	v50 =	vmin.f32 v58, v61;
	v14 =	vmax.f32 v9, v13;
	v9 =	vmin.f32 v9, v13  }
0x1ef: {  	v40 =	vld [tilespmem:s24+$0x7060];
	v37 =	vmax.f32 v54, v16;
	v16 =	vmin.f32 v54, v16;
	v39 =	vmax.f32 v15, v62  }
0x1f0: {  	v43 =	vld [tilespmem:s24+$0x7460];
	v15 =	vmin.f32 v15, v62;
	v42 =	vmax.f32 v36, v39;
	v19 =	vmin.f32 v36, v39  }
0x1f1: {  	v45 =	vld [tilespmem:s24+$0x7860];
	v44 =	vmax.f32 v37, v41;
	v21 =	vmin.f32 v37, v41;
	v16 =	vmax.f32 v20, v16  }
0x1f2: {  	v47 =	vld [tilespmem:s24+$0x7C60];
	v15 =	vmax.f32 v15, v17;
	v49 =	vmax.f32 v63, v38;
	v22 =	vmin.f32 v63, v38  }
0x1f3: {  	v37 =	vmax.f32 v10, v12;
	v10 =	vmin.f32 v10, v12;
	v34 =	vmax.f32 v42, v44  }
0x1f4: {  	v27 =	vmin.f32 v42, v44;
	v46 =	vmax.f32 v19, v21;
	v19 =	vmin.f32 v19, v21  }
0x1f5: {  	v15 =	vmax.f32 v16, v15;
	v51 =	vmax.f32 v48, v49;
	v16 =	vmin.f32 v48, v49  }
0x1f6: {  	v52 =	vmax.f32 v50, v22;
	v20 =	vmin.f32 v50, v22;
	v54 =	vmax.f32 v40, v43  }
0x1f7: {  	v24 =	vmin.f32 v40, v43;
	v55 =	vmax.f32 v45, v47;
	v21 =	vmin.f32 v45, v47  }
0x1f8: {  	v38 =	vmax.f32 v37, v9;
	v9 =	vmin.f32 v37, v9;
	v53 =	vmax.f32 v52, v16  }
0x1f9: {  	v16 =	vmin.f32 v52, v16;
	v56 =	vmax.f32 v54, v55;
	v17 =	vmin.f32 v54, v55  }
0x1fa: {  	v57 =	vmax.f32 v24, v21;
	v21 =	vmin.f32 v24, v21;
	v13 =	vmax.f32 v11, v9  }
0x1fb: {  	v9 =	vmin.f32 v11, v9;
	v58 =	vmax.f32 v57, v17;
	v17 =	vmin.f32 v57, v17  }
0x1fc: {  	s30 =	sor.u32 $0x70, s24;
	v59 =	vmax.f32 v51, v21;
	v21 =	vmin.f32 v51, v21;
	v62 =	vmax.f32 v20, v56  }
0x1fd: {  	v47 =	vld [tilespmem:s30+$0x0];
	v20 =	vmin.f32 v20, v56;
	v42 =	vmax.f32 v10, v9;
	v9 =	vmin.f32 v10, v9  }
0x1fe: {  	v50 =	vld [tilespmem:s24+$0x470];
	v60 =	vmax.f32 v53, v17;
	v17 =	vmin.f32 v53, v17;
	v61 =	vmax.f32 v16, v58  }
0x1ff: {  	v52 =	vld [tilespmem:s24+$0x870];
	v16 =	vmin.f32 v16, v58;
	v63 =	vmax.f32 v59, v61;
	v22 =	vmin.f32 v59, v61  }
0x200: {  	v55 =	vld [tilespmem:s24+$0xC70];
	v33 =	vmax.f32 v60, v62;
	v24 =	vmin.f32 v60, v62;
	v17 =	vmax.f32 v21, v17  }
0x201: {  	v16 =	vmax.f32 v16, v20;
	v35 =	vmax.f32 v63, v33;
	v28 =	vmin.f32 v63, v33  }
0x202: {  	v36 =	vmax.f32 v22, v24;
	v22 =	vmin.f32 v22, v24;
	v16 =	vmax.f32 v17, v16  }
0x203: {  	v57 =	vld [tilespmem:s24+$0x1070];
	v63 =	vmax.f32 v47, v50;
	v39 =	vmax.f32 v34, v16;
	v40 =	vmax.f32 v27, v22  }
0x204: {  	v59 =	vld [tilespmem:s24+$0x1470];
	v41 =	vmax.f32 v19, v28;
	v15 =	vmax.f32 v15, v35;
	v45 =	vmax.f32 v46, v36  }
0x205: {  	v60 =	vld [tilespmem:s24+$0x1870];
	v22 =	vmin.f32 v47, v50;
	v23 =	vmax.f32 v52, v55;
	v24 =	vmin.f32 v52, v55  }
0x206: {  	v62 =	vld [tilespmem:s24+$0x1C70];
	v43 =	vmin.f32 v39, v15;
	v44 =	vmax.f32 v40, v41;
	v11 =	vmax.f32 v39, v15  }
0x207: {  	v48 =	vmin.f32 v40, v41;
	v26 =	vmax.f32 v63, v23;
	v27 =	vmax.f32 v22, v24  }
0x208: {  	v46 =	vmin.f32 v44, v43;
	v19 =	vmax.f32 v44, v43;
	v56 =	vmin.f32 v13, v11  }
0x209: {  	v11 =	vmin.f32 v42, v11;
	v49 =	vmin.f32 v45, v46;
	v10 =	vmax.f32 v45, v46  }
0x20a: {  	v54 =	vmin.f32 v38, v19;
	v58 =	vmin.f32 v13, v19;
	v29 =	vmax.f32 v57, v59  }
0x20b: {  	v31 =	vld [tilespmem:s24+$0x2070];
	v13 =	vmin.f32 v57, v59;
	v30 =	vmax.f32 v60, v62;
	v12 =	vmin.f32 v60, v62  }
0x20c: {  	v34 =	vld [tilespmem:s24+$0x2470];
	v51 =	vmax.f32 v48, v49;
	v15 =	vmin.f32 v48, v49;
	v53 =	vmin.f32 v14, v10  }
0x20d: {  	v36 =	vld [tilespmem:s24+$0x2870];
	v10 =	vmin.f32 v38, v10;
	v11 =	vmax.f32 v58, v11;
	v32 =	vmin.f32 v29, v30  }
0x20e: {  	v41 =	vld [tilespmem:s24+$0x3070];
	v33 =	vmax.f32 v13, v12;
	v19 =	vmax.f32 v29, v30;
	v12 =	vmin.f32 v13, v12  }
0x20f: {  	v44 =	vld [tilespmem:s24+$0x3470];
	v16 =	vmax.f32 v53, v54;
	v14 =	vmin.f32 v14, v51;
	v18 =	vmax.f32 v42, v51  }
0x210: {  	v47 =	vld [tilespmem:s24+$0x3870];
	v9 =	vmax.f32 v9, v15;
	v35 =	vmax.f32 v33, v32;
	v15 =	vmin.f32 v33, v32  }
0x211: {  	v38 =	vld [tilespmem:s24+$0x2C70];
	v37 =	vmax.f32 v26, v12;
	v51 =	vmax.f32 v31, v34;
	v52 =	vmin.f32 v31, v34  }
0x212: {  	v49 =	vld [tilespmem:s24+$0x3C70];
	v10 =	vmax.f32 v14, v10;
	v61 =	vmax.f32 v56, v18;
	v14 =	vmin.f32 v22, v24  }
0x213: {  	v18 =	vmin.f32 v26, v12;
	v11 =	vmax.f32 v10, v11;
	v10 =	vmax.f32 v16, v61  }
0x214: {  	v43 =	vmax.f32 v14, v19;
	v14 =	vmin.f32 v14, v19;
	v57 =	vmax.f32 v41, v44  }
0x215: {  	v19 =	vmin.f32 v41, v44;
	v9 =	vmax.f32 v11, v9;
	v11 =	vmin.f32 v63, v23  }
0x216: {  	v28 =	vmax.f32 v27, v11;
	v11 =	vmin.f32 v27, v11;
	v53 =	vmax.f32 v36, v38  }
0x217: {  	v20 =	vmin.f32 v36, v38;
	v58 =	vmax.f32 v47, v49;
	v17 =	vmin.f32 v47, v49  }
0x218: {  	v39 =	vmax.f32 v28, v15;
	v15 =	vmin.f32 v28, v15;
	v40 =	vmax.f32 v11, v35  }
0x219: {  	v42 =	vmin.f32 v11, v35;
	v54 =	vmax.f32 v51, v53;
	v55 =	vmax.f32 v52, v20  }
0x21a: {  	v60 =	vmin.f32 v57, v58;
	v26 =	vmax.f32 v19, v17;
	v23 =	vmax.f32 v57, v58  }
0x21b: {  	v59 =	vld [tilespmem:s24+$0x4070];
	v17 =	vmin.f32 v19, v17;
	v45 =	vmax.f32 v37, v40;
	v16 =	vmin.f32 v37, v40  }
0x21c: {  	v61 =	vld [tilespmem:s24+$0x4470];
	v46 =	vmax.f32 v39, v43;
	v48 =	vmin.f32 v39, v43;
	v15 =	vmax.f32 v18, v15  }
0x21d: {  	v50 =	vmax.f32 v42, v14;
	v18 =	vmin.f32 v52, v20;
	v62 =	vmax.f32 v26, v60  }
0x21e: {  	v63 =	vld [tilespmem:s24+$0x4870];
	v21 =	vmin.f32 v26, v60;
	v35 =	vmax.f32 v54, v17;
	v17 =	vmin.f32 v54, v17  }
0x21f: {  	v36 =	vld [tilespmem:s24+$0x4C70];
	v11 =	vmax.f32 v45, v46;
	v12 =	vmin.f32 v45, v46;
	v13 =	vmax.f32 v16, v48  }
0x220: {  	v14 =	vmin.f32 v16, v48;
	v15 =	vmax.f32 v15, v50;
	v16 =	vmin.f32 v51, v53  }
0x221: {  	v40 =	vmax.f32 v18, v23;
	v18 =	vmin.f32 v18, v23;
	v46 =	vmax.f32 v59, v61  }
0x222: {  	v41 =	vld [tilespmem:s24+$0x5470];
	v47 =	vmin.f32 v59, v61;
	v56 =	vmax.f32 v55, v16;
	v16 =	vmin.f32 v55, v16  }
0x223: {  	v44 =	vld [tilespmem:s24+$0x5870];
	v37 =	vmax.f32 v56, v21;
	v20 =	vmin.f32 v56, v21;
	v38 =	vmax.f32 v16, v62  }
0x224: {  	v57 =	vld [tilespmem:s24+$0x6070];
	v16 =	vmin.f32 v16, v62;
	v48 =	vmax.f32 v63, v36;
	v49 =	vmin.f32 v63, v36  }
0x225: {  	v39 =	vld [tilespmem:s24+$0x5070];
	v42 =	vmax.f32 v35, v38;
	v21 =	vmin.f32 v35, v38;
	v43 =	vmax.f32 v37, v40  }
0x226: {  	v45 =	vld [tilespmem:s24+$0x5C70];
	v19 =	vmin.f32 v37, v40;
	v17 =	vmax.f32 v17, v20;
	v16 =	vmax.f32 v16, v18  }
0x227: {  	v59 =	vld [tilespmem:s24+$0x6470];
	v50 =	vmax.f32 v46, v48;
	v51 =	vmax.f32 v47, v49;
	v28 =	vmax.f32 v42, v43  }
0x228: {  	v26 =	vmin.f32 v42, v43;
	v32 =	vmax.f32 v21, v19;
	v18 =	vmin.f32 v21, v19  }
0x229: {  	v16 =	vmax.f32 v17, v16;
	v17 =	vmin.f32 v46, v48;
	v19 =	vmin.f32 v47, v49  }
0x22a: {  	v53 =	vmax.f32 v39, v41;
	v23 =	vmin.f32 v39, v41;
	v52 =	vmax.f32 v51, v17  }
0x22b: {  	v54 =	vmax.f32 v44, v45;
	v55 =	vmin.f32 v44, v45;
	v17 =	vmin.f32 v51, v17  }
0x22c: {  	v46 =	vmax.f32 v57, v59;
	v27 =	vmin.f32 v57, v59;
	v11 =	vmax.f32 v11, v16  }
0x22d: {  	v61 =	vld [tilespmem:s24+$0x6870];
	v12 =	vmax.f32 v12, v18;
	v13 =	vmax.f32 v13, v32;
	v14 =	vmax.f32 v14, v26  }
0x22e: {  	v36 =	vld [tilespmem:s24+$0x6C70];
	v15 =	vmax.f32 v15, v28;
	v56 =	vmin.f32 v53, v54;
	v29 =	vmax.f32 v23, v55  }
0x22f: {  	v24 =	vmax.f32 v53, v54;
	v23 =	vmin.f32 v23, v55;
	v16 =	vmax.f32 v11, v15  }
0x230: {  	v11 =	vmin.f32 v11, v15;
	v35 =	vmax.f32 v12, v14;
	v12 =	vmin.f32 v12, v14  }
0x231: {  	v58 =	vmax.f32 v29, v56;
	v20 =	vmin.f32 v29, v56;
	v60 =	vmax.f32 v50, v23  }
0x232: {  	v22 =	vmin.f32 v50, v23;
	v37 =	vmax.f32 v19, v24;
	v19 =	vmin.f32 v19, v24  }
0x233: {  	v38 =	vld [tilespmem:s24+$0x7070];
	v47 =	vmax.f32 v61, v36;
	v23 =	vmin.f32 v61, v36;
	v36 =	vmax.f32 v35, v11  }
0x234: {  	v42 =	vld [tilespmem:s24+$0x7470];
	v11 =	vmin.f32 v35, v11;
	v62 =	vmax.f32 v52, v20;
	v20 =	vmin.f32 v52, v20  }
0x235: {  	v63 =	vmax.f32 v17, v58;
	v17 =	vmin.f32 v17, v58;
	v48 =	vmax.f32 v46, v47  }
0x236: {  	v43 =	vld [tilespmem:s24+$0x7870];
	v49 =	vmax.f32 v27, v23;
	v23 =	vmin.f32 v27, v23;
	v15 =	vmax.f32 v13, v11  }
0x237: {  	v45 =	vld [tilespmem:s24+$0x7C70];
	v11 =	vmin.f32 v13, v11;
	v39 =	vmax.f32 v60, v63;
	v21 =	vmin.f32 v60, v63  }
0x238: {  	v40 =	vmax.f32 v62, v37;
	v25 =	vmin.f32 v62, v37;
	v20 =	vmax.f32 v22, v20  }
0x239: {  	v17 =	vmax.f32 v17, v19;
	v51 =	vmax.f32 v38, v42;
	v24 =	vmin.f32 v38, v42  }
0x23a: {  	v41 =	vmax.f32 v39, v40;
	v29 =	vmin.f32 v39, v40;
	v44 =	vmax.f32 v21, v25  }
0x23b: {  	v21 =	vmin.f32 v21, v25;
	v17 =	vmax.f32 v20, v17;
	v20 =	vmin.f32 v46, v47  }
0x23c: {  	v52 =	vmax.f32 v43, v45;
	v22 =	vmin.f32 v43, v45;
	v40 =	vmax.f32 v12, v11  }
0x23d: {  	v11 =	vmin.f32 v12, v11;
	v50 =	vmax.f32 v49, v20;
	v20 =	vmin.f32 v49, v20  }
0x23e: {  	v53 =	vmax.f32 v51, v52;
	v30 =	vmin.f32 v51, v52;
	v54 =	vmax.f32 v24, v22  }
0x23f: {  	v22 =	vmin.f32 v24, v22;
	v55 =	vmax.f32 v54, v30;
	v30 =	vmin.f32 v54, v30  }
0x240: {  	v56 =	vmax.f32 v48, v22;
	v22 =	vmin.f32 v48, v22;
	v59 =	vmax.f32 v23, v53  }
0x241: {  	v23 =	vmin.f32 v23, v53;
	v57 =	vmax.f32 v50, v30;
	v58 =	vmax.f32 v20, v55  }
0x242: {  	v27 =	vmin.f32 v50, v30;
	v20 =	vmin.f32 v20, v55;
	v60 =	vmax.f32 v56, v58  }
0x243: {  	v30 =	vmin.f32 v56, v58;
	v61 =	vmax.f32 v57, v59;
	v24 =	vmin.f32 v57, v59  }
0x244: {  	v22 =	vmax.f32 v22, v27;
	v20 =	vmax.f32 v20, v23;
	v62 =	vmax.f32 v60, v61  }
0x245: {  	v63 =	vmax.f32 v30, v24;
	v24 =	vmin.f32 v30, v24;
	v20 =	vmax.f32 v22, v20  }
0x246: {  	v25 =	vmin.f32 v60, v61;
	v37 =	vmax.f32 v41, v20;
	v38 =	vmax.f32 v29, v24  }
0x247: {  	v39 =	vmax.f32 v21, v25;
	v17 =	vmax.f32 v17, v62;
	v43 =	vmax.f32 v44, v63  }
0x248: {  	v41 =	vmin.f32 v37, v17;
	v42 =	vmax.f32 v38, v39;
	v13 =	vmax.f32 v37, v17  }
0x249: {  	v45 =	vmin.f32 v38, v39;
	v44 =	vmin.f32 v42, v41;
	v47 =	vmax.f32 v42, v41  }
0x24a: {  	v50 =	vmin.f32 v15, v13;
	v13 =	vmin.f32 v40, v13;
	v46 =	vmin.f32 v43, v44  }
0x24b: {  	v12 =	vmax.f32 v43, v44;
	v22 =	vmin.f32 v36, v47;
	v51 =	vmin.f32 v15, v47  }
0x24c: {  	v48 =	vmax.f32 v45, v46;
	v17 =	vmin.f32 v45, v46;
	v49 =	vmin.f32 v16, v12  }
0x24d: {  	v12 =	vmin.f32 v36, v12;
	v13 =	vmax.f32 v51, v13;
	v16 =	vmin.f32 v16, v48  }
0x24e: {  	v18 =	vmax.f32 v49, v22;
	v52 =	vmax.f32 v40, v48;
	v12 =	vmax.f32 v16, v12  }
0x24f: {  	v11 =	vmax.f32 v11, v17;
	v53 =	vmax.f32 v50, v52;
	v12 =	vmax.f32 v12, v13  }
0x250: {  	[tilespmem:s24+$0x10000] =	vst v2;
	v54 =	vsub.f32 v10, v9;
	v55 =	vmax.f32 v18, v53;
	v11 =	vmax.f32 v12, v11  }
0x251: {  	[tilespmem:s24+$0x10010] =	vst v1;
	v56 =	vadd.f32 v4, v3;
	v57 =	vmul.f32 $8.999999760e-01, v8;
	v58 =	vsub.f32 v55, v11  }
0x252: {  	p1 =	slt.u32 s23, $0x38;
	[tilespmem:s24+$0x10020] =	vst v0;
	v59 =	vadd.f32 v6, v5;
	v2 =	vmul.f32 $8.999999760e-01, v54  }
.Ltmp2:
0x253: {  	[tilespmem:s24+$0x10030] =	vst v56;
	v60 =	vadd.f32 v57, v7;
	v61 =	vmul.f32 $8.999999760e-01, v58;
	(pc) =	sbr.rel @p1 .LBB2_3-.Ltmp2, $4  }
0x254: {  	[tilespmem:s24+$0x10040] =	vst v59;
	v62 =	vadd.f32 v2, v9  }
0x255: {  	[tilespmem:s24+$0x10050] =	vst v60;
	v63 =	vadd.f32 v61, v11  }
0x256: {  	s31 =	sadd.s32 $0x8, s23;
	[tilespmem:s24+$0x10060] =	vst v62  }
0x257: {  	s23 =	smov.u32 s31;
	[tilespmem:s24+$0x10070] =	vst v63  }
0x258: {  	s23 =	sshll.u32 s19, $0xB;
	p1 =	sne.s32 s19, $0xB  }
.Ltmp3:
0x259: {  	s22 =	sshll.u32 s22, $0xD;
	s23 =	sand.u32 $0x1800, s23;
	(pc) =	sbr.rel @p1 .LBB2_6-.Ltmp3, $4  }
0x25a: {  	s22 =	sor.u32 s23, s22  }
0x25b: {  	s22 =	sshrl.u32 s22, $0x3  }
0x25c: {  	s22 =	sadd.s32 s4, s22  }
0x25d: {  	[hbm4b:s22+s3] =	stream.linear.scatter [tilespmem:s13], [sflag:$0x3], $0x400, $0x38;
	[tilespmem:$0x10800] =	vst v63  }
.Ltmp4:
0x25e: {  	(pc) =	sbr.rel .LBB2_7-.Ltmp4, $4  }
0x25f: {  	_ = 	snop  }
0x260: {  	_ =	swait.ge [sflag:s14], $0x8000  }
0x261: {  	[sflag:s14] =	ssyncset.done $0x0  }
0x262: {  	[sflag:s14] =	ssyncadd.s32 $0xFFFF8000  }
.LBB2_6:
0x263: {  	s22 =	sadd.s32 $0x2, s20  }
0x264: {  	s23 =	sadd.s32 s5, s22;
	s22 =	sshll.u32 s22, $0x7  }
0x265: {  	s23 =	sshll.u32 s23, $0x7;
	s22 =	sand.u32 $0x300, s22  }
0x266: {  	s23 =	sand.u32 $0xFFFFC00, s23;
	s22 =	sadd.s32 s2, s22  }
.Ltmp5:
0x267: {  	s22 =	sadd.s32 s23, s22;
	(pc) =	sbr.rel @p0 .LBB2_8-.Ltmp5, $4  }
0x268: {  	[tilespmem:s3], [sflag:$0x1] =	stream.strided.gather [hbm4b:s22+s9], $0x8000, s10, s9, $0x38;
	[tilespmem:$0x10800] =	vst v63  }
0x269: {  	_ =	swait.ge [sflag:s14], $0x8000  }
0x26a: {  	[sflag:s14] =	ssyncset.done $0x0  }
0x26b: {  	[sflag:s14] =	ssyncadd.s32 $0xFFFF8000  }
.LBB2_7:
0x26c: {  	_ =	swait.ge [sflag:s15], $0x400  }
0x26d: {  	[sflag:s15] =	ssyncset.done $0x0  }
0x26e: {  	[sflag:s15] =	ssyncadd.s32 $0xFFFFFC00  }
.LBB2_8:
0x26f: {  	s22 =	simm.s32 $0x0  }
.LBB2_9:
0x270: {  	s23 =	sshll.u32 s22, $0x4  }
0x271: {  	v0 =	vld [tilespmem:s23+$0x8000]  }
0x272: {  	v1 =	vld [tilespmem:s23+$0x8400]  }
0x273: {  	v2 =	vld [tilespmem:s23+$0x8800]  }
0x274: {  	v3 =	vld [tilespmem:s23+$0x8C00]  }
0x275: {  	v4 =	vld [tilespmem:s23+$0x9000]  }
0x276: {  	v5 =	vld [tilespmem:s23+$0x9400]  }
0x277: {  	v6 =	vld [tilespmem:s23+$0x9800]  }
0x278: {  	v7 =	vld [tilespmem:s23+$0x9C00]  }
0x279: {  	v43 =	vld [tilespmem:s23+$0xA000]  }
0x27a: {  	v10 =	vld [tilespmem:s23+$0xA400]  }
0x27b: {  	v47 =	vld [tilespmem:s23+$0xA800]  }
0x27c: {  	v12 =	vld [tilespmem:s23+$0xAC00]  }
0x27d: {  	v13 =	vld [tilespmem:s23+$0xB000]  }
0x27e: {  	v15 =	vld [tilespmem:s23+$0xB400]  }
0x27f: {  	v16 =	vld [tilespmem:s23+$0xB800]  }
0x280: {  	v52 =	vld [tilespmem:s23+$0xBC00]  }
0x281: {  	v63 =	vld [tilespmem:s23+$0xC000]  }
0x282: {  	v25 =	vld [tilespmem:s23+$0xC400]  }
0x283: {  	v34 =	vld [tilespmem:s23+$0xD800]  }
0x284: {  	v21 =	vld [tilespmem:s23+$0xDC00];
	v8 =	vmax.f32 v0, v1;
	v9 =	vmax.f32 v2, v3  }
0x285: {  	v0 =	vmin.f32 v0, v1;
	v36 =	vmin.f32 v2, v3;
	v41 =	vmax.f32 v4, v5  }
0x286: {  	v27 =	vld [tilespmem:s23+$0xC800];
	v4 =	vmin.f32 v4, v5;
	v42 =	vmax.f32 v6, v7;
	v6 =	vmin.f32 v6, v7  }
0x287: {  	v17 =	vld [tilespmem:s23+$0xCC00];
	v54 =	vmax.f32 v43, v10;
	v55 =	vmax.f32 v47, v12;
	v7 =	vmin.f32 v43, v10  }
0x288: {  	v31 =	vld [tilespmem:s23+$0xD000];
	v59 =	vmax.f32 v13, v15;
	v60 =	vmin.f32 v13, v15;
	v61 =	vmax.f32 v16, v52  }
0x289: {  	v19 =	vld [tilespmem:s23+$0xD400];
	v62 =	vmin.f32 v16, v52;
	v35 =	vmax.f32 v63, v25;
	v43 =	vmax.f32 v34, v21  }
0x28a: {  	v37 =	vmax.f32 v8, v9;
	v38 =	vmin.f32 v8, v9;
	v39 =	vmax.f32 v0, v36  }
0x28b: {  	v0 =	vmin.f32 v0, v36;
	v44 =	vmax.f32 v41, v42;
	v5 =	vmin.f32 v41, v42  }
0x28c: {  	v45 =	vmax.f32 v4, v6;
	v4 =	vmin.f32 v4, v6;
	v8 =	vmin.f32 v47, v12  }
0x28d: {  	v56 =	vmax.f32 v54, v55;
	v23 =	vmax.f32 v59, v61;
	v24 =	vmax.f32 v60, v62  }
0x28e: {  	v10 =	vmin.f32 v60, v62;
	v36 =	vmax.f32 v27, v17;
	v42 =	vmax.f32 v31, v19  }
0x28f: {  	v12 =	vmin.f32 v31, v19;
	v40 =	vmax.f32 v39, v38;
	v3 =	vmin.f32 v39, v38  }
0x290: {  	v46 =	vmax.f32 v45, v5;
	v5 =	vmin.f32 v45, v5;
	v11 =	vmax.f32 v37, v4  }
0x291: {  	v4 =	vmin.f32 v37, v4;
	v50 =	vmax.f32 v0, v44;
	v9 =	vmin.f32 v0, v44  }
0x292: {  	v57 =	vmax.f32 v7, v8;
	v7 =	vmin.f32 v7, v8;
	v28 =	vmax.f32 v56, v10  }
0x293: {  	v37 =	vmin.f32 v63, v25;
	v38 =	vmin.f32 v27, v17;
	v39 =	vmax.f32 v35, v36  }
0x294: {  	v44 =	vmin.f32 v34, v21;
	v48 =	vmax.f32 v40, v5;
	v5 =	vmin.f32 v40, v5  }
0x295: {  	v49 =	vmax.f32 v3, v46;
	v6 =	vmin.f32 v3, v46;
	v18 =	vmax.f32 v7, v23  }
0x296: {  	v7 =	vmin.f32 v7, v23;
	v40 =	vmax.f32 v37, v38;
	v46 =	vmax.f32 v42, v43  }
0x297: {  	v47 =	vmax.f32 v12, v44;
	v12 =	vmin.f32 v12, v44;
	v14 =	vmax.f32 v11, v49  }
0x298: {  	v11 =	vmin.f32 v11, v49;
	v51 =	vmax.f32 v48, v50;
	v3 =	vmin.f32 v48, v50  }
0x299: {  	v4 =	vmax.f32 v4, v5;
	v53 =	vmax.f32 v6, v9;
	v5 =	vmin.f32 v54, v55  }
0x29a: {  	v6 =	vmin.f32 v59, v61;
	v9 =	vmin.f32 v56, v10;
	v0 =	vmax.f32 v14, v51  }
0x29b: {  	v1 =	vmin.f32 v14, v51;
	v2 =	vmax.f32 v11, v3;
	v3 =	vmin.f32 v11, v3  }
0x29c: {  	v4 =	vmax.f32 v4, v53;
	v58 =	vmax.f32 v57, v5;
	v5 =	vmin.f32 v57, v5  }
0x29d: {  	v26 =	vmax.f32 v24, v6;
	v6 =	vmin.f32 v24, v6;
	v51 =	vmax.f32 v39, v12  }
0x29e: {  	v22 =	vld [tilespmem:s23+$0xEC00];
	v11 =	vmin.f32 v39, v12;
	v29 =	vmax.f32 v58, v6;
	v30 =	vmax.f32 v5, v26  }
0x29f: {  	v45 =	vld [tilespmem:s23+$0xE000];
	v6 =	vmin.f32 v58, v6;
	v5 =	vmin.f32 v5, v26;
	v32 =	vmax.f32 v28, v30  }
0x2a0: {  	v48 =	vld [tilespmem:s23+$0xE400];
	v8 =	vmin.f32 v28, v30;
	v33 =	vmax.f32 v29, v18;
	v10 =	vmin.f32 v29, v18  }
0x2a1: {  	v50 =	vld [tilespmem:s23+$0xE800];
	v6 =	vmax.f32 v9, v6;
	v5 =	vmax.f32 v5, v7;
	v9 =	vmin.f32 v37, v38  }
0x2a2: {  	v7 =	vmin.f32 v42, v43;
	v20 =	vmax.f32 v32, v33;
	v14 =	vmin.f32 v32, v33  }
0x2a3: {  	v16 =	vmax.f32 v8, v10;
	v8 =	vmin.f32 v8, v10;
	v5 =	vmax.f32 v6, v5  }
0x2a4: {  	v6 =	vmin.f32 v35, v36;
	v49 =	vmax.f32 v47, v7;
	v7 =	vmin.f32 v47, v7  }
0x2a5: {  	v54 =	vld [tilespmem:s23+$0xF000];
	v23 =	vmax.f32 v9, v46;
	v9 =	vmin.f32 v9, v46;
	v41 =	vmax.f32 v40, v6  }
0x2a6: {  	v24 =	vld [tilespmem:s23+$0xF400];
	v6 =	vmin.f32 v40, v6;
	v59 =	vmax.f32 v45, v48;
	v60 =	vmax.f32 v50, v22  }
0x2a7: {  	v61 =	vmin.f32 v45, v48;
	v62 =	vmin.f32 v50, v22;
	v0 =	vmax.f32 v0, v5  }
0x2a8: {  	v1 =	vmax.f32 v1, v8;
	v2 =	vmax.f32 v2, v16;
	v3 =	vmax.f32 v3, v14  }
0x2a9: {  	v57 =	vld [tilespmem:s23+$0xF800];
	v4 =	vmax.f32 v4, v20;
	v52 =	vmax.f32 v41, v7;
	v7 =	vmin.f32 v41, v7  }
0x2aa: {  	v26 =	vld [tilespmem:s23+$0xFC00];
	v53 =	vmax.f32 v6, v49;
	v6 =	vmin.f32 v6, v49;
	v63 =	vmax.f32 v59, v60  }
0x2ab: {  	v27 =	vmax.f32 v61, v62;
	v29 =	vmax.f32 v54, v24;
	v15 =	vmin.f32 v54, v24  }
0x2ac: {  	v5 =	vmax.f32 v0, v4;
	v0 =	vmin.f32 v0, v4;
	v43 =	vmax.f32 v1, v3  }
0x2ad: {  	v1 =	vmin.f32 v1, v3;
	v55 =	vmax.f32 v51, v53;
	v10 =	vmin.f32 v51, v53  }
0x2ae: {  	v56 =	vmax.f32 v52, v23;
	v12 =	vmin.f32 v52, v23;
	v7 =	vmax.f32 v11, v7  }
0x2af: {  	v6 =	vmax.f32 v6, v9;
	v11 =	vmin.f32 v61, v62;
	v30 =	vmax.f32 v57, v26  }
0x2b0: {  	v31 =	vmin.f32 v57, v26;
	v44 =	vmax.f32 v43, v0;
	v0 =	vmin.f32 v43, v0  }
0x2b1: {  	v25 =	vmax.f32 v55, v56;
	v18 =	vmin.f32 v55, v56;
	v58 =	vmax.f32 v10, v12  }
0x2b2: {  	v10 =	vmin.f32 v10, v12;
	v6 =	vmax.f32 v7, v6;
	v7 =	vmin.f32 v59, v60  }
0x2b3: {  	v32 =	vmax.f32 v29, v30;
	v9 =	vmin.f32 v29, v30;
	v33 =	vmax.f32 v15, v31  }
0x2b4: {  	v15 =	vmin.f32 v15, v31;
	v4 =	vmax.f32 v2, v0;
	v0 =	vmin.f32 v2, v0  }
0x2b5: {  	v28 =	vmax.f32 v27, v7;
	v7 =	vmin.f32 v27, v7;
	v34 =	vmax.f32 v33, v9  }
0x2b6: {  	v9 =	vmin.f32 v33, v9;
	v35 =	vmax.f32 v63, v15;
	v13 =	vmin.f32 v63, v15  }
0x2b7: {  	v21 =	vld [tilespmem:s23+$0x9810];
	v38 =	vmax.f32 v11, v32;
	v11 =	vmin.f32 v11, v32;
	v48 =	vmax.f32 v1, v0  }
0x2b8: {  	v23 =	vld [tilespmem:s23+$0x9C10];
	v0 =	vmin.f32 v1, v0;
	v36 =	vmax.f32 v28, v9;
	v37 =	vmax.f32 v7, v34  }
0x2b9: {  	v53 =	vld [tilespmem:s23+$0x8010];
	v9 =	vmin.f32 v28, v9;
	v7 =	vmin.f32 v7, v34;
	v39 =	vmax.f32 v35, v37  }
0x2ba: {  	v56 =	vld [tilespmem:s23+$0x8410];
	v12 =	vmin.f32 v35, v37;
	v40 =	vmax.f32 v36, v38;
	v15 =	vmin.f32 v36, v38  }
0x2bb: {  	v20 =	vld [tilespmem:s23+$0x9410];
	v9 =	vmax.f32 v13, v9;
	v7 =	vmax.f32 v7, v11;
	v41 =	vmax.f32 v39, v40  }
0x2bc: {  	v63 =	vld [tilespmem:s23+$0x9010];
	v17 =	vmin.f32 v39, v40;
	v42 =	vmax.f32 v12, v15;
	v7 =	vmax.f32 v9, v7  }
0x2bd: {  	v12 =	vmin.f32 v12, v15;
	v32 =	vmax.f32 v21, v23;
	v45 =	vmax.f32 v25, v7  }
0x2be: {  	v46 =	vmax.f32 v18, v12;
	v47 =	vmax.f32 v10, v17;
	v6 =	vmax.f32 v6, v41  }
0x2bf: {  	v33 =	vld [tilespmem:s23+$0xA010];
	v51 =	vmax.f32 v58, v42;
	v24 =	vmax.f32 v53, v56;
	v25 =	vmin.f32 v53, v56  }
0x2c0: {  	v35 =	vld [tilespmem:s23+$0xA410];
	v49 =	vmin.f32 v45, v6;
	v50 =	vmax.f32 v46, v47;
	v2 =	vmax.f32 v45, v6  }
0x2c1: {  	v37 =	vld [tilespmem:s23+$0xA810];
	v54 =	vmin.f32 v46, v47;
	v31 =	vmax.f32 v63, v20;
	v52 =	vmin.f32 v50, v49  }
0x2c2: {  	v40 =	vld [tilespmem:s23+$0xAC10];
	v10 =	vmax.f32 v50, v49;
	v62 =	vmin.f32 v4, v2;
	v2 =	vmin.f32 v48, v2  }
0x2c3: {  	v61 =	vld [tilespmem:s23+$0x8C10];
	v34 =	vmax.f32 v31, v32;
	v55 =	vmin.f32 v51, v52;
	v1 =	vmax.f32 v51, v52  }
0x2c4: {  	v58 =	vld [tilespmem:s23+$0x8810];
	v60 =	vmin.f32 v44, v10;
	v19 =	vmin.f32 v4, v10;
	v4 =	vmin.f32 v63, v20  }
0x2c5: {  	v52 =	vmax.f32 v33, v35;
	v53 =	vmin.f32 v33, v35;
	v57 =	vmax.f32 v54, v55  }
0x2c6: {  	v6 =	vmin.f32 v54, v55;
	v59 =	vmin.f32 v5, v1;
	v1 =	vmin.f32 v44, v1  }
0x2c7: {  	v42 =	vld [tilespmem:s23+$0xB010];
	v2 =	vmax.f32 v19, v2;
	v54 =	vmax.f32 v37, v40;
	v55 =	vmin.f32 v37, v40  }
0x2c8: {  	v46 =	vld [tilespmem:s23+$0xB410];
	v7 =	vmax.f32 v59, v60;
	v5 =	vmin.f32 v5, v57;
	v9 =	vmax.f32 v48, v57  }
0x2c9: {  	v0 =	vmax.f32 v0, v6;
	v26 =	vmax.f32 v58, v61;
	v27 =	vmin.f32 v58, v61  }
0x2ca: {  	v49 =	vld [tilespmem:s23+$0xB810];
	v56 =	vmin.f32 v52, v54;
	v13 =	vmax.f32 v53, v55;
	v1 =	vmax.f32 v5, v1  }
0x2cb: {  	v51 =	vld [tilespmem:s23+$0xBC10];
	v22 =	vmax.f32 v62, v9;
	v28 =	vmin.f32 v24, v26;
	v29 =	vmax.f32 v25, v27  }
0x2cc: {  	v6 =	vmax.f32 v24, v26;
	v9 =	vmin.f32 v31, v32;
	v57 =	vmax.f32 v13, v56  }
0x2cd: {  	v58 =	vmax.f32 v42, v46;
	v1 =	vmax.f32 v1, v2;
	v5 =	vmax.f32 v7, v22  }
0x2ce: {  	v7 =	vmin.f32 v25, v27;
	v30 =	vmax.f32 v29, v28;
	v2 =	vmin.f32 v21, v23  }
0x2cf: {  	v63 =	vld [tilespmem:s23+$0xC410];
	v0 =	vmax.f32 v1, v0;
	v36 =	vmax.f32 v4, v2;
	v2 =	vmin.f32 v4, v2  }
0x2d0: {  	v60 =	vld [tilespmem:s23+$0xC010];
	v45 =	vmax.f32 v7, v34;
	v7 =	vmin.f32 v7, v34;
	v59 =	vmax.f32 v49, v51  }
0x2d1: {  	v61 =	vmin.f32 v49, v51;
	v1 =	vsub.f32 v5, v0;
	v5 =	vmin.f32 v29, v28  }
0x2d2: {  	v38 =	vmax.f32 v36, v9;
	v9 =	vmin.f32 v36, v9;
	v39 =	vmax.f32 v6, v2  }
0x2d3: {  	v6 =	vmin.f32 v6, v2;
	v62 =	vmax.f32 v58, v59;
	v12 =	vmin.f32 v58, v59  }
0x2d4: {  	v41 =	vmax.f32 v30, v9;
	v8 =	vmin.f32 v30, v9;
	v43 =	vmax.f32 v5, v38  }
0x2d5: {  	v44 =	vmin.f32 v5, v38;
	v9 =	vmin.f32 v42, v46;
	v38 =	vmax.f32 v60, v63  }
0x2d6: {  	v47 =	vmax.f32 v39, v43;
	v48 =	vmax.f32 v41, v45;
	v10 =	vmin.f32 v39, v43  }
0x2d7: {  	v50 =	vmin.f32 v41, v45;
	v6 =	vmax.f32 v6, v8;
	v7 =	vmax.f32 v44, v7  }
0x2d8: {  	v8 =	vmax.f32 v52, v54;
	v24 =	vmax.f32 v9, v61;
	v9 =	vmin.f32 v9, v61  }
0x2d9: {  	v39 =	vmin.f32 v60, v63;
	v1 =	vmul.f32 $8.999999760e-01, v1;
	v3 =	vmax.f32 v47, v48  }
0x2da: {  	v37 =	vld [tilespmem:s23+$0xDC10];
	v4 =	vmin.f32 v47, v48;
	v2 =	vmax.f32 v10, v50;
	v5 =	vmin.f32 v10, v50  }
0x2db: {  	v25 =	vld [tilespmem:s23+$0xC810];
	v6 =	vmax.f32 v6, v7;
	v10 =	vmin.f32 v53, v55;
	v7 =	vmin.f32 v13, v56  }
0x2dc: {  	v28 =	vld [tilespmem:s23+$0xCC10];
	v26 =	vmax.f32 v24, v12;
	v12 =	vmin.f32 v24, v12;
	v27 =	vmax.f32 v8, v9  }
0x2dd: {  	v36 =	vld [tilespmem:s23+$0xD810];
	v8 =	vmin.f32 v8, v9;
	v29 =	vmax.f32 v57, v12;
	v11 =	vmin.f32 v57, v12  }
0x2de: {  	v33 =	vld [tilespmem:s23+$0xD410];
	v31 =	vmax.f32 v7, v26;
	v7 =	vmin.f32 v7, v26;
	v32 =	vmax.f32 v10, v62  }
0x2df: {  	v49 =	vld [tilespmem:s23+$0xE410];
	v10 =	vmin.f32 v10, v62;
	v34 =	vmax.f32 v27, v31;
	v35 =	vmax.f32 v29, v32  }
0x2e0: {  	v30 =	vld [tilespmem:s23+$0xD010];
	v13 =	vmin.f32 v27, v31;
	v9 =	vmin.f32 v29, v32;
	v8 =	vmax.f32 v8, v11  }
0x2e1: {  	v46 =	vld [tilespmem:s23+$0xE010];
	v7 =	vmax.f32 v7, v10;
	v40 =	vmax.f32 v25, v28;
	v41 =	vmin.f32 v25, v28  }
0x2e2: {  	v45 =	vmax.f32 v36, v37;
	v47 =	vmin.f32 v36, v37;
	v18 =	vmax.f32 v34, v35  }
0x2e3: {  	v51 =	vld [tilespmem:s23+$0xE810];
	v16 =	vmin.f32 v34, v35;
	v22 =	vmax.f32 v13, v9;
	v9 =	vmin.f32 v13, v9  }
0x2e4: {  	v54 =	vld [tilespmem:s23+$0xEC10];
	v7 =	vmax.f32 v8, v7;
	v42 =	vmin.f32 v38, v40;
	v15 =	vmax.f32 v39, v41  }
0x2e5: {  	v10 =	vmax.f32 v38, v40;
	v11 =	vmin.f32 v39, v41;
	v44 =	vmax.f32 v30, v33  }
0x2e6: {  	v12 =	vmin.f32 v30, v33;
	v29 =	vmax.f32 v46, v49;
	v30 =	vmin.f32 v46, v49  }
0x2e7: {  	v43 =	vmax.f32 v15, v42;
	v8 =	vmin.f32 v15, v42;
	v48 =	vmax.f32 v44, v45  }
0x2e8: {  	v59 =	vld [tilespmem:s23+$0xF410];
	v14 =	vmin.f32 v44, v45;
	v50 =	vmax.f32 v12, v47;
	v12 =	vmin.f32 v12, v47  }
0x2e9: {  	v56 =	vld [tilespmem:s23+$0xF010];
	v31 =	vmax.f32 v51, v54;
	v32 =	vmin.f32 v51, v54;
	v3 =	vmax.f32 v3, v7  }
0x2ea: {  	v4 =	vmax.f32 v4, v9;
	v5 =	vmax.f32 v5, v16;
	v6 =	vmax.f32 v6, v18  }
0x2eb: {  	v2 =	vmax.f32 v2, v22;
	v52 =	vmax.f32 v50, v14;
	v14 =	vmin.f32 v50, v14  }
0x2ec: {  	v53 =	vmax.f32 v10, v12;
	v10 =	vmin.f32 v10, v12;
	v58 =	vmax.f32 v11, v48  }
0x2ed: {  	v11 =	vmin.f32 v11, v48;
	v33 =	vmin.f32 v29, v31;
	v19 =	vmax.f32 v30, v32  }
0x2ee: {  	v62 =	vld [tilespmem:s23+$0xFC10];
	v35 =	vmax.f32 v56, v59;
	v51 =	vmin.f32 v3, v6;
	v3 =	vmax.f32 v3, v6  }
0x2ef: {  	v28 =	vld [tilespmem:s23+$0xF810];
	v55 =	vmax.f32 v43, v14;
	v13 =	vmin.f32 v43, v14;
	v57 =	vmax.f32 v8, v52  }
0x2f0: {  	v8 =	vmin.f32 v8, v52;
	v34 =	vmax.f32 v19, v33;
	v14 =	vmin.f32 v56, v59  }
0x2f1: {  	v52 =	vmax.f32 v4, v5;
	v4 =	vmin.f32 v4, v5;
	v60 =	vmax.f32 v53, v57  }
0x2f2: {  	v27 =	vmax.f32 v55, v58;
	v15 =	vmin.f32 v53, v57;
	v12 =	vmin.f32 v55, v58  }
0x2f3: {  	v10 =	vmax.f32 v10, v13;
	v8 =	vmax.f32 v8, v11;
	v11 =	vmax.f32 v29, v31  }
0x2f4: {  	v13 =	vmin.f32 v30, v32;
	v36 =	vmax.f32 v28, v62;
	v37 =	vmin.f32 v28, v62  }
0x2f5: {  	v53 =	vmin.f32 v52, v51;
	v54 =	vmax.f32 v52, v51;
	v61 =	vmax.f32 v60, v27  }
0x2f6: {  	v20 =	vmin.f32 v60, v27;
	v63 =	vmax.f32 v15, v12;
	v12 =	vmin.f32 v15, v12  }
0x2f7: {  	v8 =	vmax.f32 v10, v8;
	v10 =	vmin.f32 v19, v33;
	v38 =	vmax.f32 v35, v36  }
0x2f8: {  	v17 =	vmin.f32 v35, v36;
	v39 =	vmax.f32 v14, v37;
	v14 =	vmin.f32 v14, v37  }
0x2f9: {  	v55 =	vmin.f32 v2, v53;
	v2 =	vmax.f32 v2, v53;
	v40 =	vmax.f32 v39, v17  }
0x2fa: {  	v21 =	vld [tilespmem:s23+$0x8420];
	v17 =	vmin.f32 v39, v17;
	v41 =	vmax.f32 v11, v14;
	v11 =	vmin.f32 v11, v14  }
0x2fb: {  	v62 =	vld [tilespmem:s23+$0x8020];
	v44 =	vmax.f32 v13, v38;
	v13 =	vmin.f32 v13, v38;
	v56 =	vmax.f32 v4, v55  }
0x2fc: {  	v30 =	vld [tilespmem:s23+$0x9020];
	v4 =	vmin.f32 v4, v55;
	v42 =	vmax.f32 v34, v17;
	v43 =	vmax.f32 v10, v40  }
0x2fd: {  	v31 =	vld [tilespmem:s23+$0x9420];
	v15 =	vmin.f32 v34, v17;
	v10 =	vmin.f32 v10, v40;
	v45 =	vmax.f32 v41, v43  }
0x2fe: {  	v24 =	vld [tilespmem:s23+$0x8820];
	v46 =	vmax.f32 v42, v44;
	v17 =	vmin.f32 v41, v43;
	v14 =	vmin.f32 v42, v44  }
0x2ff: {  	v27 =	vld [tilespmem:s23+$0x8C20];
	v11 =	vmax.f32 v11, v15;
	v10 =	vmax.f32 v10, v13;
	v47 =	vmax.f32 v45, v46  }
0x300: {  	v48 =	vmin.f32 v45, v46;
	v49 =	vmax.f32 v17, v14;
	v14 =	vmin.f32 v17, v14  }
0x301: {  	v50 =	vmax.f32 v11, v10;
	v36 =	vmax.f32 v62, v21;
	v38 =	vmin.f32 v62, v21  }
0x302: {  	v35 =	vld [tilespmem:s23+$0x9C20];
	v43 =	vmax.f32 v30, v31;
	v7 =	vmax.f32 v61, v50;
	v57 =	vmax.f32 v20, v14  }
0x303: {  	v34 =	vld [tilespmem:s23+$0x9820];
	v58 =	vmax.f32 v12, v48;
	v8 =	vmax.f32 v8, v47;
	v60 =	vmax.f32 v63, v49  }
0x304: {  	v37 =	vmax.f32 v24, v27;
	v39 =	vmin.f32 v24, v27;
	v59 =	vmin.f32 v7, v8  }
0x305: {  	v12 =	vmax.f32 v57, v58;
	v7 =	vmax.f32 v7, v8;
	v10 =	vmin.f32 v57, v58  }
0x306: {  	v40 =	vmax.f32 v36, v37;
	v41 =	vmax.f32 v38, v39;
	v61 =	vmin.f32 v12, v59  }
0x307: {  	v53 =	vld [tilespmem:s23+$0xAC20];
	v9 =	vmax.f32 v12, v59;
	v28 =	vmin.f32 v2, v7;
	v6 =	vmin.f32 v56, v7  }
0x308: {  	v45 =	vld [tilespmem:s23+$0xA020];
	v7 =	vmin.f32 v30, v31;
	v44 =	vmax.f32 v34, v35;
	v63 =	vmax.f32 v60, v61  }
0x309: {  	v48 =	vld [tilespmem:s23+$0xA420];
	v8 =	vmin.f32 v60, v61;
	v23 =	vmin.f32 v54, v9;
	v2 =	vmin.f32 v2, v9  }
0x30a: {  	v50 =	vld [tilespmem:s23+$0xA820];
	v9 =	vmin.f32 v38, v39;
	v46 =	vmax.f32 v43, v44;
	v22 =	vmin.f32 v3, v63  }
0x30b: {  	v25 =	vmax.f32 v10, v8;
	v8 =	vmin.f32 v10, v8;
	v5 =	vmin.f32 v54, v63  }
0x30c: {  	v33 =	vmax.f32 v2, v6;
	v57 =	vmax.f32 v9, v46;
	v9 =	vmin.f32 v9, v46  }
0x30d: {  	v26 =	vmax.f32 v22, v23;
	v29 =	vmax.f32 v56, v25;
	v3 =	vmin.f32 v3, v25  }
0x30e: {  	v4 =	vmax.f32 v4, v8;
	v8 =	vmin.f32 v43, v44;
	v23 =	vmax.f32 v45, v48  }
0x30f: {  	v24 =	vmax.f32 v50, v53;
	v13 =	vmin.f32 v45, v48;
	v12 =	vmin.f32 v50, v53  }
0x310: {  	v59 =	vld [tilespmem:s23+$0xB420];
	v32 =	vmax.f32 v28, v29;
	v3 =	vmax.f32 v3, v5;
	v5 =	vmin.f32 v34, v35  }
0x311: {  	v63 =	vld [tilespmem:s23+$0xB820];
	v25 =	vmax.f32 v23, v24;
	v2 =	vmax.f32 v26, v32;
	v3 =	vmax.f32 v3, v33  }
0x312: {  	v56 =	vld [tilespmem:s23+$0xB020];
	v47 =	vmax.f32 v7, v5;
	v5 =	vmin.f32 v7, v5;
	v26 =	vmax.f32 v13, v12  }
0x313: {  	v22 =	vld [tilespmem:s23+$0xBC20];
	v12 =	vmin.f32 v13, v12;
	v3 =	vmax.f32 v3, v4;
	v4 =	vmin.f32 v36, v37  }
0x314: {  	v49 =	vmax.f32 v47, v8;
	v8 =	vmin.f32 v47, v8;
	v51 =	vmax.f32 v40, v5  }
0x315: {  	v11 =	vmin.f32 v40, v5;
	v42 =	vmax.f32 v41, v4;
	v4 =	vmin.f32 v41, v4  }
0x316: {  	v31 =	vld [tilespmem:s23+$0xC020];
	v2 =	vsub.f32 v2, v3;
	v52 =	vmax.f32 v42, v8;
	v8 =	vmin.f32 v42, v8  }
0x317: {  	v34 =	vld [tilespmem:s23+$0xC420];
	v54 =	vmax.f32 v4, v49;
	v55 =	vmin.f32 v4, v49;
	v28 =	vmax.f32 v56, v59  }
0x318: {  	v29 =	vmin.f32 v56, v59;
	v30 =	vmax.f32 v63, v22;
	v10 =	vmin.f32 v63, v22  }
0x319: {  	v58 =	vmax.f32 v51, v54;
	v60 =	vmin.f32 v51, v54;
	v61 =	vmax.f32 v52, v57  }
0x31a: {  	v39 =	vld [tilespmem:s23+$0xCC20];
	v62 =	vmin.f32 v52, v57;
	v8 =	vmax.f32 v11, v8;
	v9 =	vmax.f32 v55, v9  }
0x31b: {  	v46 =	vld [tilespmem:s23+$0xD820];
	v32 =	vmax.f32 v28, v30;
	v11 =	vmin.f32 v28, v30;
	v33 =	vmax.f32 v29, v10  }
0x31c: {  	v36 =	vld [tilespmem:s23+$0xC820];
	v10 =	vmin.f32 v29, v10;
	v48 =	vmax.f32 v31, v34;
	v50 =	vmin.f32 v31, v34  }
0x31d: {  	v47 =	vld [tilespmem:s23+$0xDC20];
	v4 =	vmax.f32 v58, v61;
	v5 =	vmin.f32 v58, v61;
	v6 =	vmax.f32 v60, v62  }
0x31e: {  	v7 =	vmin.f32 v60, v62;
	v8 =	vmax.f32 v8, v9;
	v9 =	vmin.f32 v23, v24  }
0x31f: {  	v44 =	vld [tilespmem:s23+$0xD420];
	v35 =	vmax.f32 v33, v11;
	v11 =	vmin.f32 v33, v11;
	v37 =	vmax.f32 v25, v10  }
0x320: {  	v41 =	vld [tilespmem:s23+$0xD020];
	v10 =	vmin.f32 v25, v10;
	v42 =	vmax.f32 v12, v32;
	v12 =	vmin.f32 v12, v32  }
0x321: {  	v27 =	vmax.f32 v26, v9;
	v9 =	vmin.f32 v26, v9;
	v49 =	vmax.f32 v36, v39  }
0x322: {  	v51 =	vmin.f32 v36, v39;
	v56 =	vmax.f32 v46, v47;
	v57 =	vmin.f32 v46, v47  }
0x323: {  	v38 =	vmax.f32 v27, v11;
	v11 =	vmin.f32 v27, v11;
	v40 =	vmax.f32 v9, v35  }
0x324: {  	v9 =	vmin.f32 v9, v35;
	v52 =	vmax.f32 v48, v49;
	v53 =	vmax.f32 v50, v51  }
0x325: {  	v55 =	vmax.f32 v41, v44;
	v15 =	vmin.f32 v41, v44;
	v43 =	vmax.f32 v37, v40  }
0x326: {  	v63 =	vld [tilespmem:s23+$0xE820];
	v13 =	vmin.f32 v37, v40;
	v45 =	vmax.f32 v38, v42;
	v14 =	vmin.f32 v38, v42  }
0x327: {  	v34 =	vld [tilespmem:s23+$0xEC20];
	v10 =	vmax.f32 v10, v11;
	v9 =	vmax.f32 v9, v12;
	v12 =	vmin.f32 v50, v51  }
0x328: {  	v58 =	vld [tilespmem:s23+$0xE020];
	v59 =	vmax.f32 v55, v56;
	v11 =	vmin.f32 v55, v56;
	v60 =	vmax.f32 v15, v57  }
0x329: {  	v61 =	vld [tilespmem:s23+$0xE420];
	v15 =	vmin.f32 v15, v57;
	v24 =	vmax.f32 v43, v45;
	v18 =	vmin.f32 v43, v45  }
0x32a: {  	v20 =	vmax.f32 v13, v14;
	v13 =	vmin.f32 v13, v14;
	v9 =	vmax.f32 v10, v9  }
0x32b: {  	v10 =	vmin.f32 v48, v49;
	v62 =	vmax.f32 v60, v11;
	v11 =	vmin.f32 v60, v11  }
0x32c: {  	v32 =	vmax.f32 v52, v15;
	v15 =	vmin.f32 v52, v15;
	v37 =	vmax.f32 v12, v59  }
0x32d: {  	v36 =	vld [tilespmem:s23+$0xF020];
	v12 =	vmin.f32 v12, v59;
	v44 =	vmax.f32 v63, v34;
	v46 =	vmin.f32 v63, v34  }
0x32e: {  	v39 =	vld [tilespmem:s23+$0xF420];
	v54 =	vmax.f32 v53, v10;
	v10 =	vmin.f32 v53, v10;
	v43 =	vmax.f32 v58, v61  }
0x32f: {  	v45 =	vmin.f32 v58, v61;
	v4 =	vmax.f32 v4, v9;
	v5 =	vmax.f32 v5, v13  }
0x330: {  	v6 =	vmax.f32 v6, v20;
	v7 =	vmax.f32 v7, v18;
	v8 =	vmax.f32 v8, v24  }
0x331: {  	v30 =	vld [tilespmem:s23+$0xFC20];
	v33 =	vmax.f32 v54, v11;
	v11 =	vmin.f32 v54, v11;
	v35 =	vmax.f32 v10, v62  }
0x332: {  	v41 =	vld [tilespmem:s23+$0xF820];
	v10 =	vmin.f32 v10, v62;
	v47 =	vmax.f32 v43, v44;
	v48 =	vmax.f32 v45, v46  }
0x333: {  	v50 =	vmax.f32 v36, v39;
	v19 =	vmin.f32 v36, v39;
	v9 =	vmax.f32 v4, v8  }
0x334: {  	v4 =	vmin.f32 v4, v8;
	v27 =	vmax.f32 v5, v7;
	v5 =	vmin.f32 v5, v7  }
0x335: {  	v38 =	vmax.f32 v32, v35;
	v14 =	vmin.f32 v32, v35;
	v40 =	vmax.f32 v33, v37  }
0x336: {  	v16 =	vmin.f32 v33, v37;
	v11 =	vmax.f32 v15, v11;
	v10 =	vmax.f32 v10, v12  }
0x337: {  	v15 =	vmin.f32 v45, v46;
	v51 =	vmax.f32 v41, v30;
	v52 =	vmin.f32 v41, v30  }
0x338: {  	v28 =	vmax.f32 v27, v4;
	v4 =	vmin.f32 v27, v4;
	v29 =	vmax.f32 v38, v40  }
0x339: {  	v22 =	vmin.f32 v38, v40;
	v42 =	vmax.f32 v14, v16;
	v14 =	vmin.f32 v14, v16  }
0x33a: {  	v10 =	vmax.f32 v11, v10;
	v11 =	vmin.f32 v43, v44;
	v53 =	vmax.f32 v50, v51  }
0x33b: {  	v12 =	vmin.f32 v50, v51;
	v54 =	vmax.f32 v19, v52;
	v19 =	vmin.f32 v19, v52  }
0x33c: {  	v8 =	vmax.f32 v6, v4;
	v4 =	vmin.f32 v6, v4;
	v52 =	vmul.f32 $8.999999760e-01, v2  }
0x33d: {  	v2 =	vadd.f32 v1, v0;
	v49 =	vmax.f32 v48, v11;
	v11 =	vmin.f32 v48, v11  }
0x33e: {  	v55 =	vmax.f32 v54, v12;
	v12 =	vmin.f32 v54, v12;
	v56 =	vmax.f32 v47, v19  }
0x33f: {  	v17 =	vmin.f32 v47, v19;
	v59 =	vmax.f32 v15, v53;
	v15 =	vmin.f32 v15, v53  }
0x340: {  	v45 =	vld [tilespmem:s23+$0x8030];
	v33 =	vmax.f32 v5, v4;
	v4 =	vmin.f32 v5, v4;
	v57 =	vmax.f32 v49, v12  }
0x341: {  	v50 =	vld [tilespmem:s23+$0x8C30];
	v12 =	vmin.f32 v49, v12;
	v58 =	vmax.f32 v11, v55;
	v11 =	vmin.f32 v11, v55  }
0x342: {  	v51 =	vld [tilespmem:s23+$0x9030];
	v1 =	vadd.f32 v52, v3;
	v60 =	vmax.f32 v56, v58;
	v16 =	vmin.f32 v56, v58  }
0x343: {  	v47 =	vld [tilespmem:s23+$0x8430];
	v61 =	vmax.f32 v57, v59;
	v19 =	vmin.f32 v57, v59;
	v12 =	vmax.f32 v17, v12  }
0x344: {  	v53 =	vld [tilespmem:s23+$0x9430];
	v11 =	vmax.f32 v11, v15;
	v62 =	vmax.f32 v60, v61;
	v21 =	vmin.f32 v60, v61  }
0x345: {  	v54 =	vld [tilespmem:s23+$0x9830];
	v63 =	vmax.f32 v16, v19;
	v16 =	vmin.f32 v16, v19;
	v11 =	vmax.f32 v12, v11  }
0x346: {  	v49 =	vld [tilespmem:s23+$0x8830];
	v30 =	vmax.f32 v29, v11;
	v31 =	vmax.f32 v22, v16;
	v10 =	vmax.f32 v10, v62  }
0x347: {  	v55 =	vld [tilespmem:s23+$0x9C30];
	v32 =	vmax.f32 v14, v21;
	v36 =	vmax.f32 v42, v63;
	v34 =	vmin.f32 v30, v10  }
0x348: {  	v35 =	vmax.f32 v31, v32;
	v6 =	vmax.f32 v30, v10;
	v38 =	vmin.f32 v31, v32  }
0x349: {  	v56 =	vmax.f32 v45, v47;
	v7 =	vmin.f32 v45, v47;
	v60 =	vmax.f32 v51, v53  }
0x34a: {  	v61 =	vmin.f32 v51, v53;
	v37 =	vmin.f32 v35, v34;
	v40 =	vmax.f32 v35, v34  }
0x34b: {  	v24 =	vld [tilespmem:s23+$0xA830];
	v43 =	vmin.f32 v8, v6;
	v6 =	vmin.f32 v33, v6;
	v57 =	vmax.f32 v49, v50  }
0x34c: {  	v63 =	vld [tilespmem:s23+$0xA030];
	v62 =	vmax.f32 v54, v55;
	v3 =	vmin.f32 v54, v55;
	v39 =	vmin.f32 v36, v37  }
0x34d: {  	v22 =	vld [tilespmem:s23+$0xA430];
	v5 =	vmax.f32 v36, v37;
	v15 =	vmin.f32 v28, v40;
	v44 =	vmin.f32 v8, v40  }
0x34e: {  	v31 =	vld [tilespmem:s23+$0xB030];
	v58 =	vmax.f32 v56, v57;
	v20 =	vmax.f32 v60, v62;
	v21 =	vmax.f32 v61, v3  }
0x34f: {  	v34 =	vld [tilespmem:s23+$0xB430];
	v3 =	vmin.f32 v61, v3;
	v41 =	vmax.f32 v38, v39;
	v10 =	vmin.f32 v38, v39  }
0x350: {  	v37 =	vld [tilespmem:s23+$0xB830];
	v42 =	vmin.f32 v9, v5;
	v5 =	vmin.f32 v28, v5;
	v6 =	vmax.f32 v44, v6  }
0x351: {  	v25 =	vmax.f32 v58, v3;
	v26 =	vmin.f32 v58, v3;
	v28 =	vld [tilespmem:s23+$0xAC30];
	v11 =	vmax.f32 v42, v15  }
0x352: {  	v38 =	vld [tilespmem:s23+$0xBC30];
	v9 =	vmin.f32 v9, v41;
	v46 =	vmax.f32 v33, v41;
	v4 =	vmax.f32 v4, v10  }
0x353: {  	v39 =	vmax.f32 v63, v22;
	v5 =	vmax.f32 v9, v5;
	v48 =	vmax.f32 v43, v46  }
0x354: {  	v5 =	vmax.f32 v5, v6;
	v9 =	vmax.f32 v11, v48;
	v11 =	vmin.f32 v63, v22  }
0x355: {  	v44 =	vmax.f32 v31, v34;
	v4 =	vmax.f32 v5, v4;
	v5 =	vmin.f32 v49, v50  }
0x356: {  	v46 =	vld [tilespmem:s23+$0xC030];
	v9 =	vsub.f32 v9, v4;
	v8 =	vmax.f32 v7, v5;
	v5 =	vmin.f32 v7, v5  }
0x357: {  	v49 =	vld [tilespmem:s23+$0xC430];
	v40 =	vmax.f32 v24, v28;
	v10 =	vmin.f32 v24, v28;
	v45 =	vmax.f32 v37, v38  }
0x358: {  	v14 =	vmin.f32 v37, v38;
	v32 =	vmax.f32 v5, v20;
	v9 =	vmul.f32 $8.999999760e-01, v9  }
0x359: {  	v12 =	vmin.f32 v5, v20;
	v41 =	vmax.f32 v39, v40;
	v42 =	vmax.f32 v11, v10  }
0x35a: {  	v10 =	vmin.f32 v11, v10;
	v47 =	vmax.f32 v44, v45;
	v0 =	vadd.f32 v9, v4  }
0x35b: {  	v4 =	vmin.f32 v56, v57;
	v9 =	vmin.f32 v31, v34;
	v57 =	vmax.f32 v10, v47  }
0x35c: {  	v10 =	vmin.f32 v10, v47;
	v63 =	vmax.f32 v46, v49;
	v59 =	vmax.f32 v8, v4  }
0x35d: {  	v51 =	vld [tilespmem:s23+$0xC830];
	v4 =	vmin.f32 v8, v4;
	v8 =	vmin.f32 v60, v62;
	v48 =	vmax.f32 v9, v14  }
0x35e: {  	v54 =	vld [tilespmem:s23+$0xCC30];
	v9 =	vmin.f32 v9, v14;
	v23 =	vmax.f32 v21, v8;
	v8 =	vmin.f32 v21, v8  }
0x35f: {  	v52 =	vmax.f32 v41, v9;
	v9 =	vmin.f32 v41, v9;
	v27 =	vmax.f32 v59, v8  }
0x360: {  	v7 =	vmin.f32 v59, v8;
	v29 =	vmax.f32 v4, v23;
	v30 =	vmin.f32 v4, v23  }
0x361: {  	v33 =	vmax.f32 v25, v29;
	v6 =	vmin.f32 v25, v29;
	v35 =	vmax.f32 v27, v32  }
0x362: {  	v61 =	vld [tilespmem:s23+$0xD830];
	v36 =	vmin.f32 v27, v32;
	v7 =	vmax.f32 v26, v7;
	v8 =	vmax.f32 v30, v12  }
0x363: {  	v62 =	vld [tilespmem:s23+$0xDC30];
	v12 =	vmin.f32 v44, v45;
	v25 =	vmax.f32 v51, v54;
	v26 =	vmin.f32 v46, v49  }
0x364: {  	v27 =	vmin.f32 v51, v54;
	v3 =	vmax.f32 v33, v35;
	v4 =	vmin.f32 v33, v35  }
0x365: {  	v37 =	vld [tilespmem:s23+$0xE430];
	v5 =	vmax.f32 v6, v36;
	v6 =	vmin.f32 v6, v36;
	v7 =	vmax.f32 v7, v8  }
0x366: {  	v56 =	vld [tilespmem:s23+$0xD030];
	v8 =	vmin.f32 v39, v40;
	v50 =	vmax.f32 v48, v12;
	v12 =	vmin.f32 v48, v12  }
0x367: {  	v59 =	vld [tilespmem:s23+$0xD430];
	v28 =	vmax.f32 v63, v25;
	v29 =	vmax.f32 v26, v27;
	v43 =	vmax.f32 v42, v8  }
0x368: {  	v34 =	vld [tilespmem:s23+$0xE030];
	v8 =	vmin.f32 v42, v8;
	v32 =	vmax.f32 v61, v62;
	v33 =	vmin.f32 v61, v62  }
0x369: {  	v53 =	vmax.f32 v43, v12;
	v11 =	vmin.f32 v43, v12;
	v55 =	vmax.f32 v8, v50  }
0x36a: {  	v8 =	vmin.f32 v8, v50;
	v58 =	vmax.f32 v52, v55;
	v12 =	vmin.f32 v52, v55  }
0x36b: {  	v47 =	vld [tilespmem:s23+$0xF430];
	v60 =	vmax.f32 v53, v57;
	v13 =	vmin.f32 v53, v57;
	v9 =	vmax.f32 v9, v11  }
0x36c: {  	v44 =	vld [tilespmem:s23+$0xF030];
	v8 =	vmax.f32 v8, v10;
	v11 =	vmin.f32 v26, v27;
	v31 =	vmax.f32 v56, v59  }
0x36d: {  	v14 =	vmin.f32 v56, v59;
	v53 =	vmax.f32 v34, v37;
	v55 =	vmin.f32 v34, v37  }
0x36e: {  	v23 =	vmax.f32 v58, v60;
	v17 =	vmin.f32 v58, v60;
	v19 =	vmax.f32 v12, v13  }
0x36f: {  	v12 =	vmin.f32 v12, v13;
	v8 =	vmax.f32 v9, v8;
	v9 =	vmin.f32 v63, v25  }
0x370: {  	v35 =	vmax.f32 v31, v32;
	v10 =	vmin.f32 v31, v32;
	v36 =	vmax.f32 v14, v33  }
0x371: {  	v39 =	vld [tilespmem:s23+$0xE830];
	v14 =	vmin.f32 v14, v33;
	v60 =	vmax.f32 v44, v47;
	v18 =	vmin.f32 v44, v47  }
0x372: {  	v42 =	vld [tilespmem:s23+$0xEC30];
	v30 =	vmax.f32 v29, v9;
	v9 =	vmin.f32 v29, v9;
	v38 =	vmax.f32 v36, v10  }
0x373: {  	v10 =	vmin.f32 v36, v10;
	v40 =	vmax.f32 v28, v14;
	v14 =	vmin.f32 v28, v14  }
0x374: {  	v45 =	vmax.f32 v11, v35;
	v11 =	vmin.f32 v11, v35;
	v3 =	vmax.f32 v3, v8  }
0x375: {  	v4 =	vmax.f32 v4, v12;
	v5 =	vmax.f32 v5, v19;
	v6 =	vmax.f32 v6, v17  }
0x376: {  	v7 =	vmax.f32 v7, v23;
	v41 =	vmax.f32 v30, v10;
	v10 =	vmin.f32 v30, v10  }
0x377: {  	v43 =	vmax.f32 v9, v38;
	v9 =	vmin.f32 v9, v38;
	v54 =	vmax.f32 v39, v42  }
0x378: {  	v56 =	vmin.f32 v39, v42;
	v8 =	vmax.f32 v3, v7;
	v3 =	vmin.f32 v3, v7  }
0x379: {  	v49 =	vld [tilespmem:s23+$0xF830];
	v38 =	vmax.f32 v4, v6;
	v4 =	vmin.f32 v4, v6;
	v46 =	vmax.f32 v40, v43  }
0x37a: {  	v52 =	vld [tilespmem:s23+$0xFC30];
	v13 =	vmin.f32 v40, v43;
	v48 =	vmax.f32 v41, v45;
	v15 =	vmin.f32 v41, v45  }
0x37b: {  	v10 =	vmax.f32 v14, v10;
	v9 =	vmax.f32 v9, v11;
	v57 =	vmax.f32 v53, v54  }
0x37c: {  	v58 =	vmax.f32 v55, v56;
	v14 =	vmin.f32 v55, v56;
	v39 =	vmax.f32 v38, v3  }
0x37d: {  	v3 =	vmin.f32 v38, v3;
	v50 =	vmax.f32 v46, v48;
	v21 =	vmin.f32 v46, v48  }
0x37e: {  	v51 =	vmax.f32 v13, v15;
	v13 =	vmin.f32 v13, v15;
	v9 =	vmax.f32 v10, v9  }
0x37f: {  	v10 =	vmin.f32 v53, v54;
	v61 =	vmax.f32 v49, v52;
	v62 =	vmin.f32 v49, v52  }
0x380: {  	v7 =	vmax.f32 v5, v3;
	v3 =	vmin.f32 v5, v3;
	v59 =	vmax.f32 v58, v10  }
0x381: {  	v10 =	vmin.f32 v58, v10;
	v63 =	vmax.f32 v60, v61;
	v11 =	vmin.f32 v60, v61  }
0x382: {  	v27 =	vmax.f32 v18, v62;
	v18 =	vmin.f32 v18, v62;
	v43 =	vmax.f32 v4, v3  }
0x383: {  	v3 =	vmin.f32 v4, v3;
	v29 =	vmax.f32 v27, v11;
	v11 =	vmin.f32 v27, v11  }
0x384: {  	v56 =	vld [tilespmem:s23+$0x8C40];
	v30 =	vmax.f32 v57, v18;
	v16 =	vmin.f32 v57, v18;
	v33 =	vmax.f32 v14, v63  }
0x385: {  	v53 =	vld [tilespmem:s23+$0x8840];
	v14 =	vmin.f32 v14, v63;
	v31 =	vmax.f32 v59, v11;
	v32 =	vmax.f32 v10, v29  }
0x386: {  	v58 =	vld [tilespmem:s23+$0x9040];
	v11 =	vmin.f32 v59, v11;
	v10 =	vmin.f32 v10, v29;
	v34 =	vmax.f32 v30, v32  }
0x387: {  	v60 =	vld [tilespmem:s23+$0x9440];
	v15 =	vmin.f32 v30, v32;
	v35 =	vmax.f32 v31, v33;
	v18 =	vmin.f32 v31, v33  }
0x388: {  	v61 =	vld [tilespmem:s23+$0x9840];
	v11 =	vmax.f32 v16, v11;
	v10 =	vmax.f32 v10, v14;
	v36 =	vmax.f32 v34, v35  }
0x389: {  	v63 =	vld [tilespmem:s23+$0x9C40];
	v20 =	vmin.f32 v34, v35;
	v37 =	vmax.f32 v15, v18;
	v10 =	vmax.f32 v11, v10  }
0x38a: {  	v15 =	vmin.f32 v15, v18;
	v22 =	vmin.f32 v53, v56;
	v40 =	vmax.f32 v50, v10  }
0x38b: {  	v41 =	vmax.f32 v21, v15;
	v42 =	vmax.f32 v13, v20;
	v9 =	vmax.f32 v9, v36  }
0x38c: {  	v46 =	vmax.f32 v51, v37;
	v21 =	vmax.f32 v53, v56;
	v26 =	vmax.f32 v58, v60  }
0x38d: {  	v28 =	vld [tilespmem:s23+$0xA040];
	v44 =	vmin.f32 v40, v9;
	v45 =	vmax.f32 v41, v42;
	v5 =	vmax.f32 v40, v9  }
0x38e: {  	v31 =	vld [tilespmem:s23+$0xA440];
	v49 =	vmin.f32 v41, v42;
	v27 =	vmax.f32 v61, v63;
	v6 =	vmin.f32 v61, v63  }
0x38f: {  	v33 =	vld [tilespmem:s23+$0xA840];
	v47 =	vmin.f32 v45, v44;
	v13 =	vmax.f32 v45, v44;
	v57 =	vmin.f32 v7, v5  }
0x390: {  	v35 =	vld [tilespmem:s23+$0xAC40];
	v5 =	vmin.f32 v43, v5;
	v29 =	vmin.f32 v26, v27;
	v50 =	vmin.f32 v46, v47  }
0x391: {  	v48 =	vld [tilespmem:s23+$0x8040];
	v4 =	vmax.f32 v46, v47;
	v55 =	vmin.f32 v39, v13;
	v59 =	vmin.f32 v7, v13  }
0x392: {  	v51 =	vld [tilespmem:s23+$0x8440];
	v7 =	vmin.f32 v58, v60;
	v13 =	vmax.f32 v26, v27;
	v52 =	vmax.f32 v49, v50  }
0x393: {  	v9 =	vmin.f32 v49, v50;
	v54 =	vmin.f32 v8, v4;
	v4 =	vmin.f32 v39, v4  }
0x394: {  	v5 =	vmax.f32 v59, v5;
	v30 =	vmax.f32 v7, v6;
	v6 =	vmin.f32 v7, v6  }
0x395: {  	v38 =	vld [tilespmem:s23+$0xB040];
	v49 =	vmin.f32 v28, v31;
	v50 =	vmax.f32 v33, v35;
	v14 =	vmin.f32 v33, v35  }
0x396: {  	v41 =	vld [tilespmem:s23+$0xB440];
	v10 =	vmax.f32 v54, v55;
	v8 =	vmin.f32 v8, v52;
	v12 =	vmax.f32 v43, v52  }
0x397: {  	v3 =	vmax.f32 v3, v9;
	v17 =	vmax.f32 v48, v51;
	v20 =	vmin.f32 v48, v51  }
0x398: {  	v44 =	vld [tilespmem:s23+$0xB840];
	v32 =	vmax.f32 v30, v29;
	v9 =	vmin.f32 v30, v29;
	v48 =	vmax.f32 v28, v31  }
0x399: {  	v46 =	vld [tilespmem:s23+$0xBC40];
	v52 =	vmax.f32 v49, v14;
	v4 =	vmax.f32 v8, v4;
	v62 =	vmax.f32 v57, v12  }
0x39a: {  	v23 =	vmax.f32 v17, v21;
	v24 =	vmax.f32 v20, v22;
	v8 =	vmin.f32 v20, v22  }
0x39b: {  	v51 =	vmax.f32 v48, v50;
	v54 =	vmax.f32 v38, v41;
	v5 =	vmax.f32 v4, v5  }
0x39c: {  	v4 =	vmax.f32 v10, v62;
	v34 =	vmax.f32 v23, v6;
	v12 =	vmin.f32 v23, v6  }
0x39d: {  	v40 =	vmax.f32 v8, v13;
	v8 =	vmin.f32 v8, v13;
	v13 =	vmin.f32 v38, v41  }
0x39e: {  	v3 =	vmax.f32 v5, v3;
	v5 =	vmin.f32 v17, v21;
	v55 =	vmax.f32 v44, v46  }
0x39f: {  	v11 =	vmin.f32 v44, v46;
	v25 =	vmax.f32 v24, v5;
	v5 =	vmin.f32 v24, v5  }
0x3a0: {  	v56 =	vld [tilespmem:s23+$0xC040];
	v57 =	vmin.f32 v54, v55;
	v20 =	vmax.f32 v13, v11;
	v17 =	vmax.f32 v54, v55  }
0x3a1: {  	v58 =	vld [tilespmem:s23+$0xC440];
	v11 =	vmin.f32 v13, v11;
	v4 =	vsub.f32 v4, v3;
	v36 =	vmax.f32 v25, v9  }
0x3a2: {  	v9 =	vmin.f32 v25, v9;
	v37 =	vmax.f32 v5, v32;
	v39 =	vmin.f32 v5, v32  }
0x3a3: {  	v60 =	vld [tilespmem:s23+$0xC840];
	v59 =	vmax.f32 v20, v57;
	v15 =	vmin.f32 v20, v57;
	v61 =	vmax.f32 v51, v11  }
0x3a4: {  	v29 =	vld [tilespmem:s23+$0xD040];
	v11 =	vmin.f32 v51, v11;
	v42 =	vmax.f32 v34, v37;
	v10 =	vmin.f32 v34, v37  }
0x3a5: {  	v62 =	vld [tilespmem:s23+$0xCC40];
	v43 =	vmax.f32 v36, v40;
	v45 =	vmin.f32 v36, v40;
	v9 =	vmax.f32 v12, v9  }
0x3a6: {  	v31 =	vld [tilespmem:s23+$0xD440];
	v47 =	vmax.f32 v39, v8;
	v12 =	vmin.f32 v49, v14;
	v36 =	vmax.f32 v56, v58  }
0x3a7: {  	v37 =	vmin.f32 v56, v58;
	v4 =	vmul.f32 $8.999999760e-01, v4;
	v6 =	vmax.f32 v42, v43  }
0x3a8: {  	v7 =	vmin.f32 v42, v43;
	v5 =	vmax.f32 v10, v45;
	v8 =	vmin.f32 v10, v45  }
0x3a9: {  	v9 =	vmax.f32 v9, v47;
	v10 =	vmin.f32 v48, v50;
	v30 =	vmax.f32 v12, v17  }
0x3aa: {  	v35 =	vld [tilespmem:s23+$0xDC40];
	v12 =	vmin.f32 v12, v17;
	v38 =	vmax.f32 v60, v62;
	v39 =	vmin.f32 v60, v62  }
0x3ab: {  	v46 =	vld [tilespmem:s23+$0xE040];
	v43 =	vmax.f32 v29, v31;
	v17 =	vmin.f32 v29, v31;
	v53 =	vmax.f32 v52, v10  }
0x3ac: {  	v55 =	vld [tilespmem:s23+$0xF040];
	v10 =	vmin.f32 v52, v10;
	v40 =	vmax.f32 v36, v38;
	v41 =	vmax.f32 v37, v39  }
0x3ad: {  	v34 =	vld [tilespmem:s23+$0xD840];
	v63 =	vmax.f32 v53, v15;
	v14 =	vmin.f32 v53, v15;
	v28 =	vmax.f32 v10, v59  }
0x3ae: {  	v57 =	vld [tilespmem:s23+$0xF440];
	v10 =	vmin.f32 v10, v59;
	v32 =	vmax.f32 v61, v28;
	v15 =	vmin.f32 v61, v28  }
0x3af: {  	v48 =	vld [tilespmem:s23+$0xE440];
	v33 =	vmax.f32 v63, v30;
	v13 =	vmin.f32 v63, v30;
	v11 =	vmax.f32 v11, v14  }
0x3b0: {  	v60 =	vld [tilespmem:s23+$0xF840];
	v10 =	vmax.f32 v10, v12;
	v22 =	vmax.f32 v32, v33;
	v20 =	vmin.f32 v32, v33  }
0x3b1: {  	v62 =	vld [tilespmem:s23+$0xFC40];
	v26 =	vmax.f32 v15, v13;
	v12 =	vmin.f32 v15, v13;
	v10 =	vmax.f32 v11, v10  }
0x3b2: {  	v11 =	vmin.f32 v36, v38;
	v13 =	vmin.f32 v37, v39;
	v44 =	vmax.f32 v34, v35  }
0x3b3: {  	v45 =	vmin.f32 v34, v35;
	v38 =	vmax.f32 v55, v57;
	v42 =	vmax.f32 v41, v11  }
0x3b4: {  	v50 =	vld [tilespmem:s23+$0xE840];
	v11 =	vmin.f32 v41, v11;
	v47 =	vmin.f32 v43, v44;
	v24 =	vmax.f32 v17, v45  }
0x3b5: {  	v52 =	vld [tilespmem:s23+$0xEC40];
	v18 =	vmax.f32 v43, v44;
	v17 =	vmin.f32 v17, v45;
	v32 =	vmax.f32 v46, v48  }
0x3b6: {  	v33 =	vmin.f32 v46, v48;
	v39 =	vmax.f32 v60, v62;
	v6 =	vmax.f32 v6, v10  }
0x3b7: {  	v7 =	vmax.f32 v7, v12;
	v8 =	vmax.f32 v8, v20;
	v9 =	vmax.f32 v9, v22  }
0x3b8: {  	v5 =	vmax.f32 v5, v26;
	v49 =	vmax.f32 v24, v47;
	v14 =	vmin.f32 v24, v47  }
0x3b9: {  	v51 =	vmax.f32 v40, v17;
	v16 =	vmin.f32 v40, v17;
	v56 =	vmax.f32 v13, v18  }
0x3ba: {  	v13 =	vmin.f32 v13, v18;
	v34 =	vmax.f32 v50, v52;
	v17 =	vmin.f32 v50, v52  }
0x3bb: {  	v18 =	vmin.f32 v55, v57;
	v40 =	vmin.f32 v60, v62;
	v41 =	vmin.f32 v38, v39  }
0x3bc: {  	v21 =	vmax.f32 v38, v39;
	v10 =	vmin.f32 v6, v9;
	v12 =	vmax.f32 v7, v8  }
0x3bd: {  	v6 =	vmax.f32 v6, v9;
	v7 =	vmin.f32 v7, v8;
	v53 =	vmax.f32 v42, v14  }
0x3be: {  	v14 =	vmin.f32 v42, v14;
	v54 =	vmax.f32 v11, v49;
	v11 =	vmin.f32 v11, v49  }
0x3bf: {  	v35 =	vmax.f32 v32, v34;
	v36 =	vmax.f32 v33, v17;
	v28 =	vmax.f32 v18, v40  }
0x3c0: {  	v18 =	vmin.f32 v18, v40;
	v52 =	vmax.f32 v12, v10;
	v58 =	vmax.f32 v51, v54  }
0x3c1: {  	v15 =	vmin.f32 v51, v54;
	v59 =	vmax.f32 v53, v56;
	v19 =	vmin.f32 v53, v56  }
0x3c2: {  	v14 =	vmax.f32 v16, v14;
	v11 =	vmax.f32 v11, v13;
	v42 =	vmax.f32 v28, v41  }
0x3c3: {  	v16 =	vmin.f32 v28, v41;
	v25 =	vmax.f32 v35, v18;
	v18 =	vmin.f32 v35, v18  }
0x3c4: {  	v51 =	vmin.f32 v12, v10;
	v61 =	vmax.f32 v58, v59;
	v24 =	vmin.f32 v58, v59  }
0x3c5: {  	v31 =	vmax.f32 v15, v19;
	v63 =	vmin.f32 v15, v19;
	v11 =	vmax.f32 v14, v11  }
0x3c6: {  	v14 =	vmin.f32 v32, v34;
	v15 =	vmin.f32 v33, v17;
	v53 =	vmax.f32 v5, v51  }
0x3c7: {  	v5 =	vmin.f32 v5, v51;
	v37 =	vmax.f32 v36, v14;
	v14 =	vmin.f32 v36, v14  }
0x3c8: {  	v62 =	vld [tilespmem:s23+$0x8450];
	v45 =	vmax.f32 v15, v21;
	v15 =	vmin.f32 v15, v21;
	v8 =	vmax.f32 v7, v5  }
0x3c9: {  	v35 =	vld [tilespmem:s23+$0x9C50];
	v5 =	vmin.f32 v7, v5;
	v43 =	vmax.f32 v37, v16;
	v44 =	vmax.f32 v14, v42  }
0x3ca: {  	v59 =	vld [tilespmem:s23+$0x8050];
	v16 =	vmin.f32 v37, v16;
	v14 =	vmin.f32 v14, v42;
	v46 =	vmax.f32 v25, v44  }
0x3cb: {  	v34 =	vld [tilespmem:s23+$0x9850];
	v17 =	vmin.f32 v25, v44;
	v47 =	vmax.f32 v43, v45;
	v19 =	vmin.f32 v43, v45  }
0x3cc: {  	v16 =	vmax.f32 v18, v16;
	v14 =	vmax.f32 v14, v15;
	v48 =	vmax.f32 v46, v47  }
0x3cd: {  	v21 =	vmin.f32 v46, v47;
	v50 =	vmin.f32 v17, v19;
	v14 =	vmax.f32 v16, v14  }
0x3ce: {  	v49 =	vmax.f32 v17, v19;
	v54 =	vmax.f32 v61, v14;
	v55 =	vmax.f32 v24, v50  }
0x3cf: {  	v27 =	vld [tilespmem:s23+$0x8C50];
	v13 =	vmax.f32 v63, v21;
	v11 =	vmax.f32 v11, v48;
	v56 =	vmax.f32 v31, v49  }
0x3d0: {  	v44 =	vld [tilespmem:s23+$0xA050];
	v36 =	vmax.f32 v59, v62;
	v37 =	vmin.f32 v59, v62;
	v43 =	vmax.f32 v34, v35  }
0x3d1: {  	v47 =	vld [tilespmem:s23+$0xA450];
	v57 =	vmin.f32 v54, v11;
	v58 =	vmax.f32 v55, v13;
	v7 =	vmax.f32 v54, v11  }
0x3d2: {  	v33 =	vld [tilespmem:s23+$0x9450];
	v60 =	vmin.f32 v55, v13;
	v61 =	vmin.f32 v58, v57;
	v15 =	vmax.f32 v58, v57  }
0x3d3: {  	v24 =	vld [tilespmem:s23+$0x8850];
	v29 =	vmin.f32 v53, v7;
	v7 =	vmin.f32 v8, v7;
	v63 =	vmax.f32 v56, v61  }
0x3d4: {  	v31 =	vld [tilespmem:s23+$0x9050];
	v12 =	vmin.f32 v56, v61;
	v28 =	vmin.f32 v52, v15;
	v10 =	vmin.f32 v53, v15  }
0x3d5: {  	v25 =	vmax.f32 v60, v12;
	v11 =	vmin.f32 v60, v12;
	v26 =	vmin.f32 v6, v63  }
0x3d6: {  	v9 =	vmin.f32 v52, v63;
	v7 =	vmax.f32 v10, v7;
	v15 =	vmin.f32 v44, v47  }
0x3d7: {  	v30 =	vmax.f32 v8, v25;
	v12 =	vmax.f32 v26, v28;
	v18 =	vmin.f32 v6, v25  }
0x3d8: {  	v5 =	vmax.f32 v5, v11;
	v38 =	vmax.f32 v24, v27;
	v39 =	vmin.f32 v24, v27  }
0x3d9: {  	v42 =	vmax.f32 v31, v33;
	v45 =	vmin.f32 v31, v33;
	v8 =	vmin.f32 v34, v35  }
0x3da: {  	v55 =	vld [tilespmem:s23+$0xB050];
	v27 =	vmax.f32 v44, v47;
	v32 =	vmax.f32 v29, v30;
	v9 =	vmax.f32 v18, v9  }
0x3db: {  	v58 =	vld [tilespmem:s23+$0xB450];
	v40 =	vmin.f32 v36, v38;
	v14 =	vmax.f32 v37, v39;
	v11 =	vmin.f32 v37, v39  }
0x3dc: {  	v46 =	vmax.f32 v42, v43;
	v13 =	vmin.f32 v42, v43;
	v48 =	vmax.f32 v45, v8  }
0x3dd: {  	v49 =	vld [tilespmem:s23+$0xA850];
	v8 =	vmin.f32 v45, v8;
	v6 =	vmax.f32 v12, v32;
	v7 =	vmax.f32 v9, v7  }
0x3de: {  	v61 =	vld [tilespmem:s23+$0xB850];
	v9 =	vmax.f32 v36, v38;
	v41 =	vmax.f32 v14, v40;
	v50 =	vmax.f32 v48, v13  }
0x3df: {  	v52 =	vld [tilespmem:s23+$0xAC50];
	v13 =	vmin.f32 v48, v13;
	v57 =	vmax.f32 v11, v46;
	v11 =	vmin.f32 v11, v46  }
0x3e0: {  	v63 =	vld [tilespmem:s23+$0xBC50];
	v32 =	vmax.f32 v55, v58;
	v5 =	vmax.f32 v7, v5;
	v7 =	vmin.f32 v14, v40  }
0x3e1: {  	v51 =	vmax.f32 v9, v8;
	v53 =	vmin.f32 v9, v8;
	v54 =	vmax.f32 v41, v13  }
0x3e2: {  	v12 =	vmin.f32 v41, v13;
	v13 =	vmin.f32 v55, v58;
	v56 =	vmax.f32 v7, v50  }
0x3e3: {  	v44 =	vld [tilespmem:s23+$0xD050];
	v18 =	vmin.f32 v7, v50;
	v60 =	vmax.f32 v54, v57;
	v62 =	vmin.f32 v54, v57  }
0x3e4: {  	v47 =	vld [tilespmem:s23+$0xD450];
	v12 =	vmax.f32 v53, v12;
	v28 =	vmax.f32 v49, v52;
	v16 =	vmin.f32 v49, v52  }
0x3e5: {  	v33 =	vmax.f32 v61, v63;
	v35 =	vmin.f32 v61, v63;
	v6 =	vsub.f32 v6, v5  }
0x3e6: {  	v34 =	vld [tilespmem:s23+$0xC050];
	v59 =	vmax.f32 v51, v56;
	v14 =	vmin.f32 v51, v56;
	v11 =	vmax.f32 v18, v11  }
0x3e7: {  	v37 =	vld [tilespmem:s23+$0xC450];
	v29 =	vmin.f32 v27, v28;
	v30 =	vmax.f32 v15, v16;
	v15 =	vmin.f32 v15, v16  }
0x3e8: {  	v39 =	vld [tilespmem:s23+$0xC850];
	v36 =	vmax.f32 v32, v33;
	v17 =	vmin.f32 v32, v33;
	v38 =	vmax.f32 v13, v35  }
0x3e9: {  	v42 =	vld [tilespmem:s23+$0xCC50];
	v13 =	vmin.f32 v13, v35;
	v58 =	vmax.f32 v44, v47;
	v8 =	vmax.f32 v59, v60  }
0x3ea: {  	v9 =	vmin.f32 v59, v60;
	v7 =	vmax.f32 v14, v62;
	v10 =	vmin.f32 v14, v62  }
0x3eb: {  	v11 =	vmax.f32 v12, v11;
	v14 =	vmax.f32 v27, v28;
	v31 =	vmax.f32 v30, v29  }
0x3ec: {  	v12 =	vmin.f32 v30, v29;
	v40 =	vmax.f32 v38, v17;
	v17 =	vmin.f32 v38, v17  }
0x3ed: {  	v46 =	vmax.f32 v15, v36;
	v15 =	vmin.f32 v15, v36;
	v52 =	vmax.f32 v34, v37  }
0x3ee: {  	v53 =	vmin.f32 v34, v37;
	v54 =	vmax.f32 v39, v42;
	v55 =	vmin.f32 v39, v42  }
0x3ef: {  	v6 =	vmul.f32 $8.999999760e-01, v6;
	v41 =	vmax.f32 v14, v13;
	v13 =	vmin.f32 v14, v13  }
0x3f0: {  	v43 =	vmax.f32 v31, v17;
	v16 =	vmin.f32 v31, v17;
	v45 =	vmax.f32 v12, v40  }
0x3f1: {  	v50 =	vld [tilespmem:s23+$0xD850];
	v12 =	vmin.f32 v12, v40;
	v56 =	vmin.f32 v52, v54;
	v20 =	vmax.f32 v53, v55  }
0x3f2: {  	v51 =	vld [tilespmem:s23+$0xDC50];
	v17 =	vmin.f32 v44, v47;
	v48 =	vmax.f32 v41, v45;
	v49 =	vmax.f32 v43, v46  }
0x3f3: {  	v18 =	vmin.f32 v41, v45;
	v14 =	vmin.f32 v43, v46;
	v13 =	vmax.f32 v13, v16  }
0x3f4: {  	v12 =	vmax.f32 v12, v15;
	v15 =	vmax.f32 v52, v54;
	v16 =	vmin.f32 v53, v55  }
0x3f5: {  	v63 =	vld [tilespmem:s23+$0xE450];
	v57 =	vmax.f32 v20, v56;
	v23 =	vmax.f32 v48, v49;
	v21 =	vmin.f32 v48, v49  }
0x3f6: {  	v60 =	vld [tilespmem:s23+$0xE050];
	v27 =	vmax.f32 v18, v14;
	v14 =	vmin.f32 v18, v14;
	v12 =	vmax.f32 v13, v12  }
0x3f7: {  	v37 =	vld [tilespmem:s23+$0xE850];
	v13 =	vmin.f32 v20, v56;
	v59 =	vmax.f32 v50, v51;
	v61 =	vmin.f32 v50, v51  }
0x3f8: {  	v40 =	vld [tilespmem:s23+$0xEC50];
	v8 =	vmax.f32 v8, v12;
	v9 =	vmax.f32 v9, v14;
	v10 =	vmax.f32 v10, v21  }
0x3f9: {  	v11 =	vmax.f32 v11, v23;
	v7 =	vmax.f32 v7, v27;
	v62 =	vmax.f32 v58, v59  }
0x3fa: {  	v19 =	vmin.f32 v58, v59;
	v36 =	vmax.f32 v17, v61;
	v17 =	vmin.f32 v17, v61  }
0x3fb: {  	v42 =	vld [tilespmem:s23+$0xF050];
	v49 =	vmax.f32 v60, v63;
	v50 =	vmin.f32 v60, v63;
	v38 =	vmax.f32 v36, v19  }
0x3fc: {  	v45 =	vld [tilespmem:s23+$0xF450];
	v19 =	vmin.f32 v36, v19;
	v39 =	vmax.f32 v15, v17;
	v15 =	vmin.f32 v15, v17  }
0x3fd: {  	v44 =	vmax.f32 v16, v62;
	v16 =	vmin.f32 v16, v62;
	v51 =	vmax.f32 v37, v40  }
0x3fe: {  	v33 =	vld [tilespmem:s23+$0xF850];
	v52 =	vmin.f32 v37, v40;
	v40 =	vmin.f32 v8, v11;
	v8 =	vmax.f32 v8, v11  }
0x3ff: {  	v48 =	vld [tilespmem:s23+$0xFC50];
	v41 =	vmax.f32 v57, v19;
	v18 =	vmin.f32 v57, v19;
	v43 =	vmax.f32 v13, v38  }
0x400: {  	v13 =	vmin.f32 v13, v38;
	v53 =	vmin.f32 v49, v51;
	v24 =	vmax.f32 v50, v52  }
0x401: {  	v55 =	vmax.f32 v42, v45;
	v19 =	vmin.f32 v42, v45;
	v46 =	vmax.f32 v39, v43  }
0x402: {  	v32 =	vmax.f32 v41, v44;
	v20 =	vmin.f32 v39, v43;
	v17 =	vmin.f32 v41, v44  }
0x403: {  	v15 =	vmax.f32 v15, v18;
	v13 =	vmax.f32 v13, v16;
	v16 =	vmax.f32 v49, v51  }
0x404: {  	v18 =	vmin.f32 v50, v52;
	v54 =	vmax.f32 v24, v53;
	v56 =	vmax.f32 v33, v48  }
0x405: {  	v57 =	vmin.f32 v33, v48;
	v41 =	vmax.f32 v9, v10;
	v9 =	vmin.f32 v9, v10  }
0x406: {  	v47 =	vmax.f32 v46, v32;
	v25 =	vmin.f32 v46, v32;
	v32 =	vmax.f32 v20, v17  }
0x407: {  	v17 =	vmin.f32 v20, v17;
	v13 =	vmax.f32 v15, v13;
	v15 =	vmin.f32 v24, v53  }
0x408: {  	v58 =	vmax.f32 v55, v56;
	v22 =	vmin.f32 v55, v56;
	v59 =	vmax.f32 v19, v57  }
0x409: {  	v19 =	vmin.f32 v19, v57;
	v42 =	vmin.f32 v41, v40;
	v43 =	vmax.f32 v41, v40  }
0x40a: {  	v60 =	vmax.f32 v59, v22;
	v22 =	vmin.f32 v59, v22;
	v61 =	vmax.f32 v16, v19  }
0x40b: {  	v16 =	vmin.f32 v16, v19;
	v33 =	vmax.f32 v18, v58;
	v18 =	vmin.f32 v18, v58  }
0x40c: {  	v44 =	vmin.f32 v7, v42;
	v7 =	vmax.f32 v7, v42;
	v62 =	vmax.f32 v54, v22  }
0x40d: {  	v20 =	vmin.f32 v54, v22;
	v63 =	vmax.f32 v15, v60;
	v15 =	vmin.f32 v15, v60  }
0x40e: {  	v51 =	vld [tilespmem:s23+$0x8060];
	v45 =	vmax.f32 v9, v44;
	v9 =	vmin.f32 v9, v44;
	v34 =	vmax.f32 v61, v63  }
0x40f: {  	v53 =	vld [tilespmem:s23+$0x8460];
	v35 =	vmax.f32 v62, v33;
	v22 =	vmin.f32 v61, v63;
	v19 =	vmin.f32 v62, v33  }
0x410: {  	v56 =	vld [tilespmem:s23+$0x8860];
	v16 =	vmax.f32 v16, v20;
	v15 =	vmax.f32 v15, v18;
	v36 =	vmax.f32 v34, v35  }
0x411: {  	v59 =	vld [tilespmem:s23+$0x8C60];
	v38 =	vmax.f32 v22, v19;
	v19 =	vmin.f32 v22, v19;
	v39 =	vmax.f32 v16, v15  }
0x412: {  	v37 =	vmin.f32 v34, v35;
	v12 =	vmax.f32 v47, v39;
	v46 =	vmax.f32 v25, v19  }
0x413: {  	v47 =	vmax.f32 v17, v37;
	v13 =	vmax.f32 v13, v36;
	v49 =	vmax.f32 v32, v38  }
0x414: {  	v62 =	vld [tilespmem:s23+$0x9060];
	v26 =	vmax.f32 v51, v53;
	v28 =	vmin.f32 v51, v53;
	v48 =	vmin.f32 v12, v13  }
0x415: {  	v63 =	vld [tilespmem:s23+$0x9460];
	v17 =	vmax.f32 v46, v47;
	v12 =	vmax.f32 v12, v13;
	v15 =	vmin.f32 v46, v47  }
0x416: {  	v24 =	vld [tilespmem:s23+$0x9860];
	v27 =	vmax.f32 v56, v59;
	v29 =	vmin.f32 v56, v59;
	v50 =	vmin.f32 v17, v48  }
0x417: {  	v35 =	vld [tilespmem:s23+$0xA060];
	v14 =	vmax.f32 v17, v48;
	v60 =	vmin.f32 v7, v12;
	v11 =	vmin.f32 v45, v12  }
0x418: {  	v25 =	vld [tilespmem:s23+$0x9C60];
	v30 =	vmax.f32 v26, v27;
	v31 =	vmax.f32 v28, v29;
	v52 =	vmax.f32 v49, v50  }
0x419: {  	v38 =	vld [tilespmem:s23+$0xA460];
	v13 =	vmin.f32 v49, v50;
	v55 =	vmin.f32 v43, v14;
	v7 =	vmin.f32 v7, v14  }
0x41a: {  	v14 =	vmin.f32 v28, v29;
	v33 =	vmax.f32 v62, v63;
	v12 =	vmin.f32 v62, v63  }
0x41b: {  	v54 =	vmin.f32 v8, v52;
	v57 =	vmax.f32 v15, v13;
	v13 =	vmin.f32 v15, v13  }
0x41c: {  	v10 =	vmin.f32 v43, v52;
	v7 =	vmax.f32 v7, v11;
	v58 =	vmax.f32 v54, v55  }
0x41d: {  	v46 =	vld [tilespmem:s23+$0xB060];
	v61 =	vmax.f32 v45, v57;
	v8 =	vmin.f32 v8, v57;
	v9 =	vmax.f32 v9, v13  }
0x41e: {  	v49 =	vld [tilespmem:s23+$0xB460];
	v34 =	vmax.f32 v24, v25;
	v55 =	vmax.f32 v35, v38;
	v18 =	vmin.f32 v35, v38  }
0x41f: {  	v23 =	vmax.f32 v60, v61;
	v10 =	vmax.f32 v8, v10;
	v36 =	vmax.f32 v33, v34  }
0x420: {  	v40 =	vld [tilespmem:s23+$0xA860];
	v13 =	vmin.f32 v33, v34;
	v8 =	vmax.f32 v58, v23;
	v7 =	vmax.f32 v10, v7  }
0x421: {  	v43 =	vld [tilespmem:s23+$0xAC60];
	v10 =	vmin.f32 v24, v25;
	v47 =	vmax.f32 v14, v36;
	v14 =	vmin.f32 v14, v36  }
0x422: {  	v7 =	vmax.f32 v7, v9;
	v9 =	vmin.f32 v26, v27;
	v37 =	vmax.f32 v12, v10  }
0x423: {  	v53 =	vld [tilespmem:s23+$0xB860];
	v10 =	vmin.f32 v12, v10;
	v60 =	vmax.f32 v46, v49;
	v61 =	vmin.f32 v46, v49  }
0x424: {  	v54 =	vld [tilespmem:s23+$0xBC60];
	v32 =	vmax.f32 v31, v9;
	v9 =	vmin.f32 v31, v9;
	v39 =	vmax.f32 v37, v13  }
0x425: {  	v13 =	vmin.f32 v37, v13;
	v41 =	vmax.f32 v30, v10;
	v16 =	vmin.f32 v30, v10  }
0x426: {  	v56 =	vmax.f32 v40, v43;
	v17 =	vmin.f32 v40, v43;
	v8 =	vsub.f32 v8, v7  }
0x427: {  	v42 =	vmax.f32 v32, v13;
	v13 =	vmin.f32 v32, v13;
	v44 =	vmax.f32 v9, v39  }
0x428: {  	v45 =	vmin.f32 v9, v39;
	v57 =	vmax.f32 v55, v56;
	v58 =	vmax.f32 v18, v17  }
0x429: {  	v17 =	vmin.f32 v18, v17;
	v62 =	vmax.f32 v53, v54;
	v15 =	vmin.f32 v53, v54  }
0x42a: {  	v48 =	vmax.f32 v41, v44;
	v50 =	vmin.f32 v41, v44;
	v51 =	vmax.f32 v42, v47  }
0x42b: {  	v63 =	vld [tilespmem:s23+$0xC060];
	v52 =	vmin.f32 v42, v47;
	v13 =	vmax.f32 v16, v13;
	v14 =	vmax.f32 v45, v14  }
0x42c: {  	v34 =	vld [tilespmem:s23+$0xC460];
	v32 =	vmax.f32 v60, v62;
	v16 =	vmin.f32 v60, v62;
	v33 =	vmax.f32 v61, v15  }
0x42d: {  	v15 =	vmin.f32 v61, v15;
	v9 =	vmax.f32 v48, v51;
	v10 =	vmin.f32 v48, v51  }
0x42e: {  	v11 =	vmax.f32 v50, v52;
	v12 =	vmin.f32 v50, v52;
	v13 =	vmax.f32 v13, v14  }
0x42f: {  	v14 =	vmin.f32 v55, v56;
	v35 =	vmax.f32 v33, v16;
	v16 =	vmin.f32 v33, v16  }
0x430: {  	v36 =	vld [tilespmem:s23+$0xC860];
	v37 =	vmax.f32 v57, v15;
	v15 =	vmin.f32 v57, v15;
	v42 =	vmax.f32 v17, v32  }
0x431: {  	v39 =	vld [tilespmem:s23+$0xCC60];
	v17 =	vmin.f32 v17, v32;
	v48 =	vmax.f32 v63, v34;
	v59 =	vmax.f32 v58, v14  }
0x432: {  	v46 =	vld [tilespmem:s23+$0xD860];
	v50 =	vmin.f32 v63, v34;
	v14 =	vmin.f32 v58, v14;
	v38 =	vmax.f32 v59, v16  }
0x433: {  	v41 =	vld [tilespmem:s23+$0xD060];
	v16 =	vmin.f32 v59, v16;
	v40 =	vmax.f32 v14, v35;
	v14 =	vmin.f32 v14, v35  }
0x434: {  	v44 =	vld [tilespmem:s23+$0xD460];
	v43 =	vmax.f32 v37, v40;
	v18 =	vmin.f32 v37, v40;
	v45 =	vmax.f32 v38, v42  }
0x435: {  	v47 =	vld [tilespmem:s23+$0xDC60];
	v19 =	vmin.f32 v38, v42;
	v15 =	vmax.f32 v15, v16;
	v14 =	vmax.f32 v14, v17  }
0x436: {  	v49 =	vmax.f32 v36, v39;
	v51 =	vmin.f32 v36, v39;
	v29 =	vmax.f32 v43, v45  }
0x437: {  	v23 =	vmin.f32 v43, v45;
	v25 =	vmax.f32 v18, v19;
	v18 =	vmin.f32 v18, v19  }
0x438: {  	v14 =	vmax.f32 v15, v14;
	v52 =	vmax.f32 v48, v49;
	v15 =	vmin.f32 v48, v49  }
0x439: {  	v53 =	vmax.f32 v50, v51;
	v17 =	vmin.f32 v50, v51;
	v55 =	vmax.f32 v41, v44  }
0x43a: {  	v61 =	vld [tilespmem:s23+$0xE460];
	v20 =	vmin.f32 v41, v44;
	v56 =	vmax.f32 v46, v47;
	v57 =	vmin.f32 v46, v47  }
0x43b: {  	v58 =	vld [tilespmem:s23+$0xE060];
	v54 =	vmax.f32 v53, v15;
	v15 =	vmin.f32 v53, v15;
	v59 =	vmax.f32 v55, v56  }
0x43c: {  	v16 =	vmin.f32 v55, v56;
	v60 =	vmax.f32 v20, v57;
	v20 =	vmin.f32 v20, v57  }
0x43d: {  	v9 =	vmax.f32 v9, v14;
	v10 =	vmax.f32 v10, v18;
	v11 =	vmax.f32 v11, v25  }
0x43e: {  	v12 =	vmax.f32 v12, v23;
	v13 =	vmax.f32 v13, v29;
	v62 =	vmax.f32 v60, v16  }
0x43f: {  	v63 =	vld [tilespmem:s23+$0xE860];
	v16 =	vmin.f32 v60, v16;
	v36 =	vmax.f32 v52, v20;
	v20 =	vmin.f32 v52, v20  }
0x440: {  	v38 =	vld [tilespmem:s23+$0xEC60];
	v41 =	vmax.f32 v17, v59;
	v17 =	vmin.f32 v17, v59;
	v48 =	vmax.f32 v58, v61  }
0x441: {  	v50 =	vmin.f32 v58, v61;
	v14 =	vmax.f32 v9, v13;
	v9 =	vmin.f32 v9, v13  }
0x442: {  	v40 =	vld [tilespmem:s23+$0xF060];
	v37 =	vmax.f32 v54, v16;
	v16 =	vmin.f32 v54, v16;
	v39 =	vmax.f32 v15, v62  }
0x443: {  	v43 =	vld [tilespmem:s23+$0xF460];
	v15 =	vmin.f32 v15, v62;
	v42 =	vmax.f32 v36, v39;
	v19 =	vmin.f32 v36, v39  }
0x444: {  	v45 =	vld [tilespmem:s23+$0xF860];
	v44 =	vmax.f32 v37, v41;
	v21 =	vmin.f32 v37, v41;
	v16 =	vmax.f32 v20, v16  }
0x445: {  	v47 =	vld [tilespmem:s23+$0xFC60];
	v15 =	vmax.f32 v15, v17;
	v49 =	vmax.f32 v63, v38;
	v22 =	vmin.f32 v63, v38  }
0x446: {  	v37 =	vmax.f32 v10, v12;
	v10 =	vmin.f32 v10, v12;
	v34 =	vmax.f32 v42, v44  }
0x447: {  	v27 =	vmin.f32 v42, v44;
	v46 =	vmax.f32 v19, v21;
	v19 =	vmin.f32 v19, v21  }
0x448: {  	v15 =	vmax.f32 v16, v15;
	v51 =	vmax.f32 v48, v49;
	v16 =	vmin.f32 v48, v49  }
0x449: {  	v52 =	vmax.f32 v50, v22;
	v20 =	vmin.f32 v50, v22;
	v54 =	vmax.f32 v40, v43  }
0x44a: {  	v24 =	vmin.f32 v40, v43;
	v55 =	vmax.f32 v45, v47;
	v21 =	vmin.f32 v45, v47  }
0x44b: {  	v38 =	vmax.f32 v37, v9;
	v9 =	vmin.f32 v37, v9;
	v53 =	vmax.f32 v52, v16  }
0x44c: {  	v16 =	vmin.f32 v52, v16;
	v56 =	vmax.f32 v54, v55;
	v17 =	vmin.f32 v54, v55  }
0x44d: {  	v57 =	vmax.f32 v24, v21;
	v21 =	vmin.f32 v24, v21;
	v13 =	vmax.f32 v11, v9  }
0x44e: {  	v9 =	vmin.f32 v11, v9;
	v58 =	vmax.f32 v57, v17;
	v17 =	vmin.f32 v57, v17  }
0x44f: {  	v59 =	vmax.f32 v51, v21;
	v21 =	vmin.f32 v51, v21;
	v62 =	vmax.f32 v20, v56  }
0x450: {  	v47 =	vld [tilespmem:s23+$0x8070];
	v20 =	vmin.f32 v20, v56;
	v42 =	vmax.f32 v10, v9;
	v9 =	vmin.f32 v10, v9  }
0x451: {  	v50 =	vld [tilespmem:s23+$0x8470];
	v60 =	vmax.f32 v53, v17;
	v17 =	vmin.f32 v53, v17;
	v61 =	vmax.f32 v16, v58  }
0x452: {  	v52 =	vld [tilespmem:s23+$0x8870];
	v16 =	vmin.f32 v16, v58;
	v63 =	vmax.f32 v59, v61;
	v22 =	vmin.f32 v59, v61  }
0x453: {  	v55 =	vld [tilespmem:s23+$0x8C70];
	v33 =	vmax.f32 v60, v62;
	v24 =	vmin.f32 v60, v62;
	v17 =	vmax.f32 v21, v17  }
0x454: {  	v16 =	vmax.f32 v16, v20;
	v35 =	vmax.f32 v63, v33;
	v28 =	vmin.f32 v63, v33  }
0x455: {  	v36 =	vmax.f32 v22, v24;
	v22 =	vmin.f32 v22, v24;
	v16 =	vmax.f32 v17, v16  }
0x456: {  	v57 =	vld [tilespmem:s23+$0x9070];
	v63 =	vmax.f32 v47, v50;
	v39 =	vmax.f32 v34, v16;
	v40 =	vmax.f32 v27, v22  }
0x457: {  	v59 =	vld [tilespmem:s23+$0x9470];
	v41 =	vmax.f32 v19, v28;
	v15 =	vmax.f32 v15, v35;
	v45 =	vmax.f32 v46, v36  }
0x458: {  	v60 =	vld [tilespmem:s23+$0x9870];
	v22 =	vmin.f32 v47, v50;
	v23 =	vmax.f32 v52, v55;
	v24 =	vmin.f32 v52, v55  }
0x459: {  	v62 =	vld [tilespmem:s23+$0x9C70];
	v43 =	vmin.f32 v39, v15;
	v44 =	vmax.f32 v40, v41;
	v11 =	vmax.f32 v39, v15  }
0x45a: {  	v48 =	vmin.f32 v40, v41;
	v26 =	vmax.f32 v63, v23;
	v27 =	vmax.f32 v22, v24  }
0x45b: {  	v46 =	vmin.f32 v44, v43;
	v19 =	vmax.f32 v44, v43;
	v56 =	vmin.f32 v13, v11  }
0x45c: {  	v11 =	vmin.f32 v42, v11;
	v49 =	vmin.f32 v45, v46;
	v10 =	vmax.f32 v45, v46  }
0x45d: {  	v54 =	vmin.f32 v38, v19;
	v58 =	vmin.f32 v13, v19;
	v29 =	vmax.f32 v57, v59  }
0x45e: {  	v31 =	vld [tilespmem:s23+$0xA070];
	v13 =	vmin.f32 v57, v59;
	v30 =	vmax.f32 v60, v62;
	v12 =	vmin.f32 v60, v62  }
0x45f: {  	v34 =	vld [tilespmem:s23+$0xA470];
	v51 =	vmax.f32 v48, v49;
	v15 =	vmin.f32 v48, v49;
	v53 =	vmin.f32 v14, v10  }
0x460: {  	v36 =	vld [tilespmem:s23+$0xA870];
	v10 =	vmin.f32 v38, v10;
	v11 =	vmax.f32 v58, v11;
	v32 =	vmin.f32 v29, v30  }
0x461: {  	v41 =	vld [tilespmem:s23+$0xB070];
	v33 =	vmax.f32 v13, v12;
	v19 =	vmax.f32 v29, v30;
	v12 =	vmin.f32 v13, v12  }
0x462: {  	v44 =	vld [tilespmem:s23+$0xB470];
	v16 =	vmax.f32 v53, v54;
	v14 =	vmin.f32 v14, v51;
	v18 =	vmax.f32 v42, v51  }
0x463: {  	v47 =	vld [tilespmem:s23+$0xB870];
	v9 =	vmax.f32 v9, v15;
	v35 =	vmax.f32 v33, v32;
	v15 =	vmin.f32 v33, v32  }
0x464: {  	v38 =	vld [tilespmem:s23+$0xAC70];
	v37 =	vmax.f32 v26, v12;
	v51 =	vmax.f32 v31, v34;
	v52 =	vmin.f32 v31, v34  }
0x465: {  	v49 =	vld [tilespmem:s23+$0xBC70];
	v10 =	vmax.f32 v14, v10;
	v61 =	vmax.f32 v56, v18;
	v14 =	vmin.f32 v22, v24  }
0x466: {  	v18 =	vmin.f32 v26, v12;
	v11 =	vmax.f32 v10, v11;
	v10 =	vmax.f32 v16, v61  }
0x467: {  	v43 =	vmax.f32 v14, v19;
	v14 =	vmin.f32 v14, v19;
	v57 =	vmax.f32 v41, v44  }
0x468: {  	v19 =	vmin.f32 v41, v44;
	v9 =	vmax.f32 v11, v9;
	v11 =	vmin.f32 v63, v23  }
0x469: {  	v28 =	vmax.f32 v27, v11;
	v11 =	vmin.f32 v27, v11;
	v53 =	vmax.f32 v36, v38  }
0x46a: {  	v20 =	vmin.f32 v36, v38;
	v58 =	vmax.f32 v47, v49;
	v17 =	vmin.f32 v47, v49  }
0x46b: {  	v39 =	vmax.f32 v28, v15;
	v15 =	vmin.f32 v28, v15;
	v40 =	vmax.f32 v11, v35  }
0x46c: {  	v42 =	vmin.f32 v11, v35;
	v54 =	vmax.f32 v51, v53;
	v55 =	vmax.f32 v52, v20  }
0x46d: {  	v60 =	vmin.f32 v57, v58;
	v26 =	vmax.f32 v19, v17;
	v23 =	vmax.f32 v57, v58  }
0x46e: {  	v59 =	vld [tilespmem:s23+$0xC070];
	v17 =	vmin.f32 v19, v17;
	v45 =	vmax.f32 v37, v40;
	v16 =	vmin.f32 v37, v40  }
0x46f: {  	v61 =	vld [tilespmem:s23+$0xC470];
	v46 =	vmax.f32 v39, v43;
	v48 =	vmin.f32 v39, v43;
	v15 =	vmax.f32 v18, v15  }
0x470: {  	v50 =	vmax.f32 v42, v14;
	v18 =	vmin.f32 v52, v20;
	v62 =	vmax.f32 v26, v60  }
0x471: {  	v63 =	vld [tilespmem:s23+$0xC870];
	v21 =	vmin.f32 v26, v60;
	v35 =	vmax.f32 v54, v17;
	v17 =	vmin.f32 v54, v17  }
0x472: {  	v36 =	vld [tilespmem:s23+$0xCC70];
	v11 =	vmax.f32 v45, v46;
	v12 =	vmin.f32 v45, v46;
	v13 =	vmax.f32 v16, v48  }
0x473: {  	v14 =	vmin.f32 v16, v48;
	v15 =	vmax.f32 v15, v50;
	v16 =	vmin.f32 v51, v53  }
0x474: {  	v40 =	vmax.f32 v18, v23;
	v18 =	vmin.f32 v18, v23;
	v46 =	vmax.f32 v59, v61  }
0x475: {  	v41 =	vld [tilespmem:s23+$0xD470];
	v47 =	vmin.f32 v59, v61;
	v56 =	vmax.f32 v55, v16;
	v16 =	vmin.f32 v55, v16  }
0x476: {  	v44 =	vld [tilespmem:s23+$0xD870];
	v37 =	vmax.f32 v56, v21;
	v20 =	vmin.f32 v56, v21;
	v38 =	vmax.f32 v16, v62  }
0x477: {  	v57 =	vld [tilespmem:s23+$0xE070];
	v16 =	vmin.f32 v16, v62;
	v48 =	vmax.f32 v63, v36;
	v49 =	vmin.f32 v63, v36  }
0x478: {  	v39 =	vld [tilespmem:s23+$0xD070];
	v42 =	vmax.f32 v35, v38;
	v21 =	vmin.f32 v35, v38;
	v43 =	vmax.f32 v37, v40  }
0x479: {  	v45 =	vld [tilespmem:s23+$0xDC70];
	v19 =	vmin.f32 v37, v40;
	v17 =	vmax.f32 v17, v20;
	v16 =	vmax.f32 v16, v18  }
0x47a: {  	v59 =	vld [tilespmem:s23+$0xE470];
	v50 =	vmax.f32 v46, v48;
	v51 =	vmax.f32 v47, v49;
	v28 =	vmax.f32 v42, v43  }
0x47b: {  	v26 =	vmin.f32 v42, v43;
	v32 =	vmax.f32 v21, v19;
	v18 =	vmin.f32 v21, v19  }
0x47c: {  	v16 =	vmax.f32 v17, v16;
	v17 =	vmin.f32 v46, v48;
	v19 =	vmin.f32 v47, v49  }
0x47d: {  	v53 =	vmax.f32 v39, v41;
	v23 =	vmin.f32 v39, v41;
	v52 =	vmax.f32 v51, v17  }
0x47e: {  	v54 =	vmax.f32 v44, v45;
	v55 =	vmin.f32 v44, v45;
	v17 =	vmin.f32 v51, v17  }
0x47f: {  	v46 =	vmax.f32 v57, v59;
	v27 =	vmin.f32 v57, v59;
	v11 =	vmax.f32 v11, v16  }
0x480: {  	v61 =	vld [tilespmem:s23+$0xE870];
	v12 =	vmax.f32 v12, v18;
	v13 =	vmax.f32 v13, v32;
	v14 =	vmax.f32 v14, v26  }
0x481: {  	v36 =	vld [tilespmem:s23+$0xEC70];
	v15 =	vmax.f32 v15, v28;
	v56 =	vmin.f32 v53, v54;
	v29 =	vmax.f32 v23, v55  }
0x482: {  	v24 =	vmax.f32 v53, v54;
	v23 =	vmin.f32 v23, v55;
	v16 =	vmax.f32 v11, v15  }
0x483: {  	v11 =	vmin.f32 v11, v15;
	v35 =	vmax.f32 v12, v14;
	v12 =	vmin.f32 v12, v14  }
0x484: {  	v58 =	vmax.f32 v29, v56;
	v20 =	vmin.f32 v29, v56;
	v60 =	vmax.f32 v50, v23  }
0x485: {  	v22 =	vmin.f32 v50, v23;
	v37 =	vmax.f32 v19, v24;
	v19 =	vmin.f32 v19, v24  }
0x486: {  	v38 =	vld [tilespmem:s23+$0xF070];
	v47 =	vmax.f32 v61, v36;
	v23 =	vmin.f32 v61, v36;
	v36 =	vmax.f32 v35, v11  }
0x487: {  	v42 =	vld [tilespmem:s23+$0xF470];
	v11 =	vmin.f32 v35, v11;
	v62 =	vmax.f32 v52, v20;
	v20 =	vmin.f32 v52, v20  }
0x488: {  	v63 =	vmax.f32 v17, v58;
	v17 =	vmin.f32 v17, v58;
	v48 =	vmax.f32 v46, v47  }
0x489: {  	v43 =	vld [tilespmem:s23+$0xF870];
	v49 =	vmax.f32 v27, v23;
	v23 =	vmin.f32 v27, v23;
	v15 =	vmax.f32 v13, v11  }
0x48a: {  	v45 =	vld [tilespmem:s23+$0xFC70];
	v11 =	vmin.f32 v13, v11;
	v39 =	vmax.f32 v60, v63;
	v21 =	vmin.f32 v60, v63  }
0x48b: {  	v40 =	vmax.f32 v62, v37;
	v25 =	vmin.f32 v62, v37;
	v20 =	vmax.f32 v22, v20  }
0x48c: {  	v17 =	vmax.f32 v17, v19;
	v51 =	vmax.f32 v38, v42;
	v24 =	vmin.f32 v38, v42  }
0x48d: {  	v41 =	vmax.f32 v39, v40;
	v29 =	vmin.f32 v39, v40;
	v44 =	vmax.f32 v21, v25  }
0x48e: {  	v21 =	vmin.f32 v21, v25;
	v17 =	vmax.f32 v20, v17;
	v20 =	vmin.f32 v46, v47  }
0x48f: {  	v52 =	vmax.f32 v43, v45;
	v22 =	vmin.f32 v43, v45;
	v40 =	vmax.f32 v12, v11  }
0x490: {  	v11 =	vmin.f32 v12, v11;
	v50 =	vmax.f32 v49, v20;
	v20 =	vmin.f32 v49, v20  }
0x491: {  	v53 =	vmax.f32 v51, v52;
	v30 =	vmin.f32 v51, v52;
	v54 =	vmax.f32 v24, v22  }
0x492: {  	v22 =	vmin.f32 v24, v22;
	v55 =	vmax.f32 v54, v30;
	v30 =	vmin.f32 v54, v30  }
0x493: {  	v56 =	vmax.f32 v48, v22;
	v22 =	vmin.f32 v48, v22;
	v59 =	vmax.f32 v23, v53  }
0x494: {  	v23 =	vmin.f32 v23, v53;
	v57 =	vmax.f32 v50, v30;
	v58 =	vmax.f32 v20, v55  }
0x495: {  	v27 =	vmin.f32 v50, v30;
	v20 =	vmin.f32 v20, v55;
	v60 =	vmax.f32 v56, v58  }
0x496: {  	v30 =	vmin.f32 v56, v58;
	v61 =	vmax.f32 v57, v59;
	v24 =	vmin.f32 v57, v59  }
0x497: {  	v22 =	vmax.f32 v22, v27;
	v20 =	vmax.f32 v20, v23;
	v62 =	vmax.f32 v60, v61  }
0x498: {  	v63 =	vmax.f32 v30, v24;
	v24 =	vmin.f32 v30, v24;
	v20 =	vmax.f32 v22, v20  }
0x499: {  	v25 =	vmin.f32 v60, v61;
	v37 =	vmax.f32 v41, v20;
	v38 =	vmax.f32 v29, v24  }
0x49a: {  	v39 =	vmax.f32 v21, v25;
	v17 =	vmax.f32 v17, v62;
	v43 =	vmax.f32 v44, v63  }
0x49b: {  	v41 =	vmin.f32 v37, v17;
	v42 =	vmax.f32 v38, v39;
	v13 =	vmax.f32 v37, v17  }
0x49c: {  	v45 =	vmin.f32 v38, v39;
	v44 =	vmin.f32 v42, v41;
	v47 =	vmax.f32 v42, v41  }
0x49d: {  	v50 =	vmin.f32 v15, v13;
	v13 =	vmin.f32 v40, v13;
	v46 =	vmin.f32 v43, v44  }
0x49e: {  	v12 =	vmax.f32 v43, v44;
	v22 =	vmin.f32 v36, v47;
	v51 =	vmin.f32 v15, v47  }
0x49f: {  	v48 =	vmax.f32 v45, v46;
	v17 =	vmin.f32 v45, v46;
	v49 =	vmin.f32 v16, v12  }
0x4a0: {  	v12 =	vmin.f32 v36, v12;
	v13 =	vmax.f32 v51, v13;
	v16 =	vmin.f32 v16, v48  }
0x4a1: {  	v18 =	vmax.f32 v49, v22;
	v52 =	vmax.f32 v40, v48;
	v12 =	vmax.f32 v16, v12  }
0x4a2: {  	v11 =	vmax.f32 v11, v17;
	v53 =	vmax.f32 v50, v52;
	v12 =	vmax.f32 v12, v13  }
0x4a3: {  	[tilespmem:s23+$0x10400] =	vst v2;
	v54 =	vsub.f32 v10, v9;
	v55 =	vmax.f32 v18, v53;
	v11 =	vmax.f32 v12, v11  }
0x4a4: {  	[tilespmem:s23+$0x10410] =	vst v1;
	v56 =	vadd.f32 v4, v3;
	v57 =	vmul.f32 $8.999999760e-01, v8;
	v58 =	vsub.f32 v55, v11  }
0x4a5: {  	p0 =	slt.u32 s22, $0x38;
	[tilespmem:s23+$0x10420] =	vst v0;
	v59 =	vadd.f32 v6, v5;
	v2 =	vmul.f32 $8.999999760e-01, v54  }
.Ltmp6:
0x4a6: {  	[tilespmem:s23+$0x10430] =	vst v56;
	v60 =	vadd.f32 v57, v7;
	v61 =	vmul.f32 $8.999999760e-01, v58;
	(pc) =	sbr.rel @p0 .LBB2_9-.Ltmp6, $4  }
0x4a7: {  	[tilespmem:s23+$0x10440] =	vst v59;
	v62 =	vadd.f32 v2, v9  }
0x4a8: {  	[tilespmem:s23+$0x10450] =	vst v60;
	v63 =	vadd.f32 v61, v11  }
0x4a9: {  	[tilespmem:s23+$0x10460] =	vst v62  }
0x4aa: {  	s22 =	sadd.s32 $0x8, s22;
	[tilespmem:s23+$0x10470] =	vst v63  }
0x4ab: {  	s22 =	sshll.u32 s19, $0x8;
	p0 =	seq.s32 s19, $0xB  }
.Ltmp7:
0x4ac: {  	s21 =	sshll.u32 s21, $0x7;
	s22 =	sand.u32 $0x300, s22;
	(pc) =	sbr.rel @p0 .LBB2_12-.Ltmp7, $4  }
0x4ad: {  	s21 =	sand.u32 $0xFFFFC00, s21;
	s22 =	sadd.s32 s22, s4  }
0x4ae: {  	s21 =	sadd.s32 s21, s22  }
0x4af: {  	s21 =	sadd.s32 $0x80, s21  }
0x4b0: {  	[hbm4b:s21+s3] =	stream.linear.scatter [tilespmem:s16], [sflag:$0x4], $0x400, $0x38;
	[tilespmem:$0x10800] =	vst v63  }
0x4b1: {  	s20 =	sadd.s32 $0x3, s20  }
.Ltmp8:
0x4b2: {  	s21 =	sadd.s32 s5, s20;
	s20 =	sshll.u32 s20, $0x7;
	(pc) =	sbr.rel .LBB2_2-.Ltmp8, $4  }
0x4b3: {  	s21 =	sshll.u32 s21, $0x7;
	s20 =	sand.u32 $0x380, s20  }
0x4b4: {  	s21 =	sand.u32 $0xFFFFC00, s21;
	s20 =	sadd.s32 s2, s20  }
0x4b5: {  	s19 =	sadd.s32 $0x1, s19;
	s20 =	sadd.s32 s21, s20  }
0x4b6: {  	[tilespmem:s11], [sflag:$0x2] =	stream.strided.gather [hbm4b:s20+s9], $0x8000, s10, s9, $0x38;
	[tilespmem:$0x10800] =	vst v63  }
.LBB2_13:
0x4b7: {  	_ =	sfence.sel $0x180000  }
0x4b8: {  	[bflag:$0x0] =	sbarrier.arrive $0xFFFF  }
0x4b9: {  	p0 =	sne.s32 s0, $0x0;
	_ =	strace $0x90000047  }
0x4ba: {  	s0 =	sadd.s32 @!p0 $0x100000, s1;
	[bflag:$0x2] =	sbarrier.arrive $0xFFFF  }
0x4bb: {  	[sflag:s0] =	ssyncadd.tile.s32 @!p0 $0x1;
	_ =	shalt  }
.Lfunc_end2:
_tile_overlayer_lowered:
.L_overlay_start_2:
0x4bc: {  	(tag) =	ssettag $0x2  }
0x4bd: {  	s0 =	rddreg [dreg:$0x0];
	s2 =	stileid.u32  }
0x4be: {  	s1 =	rddreg [dreg:$0x1];
	p0 =	sne.s32 s2, $0x0  }
0x4bf: {  	s3 =	rddreg [dreg:$0x2];
	[bflag:$0x3] =	sbarrier.arrive $0xFFFF;
	s2 =	simm.s32 @!p0 $0x1C05  }
0x4c0: {  	[timem:s3], [sflag:s2] =	dma.local @!p0 [hbm:s0], s1  }
0x4c1: {  	s0 =	simm.s32 @!p0 $0x5  }
0x4c2: {  	_ =	swait.ge @!p0 [sflag:s0], s1  }
0x4c3: {  	s1 =	ssub.s32 @!p0 $0x0, s1;
	[sflag:s0] =	ssyncset.done @!p0 $0x0  }
0x4c4: {  	[sflag:s0] =	ssyncadd.s32 @!p0 s1  }
0x4c5: {  	[bflag:$0x3] =	sbarrier.arrive $0xFFFF  }
0x4c6: {  	_ =	shalt  }

</sc_bundles>
